<compile_context>
chip_gen: v7x
topology: tpu7x:2x2x1
jax: 0.10.2.dev20260603
libtpu: 0.0.44.dev20260713+nightly
codegen_flags: <defaults>
</compile_context>

<pallas_src>
import functools

import jax
import jax.numpy as jnp
from jax import lax
from jax.experimental import pallas as pl
from jax.experimental.pallas import tpu as pltpu
from jax.experimental.pallas import tpu_sc as plsc

N = 10000
NP = 10240
E = 320000
D = 128
C = 64
NC = 2
NS = 16
NW = NC * NS
EPW = E // NW
CH = 128
NCHUNK = 80
EPC = NCHUNK * CH
RPT = NP // NS
ZB = 128

def _mesh():
    return plsc.VectorSubcoreMesh(core_axis_name="c", subcore_axis_name="s",
                                  num_cores=NC, num_subcores=NS)


@functools.cache
def _deg_kernel_fn():
    @functools.partial(
        pl.kernel,
        out_type=jax.ShapeDtypeStruct((NC, NP, D), jnp.float32),
        mesh=_mesh(),
        scratch_types=[
            pltpu.VMEM((NCHUNK, CH), jnp.int32),
            pltpu.VMEM((ZB, D), jnp.float32),
            pltpu.VMEM((ZB, D), jnp.float32),
            pltpu.MemorySpace.VMEM_SHARED((NP, D), jnp.float32),
            pltpu.SemaphoreType.DMA,
            pltpu.SemaphoreType.DMA,
        ],
    )
    def _deg_kernel(dst_hbm, ones_hbm, zeros_hbm, deg_out, idx_v, ones_v,
                    stage_v, deg_sh, sem_a, sem_b):
        c = lax.axis_index("c")
        s = lax.axis_index("s")
        wid = c * NS + s
        rstart = s * RPT
        nk = RPT // ZB
        pltpu.make_async_copy(dst_hbm.at[wid], idx_v, sem_b).start()
        pltpu.sync_copy(ones_hbm, ones_v)

        @pl.when(c == 0)
        def _():
            for k in range(nk):
                pltpu.make_async_copy(
                    ones_v, deg_sh.at[pl.ds(rstart + k * ZB, ZB)],
                    sem_a).start()
            for k in range(nk):
                pltpu.make_async_copy(
                    ones_v, deg_sh.at[pl.ds(rstart + k * ZB, ZB)],
                    sem_a).wait()

        @pl.when(c != 0)
        def _():
            pltpu.sync_copy(zeros_hbm, stage_v)
            for k in range(nk):
                pltpu.make_async_copy(
                    stage_v, deg_sh.at[pl.ds(rstart + k * ZB, ZB)],
                    sem_a).start()
            for k in range(nk):
                pltpu.make_async_copy(
                    stage_v, deg_sh.at[pl.ds(rstart + k * ZB, ZB)],
                    sem_a).wait()

        pltpu.make_async_copy(dst_hbm.at[wid], idx_v, sem_b).wait()
        plsc.subcore_barrier()

        def chunk(j, carry):
            pltpu.sync_copy(ones_v, deg_sh.at[idx_v.at[j]], add=True)
            return carry

        lax.fori_loop(0, NCHUNK, chunk, 0)
        plsc.subcore_barrier()
        bufs = (stage_v, ones_v)
        sems = (sem_a, sem_b)
        pltpu.make_async_copy(deg_sh.at[pl.ds(rstart, ZB)], stage_v,
                              sem_a).start()
        for k in range(nk):
            if k + 1 < nk:
                pltpu.make_async_copy(
                    deg_sh.at[pl.ds(rstart + (k + 1) * ZB, ZB)],
                    bufs[(k + 1) % 2], sems[(k + 1) % 2]).start()
            pltpu.make_async_copy(deg_sh.at[pl.ds(rstart, ZB)],
                                  bufs[k % 2], sems[k % 2]).wait()
            pltpu.sync_copy(bufs[k % 2],
                            deg_out.at[c, pl.ds(rstart + k * ZB, ZB)])

    return _deg_kernel


@functools.cache
def _agg_kernel_fn():
    @functools.partial(
        pl.kernel,
        out_type=jax.ShapeDtypeStruct((NC, NP, D), jnp.float32),
        mesh=_mesh(),
        scratch_types=[
            pltpu.VMEM((NCHUNK // 2, CH), jnp.int32),
            pltpu.VMEM((NCHUNK // 2, CH), jnp.int32),
            pltpu.VMEM((CH, D), jnp.float32),
            pltpu.VMEM((CH, D), jnp.float32),
            pltpu.MemorySpace.VMEM_SHARED((NP, D), jnp.float32),
            pltpu.SemaphoreType.DMA,
            pltpu.SemaphoreType.DMA,
            pltpu.SemaphoreType.DMA,
            pltpu.SemaphoreType.DMA,
        ],
    )
    def _agg_kernel(hp_hbm, src_hbm, dst_hbm, zrows_hbm, agg_out, sidx_v,
                    didx_v, rows_a, rows_b, agg_sh, sem_a, sem_b, sem_c,
                    sem_d):
        c = lax.axis_index("c")
        s = lax.axis_index("s")
        wid = c * NS + s
        rstart = s * RPT

        bufs = (rows_a, rows_b)
        sems = (sem_a, sem_b)
        nk = RPT // ZB
        half = NCHUNK // 2

        def start_idx(q):
            pltpu.make_async_copy(src_hbm.at[wid, pl.ds(q * half, half)],
                                  sidx_v, sem_c).start()
            pltpu.make_async_copy(dst_hbm.at[wid, pl.ds(q * half, half)],
                                  didx_v, sem_d).start()

        def wait_idx(q):
            pltpu.make_async_copy(src_hbm.at[wid, pl.ds(q * half, half)],
                                  sidx_v, sem_c).wait()
            pltpu.make_async_copy(dst_hbm.at[wid, pl.ds(q * half, half)],
                                  didx_v, sem_d).wait()

        start_idx(0)

        @pl.when(c == 0)
        def _():
            pltpu.make_async_copy(hp_hbm.at[pl.ds(rstart, ZB)], rows_a,
                                  sem_a).start()
            for k in range(nk):
                if k + 1 < nk:
                    pltpu.make_async_copy(
                        hp_hbm.at[pl.ds(rstart + (k + 1) * ZB, ZB)],
                        bufs[(k + 1) % 2], sems[(k + 1) % 2]).start()
                pltpu.make_async_copy(hp_hbm.at[pl.ds(rstart, ZB)],
                                      bufs[k % 2], sems[k % 2]).wait()
                pltpu.sync_copy(bufs[k % 2],
                                agg_sh.at[pl.ds(rstart + k * ZB, ZB)])

        @pl.when(c != 0)
        def _():
            pltpu.sync_copy(zrows_hbm, rows_a)
            for k in range(nk):
                pltpu.make_async_copy(
                    rows_a, agg_sh.at[pl.ds(rstart + k * ZB, ZB)],
                    sem_a).start()
            for k in range(nk):
                pltpu.make_async_copy(
                    rows_a, agg_sh.at[pl.ds(rstart + k * ZB, ZB)],
                    sem_a).wait()

        plsc.subcore_barrier()

        def start_gather(j, buf, sem):
            pltpu.make_async_copy(hp_hbm.at[sidx_v.at[j]], buf, sem).start()

        def wait_gather(buf, sem):
            pltpu.make_async_copy(hp_hbm.at[sidx_v.at[0]], buf, sem).wait()

        for q in range(2):
            wait_idx(q)
            start_gather(0, rows_a, sem_a)

            def pair(i, carry):
                j = 2 * i
                start_gather(j + 1, rows_b, sem_b)
                wait_gather(rows_a, sem_a)
                pltpu.sync_copy(rows_a, agg_sh.at[didx_v.at[j]], add=True)

                @pl.when(j + 2 < half)
                def _():
                    start_gather(j + 2, rows_a, sem_a)

                wait_gather(rows_b, sem_b)
                pltpu.sync_copy(rows_b, agg_sh.at[didx_v.at[j + 1]], add=True)
                return carry

            lax.fori_loop(0, half // 2, pair, 0)
            if q == 0:
                start_idx(1)
        plsc.subcore_barrier()
        pltpu.make_async_copy(agg_sh.at[pl.ds(rstart, ZB)], rows_a,
                              sem_a).start()
        for k in range(nk):
            if k + 1 < nk:
                pltpu.make_async_copy(
                    agg_sh.at[pl.ds(rstart + (k + 1) * ZB, ZB)],
                    bufs[(k + 1) % 2], sems[(k + 1) % 2]).start()
            pltpu.make_async_copy(agg_sh.at[pl.ds(rstart, ZB)],
                                  bufs[k % 2], sems[k % 2]).wait()
            pltpu.sync_copy(bufs[k % 2],
                            agg_out.at[c, pl.ds(rstart + k * ZB, ZB)])

    return _agg_kernel


_BR = 1024


def _dinv_from(deg_ref):
    deg = deg_ref[0, :, 0] + deg_ref[1, :, 0]
    return lax.rsqrt(deg)


def _stage_mm_body(x_ref, w_ref, out_ref):
    out_ref[...] = jnp.dot(x_ref[...], w_ref[...],
                           preferred_element_type=jnp.float32)


def _stage_scale_body(h_ref, deg_ref, out_ref):
    dinv = _dinv_from(deg_ref)
    out_ref[...] = h_ref[...] * dinv[:, None]


def _stage_mid_body(agg_ref, deg_ref, b_ref, w_ref, out_ref):
    dinv = _dinv_from(deg_ref)
    a = (agg_ref[0] + agg_ref[1]) * dinv[:, None] + b_ref[0]
    h = jnp.maximum(a, 0.0)
    hw = jnp.dot(h, w_ref[...], preferred_element_type=jnp.float32)
    out_ref[...] = hw * dinv[:, None]


def _stage_out_body(agg_ref, deg_ref, b_ref, wo_ref, bo_ref, out_ref):
    dinv = _dinv_from(deg_ref)
    a = (agg_ref[0] + agg_ref[1]) * dinv[:, None] + b_ref[0]
    h = jnp.maximum(a, 0.0)
    z = jnp.dot(h, wo_ref[...], preferred_element_type=jnp.float32) + bo_ref[0]
    m = jnp.max(z, axis=1, keepdims=True)
    zs = z - m
    out_ref[...] = zs - jnp.log(jnp.sum(jnp.exp(zs), axis=1, keepdims=True))


def _stage_mm(x, w1):
    grid = NP // _BR
    return pl.pallas_call(
        _stage_mm_body,
        out_shape=jax.ShapeDtypeStruct((NP, D), jnp.float32),
        grid=(grid,),
        in_specs=[
            pl.BlockSpec((_BR, D), lambda i: (i, 0)),
            pl.BlockSpec((D, D), lambda i: (0, 0)),
        ],
        out_specs=pl.BlockSpec((_BR, D), lambda i: (i, 0)),
    )(x, w1)


def _stage_scale(h, deg):
    grid = NP // _BR
    return pl.pallas_call(
        _stage_scale_body,
        out_shape=jax.ShapeDtypeStruct((NP, D), jnp.float32),
        grid=(grid,),
        in_specs=[
            pl.BlockSpec((_BR, D), lambda i: (i, 0)),
            pl.BlockSpec((NC, _BR, D), lambda i: (0, i, 0)),
        ],
        out_specs=pl.BlockSpec((_BR, D), lambda i: (i, 0)),
    )(h, deg)


def _stage_mid(agg, deg, b, w):
    grid = NP // _BR
    return pl.pallas_call(
        _stage_mid_body,
        out_shape=jax.ShapeDtypeStruct((NP, D), jnp.float32),
        grid=(grid,),
        in_specs=[
            pl.BlockSpec((NC, _BR, D), lambda i: (0, i, 0)),
            pl.BlockSpec((NC, _BR, D), lambda i: (0, i, 0)),
            pl.BlockSpec((1, D), lambda i: (0, 0)),
            pl.BlockSpec((D, D), lambda i: (0, 0)),
        ],
        out_specs=pl.BlockSpec((_BR, D), lambda i: (i, 0)),
    )(agg, deg, b, w)


def _stage_out(agg, deg, b, wo, bo):
    grid = NP // _BR
    return pl.pallas_call(
        _stage_out_body,
        out_shape=jax.ShapeDtypeStruct((NP, C), jnp.float32),
        grid=(grid,),
        in_specs=[
            pl.BlockSpec((NC, _BR, D), lambda i: (0, i, 0)),
            pl.BlockSpec((NC, _BR, D), lambda i: (0, i, 0)),
            pl.BlockSpec((1, D), lambda i: (0, 0)),
            pl.BlockSpec((D, C), lambda i: (0, 0)),
            pl.BlockSpec((1, C), lambda i: (0, 0)),
        ],
        out_specs=pl.BlockSpec((_BR, C), lambda i: (i, 0)),
    )(agg, deg, b, wo, bo)


def kernel(x, edge_index, W1, b1, W2, b2, Wo, bo):
    src = edge_index[0].astype(jnp.int32).reshape(NW, EPW)
    dst = edge_index[1].astype(jnp.int32).reshape(NW, EPW)
    padv = N + jnp.arange(EPC - EPW, dtype=jnp.int32) % (NP - N)
    padm = jnp.broadcast_to(padv, (NW, EPC - EPW))
    src = jnp.concatenate([src, padm], axis=1).reshape(NW, NCHUNK, CH)
    dst = jnp.concatenate([dst, padm], axis=1).reshape(NW, NCHUNK, CH)
    ones128 = jnp.ones((ZB, D), jnp.float32)
    zrows = jnp.zeros((ZB, D), jnp.float32)
    xp = jnp.pad(x, ((0, NP - N), (0, 0)))
    b1r = b1.reshape(1, D)
    b2r = b2.reshape(1, D)
    bor = bo.reshape(1, C)

    deg = _deg_kernel_fn()(dst, ones128, zrows)
    h1 = _stage_mm(xp, W1)
    h1p = _stage_scale(h1, deg)
    agg1 = _agg_kernel_fn()(h1p, src, dst, zrows)
    h2p = _stage_mid(agg1, deg, b1r, W2)
    agg2 = _agg_kernel_fn()(h2p, src, dst, zrows)
    return _stage_out(agg2, deg, b2r, Wo, bor)[:N]

# --- scband reference (transcript-rebuilt; emitter-appended) ---
"""Pipeline reference for scband-gcn-70076686401562 (READ-ONLY COPY).

The authoritative reference and input builder live on the scoring server;
editing this copy changes nothing except your own understanding.
"""

import jax, jax.numpy as jnp
import numpy as np

N_NODES = 10000
N_EDGES = 320000
D_IN = 128
D_HID = 128
N_CLASSES = 64


def setup_inputs(seed: int = 0) -> dict:
    key = jax.random.key(seed)
    ks = jax.random.split(key, 8)
    x = jax.random.normal(ks[0], (N_NODES, D_IN), dtype=jnp.float32)
    edge_index = jax.random.randint(ks[1], (2, N_EDGES), 0, N_NODES, dtype=jnp.int64)
    s1 = 1.0 / np.sqrt(D_IN)
    s2 = 1.0 / np.sqrt(D_HID)
    W1 = jax.random.uniform(ks[2], (D_IN, D_HID), dtype=jnp.float32, minval=-s1, maxval=s1)
    b1 = jnp.zeros((D_HID,), dtype=jnp.float32)
    W2 = jax.random.uniform(ks[3], (D_HID, D_HID), dtype=jnp.float32, minval=-s2, maxval=s2)
    b2 = jnp.zeros((D_HID,), dtype=jnp.float32)
    Wo = jax.random.uniform(ks[4], (D_HID, N_CLASSES), dtype=jnp.float32, minval=-s2, maxval=s2)
    bo = jax.random.uniform(ks[5], (N_CLASSES,), dtype=jnp.float32, minval=-s2, maxval=s2)
    return {"x": x, "edge_index": edge_index, "W1": W1, "b1": b1, "W2": W2, "b2": b2, "Wo": Wo, "bo": bo}


def _gcn_conv(x, src, dst, W, b):
    n = x.shape[0]
    h = x @ W
    ones = jnp.ones(src.shape[0], dtype=h.dtype)
    deg = jnp.zeros((n,), dtype=h.dtype).at[dst].add(ones)
    dinv = jnp.where(deg > 0, jax.lax.rsqrt(deg), 0.0)
    norm = dinv[src] * dinv[dst]
    msgs = h[src] * norm[:, None]
    out = jnp.zeros_like(h).at[dst].add(msgs)
    return out + b


def reference(x, edge_index, W1, b1, W2, b2, Wo, bo):
    n = x.shape[0]
    loop = jnp.arange(n, dtype=edge_index.dtype)
    src = jnp.concatenate([edge_index[0], loop])
    dst = jnp.concatenate([edge_index[1], loop])
    h = _gcn_conv(x, src, dst, W1, b1)
    h = jax.nn.relu(h)
    # dropout is identity in eval/deterministic reference
    h = _gcn_conv(h, src, dst, W2, b2)
    h = jax.nn.relu(h)
    h = h @ Wo + bo
    return jax.nn.log_softmax(h, axis=1)

if __name__ == "__main__":
    import jax
    _d = setup_inputs()
    print(jax.jit(kernel)(*tuple(_d.values())))

</pallas_src>

<mosaic_0001>
#map = affine_map<(d0, d1) -> (0, 0)>
#map1 = affine_map<(d0, d1) -> (0, 0, 0)>
module attributes {stable_mosaic.version = 14 : i64} {
  func.func @_agg_kernel(%arg0: i32, %arg1: i32, %arg2: memref<10240x128xf32, #tpu.memory_space<hbm>>, %arg3: memref<32x80x128xi32, #tpu.memory_space<hbm>>, %arg4: memref<32x80x128xi32, #tpu.memory_space<hbm>>, %arg5: memref<128x128xf32, #tpu.memory_space<hbm>>, %arg6: memref<2x10240x128xf32, #tpu.memory_space<hbm>>, %arg7: memref<40x128xi32, #tpu.memory_space<vmem>>, %arg8: memref<40x128xi32, #tpu.memory_space<vmem>>, %arg9: memref<128x128xf32, #tpu.memory_space<vmem>>, %arg10: memref<128x128xf32, #tpu.memory_space<vmem>>, %arg11: memref<10240x128xf32, #tpu.memory_space<vmem_shared>>, %arg12: memref<!tpu.dma_semaphore, #tpu.memory_space<semaphore_mem>>, %arg13: memref<!tpu.dma_semaphore, #tpu.memory_space<semaphore_mem>>, %arg14: memref<!tpu.dma_semaphore, #tpu.memory_space<semaphore_mem>>, %arg15: memref<!tpu.dma_semaphore, #tpu.memory_space<semaphore_mem>>) attributes {dimension_semantics = [#tpu.dimension_semantics<core_parallel>, #tpu.dimension_semantics<subcore_parallel>], iteration_bounds = array<i64: 2, 16>, scalar_prefetch = 0 : i64, scratch_operands = 9 : i64, tpu.core_type = #tpu.core_type<sc_vector_subcore>, window_params = [{transform_indices = #map}, {transform_indices = #map1}, {transform_indices = #map1}, {transform_indices = #map}, {transform_indices = #map1}]} {
    %mul3A = arith.constant 16 : i32
    %mul3A_0 = arith.muli %arg0, %mul3A : i32
    %add3A = arith.addi %mul3A_0, %arg1 : i32
    %mul3A_1 = arith.constant 640 : i32
    %mul3A_2 = arith.muli %arg1, %mul3A_1 : i32
    %dma_start3A = arith.constant 0 : i32
    %dma_start3A_3 = arith.constant 0 : i32
    %dma_start3A_4 = tpu.memref_slice %arg3[%add3A, %dma_start3A, %dma_start3A_3] : memref<32x80x128xi32, #tpu.memory_space<hbm>> -> memref<1x40x128xi32, #tpu.memory_space<hbm>>
    %dma_start3A_5 = tpu.memref_squeeze %dma_start3A_4 : memref<1x40x128xi32, #tpu.memory_space<hbm>> -> memref<40x128xi32, #tpu.memory_space<hbm>>
    %dma_start3A_6 = arith.constant 0 : i32
    %dma_start3A_7 = arith.constant 0 : i32
    %dma_start3A_8 = tpu.memref_slice %arg3[%add3A, %dma_start3A_6, %dma_start3A_7] : memref<32x80x128xi32, #tpu.memory_space<hbm>> -> memref<1x40x128xi32, #tpu.memory_space<hbm>>
    %dma_start3A_9 = tpu.memref_squeeze %dma_start3A_8 : memref<1x40x128xi32, #tpu.memory_space<hbm>> -> memref<40x128xi32, #tpu.memory_space<hbm>>
    tpu.enqueue_dma source(%dma_start3A_9 : memref<40x128xi32, #tpu.memory_space<hbm>>) target(%arg7 : memref<40x128xi32, #tpu.memory_space<vmem>>) target_semaphore(%arg14 : memref<!tpu.dma_semaphore, #tpu.memory_space<semaphore_mem>>)
    %dma_start3A_10 = arith.constant 0 : i32
    %dma_start3A_11 = arith.constant 0 : i32
    %dma_start3A_12 = tpu.memref_slice %arg4[%add3A, %dma_start3A_10, %dma_start3A_11] : memref<32x80x128xi32, #tpu.memory_space<hbm>> -> memref<1x40x128xi32, #tpu.memory_space<hbm>>
    %dma_start3A_13 = tpu.memref_squeeze %dma_start3A_12 : memref<1x40x128xi32, #tpu.memory_space<hbm>> -> memref<40x128xi32, #tpu.memory_space<hbm>>
    %dma_start3A_14 = arith.constant 0 : i32
    %dma_start3A_15 = arith.constant 0 : i32
    %dma_start3A_16 = tpu.memref_slice %arg4[%add3A, %dma_start3A_14, %dma_start3A_15] : memref<32x80x128xi32, #tpu.memory_space<hbm>> -> memref<1x40x128xi32, #tpu.memory_space<hbm>>
    %dma_start3A_17 = tpu.memref_squeeze %dma_start3A_16 : memref<1x40x128xi32, #tpu.memory_space<hbm>> -> memref<40x128xi32, #tpu.memory_space<hbm>>
    tpu.enqueue_dma source(%dma_start3A_17 : memref<40x128xi32, #tpu.memory_space<hbm>>) target(%arg8 : memref<40x128xi32, #tpu.memory_space<vmem>>) target_semaphore(%arg15 : memref<!tpu.dma_semaphore, #tpu.memory_space<semaphore_mem>>)
    %eq3A = arith.constant 0 : i32
    %eq3A_18 = arith.cmpi eq, %arg0, %eq3A : i32
    %convert_element_type3A = arith.extui %eq3A_18 : i1 to i32
    %cond3A = arith.constant 0 : i32
    %cond3A_19 = arith.cmpi ne, %convert_element_type3A, %cond3A : i32
    scf.if %cond3A_19 {
      %dma_start3A_155 = arith.constant 0 : i32
      %dma_start3A_156 = tpu.memref_slice %arg2[%mul3A_2, %dma_start3A_155] : memref<10240x128xf32, #tpu.memory_space<hbm>> -> memref<128x128xf32, #tpu.memory_space<hbm>>
      %dma_start3A_157 = arith.constant 0 : i32
      %dma_start3A_158 = tpu.memref_slice %arg2[%mul3A_2, %dma_start3A_157] : memref<10240x128xf32, #tpu.memory_space<hbm>> -> memref<128x128xf32, #tpu.memory_space<hbm>>
      tpu.enqueue_dma source(%dma_start3A_158 : memref<128x128xf32, #tpu.memory_space<hbm>>) target(%arg9 : memref<128x128xf32, #tpu.memory_space<vmem>>) target_semaphore(%arg12 : memref<!tpu.dma_semaphore, #tpu.memory_space<semaphore_mem>>)
      %add3A_159 = arith.constant 128 : i32
      %add3A_160 = arith.addi %mul3A_2, %add3A_159 : i32
      %dma_start3A_161 = arith.constant 0 : i32
      %dma_start3A_162 = tpu.memref_slice %arg2[%add3A_160, %dma_start3A_161] : memref<10240x128xf32, #tpu.memory_space<hbm>> -> memref<128x128xf32, #tpu.memory_space<hbm>>
      %dma_start3A_163 = arith.constant 0 : i32
      %dma_start3A_164 = tpu.memref_slice %arg2[%add3A_160, %dma_start3A_163] : memref<10240x128xf32, #tpu.memory_space<hbm>> -> memref<128x128xf32, #tpu.memory_space<hbm>>
      tpu.enqueue_dma source(%dma_start3A_164 : memref<128x128xf32, #tpu.memory_space<hbm>>) target(%arg10 : memref<128x128xf32, #tpu.memory_space<vmem>>) target_semaphore(%arg13 : memref<!tpu.dma_semaphore, #tpu.memory_space<semaphore_mem>>)
      %dma_wait3A_165 = arith.constant 0 : i32
      %dma_wait3A_166 = tpu.memref_slice %arg2[%mul3A_2, %dma_wait3A_165] : memref<10240x128xf32, #tpu.memory_space<hbm>> -> memref<128x128xf32, #tpu.memory_space<hbm>>
      %dma_wait3A_167 = arith.constant 0 : i32
      %dma_wait3A_168 = tpu.memref_slice %arg2[%mul3A_2, %dma_wait3A_167] : memref<10240x128xf32, #tpu.memory_space<hbm>> -> memref<128x128xf32, #tpu.memory_space<hbm>>
      tpu.wait_dma2 semaphore(%arg12 : memref<!tpu.dma_semaphore, #tpu.memory_space<semaphore_mem>>) src(%dma_wait3A_168 : memref<128x128xf32, #tpu.memory_space<hbm>>) dst(%arg9 : memref<128x128xf32, #tpu.memory_space<vmem>>)
      %add3A_169 = arith.constant 0 : i32
      %add3A_170 = arith.addi %mul3A_2, %add3A_169 : i32
      "tpu.region"() ({
        %run_scoped3A = tpu.sem_alloc : memref<!tpu.dma_semaphore, #tpu.memory_space<semaphore_mem>>
        %dma_start3A_213 = arith.constant 0 : i32
        %dma_start3A_214 = tpu.memref_slice %arg11[%add3A_170, %dma_start3A_213] : memref<10240x128xf32, #tpu.memory_space<vmem_shared>> -> memref<128x128xf32, #tpu.memory_space<vmem_shared>>
        %dma_start3A_215 = arith.constant 0 : i32
        %dma_start3A_216 = tpu.memref_slice %arg11[%add3A_170, %dma_start3A_215] : memref<10240x128xf32, #tpu.memory_space<vmem_shared>> -> memref<128x128xf32, #tpu.memory_space<vmem_shared>>
        tpu.enqueue_dma source(%arg9 : memref<128x128xf32, #tpu.memory_space<vmem>>) target(%dma_start3A_216 : memref<128x128xf32, #tpu.memory_space<vmem_shared>>) target_semaphore(%run_scoped3A : memref<!tpu.dma_semaphore, #tpu.memory_space<semaphore_mem>>)
        %dma_wait3A_217 = arith.constant 0 : i32
        %dma_wait3A_218 = tpu.memref_slice %arg11[%add3A_170, %dma_wait3A_217] : memref<10240x128xf32, #tpu.memory_space<vmem_shared>> -> memref<128x128xf32, #tpu.memory_space<vmem_shared>>
        %dma_wait3A_219 = arith.constant 0 : i32
        %dma_wait3A_220 = tpu.memref_slice %arg11[%add3A_170, %dma_wait3A_219] : memref<10240x128xf32, #tpu.memory_space<vmem_shared>> -> memref<128x128xf32, #tpu.memory_space<vmem_shared>>
        tpu.wait_dma2 semaphore(%run_scoped3A : memref<!tpu.dma_semaphore, #tpu.memory_space<semaphore_mem>>) src(%arg9 : memref<128x128xf32, #tpu.memory_space<vmem>>) dst(%dma_wait3A_220 : memref<128x128xf32, #tpu.memory_space<vmem_shared>>)
        tpu.yield
      }) : () -> ()
      %add3A_171 = arith.constant 256 : i32
      %add3A_172 = arith.addi %mul3A_2, %add3A_171 : i32
      %dma_start3A_173 = arith.constant 0 : i32
      %dma_start3A_174 = tpu.memref_slice %arg2[%add3A_172, %dma_start3A_173] : memref<10240x128xf32, #tpu.memory_space<hbm>> -> memref<128x128xf32, #tpu.memory_space<hbm>>
      %dma_start3A_175 = arith.constant 0 : i32
      %dma_start3A_176 = tpu.memref_slice %arg2[%add3A_172, %dma_start3A_175] : memref<10240x128xf32, #tpu.memory_space<hbm>> -> memref<128x128xf32, #tpu.memory_space<hbm>>
      tpu.enqueue_dma source(%dma_start3A_176 : memref<128x128xf32, #tpu.memory_space<hbm>>) target(%arg9 : memref<128x128xf32, #tpu.memory_space<vmem>>) target_semaphore(%arg12 : memref<!tpu.dma_semaphore, #tpu.memory_space<semaphore_mem>>)
      %dma_wait3A_177 = arith.constant 0 : i32
      %dma_wait3A_178 = tpu.memref_slice %arg2[%mul3A_2, %dma_wait3A_177] : memref<10240x128xf32, #tpu.memory_space<hbm>> -> memref<128x128xf32, #tpu.memory_space<hbm>>
      %dma_wait3A_179 = arith.constant 0 : i32
      %dma_wait3A_180 = tpu.memref_slice %arg2[%mul3A_2, %dma_wait3A_179] : memref<10240x128xf32, #tpu.memory_space<hbm>> -> memref<128x128xf32, #tpu.memory_space<hbm>>
      tpu.wait_dma2 semaphore(%arg13 : memref<!tpu.dma_semaphore, #tpu.memory_space<semaphore_mem>>) src(%dma_wait3A_180 : memref<128x128xf32, #tpu.memory_space<hbm>>) dst(%arg10 : memref<128x128xf32, #tpu.memory_space<vmem>>)
      %add3A_181 = arith.constant 128 : i32
      %add3A_182 = arith.addi %mul3A_2, %add3A_181 : i32
      "tpu.region"() ({
        %run_scoped3A = tpu.sem_alloc : memref<!tpu.dma_semaphore, #tpu.memory_space<semaphore_mem>>
        %dma_start3A_213 = arith.constant 0 : i32
        %dma_start3A_214 = tpu.memref_slice %arg11[%add3A_182, %dma_start3A_213] : memref<10240x128xf32, #tpu.memory_space<vmem_shared>> -> memref<128x128xf32, #tpu.memory_space<vmem_shared>>
        %dma_start3A_215 = arith.constant 0 : i32
        %dma_start3A_216 = tpu.memref_slice %arg11[%add3A_182, %dma_start3A_215] : memref<10240x128xf32, #tpu.memory_space<vmem_shared>> -> memref<128x128xf32, #tpu.memory_space<vmem_shared>>
        tpu.enqueue_dma source(%arg10 : memref<128x128xf32, #tpu.memory_space<vmem>>) target(%dma_start3A_216 : memref<128x128xf32, #tpu.memory_space<vmem_shared>>) target_semaphore(%run_scoped3A : memref<!tpu.dma_semaphore, #tpu.memory_space<semaphore_mem>>)
        %dma_wait3A_217 = arith.constant 0 : i32
        %dma_wait3A_218 = tpu.memref_slice %arg11[%add3A_182, %dma_wait3A_217] : memref<10240x128xf32, #tpu.memory_space<vmem_shared>> -> memref<128x128xf32, #tpu.memory_space<vmem_shared>>
        %dma_wait3A_219 = arith.constant 0 : i32
        %dma_wait3A_220 = tpu.memref_slice %arg11[%add3A_182, %dma_wait3A_219] : memref<10240x128xf32, #tpu.memory_space<vmem_shared>> -> memref<128x128xf32, #tpu.memory_space<vmem_shared>>
        tpu.wait_dma2 semaphore(%run_scoped3A : memref<!tpu.dma_semaphore, #tpu.memory_space<semaphore_mem>>) src(%arg10 : memref<128x128xf32, #tpu.memory_space<vmem>>) dst(%dma_wait3A_220 : memref<128x128xf32, #tpu.memory_space<vmem_shared>>)
        tpu.yield
      }) : () -> ()
      %add3A_183 = arith.constant 384 : i32
      %add3A_184 = arith.addi %mul3A_2, %add3A_183 : i32
      %dma_start3A_185 = arith.constant 0 : i32
      %dma_start3A_186 = tpu.memref_slice %arg2[%add3A_184, %dma_start3A_185] : memref<10240x128xf32, #tpu.memory_space<hbm>> -> memref<128x128xf32, #tpu.memory_space<hbm>>
      %dma_start3A_187 = arith.constant 0 : i32
      %dma_start3A_188 = tpu.memref_slice %arg2[%add3A_184, %dma_start3A_187] : memref<10240x128xf32, #tpu.memory_space<hbm>> -> memref<128x128xf32, #tpu.memory_space<hbm>>
      tpu.enqueue_dma source(%dma_start3A_188 : memref<128x128xf32, #tpu.memory_space<hbm>>) target(%arg10 : memref<128x128xf32, #tpu.memory_space<vmem>>) target_semaphore(%arg13 : memref<!tpu.dma_semaphore, #tpu.memory_space<semaphore_mem>>)
      %dma_wait3A_189 = arith.constant 0 : i32
      %dma_wait3A_190 = tpu.memref_slice %arg2[%mul3A_2, %dma_wait3A_189] : memref<10240x128xf32, #tpu.memory_space<hbm>> -> memref<128x128xf32, #tpu.memory_space<hbm>>
      %dma_wait3A_191 = arith.constant 0 : i32
      %dma_wait3A_192 = tpu.memref_slice %arg2[%mul3A_2, %dma_wait3A_191] : memref<10240x128xf32, #tpu.memory_space<hbm>> -> memref<128x128xf32, #tpu.memory_space<hbm>>
      tpu.wait_dma2 semaphore(%arg12 : memref<!tpu.dma_semaphore, #tpu.memory_space<semaphore_mem>>) src(%dma_wait3A_192 : memref<128x128xf32, #tpu.memory_space<hbm>>) dst(%arg9 : memref<128x128xf32, #tpu.memory_space<vmem>>)
      %add3A_193 = arith.constant 256 : i32
      %add3A_194 = arith.addi %mul3A_2, %add3A_193 : i32
      "tpu.region"() ({
        %run_scoped3A = tpu.sem_alloc : memref<!tpu.dma_semaphore, #tpu.memory_space<semaphore_mem>>
        %dma_start3A_213 = arith.constant 0 : i32
        %dma_start3A_214 = tpu.memref_slice %arg11[%add3A_194, %dma_start3A_213] : memref<10240x128xf32, #tpu.memory_space<vmem_shared>> -> memref<128x128xf32, #tpu.memory_space<vmem_shared>>
        %dma_start3A_215 = arith.constant 0 : i32
        %dma_start3A_216 = tpu.memref_slice %arg11[%add3A_194, %dma_start3A_215] : memref<10240x128xf32, #tpu.memory_space<vmem_shared>> -> memref<128x128xf32, #tpu.memory_space<vmem_shared>>
        tpu.enqueue_dma source(%arg9 : memref<128x128xf32, #tpu.memory_space<vmem>>) target(%dma_start3A_216 : memref<128x128xf32, #tpu.memory_space<vmem_shared>>) target_semaphore(%run_scoped3A : memref<!tpu.dma_semaphore, #tpu.memory_space<semaphore_mem>>)
        %dma_wait3A_217 = arith.constant 0 : i32
        %dma_wait3A_218 = tpu.memref_slice %arg11[%add3A_194, %dma_wait3A_217] : memref<10240x128xf32, #tpu.memory_space<vmem_shared>> -> memref<128x128xf32, #tpu.memory_space<vmem_shared>>
        %dma_wait3A_219 = arith.constant 0 : i32
        %dma_wait3A_220 = tpu.memref_slice %arg11[%add3A_194, %dma_wait3A_219] : memref<10240x128xf32, #tpu.memory_space<vmem_shared>> -> memref<128x128xf32, #tpu.memory_space<vmem_shared>>
        tpu.wait_dma2 semaphore(%run_scoped3A : memref<!tpu.dma_semaphore, #tpu.memory_space<semaphore_mem>>) src(%arg9 : memref<128x128xf32, #tpu.memory_space<vmem>>) dst(%dma_wait3A_220 : memref<128x128xf32, #tpu.memory_space<vmem_shared>>)
        tpu.yield
      }) : () -> ()
      %add3A_195 = arith.constant 512 : i32
      %add3A_196 = arith.addi %mul3A_2, %add3A_195 : i32
      %dma_start3A_197 = arith.constant 0 : i32
      %dma_start3A_198 = tpu.memref_slice %arg2[%add3A_196, %dma_start3A_197] : memref<10240x128xf32, #tpu.memory_space<hbm>> -> memref<128x128xf32, #tpu.memory_space<hbm>>
      %dma_start3A_199 = arith.constant 0 : i32
      %dma_start3A_200 = tpu.memref_slice %arg2[%add3A_196, %dma_start3A_199] : memref<10240x128xf32, #tpu.memory_space<hbm>> -> memref<128x128xf32, #tpu.memory_space<hbm>>
      tpu.enqueue_dma source(%dma_start3A_200 : memref<128x128xf32, #tpu.memory_space<hbm>>) target(%arg9 : memref<128x128xf32, #tpu.memory_space<vmem>>) target_semaphore(%arg12 : memref<!tpu.dma_semaphore, #tpu.memory_space<semaphore_mem>>)
      %dma_wait3A_201 = arith.constant 0 : i32
      %dma_wait3A_202 = tpu.memref_slice %arg2[%mul3A_2, %dma_wait3A_201] : memref<10240x128xf32, #tpu.memory_space<hbm>> -> memref<128x128xf32, #tpu.memory_space<hbm>>
      %dma_wait3A_203 = arith.constant 0 : i32
      %dma_wait3A_204 = tpu.memref_slice %arg2[%mul3A_2, %dma_wait3A_203] : memref<10240x128xf32, #tpu.memory_space<hbm>> -> memref<128x128xf32, #tpu.memory_space<hbm>>
      tpu.wait_dma2 semaphore(%arg13 : memref<!tpu.dma_semaphore, #tpu.memory_space<semaphore_mem>>) src(%dma_wait3A_204 : memref<128x128xf32, #tpu.memory_space<hbm>>) dst(%arg10 : memref<128x128xf32, #tpu.memory_space<vmem>>)
      %add3A_205 = arith.constant 384 : i32
      %add3A_206 = arith.addi %mul3A_2, %add3A_205 : i32
      "tpu.region"() ({
        %run_scoped3A = tpu.sem_alloc : memref<!tpu.dma_semaphore, #tpu.memory_space<semaphore_mem>>
        %dma_start3A_213 = arith.constant 0 : i32
        %dma_start3A_214 = tpu.memref_slice %arg11[%add3A_206, %dma_start3A_213] : memref<10240x128xf32, #tpu.memory_space<vmem_shared>> -> memref<128x128xf32, #tpu.memory_space<vmem_shared>>
        %dma_start3A_215 = arith.constant 0 : i32
        %dma_start3A_216 = tpu.memref_slice %arg11[%add3A_206, %dma_start3A_215] : memref<10240x128xf32, #tpu.memory_space<vmem_shared>> -> memref<128x128xf32, #tpu.memory_space<vmem_shared>>
        tpu.enqueue_dma source(%arg10 : memref<128x128xf32, #tpu.memory_space<vmem>>) target(%dma_start3A_216 : memref<128x128xf32, #tpu.memory_space<vmem_shared>>) target_semaphore(%run_scoped3A : memref<!tpu.dma_semaphore, #tpu.memory_space<semaphore_mem>>)
        %dma_wait3A_217 = arith.constant 0 : i32
        %dma_wait3A_218 = tpu.memref_slice %arg11[%add3A_206, %dma_wait3A_217] : memref<10240x128xf32, #tpu.memory_space<vmem_shared>> -> memref<128x128xf32, #tpu.memory_space<vmem_shared>>
        %dma_wait3A_219 = arith.constant 0 : i32
        %dma_wait3A_220 = tpu.memref_slice %arg11[%add3A_206, %dma_wait3A_219] : memref<10240x128xf32, #tpu.memory_space<vmem_shared>> -> memref<128x128xf32, #tpu.memory_space<vmem_shared>>
        tpu.wait_dma2 semaphore(%run_scoped3A : memref<!tpu.dma_semaphore, #tpu.memory_space<semaphore_mem>>) src(%arg10 : memref<128x128xf32, #tpu.memory_space<vmem>>) dst(%dma_wait3A_220 : memref<128x128xf32, #tpu.memory_space<vmem_shared>>)
        tpu.yield
      }) : () -> ()
      %dma_wait3A_207 = arith.constant 0 : i32
      %dma_wait3A_208 = tpu.memref_slice %arg2[%mul3A_2, %dma_wait3A_207] : memref<10240x128xf32, #tpu.memory_space<hbm>> -> memref<128x128xf32, #tpu.memory_space<hbm>>
      %dma_wait3A_209 = arith.constant 0 : i32
      %dma_wait3A_210 = tpu.memref_slice %arg2[%mul3A_2, %dma_wait3A_209] : memref<10240x128xf32, #tpu.memory_space<hbm>> -> memref<128x128xf32, #tpu.memory_space<hbm>>
      tpu.wait_dma2 semaphore(%arg12 : memref<!tpu.dma_semaphore, #tpu.memory_space<semaphore_mem>>) src(%dma_wait3A_210 : memref<128x128xf32, #tpu.memory_space<hbm>>) dst(%arg9 : memref<128x128xf32, #tpu.memory_space<vmem>>)
      %add3A_211 = arith.constant 512 : i32
      %add3A_212 = arith.addi %mul3A_2, %add3A_211 : i32
      "tpu.region"() ({
        %run_scoped3A = tpu.sem_alloc : memref<!tpu.dma_semaphore, #tpu.memory_space<semaphore_mem>>
        %dma_start3A_213 = arith.constant 0 : i32
        %dma_start3A_214 = tpu.memref_slice %arg11[%add3A_212, %dma_start3A_213] : memref<10240x128xf32, #tpu.memory_space<vmem_shared>> -> memref<128x128xf32, #tpu.memory_space<vmem_shared>>
        %dma_start3A_215 = arith.constant 0 : i32
        %dma_start3A_216 = tpu.memref_slice %arg11[%add3A_212, %dma_start3A_215] : memref<10240x128xf32, #tpu.memory_space<vmem_shared>> -> memref<128x128xf32, #tpu.memory_space<vmem_shared>>
        tpu.enqueue_dma source(%arg9 : memref<128x128xf32, #tpu.memory_space<vmem>>) target(%dma_start3A_216 : memref<128x128xf32, #tpu.memory_space<vmem_shared>>) target_semaphore(%run_scoped3A : memref<!tpu.dma_semaphore, #tpu.memory_space<semaphore_mem>>)
        %dma_wait3A_217 = arith.constant 0 : i32
        %dma_wait3A_218 = tpu.memref_slice %arg11[%add3A_212, %dma_wait3A_217] : memref<10240x128xf32, #tpu.memory_space<vmem_shared>> -> memref<128x128xf32, #tpu.memory_space<vmem_shared>>
        %dma_wait3A_219 = arith.constant 0 : i32
        %dma_wait3A_220 = tpu.memref_slice %arg11[%add3A_212, %dma_wait3A_219] : memref<10240x128xf32, #tpu.memory_space<vmem_shared>> -> memref<128x128xf32, #tpu.memory_space<vmem_shared>>
        tpu.wait_dma2 semaphore(%run_scoped3A : memref<!tpu.dma_semaphore, #tpu.memory_space<semaphore_mem>>) src(%arg9 : memref<128x128xf32, #tpu.memory_space<vmem>>) dst(%dma_wait3A_220 : memref<128x128xf32, #tpu.memory_space<vmem_shared>>)
        tpu.yield
      }) : () -> ()
    } else {
    }
    %ne3A = arith.constant 0 : i32
    %ne3A_20 = arith.cmpi ne, %arg0, %ne3A : i32
    %convert_element_type3A_21 = arith.extui %ne3A_20 : i1 to i32
    %cond3A_22 = arith.constant 0 : i32
    %cond3A_23 = arith.cmpi ne, %convert_element_type3A_21, %cond3A_22 : i32
    scf.if %cond3A_23 {
      "tpu.region"() ({
        %run_scoped3A = tpu.sem_alloc : memref<!tpu.dma_semaphore, #tpu.memory_space<semaphore_mem>>
        tpu.enqueue_dma source(%arg5 : memref<128x128xf32, #tpu.memory_space<hbm>>) target(%arg9 : memref<128x128xf32, #tpu.memory_space<vmem>>) target_semaphore(%run_scoped3A : memref<!tpu.dma_semaphore, #tpu.memory_space<semaphore_mem>>)
        tpu.wait_dma2 semaphore(%run_scoped3A : memref<!tpu.dma_semaphore, #tpu.memory_space<semaphore_mem>>) src(%arg5 : memref<128x128xf32, #tpu.memory_space<hbm>>) dst(%arg9 : memref<128x128xf32, #tpu.memory_space<vmem>>)
        tpu.yield
      }) : () -> ()
      %add3A_155 = arith.constant 0 : i32
      %add3A_156 = arith.addi %mul3A_2, %add3A_155 : i32
      %dma_start3A_157 = arith.constant 0 : i32
      %dma_start3A_158 = tpu.memref_slice %arg11[%add3A_156, %dma_start3A_157] : memref<10240x128xf32, #tpu.memory_space<vmem_shared>> -> memref<128x128xf32, #tpu.memory_space<vmem_shared>>
      %dma_start3A_159 = arith.constant 0 : i32
      %dma_start3A_160 = tpu.memref_slice %arg11[%add3A_156, %dma_start3A_159] : memref<10240x128xf32, #tpu.memory_space<vmem_shared>> -> memref<128x128xf32, #tpu.memory_space<vmem_shared>>
      tpu.enqueue_dma source(%arg9 : memref<128x128xf32, #tpu.memory_space<vmem>>) target(%dma_start3A_160 : memref<128x128xf32, #tpu.memory_space<vmem_shared>>) target_semaphore(%arg12 : memref<!tpu.dma_semaphore, #tpu.memory_space<semaphore_mem>>)
      %add3A_161 = arith.constant 128 : i32
      %add3A_162 = arith.addi %mul3A_2, %add3A_161 : i32
      %dma_start3A_163 = arith.constant 0 : i32
      %dma_start3A_164 = tpu.memref_slice %arg11[%add3A_162, %dma_start3A_163] : memref<10240x128xf32, #tpu.memory_space<vmem_shared>> -> memref<128x128xf32, #tpu.memory_space<vmem_shared>>
      %dma_start3A_165 = arith.constant 0 : i32
      %dma_start3A_166 = tpu.memref_slice %arg11[%add3A_162, %dma_start3A_165] : memref<10240x128xf32, #tpu.memory_space<vmem_shared>> -> memref<128x128xf32, #tpu.memory_space<vmem_shared>>
      tpu.enqueue_dma source(%arg9 : memref<128x128xf32, #tpu.memory_space<vmem>>) target(%dma_start3A_166 : memref<128x128xf32, #tpu.memory_space<vmem_shared>>) target_semaphore(%arg12 : memref<!tpu.dma_semaphore, #tpu.memory_space<semaphore_mem>>)
      %add3A_167 = arith.constant 256 : i32
      %add3A_168 = arith.addi %mul3A_2, %add3A_167 : i32
      %dma_start3A_169 = arith.constant 0 : i32
      %dma_start3A_170 = tpu.memref_slice %arg11[%add3A_168, %dma_start3A_169] : memref<10240x128xf32, #tpu.memory_space<vmem_shared>> -> memref<128x128xf32, #tpu.memory_space<vmem_shared>>
      %dma_start3A_171 = arith.constant 0 : i32
      %dma_start3A_172 = tpu.memref_slice %arg11[%add3A_168, %dma_start3A_171] : memref<10240x128xf32, #tpu.memory_space<vmem_shared>> -> memref<128x128xf32, #tpu.memory_space<vmem_shared>>
      tpu.enqueue_dma source(%arg9 : memref<128x128xf32, #tpu.memory_space<vmem>>) target(%dma_start3A_172 : memref<128x128xf32, #tpu.memory_space<vmem_shared>>) target_semaphore(%arg12 : memref<!tpu.dma_semaphore, #tpu.memory_space<semaphore_mem>>)
      %add3A_173 = arith.constant 384 : i32
      %add3A_174 = arith.addi %mul3A_2, %add3A_173 : i32
      %dma_start3A_175 = arith.constant 0 : i32
      %dma_start3A_176 = tpu.memref_slice %arg11[%add3A_174, %dma_start3A_175] : memref<10240x128xf32, #tpu.memory_space<vmem_shared>> -> memref<128x128xf32, #tpu.memory_space<vmem_shared>>
      %dma_start3A_177 = arith.constant 0 : i32
      %dma_start3A_178 = tpu.memref_slice %arg11[%add3A_174, %dma_start3A_177] : memref<10240x128xf32, #tpu.memory_space<vmem_shared>> -> memref<128x128xf32, #tpu.memory_space<vmem_shared>>
      tpu.enqueue_dma source(%arg9 : memref<128x128xf32, #tpu.memory_space<vmem>>) target(%dma_start3A_178 : memref<128x128xf32, #tpu.memory_space<vmem_shared>>) target_semaphore(%arg12 : memref<!tpu.dma_semaphore, #tpu.memory_space<semaphore_mem>>)
      %add3A_179 = arith.constant 512 : i32
      %add3A_180 = arith.addi %mul3A_2, %add3A_179 : i32
      %dma_start3A_181 = arith.constant 0 : i32
      %dma_start3A_182 = tpu.memref_slice %arg11[%add3A_180, %dma_start3A_181] : memref<10240x128xf32, #tpu.memory_space<vmem_shared>> -> memref<128x128xf32, #tpu.memory_space<vmem_shared>>
      %dma_start3A_183 = arith.constant 0 : i32
      %dma_start3A_184 = tpu.memref_slice %arg11[%add3A_180, %dma_start3A_183] : memref<10240x128xf32, #tpu.memory_space<vmem_shared>> -> memref<128x128xf32, #tpu.memory_space<vmem_shared>>
      tpu.enqueue_dma source(%arg9 : memref<128x128xf32, #tpu.memory_space<vmem>>) target(%dma_start3A_184 : memref<128x128xf32, #tpu.memory_space<vmem_shared>>) target_semaphore(%arg12 : memref<!tpu.dma_semaphore, #tpu.memory_space<semaphore_mem>>)
      %add3A_185 = arith.constant 0 : i32
      %add3A_186 = arith.addi %mul3A_2, %add3A_185 : i32
      %dma_wait3A_187 = arith.constant 0 : i32
      %dma_wait3A_188 = tpu.memref_slice %arg11[%add3A_186, %dma_wait3A_187] : memref<10240x128xf32, #tpu.memory_space<vmem_shared>> -> memref<128x128xf32, #tpu.memory_space<vmem_shared>>
      %dma_wait3A_189 = arith.constant 0 : i32
      %dma_wait3A_190 = tpu.memref_slice %arg11[%add3A_186, %dma_wait3A_189] : memref<10240x128xf32, #tpu.memory_space<vmem_shared>> -> memref<128x128xf32, #tpu.memory_space<vmem_shared>>
      tpu.wait_dma2 semaphore(%arg12 : memref<!tpu.dma_semaphore, #tpu.memory_space<semaphore_mem>>) src(%arg9 : memref<128x128xf32, #tpu.memory_space<vmem>>) dst(%dma_wait3A_190 : memref<128x128xf32, #tpu.memory_space<vmem_shared>>)
      %add3A_191 = arith.constant 128 : i32
      %add3A_192 = arith.addi %mul3A_2, %add3A_191 : i32
      %dma_wait3A_193 = arith.constant 0 : i32
      %dma_wait3A_194 = tpu.memref_slice %arg11[%add3A_192, %dma_wait3A_193] : memref<10240x128xf32, #tpu.memory_space<vmem_shared>> -> memref<128x128xf32, #tpu.memory_space<vmem_shared>>
      %dma_wait3A_195 = arith.constant 0 : i32
      %dma_wait3A_196 = tpu.memref_slice %arg11[%add3A_192, %dma_wait3A_195] : memref<10240x128xf32, #tpu.memory_space<vmem_shared>> -> memref<128x128xf32, #tpu.memory_space<vmem_shared>>
      tpu.wait_dma2 semaphore(%arg12 : memref<!tpu.dma_semaphore, #tpu.memory_space<semaphore_mem>>) src(%arg9 : memref<128x128xf32, #tpu.memory_space<vmem>>) dst(%dma_wait3A_196 : memref<128x128xf32, #tpu.memory_space<vmem_shared>>)
      %add3A_197 = arith.constant 256 : i32
      %add3A_198 = arith.addi %mul3A_2, %add3A_197 : i32
      %dma_wait3A_199 = arith.constant 0 : i32
      %dma_wait3A_200 = tpu.memref_slice %arg11[%add3A_198, %dma_wait3A_199] : memref<10240x128xf32, #tpu.memory_space<vmem_shared>> -> memref<128x128xf32, #tpu.memory_space<vmem_shared>>
      %dma_wait3A_201 = arith.constant 0 : i32
      %dma_wait3A_202 = tpu.memref_slice %arg11[%add3A_198, %dma_wait3A_201] : memref<10240x128xf32, #tpu.memory_space<vmem_shared>> -> memref<128x128xf32, #tpu.memory_space<vmem_shared>>
      tpu.wait_dma2 semaphore(%arg12 : memref<!tpu.dma_semaphore, #tpu.memory_space<semaphore_mem>>) src(%arg9 : memref<128x128xf32, #tpu.memory_space<vmem>>) dst(%dma_wait3A_202 : memref<128x128xf32, #tpu.memory_space<vmem_shared>>)
      %add3A_203 = arith.constant 384 : i32
      %add3A_204 = arith.addi %mul3A_2, %add3A_203 : i32
      %dma_wait3A_205 = arith.constant 0 : i32
      %dma_wait3A_206 = tpu.memref_slice %arg11[%add3A_204, %dma_wait3A_205] : memref<10240x128xf32, #tpu.memory_space<vmem_shared>> -> memref<128x128xf32, #tpu.memory_space<vmem_shared>>
      %dma_wait3A_207 = arith.constant 0 : i32
      %dma_wait3A_208 = tpu.memref_slice %arg11[%add3A_204, %dma_wait3A_207] : memref<10240x128xf32, #tpu.memory_space<vmem_shared>> -> memref<128x128xf32, #tpu.memory_space<vmem_shared>>
      tpu.wait_dma2 semaphore(%arg12 : memref<!tpu.dma_semaphore, #tpu.memory_space<semaphore_mem>>) src(%arg9 : memref<128x128xf32, #tpu.memory_space<vmem>>) dst(%dma_wait3A_208 : memref<128x128xf32, #tpu.memory_space<vmem_shared>>)
      %add3A_209 = arith.constant 512 : i32
      %add3A_210 = arith.addi %mul3A_2, %add3A_209 : i32
      %dma_wait3A_211 = arith.constant 0 : i32
      %dma_wait3A_212 = tpu.memref_slice %arg11[%add3A_210, %dma_wait3A_211] : memref<10240x128xf32, #tpu.memory_space<vmem_shared>> -> memref<128x128xf32, #tpu.memory_space<vmem_shared>>
      %dma_wait3A_213 = arith.constant 0 : i32
      %dma_wait3A_214 = tpu.memref_slice %arg11[%add3A_210, %dma_wait3A_213] : memref<10240x128xf32, #tpu.memory_space<vmem_shared>> -> memref<128x128xf32, #tpu.memory_space<vmem_shared>>
      tpu.wait_dma2 semaphore(%arg12 : memref<!tpu.dma_semaphore, #tpu.memory_space<semaphore_mem>>) src(%arg9 : memref<128x128xf32, #tpu.memory_space<vmem>>) dst(%dma_wait3A_214 : memref<128x128xf32, #tpu.memory_space<vmem_shared>>)
    } else {
    }
    %barrier3A = arith.constant 0 : index
    tpu.barrier barrier_id(%barrier3A)
    %dma_wait3A = arith.constant 0 : i32
    %dma_wait3A_24 = arith.constant 0 : i32
    %dma_wait3A_25 = tpu.memref_slice %arg3[%add3A, %dma_wait3A, %dma_wait3A_24] : memref<32x80x128xi32, #tpu.memory_space<hbm>> -> memref<1x40x128xi32, #tpu.memory_space<hbm>>
    %dma_wait3A_26 = tpu.memref_squeeze %dma_wait3A_25 : memref<1x40x128xi32, #tpu.memory_space<hbm>> -> memref<40x128xi32, #tpu.memory_space<hbm>>
    %dma_wait3A_27 = arith.constant 0 : i32
    %dma_wait3A_28 = arith.constant 0 : i32
    %dma_wait3A_29 = tpu.memref_slice %arg3[%add3A, %dma_wait3A_27, %dma_wait3A_28] : memref<32x80x128xi32, #tpu.memory_space<hbm>> -> memref<1x40x128xi32, #tpu.memory_space<hbm>>
    %dma_wait3A_30 = tpu.memref_squeeze %dma_wait3A_29 : memref<1x40x128xi32, #tpu.memory_space<hbm>> -> memref<40x128xi32, #tpu.memory_space<hbm>>
    tpu.wait_dma2 semaphore(%arg14 : memref<!tpu.dma_semaphore, #tpu.memory_space<semaphore_mem>>) src(%dma_wait3A_30 : memref<40x128xi32, #tpu.memory_space<hbm>>) dst(%arg7 : memref<40x128xi32, #tpu.memory_space<vmem>>)
    %dma_wait3A_31 = arith.constant 0 : i32
    %dma_wait3A_32 = arith.constant 0 : i32
    %dma_wait3A_33 = tpu.memref_slice %arg4[%add3A, %dma_wait3A_31, %dma_wait3A_32] : memref<32x80x128xi32, #tpu.memory_space<hbm>> -> memref<1x40x128xi32, #tpu.memory_space<hbm>>
    %dma_wait3A_34 = tpu.memref_squeeze %dma_wait3A_33 : memref<1x40x128xi32, #tpu.memory_space<hbm>> -> memref<40x128xi32, #tpu.memory_space<hbm>>
    %dma_wait3A_35 = arith.constant 0 : i32
    %dma_wait3A_36 = arith.constant 0 : i32
    %dma_wait3A_37 = tpu.memref_slice %arg4[%add3A, %dma_wait3A_35, %dma_wait3A_36] : memref<32x80x128xi32, #tpu.memory_space<hbm>> -> memref<1x40x128xi32, #tpu.memory_space<hbm>>
    %dma_wait3A_38 = tpu.memref_squeeze %dma_wait3A_37 : memref<1x40x128xi32, #tpu.memory_space<hbm>> -> memref<40x128xi32, #tpu.memory_space<hbm>>
    tpu.wait_dma2 semaphore(%arg15 : memref<!tpu.dma_semaphore, #tpu.memory_space<semaphore_mem>>) src(%dma_wait3A_38 : memref<40x128xi32, #tpu.memory_space<hbm>>) dst(%arg8 : memref<40x128xi32, #tpu.memory_space<vmem>>)
    %dma_start3A_39 = arith.constant 0 : i32
    %dma_start3A_40 = arith.constant 0 : i32
    %dma_start3A_41 = tpu.memref_slice %arg7[%dma_start3A_39, %dma_start3A_40] : memref<40x128xi32, #tpu.memory_space<vmem>> -> memref<1x128xi32, #tpu.memory_space<vmem>>
    %dma_start3A_42 = tpu.memref_squeeze %dma_start3A_41 : memref<1x128xi32, #tpu.memory_space<vmem>> -> memref<128xi32, #tpu.memory_space<vmem>>
    %dma_start3A_43 = arith.constant 0 : i32
    %dma_start3A_44 = arith.constant 0 : i32
    %dma_start3A_45 = tpu.memref_slice %arg2[%dma_start3A_43, %dma_start3A_44] : memref<10240x128xf32, #tpu.memory_space<hbm>> -> memref<10240x128xf32, #tpu.memory_space<hbm>>
    tpu.enqueue_indirect_dma source(%dma_start3A_45 : memref<10240x128xf32, #tpu.memory_space<hbm>>) target(%arg9 : memref<128x128xf32, #tpu.memory_space<vmem>>) offsets(%dma_start3A_42 : memref<128xi32, #tpu.memory_space<vmem>>) semaphore(%arg12 : memref<!tpu.dma_semaphore, #tpu.memory_space<semaphore_mem>>)
    %scan3A = arith.constant 0 : i32
    %scan3A_46 = arith.constant 0 : i32
    %scan3A_47 = arith.constant 20 : i32
    %scan3A_48 = arith.addi %scan3A_46, %scan3A_47 : i32
    %scan3A_49 = arith.constant 1 : i32
    scf.for %scan3A_155 = %scan3A_46 to %scan3A_48 step %scan3A_49  : i32 {
      %mul3A_156 = arith.constant 2 : i32
      %mul3A_157 = arith.muli %mul3A_156, %scan3A_155 : i32
      %add3A_158 = arith.constant 1 : i32
      %add3A_159 = arith.addi %mul3A_157, %add3A_158 : i32
      %dma_start3A_160 = arith.constant 0 : i32
      %dma_start3A_161 = tpu.memref_slice %arg7[%add3A_159, %dma_start3A_160] : memref<40x128xi32, #tpu.memory_space<vmem>> -> memref<1x128xi32, #tpu.memory_space<vmem>>
      %dma_start3A_162 = tpu.memref_squeeze %dma_start3A_161 : memref<1x128xi32, #tpu.memory_space<vmem>> -> memref<128xi32, #tpu.memory_space<vmem>>
      %dma_start3A_163 = arith.constant 0 : i32
      %dma_start3A_164 = arith.constant 0 : i32
      %dma_start3A_165 = tpu.memref_slice %arg2[%dma_start3A_163, %dma_start3A_164] : memref<10240x128xf32, #tpu.memory_space<hbm>> -> memref<10240x128xf32, #tpu.memory_space<hbm>>
      tpu.enqueue_indirect_dma source(%dma_start3A_165 : memref<10240x128xf32, #tpu.memory_space<hbm>>) target(%arg10 : memref<128x128xf32, #tpu.memory_space<vmem>>) offsets(%dma_start3A_162 : memref<128xi32, #tpu.memory_space<vmem>>) semaphore(%arg13 : memref<!tpu.dma_semaphore, #tpu.memory_space<semaphore_mem>>)
      %dma_wait3A_166 = arith.constant 0 : i32
      %dma_wait3A_167 = arith.constant 0 : i32
      %dma_wait3A_168 = tpu.memref_slice %arg7[%dma_wait3A_166, %dma_wait3A_167] : memref<40x128xi32, #tpu.memory_space<vmem>> -> memref<1x128xi32, #tpu.memory_space<vmem>>
      %dma_wait3A_169 = tpu.memref_squeeze %dma_wait3A_168 : memref<1x128xi32, #tpu.memory_space<vmem>> -> memref<128xi32, #tpu.memory_space<vmem>>
      %dma_wait3A_170 = arith.constant 0 : i32
      %dma_wait3A_171 = arith.constant 0 : i32
      %dma_wait3A_172 = tpu.memref_slice %arg2[%dma_wait3A_170, %dma_wait3A_171] : memref<10240x128xf32, #tpu.memory_space<hbm>> -> memref<10240x128xf32, #tpu.memory_space<hbm>>
      tpu.wait_indirect_dma semaphore(%arg12 : memref<!tpu.dma_semaphore, #tpu.memory_space<semaphore_mem>>) src(%dma_wait3A_172 : memref<10240x128xf32, #tpu.memory_space<hbm>>) dst(%arg9 : memref<128x128xf32, #tpu.memory_space<vmem>>)
      "tpu.region"() ({
        %run_scoped3A = tpu.sem_alloc : memref<!tpu.dma_semaphore, #tpu.memory_space<semaphore_mem>>
        %dma_start3A_188 = arith.constant 0 : i32
        %dma_start3A_189 = tpu.memref_slice %arg8[%mul3A_157, %dma_start3A_188] : memref<40x128xi32, #tpu.memory_space<vmem>> -> memref<1x128xi32, #tpu.memory_space<vmem>>
        %dma_start3A_190 = tpu.memref_squeeze %dma_start3A_189 : memref<1x128xi32, #tpu.memory_space<vmem>> -> memref<128xi32, #tpu.memory_space<vmem>>
        %dma_start3A_191 = arith.constant 0 : i32
        %dma_start3A_192 = arith.constant 0 : i32
        %dma_start3A_193 = tpu.memref_slice %arg11[%dma_start3A_191, %dma_start3A_192] : memref<10240x128xf32, #tpu.memory_space<vmem_shared>> -> memref<10240x128xf32, #tpu.memory_space<vmem_shared>>
        tpu.enqueue_indirect_dma source(%arg9 : memref<128x128xf32, #tpu.memory_space<vmem>>) target(%dma_start3A_193 : memref<10240x128xf32, #tpu.memory_space<vmem_shared>>) offsets(%dma_start3A_190 : memref<128xi32, #tpu.memory_space<vmem>>) semaphore(%run_scoped3A : memref<!tpu.dma_semaphore, #tpu.memory_space<semaphore_mem>>) {add = true}
        %dma_wait3A_194 = arith.constant 0 : i32
        %dma_wait3A_195 = tpu.memref_slice %arg8[%mul3A_157, %dma_wait3A_194] : memref<40x128xi32, #tpu.memory_space<vmem>> -> memref<1x128xi32, #tpu.memory_space<vmem>>
        %dma_wait3A_196 = tpu.memref_squeeze %dma_wait3A_195 : memref<1x128xi32, #tpu.memory_space<vmem>> -> memref<128xi32, #tpu.memory_space<vmem>>
        %dma_wait3A_197 = arith.constant 0 : i32
        %dma_wait3A_198 = arith.constant 0 : i32
        %dma_wait3A_199 = tpu.memref_slice %arg11[%dma_wait3A_197, %dma_wait3A_198] : memref<10240x128xf32, #tpu.memory_space<vmem_shared>> -> memref<10240x128xf32, #tpu.memory_space<vmem_shared>>
        tpu.wait_indirect_dma semaphore(%run_scoped3A : memref<!tpu.dma_semaphore, #tpu.memory_space<semaphore_mem>>) src(%arg9 : memref<128x128xf32, #tpu.memory_space<vmem>>) dst(%dma_wait3A_199 : memref<10240x128xf32, #tpu.memory_space<vmem_shared>>)
        tpu.yield
      }) : () -> ()
      %add3A_173 = arith.constant 2 : i32
      %add3A_174 = arith.addi %mul3A_157, %add3A_173 : i32
      %lt3A = arith.constant 40 : i32
      %lt3A_175 = arith.cmpi slt, %add3A_174, %lt3A : i32
      %convert_element_type3A_176 = arith.extui %lt3A_175 : i1 to i32
      %cond3A_177 = arith.constant 0 : i32
      %cond3A_178 = arith.cmpi ne, %convert_element_type3A_176, %cond3A_177 : i32
      scf.if %cond3A_178 {
        %add3A_188 = arith.constant 2 : i32
        %add3A_189 = arith.addi %mul3A_157, %add3A_188 : i32
        %dma_start3A_190 = arith.constant 0 : i32
        %dma_start3A_191 = tpu.memref_slice %arg7[%add3A_189, %dma_start3A_190] : memref<40x128xi32, #tpu.memory_space<vmem>> -> memref<1x128xi32, #tpu.memory_space<vmem>>
        %dma_start3A_192 = tpu.memref_squeeze %dma_start3A_191 : memref<1x128xi32, #tpu.memory_space<vmem>> -> memref<128xi32, #tpu.memory_space<vmem>>
        %dma_start3A_193 = arith.constant 0 : i32
        %dma_start3A_194 = arith.constant 0 : i32
        %dma_start3A_195 = tpu.memref_slice %arg2[%dma_start3A_193, %dma_start3A_194] : memref<10240x128xf32, #tpu.memory_space<hbm>> -> memref<10240x128xf32, #tpu.memory_space<hbm>>
        tpu.enqueue_indirect_dma source(%dma_start3A_195 : memref<10240x128xf32, #tpu.memory_space<hbm>>) target(%arg9 : memref<128x128xf32, #tpu.memory_space<vmem>>) offsets(%dma_start3A_192 : memref<128xi32, #tpu.memory_space<vmem>>) semaphore(%arg12 : memref<!tpu.dma_semaphore, #tpu.memory_space<semaphore_mem>>)
      } else {
      }
      %dma_wait3A_179 = arith.constant 0 : i32
      %dma_wait3A_180 = arith.constant 0 : i32
      %dma_wait3A_181 = tpu.memref_slice %arg7[%dma_wait3A_179, %dma_wait3A_180] : memref<40x128xi32, #tpu.memory_space<vmem>> -> memref<1x128xi32, #tpu.memory_space<vmem>>
      %dma_wait3A_182 = tpu.memref_squeeze %dma_wait3A_181 : memref<1x128xi32, #tpu.memory_space<vmem>> -> memref<128xi32, #tpu.memory_space<vmem>>
      %dma_wait3A_183 = arith.constant 0 : i32
      %dma_wait3A_184 = arith.constant 0 : i32
      %dma_wait3A_185 = tpu.memref_slice %arg2[%dma_wait3A_183, %dma_wait3A_184] : memref<10240x128xf32, #tpu.memory_space<hbm>> -> memref<10240x128xf32, #tpu.memory_space<hbm>>
      tpu.wait_indirect_dma semaphore(%arg13 : memref<!tpu.dma_semaphore, #tpu.memory_space<semaphore_mem>>) src(%dma_wait3A_185 : memref<10240x128xf32, #tpu.memory_space<hbm>>) dst(%arg10 : memref<128x128xf32, #tpu.memory_space<vmem>>)
      %add3A_186 = arith.constant 1 : i32
      %add3A_187 = arith.addi %mul3A_157, %add3A_186 : i32
      "tpu.region"() ({
        %run_scoped3A = tpu.sem_alloc : memref<!tpu.dma_semaphore, #tpu.memory_space<semaphore_mem>>
        %dma_start3A_188 = arith.constant 0 : i32
        %dma_start3A_189 = tpu.memref_slice %arg8[%add3A_187, %dma_start3A_188] : memref<40x128xi32, #tpu.memory_space<vmem>> -> memref<1x128xi32, #tpu.memory_space<vmem>>
        %dma_start3A_190 = tpu.memref_squeeze %dma_start3A_189 : memref<1x128xi32, #tpu.memory_space<vmem>> -> memref<128xi32, #tpu.memory_space<vmem>>
        %dma_start3A_191 = arith.constant 0 : i32
        %dma_start3A_192 = arith.constant 0 : i32
        %dma_start3A_193 = tpu.memref_slice %arg11[%dma_start3A_191, %dma_start3A_192] : memref<10240x128xf32, #tpu.memory_space<vmem_shared>> -> memref<10240x128xf32, #tpu.memory_space<vmem_shared>>
        tpu.enqueue_indirect_dma source(%arg10 : memref<128x128xf32, #tpu.memory_space<vmem>>) target(%dma_start3A_193 : memref<10240x128xf32, #tpu.memory_space<vmem_shared>>) offsets(%dma_start3A_190 : memref<128xi32, #tpu.memory_space<vmem>>) semaphore(%run_scoped3A : memref<!tpu.dma_semaphore, #tpu.memory_space<semaphore_mem>>) {add = true}
        %dma_wait3A_194 = arith.constant 0 : i32
        %dma_wait3A_195 = tpu.memref_slice %arg8[%add3A_187, %dma_wait3A_194] : memref<40x128xi32, #tpu.memory_space<vmem>> -> memref<1x128xi32, #tpu.memory_space<vmem>>
        %dma_wait3A_196 = tpu.memref_squeeze %dma_wait3A_195 : memref<1x128xi32, #tpu.memory_space<vmem>> -> memref<128xi32, #tpu.memory_space<vmem>>
        %dma_wait3A_197 = arith.constant 0 : i32
        %dma_wait3A_198 = arith.constant 0 : i32
        %dma_wait3A_199 = tpu.memref_slice %arg11[%dma_wait3A_197, %dma_wait3A_198] : memref<10240x128xf32, #tpu.memory_space<vmem_shared>> -> memref<10240x128xf32, #tpu.memory_space<vmem_shared>>
        tpu.wait_indirect_dma semaphore(%run_scoped3A : memref<!tpu.dma_semaphore, #tpu.memory_space<semaphore_mem>>) src(%arg10 : memref<128x128xf32, #tpu.memory_space<vmem>>) dst(%dma_wait3A_199 : memref<10240x128xf32, #tpu.memory_space<vmem_shared>>)
        tpu.yield
      }) : () -> ()
    }
    %scan3A_50 = arith.constant 20 : i32
    %dma_start3A_51 = arith.constant 40 : i32
    %dma_start3A_52 = arith.constant 0 : i32
    %dma_start3A_53 = tpu.memref_slice %arg3[%add3A, %dma_start3A_51, %dma_start3A_52] : memref<32x80x128xi32, #tpu.memory_space<hbm>> -> memref<1x40x128xi32, #tpu.memory_space<hbm>>
    %dma_start3A_54 = tpu.memref_squeeze %dma_start3A_53 : memref<1x40x128xi32, #tpu.memory_space<hbm>> -> memref<40x128xi32, #tpu.memory_space<hbm>>
    %dma_start3A_55 = arith.constant 40 : i32
    %dma_start3A_56 = arith.constant 0 : i32
    %dma_start3A_57 = tpu.memref_slice %arg3[%add3A, %dma_start3A_55, %dma_start3A_56] : memref<32x80x128xi32, #tpu.memory_space<hbm>> -> memref<1x40x128xi32, #tpu.memory_space<hbm>>
    %dma_start3A_58 = tpu.memref_squeeze %dma_start3A_57 : memref<1x40x128xi32, #tpu.memory_space<hbm>> -> memref<40x128xi32, #tpu.memory_space<hbm>>
    tpu.enqueue_dma source(%dma_start3A_58 : memref<40x128xi32, #tpu.memory_space<hbm>>) target(%arg7 : memref<40x128xi32, #tpu.memory_space<vmem>>) target_semaphore(%arg14 : memref<!tpu.dma_semaphore, #tpu.memory_space<semaphore_mem>>)
    %dma_start3A_59 = arith.constant 40 : i32
    %dma_start3A_60 = arith.constant 0 : i32
    %dma_start3A_61 = tpu.memref_slice %arg4[%add3A, %dma_start3A_59, %dma_start3A_60] : memref<32x80x128xi32, #tpu.memory_space<hbm>> -> memref<1x40x128xi32, #tpu.memory_space<hbm>>
    %dma_start3A_62 = tpu.memref_squeeze %dma_start3A_61 : memref<1x40x128xi32, #tpu.memory_space<hbm>> -> memref<40x128xi32, #tpu.memory_space<hbm>>
    %dma_start3A_63 = arith.constant 40 : i32
    %dma_start3A_64 = arith.constant 0 : i32
    %dma_start3A_65 = tpu.memref_slice %arg4[%add3A, %dma_start3A_63, %dma_start3A_64] : memref<32x80x128xi32, #tpu.memory_space<hbm>> -> memref<1x40x128xi32, #tpu.memory_space<hbm>>
    %dma_start3A_66 = tpu.memref_squeeze %dma_start3A_65 : memref<1x40x128xi32, #tpu.memory_space<hbm>> -> memref<40x128xi32, #tpu.memory_space<hbm>>
    tpu.enqueue_dma source(%dma_start3A_66 : memref<40x128xi32, #tpu.memory_space<hbm>>) target(%arg8 : memref<40x128xi32, #tpu.memory_space<vmem>>) target_semaphore(%arg15 : memref<!tpu.dma_semaphore, #tpu.memory_space<semaphore_mem>>)
    %dma_wait3A_67 = arith.constant 40 : i32
    %dma_wait3A_68 = arith.constant 0 : i32
    %dma_wait3A_69 = tpu.memref_slice %arg3[%add3A, %dma_wait3A_67, %dma_wait3A_68] : memref<32x80x128xi32, #tpu.memory_space<hbm>> -> memref<1x40x128xi32, #tpu.memory_space<hbm>>
    %dma_wait3A_70 = tpu.memref_squeeze %dma_wait3A_69 : memref<1x40x128xi32, #tpu.memory_space<hbm>> -> memref<40x128xi32, #tpu.memory_space<hbm>>
    %dma_wait3A_71 = arith.constant 40 : i32
    %dma_wait3A_72 = arith.constant 0 : i32
    %dma_wait3A_73 = tpu.memref_slice %arg3[%add3A, %dma_wait3A_71, %dma_wait3A_72] : memref<32x80x128xi32, #tpu.memory_space<hbm>> -> memref<1x40x128xi32, #tpu.memory_space<hbm>>
    %dma_wait3A_74 = tpu.memref_squeeze %dma_wait3A_73 : memref<1x40x128xi32, #tpu.memory_space<hbm>> -> memref<40x128xi32, #tpu.memory_space<hbm>>
    tpu.wait_dma2 semaphore(%arg14 : memref<!tpu.dma_semaphore, #tpu.memory_space<semaphore_mem>>) src(%dma_wait3A_74 : memref<40x128xi32, #tpu.memory_space<hbm>>) dst(%arg7 : memref<40x128xi32, #tpu.memory_space<vmem>>)
    %dma_wait3A_75 = arith.constant 40 : i32
    %dma_wait3A_76 = arith.constant 0 : i32
    %dma_wait3A_77 = tpu.memref_slice %arg4[%add3A, %dma_wait3A_75, %dma_wait3A_76] : memref<32x80x128xi32, #tpu.memory_space<hbm>> -> memref<1x40x128xi32, #tpu.memory_space<hbm>>
    %dma_wait3A_78 = tpu.memref_squeeze %dma_wait3A_77 : memref<1x40x128xi32, #tpu.memory_space<hbm>> -> memref<40x128xi32, #tpu.memory_space<hbm>>
    %dma_wait3A_79 = arith.constant 40 : i32
    %dma_wait3A_80 = arith.constant 0 : i32
    %dma_wait3A_81 = tpu.memref_slice %arg4[%add3A, %dma_wait3A_79, %dma_wait3A_80] : memref<32x80x128xi32, #tpu.memory_space<hbm>> -> memref<1x40x128xi32, #tpu.memory_space<hbm>>
    %dma_wait3A_82 = tpu.memref_squeeze %dma_wait3A_81 : memref<1x40x128xi32, #tpu.memory_space<hbm>> -> memref<40x128xi32, #tpu.memory_space<hbm>>
    tpu.wait_dma2 semaphore(%arg15 : memref<!tpu.dma_semaphore, #tpu.memory_space<semaphore_mem>>) src(%dma_wait3A_82 : memref<40x128xi32, #tpu.memory_space<hbm>>) dst(%arg8 : memref<40x128xi32, #tpu.memory_space<vmem>>)
    %dma_start3A_83 = arith.constant 0 : i32
    %dma_start3A_84 = arith.constant 0 : i32
    %dma_start3A_85 = tpu.memref_slice %arg7[%dma_start3A_83, %dma_start3A_84] : memref<40x128xi32, #tpu.memory_space<vmem>> -> memref<1x128xi32, #tpu.memory_space<vmem>>
    %dma_start3A_86 = tpu.memref_squeeze %dma_start3A_85 : memref<1x128xi32, #tpu.memory_space<vmem>> -> memref<128xi32, #tpu.memory_space<vmem>>
    %dma_start3A_87 = arith.constant 0 : i32
    %dma_start3A_88 = arith.constant 0 : i32
    %dma_start3A_89 = tpu.memref_slice %arg2[%dma_start3A_87, %dma_start3A_88] : memref<10240x128xf32, #tpu.memory_space<hbm>> -> memref<10240x128xf32, #tpu.memory_space<hbm>>
    tpu.enqueue_indirect_dma source(%dma_start3A_89 : memref<10240x128xf32, #tpu.memory_space<hbm>>) target(%arg9 : memref<128x128xf32, #tpu.memory_space<vmem>>) offsets(%dma_start3A_86 : memref<128xi32, #tpu.memory_space<vmem>>) semaphore(%arg12 : memref<!tpu.dma_semaphore, #tpu.memory_space<semaphore_mem>>)
    %scan3A_90 = arith.constant 0 : i32
    %scan3A_91 = arith.constant 0 : i32
    %scan3A_92 = arith.constant 20 : i32
    %scan3A_93 = arith.addi %scan3A_91, %scan3A_92 : i32
    %scan3A_94 = arith.constant 1 : i32
    scf.for %scan3A_155 = %scan3A_91 to %scan3A_93 step %scan3A_94  : i32 {
      %mul3A_156 = arith.constant 2 : i32
      %mul3A_157 = arith.muli %mul3A_156, %scan3A_155 : i32
      %add3A_158 = arith.constant 1 : i32
      %add3A_159 = arith.addi %mul3A_157, %add3A_158 : i32
      %dma_start3A_160 = arith.constant 0 : i32
      %dma_start3A_161 = tpu.memref_slice %arg7[%add3A_159, %dma_start3A_160] : memref<40x128xi32, #tpu.memory_space<vmem>> -> memref<1x128xi32, #tpu.memory_space<vmem>>
      %dma_start3A_162 = tpu.memref_squeeze %dma_start3A_161 : memref<1x128xi32, #tpu.memory_space<vmem>> -> memref<128xi32, #tpu.memory_space<vmem>>
      %dma_start3A_163 = arith.constant 0 : i32
      %dma_start3A_164 = arith.constant 0 : i32
      %dma_start3A_165 = tpu.memref_slice %arg2[%dma_start3A_163, %dma_start3A_164] : memref<10240x128xf32, #tpu.memory_space<hbm>> -> memref<10240x128xf32, #tpu.memory_space<hbm>>
      tpu.enqueue_indirect_dma source(%dma_start3A_165 : memref<10240x128xf32, #tpu.memory_space<hbm>>) target(%arg10 : memref<128x128xf32, #tpu.memory_space<vmem>>) offsets(%dma_start3A_162 : memref<128xi32, #tpu.memory_space<vmem>>) semaphore(%arg13 : memref<!tpu.dma_semaphore, #tpu.memory_space<semaphore_mem>>)
      %dma_wait3A_166 = arith.constant 0 : i32
      %dma_wait3A_167 = arith.constant 0 : i32
      %dma_wait3A_168 = tpu.memref_slice %arg7[%dma_wait3A_166, %dma_wait3A_167] : memref<40x128xi32, #tpu.memory_space<vmem>> -> memref<1x128xi32, #tpu.memory_space<vmem>>
      %dma_wait3A_169 = tpu.memref_squeeze %dma_wait3A_168 : memref<1x128xi32, #tpu.memory_space<vmem>> -> memref<128xi32, #tpu.memory_space<vmem>>
      %dma_wait3A_170 = arith.constant 0 : i32
      %dma_wait3A_171 = arith.constant 0 : i32
      %dma_wait3A_172 = tpu.memref_slice %arg2[%dma_wait3A_170, %dma_wait3A_171] : memref<10240x128xf32, #tpu.memory_space<hbm>> -> memref<10240x128xf32, #tpu.memory_space<hbm>>
      tpu.wait_indirect_dma semaphore(%arg12 : memref<!tpu.dma_semaphore, #tpu.memory_space<semaphore_mem>>) src(%dma_wait3A_172 : memref<10240x128xf32, #tpu.memory_space<hbm>>) dst(%arg9 : memref<128x128xf32, #tpu.memory_space<vmem>>)
      "tpu.region"() ({
        %run_scoped3A = tpu.sem_alloc : memref<!tpu.dma_semaphore, #tpu.memory_space<semaphore_mem>>
        %dma_start3A_188 = arith.constant 0 : i32
        %dma_start3A_189 = tpu.memref_slice %arg8[%mul3A_157, %dma_start3A_188] : memref<40x128xi32, #tpu.memory_space<vmem>> -> memref<1x128xi32, #tpu.memory_space<vmem>>
        %dma_start3A_190 = tpu.memref_squeeze %dma_start3A_189 : memref<1x128xi32, #tpu.memory_space<vmem>> -> memref<128xi32, #tpu.memory_space<vmem>>
        %dma_start3A_191 = arith.constant 0 : i32
        %dma_start3A_192 = arith.constant 0 : i32
        %dma_start3A_193 = tpu.memref_slice %arg11[%dma_start3A_191, %dma_start3A_192] : memref<10240x128xf32, #tpu.memory_space<vmem_shared>> -> memref<10240x128xf32, #tpu.memory_space<vmem_shared>>
        tpu.enqueue_indirect_dma source(%arg9 : memref<128x128xf32, #tpu.memory_space<vmem>>) target(%dma_start3A_193 : memref<10240x128xf32, #tpu.memory_space<vmem_shared>>) offsets(%dma_start3A_190 : memref<128xi32, #tpu.memory_space<vmem>>) semaphore(%run_scoped3A : memref<!tpu.dma_semaphore, #tpu.memory_space<semaphore_mem>>) {add = true}
        %dma_wait3A_194 = arith.constant 0 : i32
        %dma_wait3A_195 = tpu.memref_slice %arg8[%mul3A_157, %dma_wait3A_194] : memref<40x128xi32, #tpu.memory_space<vmem>> -> memref<1x128xi32, #tpu.memory_space<vmem>>
        %dma_wait3A_196 = tpu.memref_squeeze %dma_wait3A_195 : memref<1x128xi32, #tpu.memory_space<vmem>> -> memref<128xi32, #tpu.memory_space<vmem>>
        %dma_wait3A_197 = arith.constant 0 : i32
        %dma_wait3A_198 = arith.constant 0 : i32
        %dma_wait3A_199 = tpu.memref_slice %arg11[%dma_wait3A_197, %dma_wait3A_198] : memref<10240x128xf32, #tpu.memory_space<vmem_shared>> -> memref<10240x128xf32, #tpu.memory_space<vmem_shared>>
        tpu.wait_indirect_dma semaphore(%run_scoped3A : memref<!tpu.dma_semaphore, #tpu.memory_space<semaphore_mem>>) src(%arg9 : memref<128x128xf32, #tpu.memory_space<vmem>>) dst(%dma_wait3A_199 : memref<10240x128xf32, #tpu.memory_space<vmem_shared>>)
        tpu.yield
      }) : () -> ()
      %add3A_173 = arith.constant 2 : i32
      %add3A_174 = arith.addi %mul3A_157, %add3A_173 : i32
      %lt3A = arith.constant 40 : i32
      %lt3A_175 = arith.cmpi slt, %add3A_174, %lt3A : i32
      %convert_element_type3A_176 = arith.extui %lt3A_175 : i1 to i32
      %cond3A_177 = arith.constant 0 : i32
      %cond3A_178 = arith.cmpi ne, %convert_element_type3A_176, %cond3A_177 : i32
      scf.if %cond3A_178 {
        %add3A_188 = arith.constant 2 : i32
        %add3A_189 = arith.addi %mul3A_157, %add3A_188 : i32
        %dma_start3A_190 = arith.constant 0 : i32
        %dma_start3A_191 = tpu.memref_slice %arg7[%add3A_189, %dma_start3A_190] : memref<40x128xi32, #tpu.memory_space<vmem>> -> memref<1x128xi32, #tpu.memory_space<vmem>>
        %dma_start3A_192 = tpu.memref_squeeze %dma_start3A_191 : memref<1x128xi32, #tpu.memory_space<vmem>> -> memref<128xi32, #tpu.memory_space<vmem>>
        %dma_start3A_193 = arith.constant 0 : i32
        %dma_start3A_194 = arith.constant 0 : i32
        %dma_start3A_195 = tpu.memref_slice %arg2[%dma_start3A_193, %dma_start3A_194] : memref<10240x128xf32, #tpu.memory_space<hbm>> -> memref<10240x128xf32, #tpu.memory_space<hbm>>
        tpu.enqueue_indirect_dma source(%dma_start3A_195 : memref<10240x128xf32, #tpu.memory_space<hbm>>) target(%arg9 : memref<128x128xf32, #tpu.memory_space<vmem>>) offsets(%dma_start3A_192 : memref<128xi32, #tpu.memory_space<vmem>>) semaphore(%arg12 : memref<!tpu.dma_semaphore, #tpu.memory_space<semaphore_mem>>)
      } else {
      }
      %dma_wait3A_179 = arith.constant 0 : i32
      %dma_wait3A_180 = arith.constant 0 : i32
      %dma_wait3A_181 = tpu.memref_slice %arg7[%dma_wait3A_179, %dma_wait3A_180] : memref<40x128xi32, #tpu.memory_space<vmem>> -> memref<1x128xi32, #tpu.memory_space<vmem>>
      %dma_wait3A_182 = tpu.memref_squeeze %dma_wait3A_181 : memref<1x128xi32, #tpu.memory_space<vmem>> -> memref<128xi32, #tpu.memory_space<vmem>>
      %dma_wait3A_183 = arith.constant 0 : i32
      %dma_wait3A_184 = arith.constant 0 : i32
      %dma_wait3A_185 = tpu.memref_slice %arg2[%dma_wait3A_183, %dma_wait3A_184] : memref<10240x128xf32, #tpu.memory_space<hbm>> -> memref<10240x128xf32, #tpu.memory_space<hbm>>
      tpu.wait_indirect_dma semaphore(%arg13 : memref<!tpu.dma_semaphore, #tpu.memory_space<semaphore_mem>>) src(%dma_wait3A_185 : memref<10240x128xf32, #tpu.memory_space<hbm>>) dst(%arg10 : memref<128x128xf32, #tpu.memory_space<vmem>>)
      %add3A_186 = arith.constant 1 : i32
      %add3A_187 = arith.addi %mul3A_157, %add3A_186 : i32
      "tpu.region"() ({
        %run_scoped3A = tpu.sem_alloc : memref<!tpu.dma_semaphore, #tpu.memory_space<semaphore_mem>>
        %dma_start3A_188 = arith.constant 0 : i32
        %dma_start3A_189 = tpu.memref_slice %arg8[%add3A_187, %dma_start3A_188] : memref<40x128xi32, #tpu.memory_space<vmem>> -> memref<1x128xi32, #tpu.memory_space<vmem>>
        %dma_start3A_190 = tpu.memref_squeeze %dma_start3A_189 : memref<1x128xi32, #tpu.memory_space<vmem>> -> memref<128xi32, #tpu.memory_space<vmem>>
        %dma_start3A_191 = arith.constant 0 : i32
        %dma_start3A_192 = arith.constant 0 : i32
        %dma_start3A_193 = tpu.memref_slice %arg11[%dma_start3A_191, %dma_start3A_192] : memref<10240x128xf32, #tpu.memory_space<vmem_shared>> -> memref<10240x128xf32, #tpu.memory_space<vmem_shared>>
        tpu.enqueue_indirect_dma source(%arg10 : memref<128x128xf32, #tpu.memory_space<vmem>>) target(%dma_start3A_193 : memref<10240x128xf32, #tpu.memory_space<vmem_shared>>) offsets(%dma_start3A_190 : memref<128xi32, #tpu.memory_space<vmem>>) semaphore(%run_scoped3A : memref<!tpu.dma_semaphore, #tpu.memory_space<semaphore_mem>>) {add = true}
        %dma_wait3A_194 = arith.constant 0 : i32
        %dma_wait3A_195 = tpu.memref_slice %arg8[%add3A_187, %dma_wait3A_194] : memref<40x128xi32, #tpu.memory_space<vmem>> -> memref<1x128xi32, #tpu.memory_space<vmem>>
        %dma_wait3A_196 = tpu.memref_squeeze %dma_wait3A_195 : memref<1x128xi32, #tpu.memory_space<vmem>> -> memref<128xi32, #tpu.memory_space<vmem>>
        %dma_wait3A_197 = arith.constant 0 : i32
        %dma_wait3A_198 = arith.constant 0 : i32
        %dma_wait3A_199 = tpu.memref_slice %arg11[%dma_wait3A_197, %dma_wait3A_198] : memref<10240x128xf32, #tpu.memory_space<vmem_shared>> -> memref<10240x128xf32, #tpu.memory_space<vmem_shared>>
        tpu.wait_indirect_dma semaphore(%run_scoped3A : memref<!tpu.dma_semaphore, #tpu.memory_space<semaphore_mem>>) src(%arg10 : memref<128x128xf32, #tpu.memory_space<vmem>>) dst(%dma_wait3A_199 : memref<10240x128xf32, #tpu.memory_space<vmem_shared>>)
        tpu.yield
      }) : () -> ()
    }
    %scan3A_95 = arith.constant 20 : i32
    %barrier3A_96 = arith.constant 0 : index
    tpu.barrier barrier_id(%barrier3A_96)
    %dma_start3A_97 = arith.constant 0 : i32
    %dma_start3A_98 = tpu.memref_slice %arg11[%mul3A_2, %dma_start3A_97] : memref<10240x128xf32, #tpu.memory_space<vmem_shared>> -> memref<128x128xf32, #tpu.memory_space<vmem_shared>>
    %dma_start3A_99 = arith.constant 0 : i32
    %dma_start3A_100 = tpu.memref_slice %arg11[%mul3A_2, %dma_start3A_99] : memref<10240x128xf32, #tpu.memory_space<vmem_shared>> -> memref<128x128xf32, #tpu.memory_space<vmem_shared>>
    tpu.enqueue_dma source(%dma_start3A_100 : memref<128x128xf32, #tpu.memory_space<vmem_shared>>) target(%arg9 : memref<128x128xf32, #tpu.memory_space<vmem>>) target_semaphore(%arg12 : memref<!tpu.dma_semaphore, #tpu.memory_space<semaphore_mem>>)
    %add3A_101 = arith.constant 128 : i32
    %add3A_102 = arith.addi %mul3A_2, %add3A_101 : i32
    %dma_start3A_103 = arith.constant 0 : i32
    %dma_start3A_104 = tpu.memref_slice %arg11[%add3A_102, %dma_start3A_103] : memref<10240x128xf32, #tpu.memory_space<vmem_shared>> -> memref<128x128xf32, #tpu.memory_space<vmem_shared>>
    %dma_start3A_105 = arith.constant 0 : i32
    %dma_start3A_106 = tpu.memref_slice %arg11[%add3A_102, %dma_start3A_105] : memref<10240x128xf32, #tpu.memory_space<vmem_shared>> -> memref<128x128xf32, #tpu.memory_space<vmem_shared>>
    tpu.enqueue_dma source(%dma_start3A_106 : memref<128x128xf32, #tpu.memory_space<vmem_shared>>) target(%arg10 : memref<128x128xf32, #tpu.memory_space<vmem>>) target_semaphore(%arg13 : memref<!tpu.dma_semaphore, #tpu.memory_space<semaphore_mem>>)
    %dma_wait3A_107 = arith.constant 0 : i32
    %dma_wait3A_108 = tpu.memref_slice %arg11[%mul3A_2, %dma_wait3A_107] : memref<10240x128xf32, #tpu.memory_space<vmem_shared>> -> memref<128x128xf32, #tpu.memory_space<vmem_shared>>
    %dma_wait3A_109 = arith.constant 0 : i32
    %dma_wait3A_110 = tpu.memref_slice %arg11[%mul3A_2, %dma_wait3A_109] : memref<10240x128xf32, #tpu.memory_space<vmem_shared>> -> memref<128x128xf32, #tpu.memory_space<vmem_shared>>
    tpu.wait_dma2 semaphore(%arg12 : memref<!tpu.dma_semaphore, #tpu.memory_space<semaphore_mem>>) src(%dma_wait3A_110 : memref<128x128xf32, #tpu.memory_space<vmem_shared>>) dst(%arg9 : memref<128x128xf32, #tpu.memory_space<vmem>>)
    %add3A_111 = arith.constant 0 : i32
    %add3A_112 = arith.addi %mul3A_2, %add3A_111 : i32
    "tpu.region"() ({
      %run_scoped3A = tpu.sem_alloc : memref<!tpu.dma_semaphore, #tpu.memory_space<semaphore_mem>>
      %dma_start3A_155 = arith.constant 0 : i32
      %dma_start3A_156 = tpu.memref_slice %arg6[%arg0, %add3A_112, %dma_start3A_155] : memref<2x10240x128xf32, #tpu.memory_space<hbm>> -> memref<1x128x128xf32, #tpu.memory_space<hbm>>
      %dma_start3A_157 = tpu.memref_squeeze %dma_start3A_156 : memref<1x128x128xf32, #tpu.memory_space<hbm>> -> memref<128x128xf32, #tpu.memory_space<hbm>>
      %dma_start3A_158 = arith.constant 0 : i32
      %dma_start3A_159 = tpu.memref_slice %arg6[%arg0, %add3A_112, %dma_start3A_158] : memref<2x10240x128xf32, #tpu.memory_space<hbm>> -> memref<1x128x128xf32, #tpu.memory_space<hbm>>
      %dma_start3A_160 = tpu.memref_squeeze %dma_start3A_159 : memref<1x128x128xf32, #tpu.memory_space<hbm>> -> memref<128x128xf32, #tpu.memory_space<hbm>>
      tpu.enqueue_dma source(%arg9 : memref<128x128xf32, #tpu.memory_space<vmem>>) target(%dma_start3A_160 : memref<128x128xf32, #tpu.memory_space<hbm>>) target_semaphore(%run_scoped3A : memref<!tpu.dma_semaphore, #tpu.memory_space<semaphore_mem>>)
      %dma_wait3A_161 = arith.constant 0 : i32
      %dma_wait3A_162 = tpu.memref_slice %arg6[%arg0, %add3A_112, %dma_wait3A_161] : memref<2x10240x128xf32, #tpu.memory_space<hbm>> -> memref<1x128x128xf32, #tpu.memory_space<hbm>>
      %dma_wait3A_163 = tpu.memref_squeeze %dma_wait3A_162 : memref<1x128x128xf32, #tpu.memory_space<hbm>> -> memref<128x128xf32, #tpu.memory_space<hbm>>
      %dma_wait3A_164 = arith.constant 0 : i32
      %dma_wait3A_165 = tpu.memref_slice %arg6[%arg0, %add3A_112, %dma_wait3A_164] : memref<2x10240x128xf32, #tpu.memory_space<hbm>> -> memref<1x128x128xf32, #tpu.memory_space<hbm>>
      %dma_wait3A_166 = tpu.memref_squeeze %dma_wait3A_165 : memref<1x128x128xf32, #tpu.memory_space<hbm>> -> memref<128x128xf32, #tpu.memory_space<hbm>>
      tpu.wait_dma2 semaphore(%run_scoped3A : memref<!tpu.dma_semaphore, #tpu.memory_space<semaphore_mem>>) src(%arg9 : memref<128x128xf32, #tpu.memory_space<vmem>>) dst(%dma_wait3A_166 : memref<128x128xf32, #tpu.memory_space<hbm>>)
      tpu.yield
    }) : () -> ()
    %add3A_113 = arith.constant 256 : i32
    %add3A_114 = arith.addi %mul3A_2, %add3A_113 : i32
    %dma_start3A_115 = arith.constant 0 : i32
    %dma_start3A_116 = tpu.memref_slice %arg11[%add3A_114, %dma_start3A_115] : memref<10240x128xf32, #tpu.memory_space<vmem_shared>> -> memref<128x128xf32, #tpu.memory_space<vmem_shared>>
    %dma_start3A_117 = arith.constant 0 : i32
    %dma_start3A_118 = tpu.memref_slice %arg11[%add3A_114, %dma_start3A_117] : memref<10240x128xf32, #tpu.memory_space<vmem_shared>> -> memref<128x128xf32, #tpu.memory_space<vmem_shared>>
    tpu.enqueue_dma source(%dma_start3A_118 : memref<128x128xf32, #tpu.memory_space<vmem_shared>>) target(%arg9 : memref<128x128xf32, #tpu.memory_space<vmem>>) target_semaphore(%arg12 : memref<!tpu.dma_semaphore, #tpu.memory_space<semaphore_mem>>)
    %dma_wait3A_119 = arith.constant 0 : i32
    %dma_wait3A_120 = tpu.memref_slice %arg11[%mul3A_2, %dma_wait3A_119] : memref<10240x128xf32, #tpu.memory_space<vmem_shared>> -> memref<128x128xf32, #tpu.memory_space<vmem_shared>>
    %dma_wait3A_121 = arith.constant 0 : i32
    %dma_wait3A_122 = tpu.memref_slice %arg11[%mul3A_2, %dma_wait3A_121] : memref<10240x128xf32, #tpu.memory_space<vmem_shared>> -> memref<128x128xf32, #tpu.memory_space<vmem_shared>>
    tpu.wait_dma2 semaphore(%arg13 : memref<!tpu.dma_semaphore, #tpu.memory_space<semaphore_mem>>) src(%dma_wait3A_122 : memref<128x128xf32, #tpu.memory_space<vmem_shared>>) dst(%arg10 : memref<128x128xf32, #tpu.memory_space<vmem>>)
    %add3A_123 = arith.constant 128 : i32
    %add3A_124 = arith.addi %mul3A_2, %add3A_123 : i32
    "tpu.region"() ({
      %run_scoped3A = tpu.sem_alloc : memref<!tpu.dma_semaphore, #tpu.memory_space<semaphore_mem>>
      %dma_start3A_155 = arith.constant 0 : i32
      %dma_start3A_156 = tpu.memref_slice %arg6[%arg0, %add3A_124, %dma_start3A_155] : memref<2x10240x128xf32, #tpu.memory_space<hbm>> -> memref<1x128x128xf32, #tpu.memory_space<hbm>>
      %dma_start3A_157 = tpu.memref_squeeze %dma_start3A_156 : memref<1x128x128xf32, #tpu.memory_space<hbm>> -> memref<128x128xf32, #tpu.memory_space<hbm>>
      %dma_start3A_158 = arith.constant 0 : i32
      %dma_start3A_159 = tpu.memref_slice %arg6[%arg0, %add3A_124, %dma_start3A_158] : memref<2x10240x128xf32, #tpu.memory_space<hbm>> -> memref<1x128x128xf32, #tpu.memory_space<hbm>>
      %dma_start3A_160 = tpu.memref_squeeze %dma_start3A_159 : memref<1x128x128xf32, #tpu.memory_space<hbm>> -> memref<128x128xf32, #tpu.memory_space<hbm>>
      tpu.enqueue_dma source(%arg10 : memref<128x128xf32, #tpu.memory_space<vmem>>) target(%dma_start3A_160 : memref<128x128xf32, #tpu.memory_space<hbm>>) target_semaphore(%run_scoped3A : memref<!tpu.dma_semaphore, #tpu.memory_space<semaphore_mem>>)
      %dma_wait3A_161 = arith.constant 0 : i32
      %dma_wait3A_162 = tpu.memref_slice %arg6[%arg0, %add3A_124, %dma_wait3A_161] : memref<2x10240x128xf32, #tpu.memory_space<hbm>> -> memref<1x128x128xf32, #tpu.memory_space<hbm>>
      %dma_wait3A_163 = tpu.memref_squeeze %dma_wait3A_162 : memref<1x128x128xf32, #tpu.memory_space<hbm>> -> memref<128x128xf32, #tpu.memory_space<hbm>>
      %dma_wait3A_164 = arith.constant 0 : i32
      %dma_wait3A_165 = tpu.memref_slice %arg6[%arg0, %add3A_124, %dma_wait3A_164] : memref<2x10240x128xf32, #tpu.memory_space<hbm>> -> memref<1x128x128xf32, #tpu.memory_space<hbm>>
      %dma_wait3A_166 = tpu.memref_squeeze %dma_wait3A_165 : memref<1x128x128xf32, #tpu.memory_space<hbm>> -> memref<128x128xf32, #tpu.memory_space<hbm>>
      tpu.wait_dma2 semaphore(%run_scoped3A : memref<!tpu.dma_semaphore, #tpu.memory_space<semaphore_mem>>) src(%arg10 : memref<128x128xf32, #tpu.memory_space<vmem>>) dst(%dma_wait3A_166 : memref<128x128xf32, #tpu.memory_space<hbm>>)
      tpu.yield
    }) : () -> ()
    %add3A_125 = arith.constant 384 : i32
    %add3A_126 = arith.addi %mul3A_2, %add3A_125 : i32
    %dma_start3A_127 = arith.constant 0 : i32
    %dma_start3A_128 = tpu.memref_slice %arg11[%add3A_126, %dma_start3A_127] : memref<10240x128xf32, #tpu.memory_space<vmem_shared>> -> memref<128x128xf32, #tpu.memory_space<vmem_shared>>
    %dma_start3A_129 = arith.constant 0 : i32
    %dma_start3A_130 = tpu.memref_slice %arg11[%add3A_126, %dma_start3A_129] : memref<10240x128xf32, #tpu.memory_space<vmem_shared>> -> memref<128x128xf32, #tpu.memory_space<vmem_shared>>
    tpu.enqueue_dma source(%dma_start3A_130 : memref<128x128xf32, #tpu.memory_space<vmem_shared>>) target(%arg10 : memref<128x128xf32, #tpu.memory_space<vmem>>) target_semaphore(%arg13 : memref<!tpu.dma_semaphore, #tpu.memory_space<semaphore_mem>>)
    %dma_wait3A_131 = arith.constant 0 : i32
    %dma_wait3A_132 = tpu.memref_slice %arg11[%mul3A_2, %dma_wait3A_131] : memref<10240x128xf32, #tpu.memory_space<vmem_shared>> -> memref<128x128xf32, #tpu.memory_space<vmem_shared>>
    %dma_wait3A_133 = arith.constant 0 : i32
    %dma_wait3A_134 = tpu.memref_slice %arg11[%mul3A_2, %dma_wait3A_133] : memref<10240x128xf32, #tpu.memory_space<vmem_shared>> -> memref<128x128xf32, #tpu.memory_space<vmem_shared>>
    tpu.wait_dma2 semaphore(%arg12 : memref<!tpu.dma_semaphore, #tpu.memory_space<semaphore_mem>>) src(%dma_wait3A_134 : memref<128x128xf32, #tpu.memory_space<vmem_shared>>) dst(%arg9 : memref<128x128xf32, #tpu.memory_space<vmem>>)
    %add3A_135 = arith.constant 256 : i32
    %add3A_136 = arith.addi %mul3A_2, %add3A_135 : i32
    "tpu.region"() ({
      %run_scoped3A = tpu.sem_alloc : memref<!tpu.dma_semaphore, #tpu.memory_space<semaphore_mem>>
      %dma_start3A_155 = arith.constant 0 : i32
      %dma_start3A_156 = tpu.memref_slice %arg6[%arg0, %add3A_136, %dma_start3A_155] : memref<2x10240x128xf32, #tpu.memory_space<hbm>> -> memref<1x128x128xf32, #tpu.memory_space<hbm>>
      %dma_start3A_157 = tpu.memref_squeeze %dma_start3A_156 : memref<1x128x128xf32, #tpu.memory_space<hbm>> -> memref<128x128xf32, #tpu.memory_space<hbm>>
      %dma_start3A_158 = arith.constant 0 : i32
      %dma_start3A_159 = tpu.memref_slice %arg6[%arg0, %add3A_136, %dma_start3A_158] : memref<2x10240x128xf32, #tpu.memory_space<hbm>> -> memref<1x128x128xf32, #tpu.memory_space<hbm>>
      %dma_start3A_160 = tpu.memref_squeeze %dma_start3A_159 : memref<1x128x128xf32, #tpu.memory_space<hbm>> -> memref<128x128xf32, #tpu.memory_space<hbm>>
      tpu.enqueue_dma source(%arg9 : memref<128x128xf32, #tpu.memory_space<vmem>>) target(%dma_start3A_160 : memref<128x128xf32, #tpu.memory_space<hbm>>) target_semaphore(%run_scoped3A : memref<!tpu.dma_semaphore, #tpu.memory_space<semaphore_mem>>)
      %dma_wait3A_161 = arith.constant 0 : i32
      %dma_wait3A_162 = tpu.memref_slice %arg6[%arg0, %add3A_136, %dma_wait3A_161] : memref<2x10240x128xf32, #tpu.memory_space<hbm>> -> memref<1x128x128xf32, #tpu.memory_space<hbm>>
      %dma_wait3A_163 = tpu.memref_squeeze %dma_wait3A_162 : memref<1x128x128xf32, #tpu.memory_space<hbm>> -> memref<128x128xf32, #tpu.memory_space<hbm>>
      %dma_wait3A_164 = arith.constant 0 : i32
      %dma_wait3A_165 = tpu.memref_slice %arg6[%arg0, %add3A_136, %dma_wait3A_164] : memref<2x10240x128xf32, #tpu.memory_space<hbm>> -> memref<1x128x128xf32, #tpu.memory_space<hbm>>
      %dma_wait3A_166 = tpu.memref_squeeze %dma_wait3A_165 : memref<1x128x128xf32, #tpu.memory_space<hbm>> -> memref<128x128xf32, #tpu.memory_space<hbm>>
      tpu.wait_dma2 semaphore(%run_scoped3A : memref<!tpu.dma_semaphore, #tpu.memory_space<semaphore_mem>>) src(%arg9 : memref<128x128xf32, #tpu.memory_space<vmem>>) dst(%dma_wait3A_166 : memref<128x128xf32, #tpu.memory_space<hbm>>)
      tpu.yield
    }) : () -> ()
    %add3A_137 = arith.constant 512 : i32
    %add3A_138 = arith.addi %mul3A_2, %add3A_137 : i32
    %dma_start3A_139 = arith.constant 0 : i32
    %dma_start3A_140 = tpu.memref_slice %arg11[%add3A_138, %dma_start3A_139] : memref<10240x128xf32, #tpu.memory_space<vmem_shared>> -> memref<128x128xf32, #tpu.memory_space<vmem_shared>>
    %dma_start3A_141 = arith.constant 0 : i32
    %dma_start3A_142 = tpu.memref_slice %arg11[%add3A_138, %dma_start3A_141] : memref<10240x128xf32, #tpu.memory_space<vmem_shared>> -> memref<128x128xf32, #tpu.memory_space<vmem_shared>>
    tpu.enqueue_dma source(%dma_start3A_142 : memref<128x128xf32, #tpu.memory_space<vmem_shared>>) target(%arg9 : memref<128x128xf32, #tpu.memory_space<vmem>>) target_semaphore(%arg12 : memref<!tpu.dma_semaphore, #tpu.memory_space<semaphore_mem>>)
    %dma_wait3A_143 = arith.constant 0 : i32
    %dma_wait3A_144 = tpu.memref_slice %arg11[%mul3A_2, %dma_wait3A_143] : memref<10240x128xf32, #tpu.memory_space<vmem_shared>> -> memref<128x128xf32, #tpu.memory_space<vmem_shared>>
    %dma_wait3A_145 = arith.constant 0 : i32
    %dma_wait3A_146 = tpu.memref_slice %arg11[%mul3A_2, %dma_wait3A_145] : memref<10240x128xf32, #tpu.memory_space<vmem_shared>> -> memref<128x128xf32, #tpu.memory_space<vmem_shared>>
    tpu.wait_dma2 semaphore(%arg13 : memref<!tpu.dma_semaphore, #tpu.memory_space<semaphore_mem>>) src(%dma_wait3A_146 : memref<128x128xf32, #tpu.memory_space<vmem_shared>>) dst(%arg10 : memref<128x128xf32, #tpu.memory_space<vmem>>)
    %add3A_147 = arith.constant 384 : i32
    %add3A_148 = arith.addi %mul3A_2, %add3A_147 : i32
    "tpu.region"() ({
      %run_scoped3A = tpu.sem_alloc : memref<!tpu.dma_semaphore, #tpu.memory_space<semaphore_mem>>
      %dma_start3A_155 = arith.constant 0 : i32
      %dma_start3A_156 = tpu.memref_slice %arg6[%arg0, %add3A_148, %dma_start3A_155] : memref<2x10240x128xf32, #tpu.memory_space<hbm>> -> memref<1x128x128xf32, #tpu.memory_space<hbm>>
      %dma_start3A_157 = tpu.memref_squeeze %dma_start3A_156 : memref<1x128x128xf32, #tpu.memory_space<hbm>> -> memref<128x128xf32, #tpu.memory_space<hbm>>
      %dma_start3A_158 = arith.constant 0 : i32
      %dma_start3A_159 = tpu.memref_slice %arg6[%arg0, %add3A_148, %dma_start3A_158] : memref<2x10240x128xf32, #tpu.memory_space<hbm>> -> memref<1x128x128xf32, #tpu.memory_space<hbm>>
      %dma_start3A_160 = tpu.memref_squeeze %dma_start3A_159 : memref<1x128x128xf32, #tpu.memory_space<hbm>> -> memref<128x128xf32, #tpu.memory_space<hbm>>
      tpu.enqueue_dma source(%arg10 : memref<128x128xf32, #tpu.memory_space<vmem>>) target(%dma_start3A_160 : memref<128x128xf32, #tpu.memory_space<hbm>>) target_semaphore(%run_scoped3A : memref<!tpu.dma_semaphore, #tpu.memory_space<semaphore_mem>>)
      %dma_wait3A_161 = arith.constant 0 : i32
      %dma_wait3A_162 = tpu.memref_slice %arg6[%arg0, %add3A_148, %dma_wait3A_161] : memref<2x10240x128xf32, #tpu.memory_space<hbm>> -> memref<1x128x128xf32, #tpu.memory_space<hbm>>
      %dma_wait3A_163 = tpu.memref_squeeze %dma_wait3A_162 : memref<1x128x128xf32, #tpu.memory_space<hbm>> -> memref<128x128xf32, #tpu.memory_space<hbm>>
      %dma_wait3A_164 = arith.constant 0 : i32
      %dma_wait3A_165 = tpu.memref_slice %arg6[%arg0, %add3A_148, %dma_wait3A_164] : memref<2x10240x128xf32, #tpu.memory_space<hbm>> -> memref<1x128x128xf32, #tpu.memory_space<hbm>>
      %dma_wait3A_166 = tpu.memref_squeeze %dma_wait3A_165 : memref<1x128x128xf32, #tpu.memory_space<hbm>> -> memref<128x128xf32, #tpu.memory_space<hbm>>
      tpu.wait_dma2 semaphore(%run_scoped3A : memref<!tpu.dma_semaphore, #tpu.memory_space<semaphore_mem>>) src(%arg10 : memref<128x128xf32, #tpu.memory_space<vmem>>) dst(%dma_wait3A_166 : memref<128x128xf32, #tpu.memory_space<hbm>>)
      tpu.yield
    }) : () -> ()
    %dma_wait3A_149 = arith.constant 0 : i32
    %dma_wait3A_150 = tpu.memref_slice %arg11[%mul3A_2, %dma_wait3A_149] : memref<10240x128xf32, #tpu.memory_space<vmem_shared>> -> memref<128x128xf32, #tpu.memory_space<vmem_shared>>
    %dma_wait3A_151 = arith.constant 0 : i32
    %dma_wait3A_152 = tpu.memref_slice %arg11[%mul3A_2, %dma_wait3A_151] : memref<10240x128xf32, #tpu.memory_space<vmem_shared>> -> memref<128x128xf32, #tpu.memory_space<vmem_shared>>
    tpu.wait_dma2 semaphore(%arg12 : memref<!tpu.dma_semaphore, #tpu.memory_space<semaphore_mem>>) src(%dma_wait3A_152 : memref<128x128xf32, #tpu.memory_space<vmem_shared>>) dst(%arg9 : memref<128x128xf32, #tpu.memory_space<vmem>>)
    %add3A_153 = arith.constant 512 : i32
    %add3A_154 = arith.addi %mul3A_2, %add3A_153 : i32
    "tpu.region"() ({
      %run_scoped3A = tpu.sem_alloc : memref<!tpu.dma_semaphore, #tpu.memory_space<semaphore_mem>>
      %dma_start3A_155 = arith.constant 0 : i32
      %dma_start3A_156 = tpu.memref_slice %arg6[%arg0, %add3A_154, %dma_start3A_155] : memref<2x10240x128xf32, #tpu.memory_space<hbm>> -> memref<1x128x128xf32, #tpu.memory_space<hbm>>
      %dma_start3A_157 = tpu.memref_squeeze %dma_start3A_156 : memref<1x128x128xf32, #tpu.memory_space<hbm>> -> memref<128x128xf32, #tpu.memory_space<hbm>>
      %dma_start3A_158 = arith.constant 0 : i32
      %dma_start3A_159 = tpu.memref_slice %arg6[%arg0, %add3A_154, %dma_start3A_158] : memref<2x10240x128xf32, #tpu.memory_space<hbm>> -> memref<1x128x128xf32, #tpu.memory_space<hbm>>
      %dma_start3A_160 = tpu.memref_squeeze %dma_start3A_159 : memref<1x128x128xf32, #tpu.memory_space<hbm>> -> memref<128x128xf32, #tpu.memory_space<hbm>>
      tpu.enqueue_dma source(%arg9 : memref<128x128xf32, #tpu.memory_space<vmem>>) target(%dma_start3A_160 : memref<128x128xf32, #tpu.memory_space<hbm>>) target_semaphore(%run_scoped3A : memref<!tpu.dma_semaphore, #tpu.memory_space<semaphore_mem>>)
      %dma_wait3A_161 = arith.constant 0 : i32
      %dma_wait3A_162 = tpu.memref_slice %arg6[%arg0, %add3A_154, %dma_wait3A_161] : memref<2x10240x128xf32, #tpu.memory_space<hbm>> -> memref<1x128x128xf32, #tpu.memory_space<hbm>>
      %dma_wait3A_163 = tpu.memref_squeeze %dma_wait3A_162 : memref<1x128x128xf32, #tpu.memory_space<hbm>> -> memref<128x128xf32, #tpu.memory_space<hbm>>
      %dma_wait3A_164 = arith.constant 0 : i32
      %dma_wait3A_165 = tpu.memref_slice %arg6[%arg0, %add3A_154, %dma_wait3A_164] : memref<2x10240x128xf32, #tpu.memory_space<hbm>> -> memref<1x128x128xf32, #tpu.memory_space<hbm>>
      %dma_wait3A_166 = tpu.memref_squeeze %dma_wait3A_165 : memref<1x128x128xf32, #tpu.memory_space<hbm>> -> memref<128x128xf32, #tpu.memory_space<hbm>>
      tpu.wait_dma2 semaphore(%run_scoped3A : memref<!tpu.dma_semaphore, #tpu.memory_space<semaphore_mem>>) src(%arg9 : memref<128x128xf32, #tpu.memory_space<vmem>>) dst(%dma_wait3A_166 : memref<128x128xf32, #tpu.memory_space<hbm>>)
      tpu.yield
    }) : () -> ()
    return
  }
}

#map = affine_map<(d0, d1) -> (0, 0, 0)>
#map1 = affine_map<(d0, d1) -> (0, 0)>
module attributes {stable_mosaic.version = 14 : i64} {
  func.func @_deg_kernel(%arg0: i32, %arg1: i32, %arg2: memref<32x80x128xi32, #tpu.memory_space<hbm>>, %arg3: memref<128x128xf32, #tpu.memory_space<hbm>>, %arg4: memref<128x128xf32, #tpu.memory_space<hbm>>, %arg5: memref<2x10240x128xf32, #tpu.memory_space<hbm>>, %arg6: memref<80x128xi32, #tpu.memory_space<vmem>>, %arg7: memref<128x128xf32, #tpu.memory_space<vmem>>, %arg8: memref<128x128xf32, #tpu.memory_space<vmem>>, %arg9: memref<10240x128xf32, #tpu.memory_space<vmem_shared>>, %arg10: memref<!tpu.dma_semaphore, #tpu.memory_space<semaphore_mem>>, %arg11: memref<!tpu.dma_semaphore, #tpu.memory_space<semaphore_mem>>) attributes {dimension_semantics = [#tpu.dimension_semantics<core_parallel>, #tpu.dimension_semantics<subcore_parallel>], iteration_bounds = array<i64: 2, 16>, scalar_prefetch = 0 : i64, scratch_operands = 6 : i64, tpu.core_type = #tpu.core_type<sc_vector_subcore>, window_params = [{transform_indices = #map}, {transform_indices = #map1}, {transform_indices = #map1}, {transform_indices = #map}]} {
    %mul3A = arith.constant 16 : i32
    %mul3A_0 = arith.muli %arg0, %mul3A : i32
    %add3A = arith.addi %mul3A_0, %arg1 : i32
    %mul3A_1 = arith.constant 640 : i32
    %mul3A_2 = arith.muli %arg1, %mul3A_1 : i32
    %dma_start3A = arith.constant 0 : i32
    %dma_start3A_3 = arith.constant 0 : i32
    %dma_start3A_4 = tpu.memref_slice %arg2[%add3A, %dma_start3A, %dma_start3A_3] : memref<32x80x128xi32, #tpu.memory_space<hbm>> -> memref<1x80x128xi32, #tpu.memory_space<hbm>>
    %dma_start3A_5 = tpu.memref_squeeze %dma_start3A_4 : memref<1x80x128xi32, #tpu.memory_space<hbm>> -> memref<80x128xi32, #tpu.memory_space<hbm>>
    %dma_start3A_6 = arith.constant 0 : i32
    %dma_start3A_7 = arith.constant 0 : i32
    %dma_start3A_8 = tpu.memref_slice %arg2[%add3A, %dma_start3A_6, %dma_start3A_7] : memref<32x80x128xi32, #tpu.memory_space<hbm>> -> memref<1x80x128xi32, #tpu.memory_space<hbm>>
    %dma_start3A_9 = tpu.memref_squeeze %dma_start3A_8 : memref<1x80x128xi32, #tpu.memory_space<hbm>> -> memref<80x128xi32, #tpu.memory_space<hbm>>
    tpu.enqueue_dma source(%dma_start3A_9 : memref<80x128xi32, #tpu.memory_space<hbm>>) target(%arg6 : memref<80x128xi32, #tpu.memory_space<vmem>>) target_semaphore(%arg11 : memref<!tpu.dma_semaphore, #tpu.memory_space<semaphore_mem>>)
    "tpu.region"() ({
      %run_scoped3A = tpu.sem_alloc : memref<!tpu.dma_semaphore, #tpu.memory_space<semaphore_mem>>
      tpu.enqueue_dma source(%arg3 : memref<128x128xf32, #tpu.memory_space<hbm>>) target(%arg7 : memref<128x128xf32, #tpu.memory_space<vmem>>) target_semaphore(%run_scoped3A : memref<!tpu.dma_semaphore, #tpu.memory_space<semaphore_mem>>)
      tpu.wait_dma2 semaphore(%run_scoped3A : memref<!tpu.dma_semaphore, #tpu.memory_space<semaphore_mem>>) src(%arg3 : memref<128x128xf32, #tpu.memory_space<hbm>>) dst(%arg7 : memref<128x128xf32, #tpu.memory_space<vmem>>)
      tpu.yield
    }) : () -> ()
    %eq3A = arith.constant 0 : i32
    %eq3A_10 = arith.cmpi eq, %arg0, %eq3A : i32
    %convert_element_type3A = arith.extui %eq3A_10 : i1 to i32
    %cond3A = arith.constant 0 : i32
    %cond3A_11 = arith.cmpi ne, %convert_element_type3A, %cond3A : i32
    scf.if %cond3A_11 {
      %add3A_87 = arith.constant 0 : i32
      %add3A_88 = arith.addi %mul3A_2, %add3A_87 : i32
      %dma_start3A_89 = arith.constant 0 : i32
      %dma_start3A_90 = tpu.memref_slice %arg9[%add3A_88, %dma_start3A_89] : memref<10240x128xf32, #tpu.memory_space<vmem_shared>> -> memref<128x128xf32, #tpu.memory_space<vmem_shared>>
      %dma_start3A_91 = arith.constant 0 : i32
      %dma_start3A_92 = tpu.memref_slice %arg9[%add3A_88, %dma_start3A_91] : memref<10240x128xf32, #tpu.memory_space<vmem_shared>> -> memref<128x128xf32, #tpu.memory_space<vmem_shared>>
      tpu.enqueue_dma source(%arg7 : memref<128x128xf32, #tpu.memory_space<vmem>>) target(%dma_start3A_92 : memref<128x128xf32, #tpu.memory_space<vmem_shared>>) target_semaphore(%arg10 : memref<!tpu.dma_semaphore, #tpu.memory_space<semaphore_mem>>)
      %add3A_93 = arith.constant 128 : i32
      %add3A_94 = arith.addi %mul3A_2, %add3A_93 : i32
      %dma_start3A_95 = arith.constant 0 : i32
      %dma_start3A_96 = tpu.memref_slice %arg9[%add3A_94, %dma_start3A_95] : memref<10240x128xf32, #tpu.memory_space<vmem_shared>> -> memref<128x128xf32, #tpu.memory_space<vmem_shared>>
      %dma_start3A_97 = arith.constant 0 : i32
      %dma_start3A_98 = tpu.memref_slice %arg9[%add3A_94, %dma_start3A_97] : memref<10240x128xf32, #tpu.memory_space<vmem_shared>> -> memref<128x128xf32, #tpu.memory_space<vmem_shared>>
      tpu.enqueue_dma source(%arg7 : memref<128x128xf32, #tpu.memory_space<vmem>>) target(%dma_start3A_98 : memref<128x128xf32, #tpu.memory_space<vmem_shared>>) target_semaphore(%arg10 : memref<!tpu.dma_semaphore, #tpu.memory_space<semaphore_mem>>)
      %add3A_99 = arith.constant 256 : i32
      %add3A_100 = arith.addi %mul3A_2, %add3A_99 : i32
      %dma_start3A_101 = arith.constant 0 : i32
      %dma_start3A_102 = tpu.memref_slice %arg9[%add3A_100, %dma_start3A_101] : memref<10240x128xf32, #tpu.memory_space<vmem_shared>> -> memref<128x128xf32, #tpu.memory_space<vmem_shared>>
      %dma_start3A_103 = arith.constant 0 : i32
      %dma_start3A_104 = tpu.memref_slice %arg9[%add3A_100, %dma_start3A_103] : memref<10240x128xf32, #tpu.memory_space<vmem_shared>> -> memref<128x128xf32, #tpu.memory_space<vmem_shared>>
      tpu.enqueue_dma source(%arg7 : memref<128x128xf32, #tpu.memory_space<vmem>>) target(%dma_start3A_104 : memref<128x128xf32, #tpu.memory_space<vmem_shared>>) target_semaphore(%arg10 : memref<!tpu.dma_semaphore, #tpu.memory_space<semaphore_mem>>)
      %add3A_105 = arith.constant 384 : i32
      %add3A_106 = arith.addi %mul3A_2, %add3A_105 : i32
      %dma_start3A_107 = arith.constant 0 : i32
      %dma_start3A_108 = tpu.memref_slice %arg9[%add3A_106, %dma_start3A_107] : memref<10240x128xf32, #tpu.memory_space<vmem_shared>> -> memref<128x128xf32, #tpu.memory_space<vmem_shared>>
      %dma_start3A_109 = arith.constant 0 : i32
      %dma_start3A_110 = tpu.memref_slice %arg9[%add3A_106, %dma_start3A_109] : memref<10240x128xf32, #tpu.memory_space<vmem_shared>> -> memref<128x128xf32, #tpu.memory_space<vmem_shared>>
      tpu.enqueue_dma source(%arg7 : memref<128x128xf32, #tpu.memory_space<vmem>>) target(%dma_start3A_110 : memref<128x128xf32, #tpu.memory_space<vmem_shared>>) target_semaphore(%arg10 : memref<!tpu.dma_semaphore, #tpu.memory_space<semaphore_mem>>)
      %add3A_111 = arith.constant 512 : i32
      %add3A_112 = arith.addi %mul3A_2, %add3A_111 : i32
      %dma_start3A_113 = arith.constant 0 : i32
      %dma_start3A_114 = tpu.memref_slice %arg9[%add3A_112, %dma_start3A_113] : memref<10240x128xf32, #tpu.memory_space<vmem_shared>> -> memref<128x128xf32, #tpu.memory_space<vmem_shared>>
      %dma_start3A_115 = arith.constant 0 : i32
      %dma_start3A_116 = tpu.memref_slice %arg9[%add3A_112, %dma_start3A_115] : memref<10240x128xf32, #tpu.memory_space<vmem_shared>> -> memref<128x128xf32, #tpu.memory_space<vmem_shared>>
      tpu.enqueue_dma source(%arg7 : memref<128x128xf32, #tpu.memory_space<vmem>>) target(%dma_start3A_116 : memref<128x128xf32, #tpu.memory_space<vmem_shared>>) target_semaphore(%arg10 : memref<!tpu.dma_semaphore, #tpu.memory_space<semaphore_mem>>)
      %add3A_117 = arith.constant 0 : i32
      %add3A_118 = arith.addi %mul3A_2, %add3A_117 : i32
      %dma_wait3A_119 = arith.constant 0 : i32
      %dma_wait3A_120 = tpu.memref_slice %arg9[%add3A_118, %dma_wait3A_119] : memref<10240x128xf32, #tpu.memory_space<vmem_shared>> -> memref<128x128xf32, #tpu.memory_space<vmem_shared>>
      %dma_wait3A_121 = arith.constant 0 : i32
      %dma_wait3A_122 = tpu.memref_slice %arg9[%add3A_118, %dma_wait3A_121] : memref<10240x128xf32, #tpu.memory_space<vmem_shared>> -> memref<128x128xf32, #tpu.memory_space<vmem_shared>>
      tpu.wait_dma2 semaphore(%arg10 : memref<!tpu.dma_semaphore, #tpu.memory_space<semaphore_mem>>) src(%arg7 : memref<128x128xf32, #tpu.memory_space<vmem>>) dst(%dma_wait3A_122 : memref<128x128xf32, #tpu.memory_space<vmem_shared>>)
      %add3A_123 = arith.constant 128 : i32
      %add3A_124 = arith.addi %mul3A_2, %add3A_123 : i32
      %dma_wait3A_125 = arith.constant 0 : i32
      %dma_wait3A_126 = tpu.memref_slice %arg9[%add3A_124, %dma_wait3A_125] : memref<10240x128xf32, #tpu.memory_space<vmem_shared>> -> memref<128x128xf32, #tpu.memory_space<vmem_shared>>
      %dma_wait3A_127 = arith.constant 0 : i32
      %dma_wait3A_128 = tpu.memref_slice %arg9[%add3A_124, %dma_wait3A_127] : memref<10240x128xf32, #tpu.memory_space<vmem_shared>> -> memref<128x128xf32, #tpu.memory_space<vmem_shared>>
      tpu.wait_dma2 semaphore(%arg10 : memref<!tpu.dma_semaphore, #tpu.memory_space<semaphore_mem>>) src(%arg7 : memref<128x128xf32, #tpu.memory_space<vmem>>) dst(%dma_wait3A_128 : memref<128x128xf32, #tpu.memory_space<vmem_shared>>)
      %add3A_129 = arith.constant 256 : i32
      %add3A_130 = arith.addi %mul3A_2, %add3A_129 : i32
      %dma_wait3A_131 = arith.constant 0 : i32
      %dma_wait3A_132 = tpu.memref_slice %arg9[%add3A_130, %dma_wait3A_131] : memref<10240x128xf32, #tpu.memory_space<vmem_shared>> -> memref<128x128xf32, #tpu.memory_space<vmem_shared>>
      %dma_wait3A_133 = arith.constant 0 : i32
      %dma_wait3A_134 = tpu.memref_slice %arg9[%add3A_130, %dma_wait3A_133] : memref<10240x128xf32, #tpu.memory_space<vmem_shared>> -> memref<128x128xf32, #tpu.memory_space<vmem_shared>>
      tpu.wait_dma2 semaphore(%arg10 : memref<!tpu.dma_semaphore, #tpu.memory_space<semaphore_mem>>) src(%arg7 : memref<128x128xf32, #tpu.memory_space<vmem>>) dst(%dma_wait3A_134 : memref<128x128xf32, #tpu.memory_space<vmem_shared>>)
      %add3A_135 = arith.constant 384 : i32
      %add3A_136 = arith.addi %mul3A_2, %add3A_135 : i32
      %dma_wait3A_137 = arith.constant 0 : i32
      %dma_wait3A_138 = tpu.memref_slice %arg9[%add3A_136, %dma_wait3A_137] : memref<10240x128xf32, #tpu.memory_space<vmem_shared>> -> memref<128x128xf32, #tpu.memory_space<vmem_shared>>
      %dma_wait3A_139 = arith.constant 0 : i32
      %dma_wait3A_140 = tpu.memref_slice %arg9[%add3A_136, %dma_wait3A_139] : memref<10240x128xf32, #tpu.memory_space<vmem_shared>> -> memref<128x128xf32, #tpu.memory_space<vmem_shared>>
      tpu.wait_dma2 semaphore(%arg10 : memref<!tpu.dma_semaphore, #tpu.memory_space<semaphore_mem>>) src(%arg7 : memref<128x128xf32, #tpu.memory_space<vmem>>) dst(%dma_wait3A_140 : memref<128x128xf32, #tpu.memory_space<vmem_shared>>)
      %add3A_141 = arith.constant 512 : i32
      %add3A_142 = arith.addi %mul3A_2, %add3A_141 : i32
      %dma_wait3A_143 = arith.constant 0 : i32
      %dma_wait3A_144 = tpu.memref_slice %arg9[%add3A_142, %dma_wait3A_143] : memref<10240x128xf32, #tpu.memory_space<vmem_shared>> -> memref<128x128xf32, #tpu.memory_space<vmem_shared>>
      %dma_wait3A_145 = arith.constant 0 : i32
      %dma_wait3A_146 = tpu.memref_slice %arg9[%add3A_142, %dma_wait3A_145] : memref<10240x128xf32, #tpu.memory_space<vmem_shared>> -> memref<128x128xf32, #tpu.memory_space<vmem_shared>>
      tpu.wait_dma2 semaphore(%arg10 : memref<!tpu.dma_semaphore, #tpu.memory_space<semaphore_mem>>) src(%arg7 : memref<128x128xf32, #tpu.memory_space<vmem>>) dst(%dma_wait3A_146 : memref<128x128xf32, #tpu.memory_space<vmem_shared>>)
    } else {
    }
    %ne3A = arith.constant 0 : i32
    %ne3A_12 = arith.cmpi ne, %arg0, %ne3A : i32
    %convert_element_type3A_13 = arith.extui %ne3A_12 : i1 to i32
    %cond3A_14 = arith.constant 0 : i32
    %cond3A_15 = arith.cmpi ne, %convert_element_type3A_13, %cond3A_14 : i32
    scf.if %cond3A_15 {
      "tpu.region"() ({
        %run_scoped3A = tpu.sem_alloc : memref<!tpu.dma_semaphore, #tpu.memory_space<semaphore_mem>>
        tpu.enqueue_dma source(%arg4 : memref<128x128xf32, #tpu.memory_space<hbm>>) target(%arg8 : memref<128x128xf32, #tpu.memory_space<vmem>>) target_semaphore(%run_scoped3A : memref<!tpu.dma_semaphore, #tpu.memory_space<semaphore_mem>>)
        tpu.wait_dma2 semaphore(%run_scoped3A : memref<!tpu.dma_semaphore, #tpu.memory_space<semaphore_mem>>) src(%arg4 : memref<128x128xf32, #tpu.memory_space<hbm>>) dst(%arg8 : memref<128x128xf32, #tpu.memory_space<vmem>>)
        tpu.yield
      }) : () -> ()
      %add3A_87 = arith.constant 0 : i32
      %add3A_88 = arith.addi %mul3A_2, %add3A_87 : i32
      %dma_start3A_89 = arith.constant 0 : i32
      %dma_start3A_90 = tpu.memref_slice %arg9[%add3A_88, %dma_start3A_89] : memref<10240x128xf32, #tpu.memory_space<vmem_shared>> -> memref<128x128xf32, #tpu.memory_space<vmem_shared>>
      %dma_start3A_91 = arith.constant 0 : i32
      %dma_start3A_92 = tpu.memref_slice %arg9[%add3A_88, %dma_start3A_91] : memref<10240x128xf32, #tpu.memory_space<vmem_shared>> -> memref<128x128xf32, #tpu.memory_space<vmem_shared>>
      tpu.enqueue_dma source(%arg8 : memref<128x128xf32, #tpu.memory_space<vmem>>) target(%dma_start3A_92 : memref<128x128xf32, #tpu.memory_space<vmem_shared>>) target_semaphore(%arg10 : memref<!tpu.dma_semaphore, #tpu.memory_space<semaphore_mem>>)
      %add3A_93 = arith.constant 128 : i32
      %add3A_94 = arith.addi %mul3A_2, %add3A_93 : i32
      %dma_start3A_95 = arith.constant 0 : i32
      %dma_start3A_96 = tpu.memref_slice %arg9[%add3A_94, %dma_start3A_95] : memref<10240x128xf32, #tpu.memory_space<vmem_shared>> -> memref<128x128xf32, #tpu.memory_space<vmem_shared>>
      %dma_start3A_97 = arith.constant 0 : i32
      %dma_start3A_98 = tpu.memref_slice %arg9[%add3A_94, %dma_start3A_97] : memref<10240x128xf32, #tpu.memory_space<vmem_shared>> -> memref<128x128xf32, #tpu.memory_space<vmem_shared>>
      tpu.enqueue_dma source(%arg8 : memref<128x128xf32, #tpu.memory_space<vmem>>) target(%dma_start3A_98 : memref<128x128xf32, #tpu.memory_space<vmem_shared>>) target_semaphore(%arg10 : memref<!tpu.dma_semaphore, #tpu.memory_space<semaphore_mem>>)
      %add3A_99 = arith.constant 256 : i32
      %add3A_100 = arith.addi %mul3A_2, %add3A_99 : i32
      %dma_start3A_101 = arith.constant 0 : i32
      %dma_start3A_102 = tpu.memref_slice %arg9[%add3A_100, %dma_start3A_101] : memref<10240x128xf32, #tpu.memory_space<vmem_shared>> -> memref<128x128xf32, #tpu.memory_space<vmem_shared>>
      %dma_start3A_103 = arith.constant 0 : i32
      %dma_start3A_104 = tpu.memref_slice %arg9[%add3A_100, %dma_start3A_103] : memref<10240x128xf32, #tpu.memory_space<vmem_shared>> -> memref<128x128xf32, #tpu.memory_space<vmem_shared>>
      tpu.enqueue_dma source(%arg8 : memref<128x128xf32, #tpu.memory_space<vmem>>) target(%dma_start3A_104 : memref<128x128xf32, #tpu.memory_space<vmem_shared>>) target_semaphore(%arg10 : memref<!tpu.dma_semaphore, #tpu.memory_space<semaphore_mem>>)
      %add3A_105 = arith.constant 384 : i32
      %add3A_106 = arith.addi %mul3A_2, %add3A_105 : i32
      %dma_start3A_107 = arith.constant 0 : i32
      %dma_start3A_108 = tpu.memref_slice %arg9[%add3A_106, %dma_start3A_107] : memref<10240x128xf32, #tpu.memory_space<vmem_shared>> -> memref<128x128xf32, #tpu.memory_space<vmem_shared>>
      %dma_start3A_109 = arith.constant 0 : i32
      %dma_start3A_110 = tpu.memref_slice %arg9[%add3A_106, %dma_start3A_109] : memref<10240x128xf32, #tpu.memory_space<vmem_shared>> -> memref<128x128xf32, #tpu.memory_space<vmem_shared>>
      tpu.enqueue_dma source(%arg8 : memref<128x128xf32, #tpu.memory_space<vmem>>) target(%dma_start3A_110 : memref<128x128xf32, #tpu.memory_space<vmem_shared>>) target_semaphore(%arg10 : memref<!tpu.dma_semaphore, #tpu.memory_space<semaphore_mem>>)
      %add3A_111 = arith.constant 512 : i32
      %add3A_112 = arith.addi %mul3A_2, %add3A_111 : i32
      %dma_start3A_113 = arith.constant 0 : i32
      %dma_start3A_114 = tpu.memref_slice %arg9[%add3A_112, %dma_start3A_113] : memref<10240x128xf32, #tpu.memory_space<vmem_shared>> -> memref<128x128xf32, #tpu.memory_space<vmem_shared>>
      %dma_start3A_115 = arith.constant 0 : i32
      %dma_start3A_116 = tpu.memref_slice %arg9[%add3A_112, %dma_start3A_115] : memref<10240x128xf32, #tpu.memory_space<vmem_shared>> -> memref<128x128xf32, #tpu.memory_space<vmem_shared>>
      tpu.enqueue_dma source(%arg8 : memref<128x128xf32, #tpu.memory_space<vmem>>) target(%dma_start3A_116 : memref<128x128xf32, #tpu.memory_space<vmem_shared>>) target_semaphore(%arg10 : memref<!tpu.dma_semaphore, #tpu.memory_space<semaphore_mem>>)
      %add3A_117 = arith.constant 0 : i32
      %add3A_118 = arith.addi %mul3A_2, %add3A_117 : i32
      %dma_wait3A_119 = arith.constant 0 : i32
      %dma_wait3A_120 = tpu.memref_slice %arg9[%add3A_118, %dma_wait3A_119] : memref<10240x128xf32, #tpu.memory_space<vmem_shared>> -> memref<128x128xf32, #tpu.memory_space<vmem_shared>>
      %dma_wait3A_121 = arith.constant 0 : i32
      %dma_wait3A_122 = tpu.memref_slice %arg9[%add3A_118, %dma_wait3A_121] : memref<10240x128xf32, #tpu.memory_space<vmem_shared>> -> memref<128x128xf32, #tpu.memory_space<vmem_shared>>
      tpu.wait_dma2 semaphore(%arg10 : memref<!tpu.dma_semaphore, #tpu.memory_space<semaphore_mem>>) src(%arg8 : memref<128x128xf32, #tpu.memory_space<vmem>>) dst(%dma_wait3A_122 : memref<128x128xf32, #tpu.memory_space<vmem_shared>>)
      %add3A_123 = arith.constant 128 : i32
      %add3A_124 = arith.addi %mul3A_2, %add3A_123 : i32
      %dma_wait3A_125 = arith.constant 0 : i32
      %dma_wait3A_126 = tpu.memref_slice %arg9[%add3A_124, %dma_wait3A_125] : memref<10240x128xf32, #tpu.memory_space<vmem_shared>> -> memref<128x128xf32, #tpu.memory_space<vmem_shared>>
      %dma_wait3A_127 = arith.constant 0 : i32
      %dma_wait3A_128 = tpu.memref_slice %arg9[%add3A_124, %dma_wait3A_127] : memref<10240x128xf32, #tpu.memory_space<vmem_shared>> -> memref<128x128xf32, #tpu.memory_space<vmem_shared>>
      tpu.wait_dma2 semaphore(%arg10 : memref<!tpu.dma_semaphore, #tpu.memory_space<semaphore_mem>>) src(%arg8 : memref<128x128xf32, #tpu.memory_space<vmem>>) dst(%dma_wait3A_128 : memref<128x128xf32, #tpu.memory_space<vmem_shared>>)
      %add3A_129 = arith.constant 256 : i32
      %add3A_130 = arith.addi %mul3A_2, %add3A_129 : i32
      %dma_wait3A_131 = arith.constant 0 : i32
      %dma_wait3A_132 = tpu.memref_slice %arg9[%add3A_130, %dma_wait3A_131] : memref<10240x128xf32, #tpu.memory_space<vmem_shared>> -> memref<128x128xf32, #tpu.memory_space<vmem_shared>>
      %dma_wait3A_133 = arith.constant 0 : i32
      %dma_wait3A_134 = tpu.memref_slice %arg9[%add3A_130, %dma_wait3A_133] : memref<10240x128xf32, #tpu.memory_space<vmem_shared>> -> memref<128x128xf32, #tpu.memory_space<vmem_shared>>
      tpu.wait_dma2 semaphore(%arg10 : memref<!tpu.dma_semaphore, #tpu.memory_space<semaphore_mem>>) src(%arg8 : memref<128x128xf32, #tpu.memory_space<vmem>>) dst(%dma_wait3A_134 : memref<128x128xf32, #tpu.memory_space<vmem_shared>>)
      %add3A_135 = arith.constant 384 : i32
      %add3A_136 = arith.addi %mul3A_2, %add3A_135 : i32
      %dma_wait3A_137 = arith.constant 0 : i32
      %dma_wait3A_138 = tpu.memref_slice %arg9[%add3A_136, %dma_wait3A_137] : memref<10240x128xf32, #tpu.memory_space<vmem_shared>> -> memref<128x128xf32, #tpu.memory_space<vmem_shared>>
      %dma_wait3A_139 = arith.constant 0 : i32
      %dma_wait3A_140 = tpu.memref_slice %arg9[%add3A_136, %dma_wait3A_139] : memref<10240x128xf32, #tpu.memory_space<vmem_shared>> -> memref<128x128xf32, #tpu.memory_space<vmem_shared>>
      tpu.wait_dma2 semaphore(%arg10 : memref<!tpu.dma_semaphore, #tpu.memory_space<semaphore_mem>>) src(%arg8 : memref<128x128xf32, #tpu.memory_space<vmem>>) dst(%dma_wait3A_140 : memref<128x128xf32, #tpu.memory_space<vmem_shared>>)
      %add3A_141 = arith.constant 512 : i32
      %add3A_142 = arith.addi %mul3A_2, %add3A_141 : i32
      %dma_wait3A_143 = arith.constant 0 : i32
      %dma_wait3A_144 = tpu.memref_slice %arg9[%add3A_142, %dma_wait3A_143] : memref<10240x128xf32, #tpu.memory_space<vmem_shared>> -> memref<128x128xf32, #tpu.memory_space<vmem_shared>>
      %dma_wait3A_145 = arith.constant 0 : i32
      %dma_wait3A_146 = tpu.memref_slice %arg9[%add3A_142, %dma_wait3A_145] : memref<10240x128xf32, #tpu.memory_space<vmem_shared>> -> memref<128x128xf32, #tpu.memory_space<vmem_shared>>
      tpu.wait_dma2 semaphore(%arg10 : memref<!tpu.dma_semaphore, #tpu.memory_space<semaphore_mem>>) src(%arg8 : memref<128x128xf32, #tpu.memory_space<vmem>>) dst(%dma_wait3A_146 : memref<128x128xf32, #tpu.memory_space<vmem_shared>>)
    } else {
    }
    %dma_wait3A = arith.constant 0 : i32
    %dma_wait3A_16 = arith.constant 0 : i32
    %dma_wait3A_17 = tpu.memref_slice %arg2[%add3A, %dma_wait3A, %dma_wait3A_16] : memref<32x80x128xi32, #tpu.memory_space<hbm>> -> memref<1x80x128xi32, #tpu.memory_space<hbm>>
    %dma_wait3A_18 = tpu.memref_squeeze %dma_wait3A_17 : memref<1x80x128xi32, #tpu.memory_space<hbm>> -> memref<80x128xi32, #tpu.memory_space<hbm>>
    %dma_wait3A_19 = arith.constant 0 : i32
    %dma_wait3A_20 = arith.constant 0 : i32
    %dma_wait3A_21 = tpu.memref_slice %arg2[%add3A, %dma_wait3A_19, %dma_wait3A_20] : memref<32x80x128xi32, #tpu.memory_space<hbm>> -> memref<1x80x128xi32, #tpu.memory_space<hbm>>
    %dma_wait3A_22 = tpu.memref_squeeze %dma_wait3A_21 : memref<1x80x128xi32, #tpu.memory_space<hbm>> -> memref<80x128xi32, #tpu.memory_space<hbm>>
    tpu.wait_dma2 semaphore(%arg11 : memref<!tpu.dma_semaphore, #tpu.memory_space<semaphore_mem>>) src(%dma_wait3A_22 : memref<80x128xi32, #tpu.memory_space<hbm>>) dst(%arg6 : memref<80x128xi32, #tpu.memory_space<vmem>>)
    %barrier3A = arith.constant 0 : index
    tpu.barrier barrier_id(%barrier3A)
    %scan3A = arith.constant 0 : i32
    %scan3A_23 = arith.constant 0 : i32
    %scan3A_24 = arith.constant 80 : i32
    %scan3A_25 = arith.addi %scan3A_23, %scan3A_24 : i32
    %scan3A_26 = arith.constant 1 : i32
    scf.for %scan3A_87 = %scan3A_23 to %scan3A_25 step %scan3A_26  : i32 {
      "tpu.region"() ({
        %run_scoped3A = tpu.sem_alloc : memref<!tpu.dma_semaphore, #tpu.memory_space<semaphore_mem>>
        %dma_start3A_88 = arith.constant 0 : i32
        %dma_start3A_89 = tpu.memref_slice %arg6[%scan3A_87, %dma_start3A_88] : memref<80x128xi32, #tpu.memory_space<vmem>> -> memref<1x128xi32, #tpu.memory_space<vmem>>
        %dma_start3A_90 = tpu.memref_squeeze %dma_start3A_89 : memref<1x128xi32, #tpu.memory_space<vmem>> -> memref<128xi32, #tpu.memory_space<vmem>>
        %dma_start3A_91 = arith.constant 0 : i32
        %dma_start3A_92 = arith.constant 0 : i32
        %dma_start3A_93 = tpu.memref_slice %arg9[%dma_start3A_91, %dma_start3A_92] : memref<10240x128xf32, #tpu.memory_space<vmem_shared>> -> memref<10240x128xf32, #tpu.memory_space<vmem_shared>>
        tpu.enqueue_indirect_dma source(%arg7 : memref<128x128xf32, #tpu.memory_space<vmem>>) target(%dma_start3A_93 : memref<10240x128xf32, #tpu.memory_space<vmem_shared>>) offsets(%dma_start3A_90 : memref<128xi32, #tpu.memory_space<vmem>>) semaphore(%run_scoped3A : memref<!tpu.dma_semaphore, #tpu.memory_space<semaphore_mem>>) {add = true}
        %dma_wait3A_94 = arith.constant 0 : i32
        %dma_wait3A_95 = tpu.memref_slice %arg6[%scan3A_87, %dma_wait3A_94] : memref<80x128xi32, #tpu.memory_space<vmem>> -> memref<1x128xi32, #tpu.memory_space<vmem>>
        %dma_wait3A_96 = tpu.memref_squeeze %dma_wait3A_95 : memref<1x128xi32, #tpu.memory_space<vmem>> -> memref<128xi32, #tpu.memory_space<vmem>>
        %dma_wait3A_97 = arith.constant 0 : i32
        %dma_wait3A_98 = arith.constant 0 : i32
        %dma_wait3A_99 = tpu.memref_slice %arg9[%dma_wait3A_97, %dma_wait3A_98] : memref<10240x128xf32, #tpu.memory_space<vmem_shared>> -> memref<10240x128xf32, #tpu.memory_space<vmem_shared>>
        tpu.wait_indirect_dma semaphore(%run_scoped3A : memref<!tpu.dma_semaphore, #tpu.memory_space<semaphore_mem>>) src(%arg7 : memref<128x128xf32, #tpu.memory_space<vmem>>) dst(%dma_wait3A_99 : memref<10240x128xf32, #tpu.memory_space<vmem_shared>>)
        tpu.yield
      }) : () -> ()
    }
    %scan3A_27 = arith.constant 80 : i32
    %barrier3A_28 = arith.constant 0 : index
    tpu.barrier barrier_id(%barrier3A_28)
    %dma_start3A_29 = arith.constant 0 : i32
    %dma_start3A_30 = tpu.memref_slice %arg9[%mul3A_2, %dma_start3A_29] : memref<10240x128xf32, #tpu.memory_space<vmem_shared>> -> memref<128x128xf32, #tpu.memory_space<vmem_shared>>
    %dma_start3A_31 = arith.constant 0 : i32
    %dma_start3A_32 = tpu.memref_slice %arg9[%mul3A_2, %dma_start3A_31] : memref<10240x128xf32, #tpu.memory_space<vmem_shared>> -> memref<128x128xf32, #tpu.memory_space<vmem_shared>>
    tpu.enqueue_dma source(%dma_start3A_32 : memref<128x128xf32, #tpu.memory_space<vmem_shared>>) target(%arg8 : memref<128x128xf32, #tpu.memory_space<vmem>>) target_semaphore(%arg10 : memref<!tpu.dma_semaphore, #tpu.memory_space<semaphore_mem>>)
    %add3A_33 = arith.constant 128 : i32
    %add3A_34 = arith.addi %mul3A_2, %add3A_33 : i32
    %dma_start3A_35 = arith.constant 0 : i32
    %dma_start3A_36 = tpu.memref_slice %arg9[%add3A_34, %dma_start3A_35] : memref<10240x128xf32, #tpu.memory_space<vmem_shared>> -> memref<128x128xf32, #tpu.memory_space<vmem_shared>>
    %dma_start3A_37 = arith.constant 0 : i32
    %dma_start3A_38 = tpu.memref_slice %arg9[%add3A_34, %dma_start3A_37] : memref<10240x128xf32, #tpu.memory_space<vmem_shared>> -> memref<128x128xf32, #tpu.memory_space<vmem_shared>>
    tpu.enqueue_dma source(%dma_start3A_38 : memref<128x128xf32, #tpu.memory_space<vmem_shared>>) target(%arg7 : memref<128x128xf32, #tpu.memory_space<vmem>>) target_semaphore(%arg11 : memref<!tpu.dma_semaphore, #tpu.memory_space<semaphore_mem>>)
    %dma_wait3A_39 = arith.constant 0 : i32
    %dma_wait3A_40 = tpu.memref_slice %arg9[%mul3A_2, %dma_wait3A_39] : memref<10240x128xf32, #tpu.memory_space<vmem_shared>> -> memref<128x128xf32, #tpu.memory_space<vmem_shared>>
    %dma_wait3A_41 = arith.constant 0 : i32
    %dma_wait3A_42 = tpu.memref_slice %arg9[%mul3A_2, %dma_wait3A_41] : memref<10240x128xf32, #tpu.memory_space<vmem_shared>> -> memref<128x128xf32, #tpu.memory_space<vmem_shared>>
    tpu.wait_dma2 semaphore(%arg10 : memref<!tpu.dma_semaphore, #tpu.memory_space<semaphore_mem>>) src(%dma_wait3A_42 : memref<128x128xf32, #tpu.memory_space<vmem_shared>>) dst(%arg8 : memref<128x128xf32, #tpu.memory_space<vmem>>)
    %add3A_43 = arith.constant 0 : i32
    %add3A_44 = arith.addi %mul3A_2, %add3A_43 : i32
    "tpu.region"() ({
      %run_scoped3A = tpu.sem_alloc : memref<!tpu.dma_semaphore, #tpu.memory_space<semaphore_mem>>
      %dma_start3A_87 = arith.constant 0 : i32
      %dma_start3A_88 = tpu.memref_slice %arg5[%arg0, %add3A_44, %dma_start3A_87] : memref<2x10240x128xf32, #tpu.memory_space<hbm>> -> memref<1x128x128xf32, #tpu.memory_space<hbm>>
      %dma_start3A_89 = tpu.memref_squeeze %dma_start3A_88 : memref<1x128x128xf32, #tpu.memory_space<hbm>> -> memref<128x128xf32, #tpu.memory_space<hbm>>
      %dma_start3A_90 = arith.constant 0 : i32
      %dma_start3A_91 = tpu.memref_slice %arg5[%arg0, %add3A_44, %dma_start3A_90] : memref<2x10240x128xf32, #tpu.memory_space<hbm>> -> memref<1x128x128xf32, #tpu.memory_space<hbm>>
      %dma_start3A_92 = tpu.memref_squeeze %dma_start3A_91 : memref<1x128x128xf32, #tpu.memory_space<hbm>> -> memref<128x128xf32, #tpu.memory_space<hbm>>
      tpu.enqueue_dma source(%arg8 : memref<128x128xf32, #tpu.memory_space<vmem>>) target(%dma_start3A_92 : memref<128x128xf32, #tpu.memory_space<hbm>>) target_semaphore(%run_scoped3A : memref<!tpu.dma_semaphore, #tpu.memory_space<semaphore_mem>>)
      %dma_wait3A_93 = arith.constant 0 : i32
      %dma_wait3A_94 = tpu.memref_slice %arg5[%arg0, %add3A_44, %dma_wait3A_93] : memref<2x10240x128xf32, #tpu.memory_space<hbm>> -> memref<1x128x128xf32, #tpu.memory_space<hbm>>
      %dma_wait3A_95 = tpu.memref_squeeze %dma_wait3A_94 : memref<1x128x128xf32, #tpu.memory_space<hbm>> -> memref<128x128xf32, #tpu.memory_space<hbm>>
      %dma_wait3A_96 = arith.constant 0 : i32
      %dma_wait3A_97 = tpu.memref_slice %arg5[%arg0, %add3A_44, %dma_wait3A_96] : memref<2x10240x128xf32, #tpu.memory_space<hbm>> -> memref<1x128x128xf32, #tpu.memory_space<hbm>>
      %dma_wait3A_98 = tpu.memref_squeeze %dma_wait3A_97 : memref<1x128x128xf32, #tpu.memory_space<hbm>> -> memref<128x128xf32, #tpu.memory_space<hbm>>
      tpu.wait_dma2 semaphore(%run_scoped3A : memref<!tpu.dma_semaphore, #tpu.memory_space<semaphore_mem>>) src(%arg8 : memref<128x128xf32, #tpu.memory_space<vmem>>) dst(%dma_wait3A_98 : memref<128x128xf32, #tpu.memory_space<hbm>>)
      tpu.yield
    }) : () -> ()
    %add3A_45 = arith.constant 256 : i32
    %add3A_46 = arith.addi %mul3A_2, %add3A_45 : i32
    %dma_start3A_47 = arith.constant 0 : i32
    %dma_start3A_48 = tpu.memref_slice %arg9[%add3A_46, %dma_start3A_47] : memref<10240x128xf32, #tpu.memory_space<vmem_shared>> -> memref<128x128xf32, #tpu.memory_space<vmem_shared>>
    %dma_start3A_49 = arith.constant 0 : i32
    %dma_start3A_50 = tpu.memref_slice %arg9[%add3A_46, %dma_start3A_49] : memref<10240x128xf32, #tpu.memory_space<vmem_shared>> -> memref<128x128xf32, #tpu.memory_space<vmem_shared>>
    tpu.enqueue_dma source(%dma_start3A_50 : memref<128x128xf32, #tpu.memory_space<vmem_shared>>) target(%arg8 : memref<128x128xf32, #tpu.memory_space<vmem>>) target_semaphore(%arg10 : memref<!tpu.dma_semaphore, #tpu.memory_space<semaphore_mem>>)
    %dma_wait3A_51 = arith.constant 0 : i32
    %dma_wait3A_52 = tpu.memref_slice %arg9[%mul3A_2, %dma_wait3A_51] : memref<10240x128xf32, #tpu.memory_space<vmem_shared>> -> memref<128x128xf32, #tpu.memory_space<vmem_shared>>
    %dma_wait3A_53 = arith.constant 0 : i32
    %dma_wait3A_54 = tpu.memref_slice %arg9[%mul3A_2, %dma_wait3A_53] : memref<10240x128xf32, #tpu.memory_space<vmem_shared>> -> memref<128x128xf32, #tpu.memory_space<vmem_shared>>
    tpu.wait_dma2 semaphore(%arg11 : memref<!tpu.dma_semaphore, #tpu.memory_space<semaphore_mem>>) src(%dma_wait3A_54 : memref<128x128xf32, #tpu.memory_space<vmem_shared>>) dst(%arg7 : memref<128x128xf32, #tpu.memory_space<vmem>>)
    %add3A_55 = arith.constant 128 : i32
    %add3A_56 = arith.addi %mul3A_2, %add3A_55 : i32
    "tpu.region"() ({
      %run_scoped3A = tpu.sem_alloc : memref<!tpu.dma_semaphore, #tpu.memory_space<semaphore_mem>>
      %dma_start3A_87 = arith.constant 0 : i32
      %dma_start3A_88 = tpu.memref_slice %arg5[%arg0, %add3A_56, %dma_start3A_87] : memref<2x10240x128xf32, #tpu.memory_space<hbm>> -> memref<1x128x128xf32, #tpu.memory_space<hbm>>
      %dma_start3A_89 = tpu.memref_squeeze %dma_start3A_88 : memref<1x128x128xf32, #tpu.memory_space<hbm>> -> memref<128x128xf32, #tpu.memory_space<hbm>>
      %dma_start3A_90 = arith.constant 0 : i32
      %dma_start3A_91 = tpu.memref_slice %arg5[%arg0, %add3A_56, %dma_start3A_90] : memref<2x10240x128xf32, #tpu.memory_space<hbm>> -> memref<1x128x128xf32, #tpu.memory_space<hbm>>
      %dma_start3A_92 = tpu.memref_squeeze %dma_start3A_91 : memref<1x128x128xf32, #tpu.memory_space<hbm>> -> memref<128x128xf32, #tpu.memory_space<hbm>>
      tpu.enqueue_dma source(%arg7 : memref<128x128xf32, #tpu.memory_space<vmem>>) target(%dma_start3A_92 : memref<128x128xf32, #tpu.memory_space<hbm>>) target_semaphore(%run_scoped3A : memref<!tpu.dma_semaphore, #tpu.memory_space<semaphore_mem>>)
      %dma_wait3A_93 = arith.constant 0 : i32
      %dma_wait3A_94 = tpu.memref_slice %arg5[%arg0, %add3A_56, %dma_wait3A_93] : memref<2x10240x128xf32, #tpu.memory_space<hbm>> -> memref<1x128x128xf32, #tpu.memory_space<hbm>>
      %dma_wait3A_95 = tpu.memref_squeeze %dma_wait3A_94 : memref<1x128x128xf32, #tpu.memory_space<hbm>> -> memref<128x128xf32, #tpu.memory_space<hbm>>
      %dma_wait3A_96 = arith.constant 0 : i32
      %dma_wait3A_97 = tpu.memref_slice %arg5[%arg0, %add3A_56, %dma_wait3A_96] : memref<2x10240x128xf32, #tpu.memory_space<hbm>> -> memref<1x128x128xf32, #tpu.memory_space<hbm>>
      %dma_wait3A_98 = tpu.memref_squeeze %dma_wait3A_97 : memref<1x128x128xf32, #tpu.memory_space<hbm>> -> memref<128x128xf32, #tpu.memory_space<hbm>>
      tpu.wait_dma2 semaphore(%run_scoped3A : memref<!tpu.dma_semaphore, #tpu.memory_space<semaphore_mem>>) src(%arg7 : memref<128x128xf32, #tpu.memory_space<vmem>>) dst(%dma_wait3A_98 : memref<128x128xf32, #tpu.memory_space<hbm>>)
      tpu.yield
    }) : () -> ()
    %add3A_57 = arith.constant 384 : i32
    %add3A_58 = arith.addi %mul3A_2, %add3A_57 : i32
    %dma_start3A_59 = arith.constant 0 : i32
    %dma_start3A_60 = tpu.memref_slice %arg9[%add3A_58, %dma_start3A_59] : memref<10240x128xf32, #tpu.memory_space<vmem_shared>> -> memref<128x128xf32, #tpu.memory_space<vmem_shared>>
    %dma_start3A_61 = arith.constant 0 : i32
    %dma_start3A_62 = tpu.memref_slice %arg9[%add3A_58, %dma_start3A_61] : memref<10240x128xf32, #tpu.memory_space<vmem_shared>> -> memref<128x128xf32, #tpu.memory_space<vmem_shared>>
    tpu.enqueue_dma source(%dma_start3A_62 : memref<128x128xf32, #tpu.memory_space<vmem_shared>>) target(%arg7 : memref<128x128xf32, #tpu.memory_space<vmem>>) target_semaphore(%arg11 : memref<!tpu.dma_semaphore, #tpu.memory_space<semaphore_mem>>)
    %dma_wait3A_63 = arith.constant 0 : i32
    %dma_wait3A_64 = tpu.memref_slice %arg9[%mul3A_2, %dma_wait3A_63] : memref<10240x128xf32, #tpu.memory_space<vmem_shared>> -> memref<128x128xf32, #tpu.memory_space<vmem_shared>>
    %dma_wait3A_65 = arith.constant 0 : i32
    %dma_wait3A_66 = tpu.memref_slice %arg9[%mul3A_2, %dma_wait3A_65] : memref<10240x128xf32, #tpu.memory_space<vmem_shared>> -> memref<128x128xf32, #tpu.memory_space<vmem_shared>>
    tpu.wait_dma2 semaphore(%arg10 : memref<!tpu.dma_semaphore, #tpu.memory_space<semaphore_mem>>) src(%dma_wait3A_66 : memref<128x128xf32, #tpu.memory_space<vmem_shared>>) dst(%arg8 : memref<128x128xf32, #tpu.memory_space<vmem>>)
    %add3A_67 = arith.constant 256 : i32
    %add3A_68 = arith.addi %mul3A_2, %add3A_67 : i32
    "tpu.region"() ({
      %run_scoped3A = tpu.sem_alloc : memref<!tpu.dma_semaphore, #tpu.memory_space<semaphore_mem>>
      %dma_start3A_87 = arith.constant 0 : i32
      %dma_start3A_88 = tpu.memref_slice %arg5[%arg0, %add3A_68, %dma_start3A_87] : memref<2x10240x128xf32, #tpu.memory_space<hbm>> -> memref<1x128x128xf32, #tpu.memory_space<hbm>>
      %dma_start3A_89 = tpu.memref_squeeze %dma_start3A_88 : memref<1x128x128xf32, #tpu.memory_space<hbm>> -> memref<128x128xf32, #tpu.memory_space<hbm>>
      %dma_start3A_90 = arith.constant 0 : i32
      %dma_start3A_91 = tpu.memref_slice %arg5[%arg0, %add3A_68, %dma_start3A_90] : memref<2x10240x128xf32, #tpu.memory_space<hbm>> -> memref<1x128x128xf32, #tpu.memory_space<hbm>>
      %dma_start3A_92 = tpu.memref_squeeze %dma_start3A_91 : memref<1x128x128xf32, #tpu.memory_space<hbm>> -> memref<128x128xf32, #tpu.memory_space<hbm>>
      tpu.enqueue_dma source(%arg8 : memref<128x128xf32, #tpu.memory_space<vmem>>) target(%dma_start3A_92 : memref<128x128xf32, #tpu.memory_space<hbm>>) target_semaphore(%run_scoped3A : memref<!tpu.dma_semaphore, #tpu.memory_space<semaphore_mem>>)
      %dma_wait3A_93 = arith.constant 0 : i32
      %dma_wait3A_94 = tpu.memref_slice %arg5[%arg0, %add3A_68, %dma_wait3A_93] : memref<2x10240x128xf32, #tpu.memory_space<hbm>> -> memref<1x128x128xf32, #tpu.memory_space<hbm>>
      %dma_wait3A_95 = tpu.memref_squeeze %dma_wait3A_94 : memref<1x128x128xf32, #tpu.memory_space<hbm>> -> memref<128x128xf32, #tpu.memory_space<hbm>>
      %dma_wait3A_96 = arith.constant 0 : i32
      %dma_wait3A_97 = tpu.memref_slice %arg5[%arg0, %add3A_68, %dma_wait3A_96] : memref<2x10240x128xf32, #tpu.memory_space<hbm>> -> memref<1x128x128xf32, #tpu.memory_space<hbm>>
      %dma_wait3A_98 = tpu.memref_squeeze %dma_wait3A_97 : memref<1x128x128xf32, #tpu.memory_space<hbm>> -> memref<128x128xf32, #tpu.memory_space<hbm>>
      tpu.wait_dma2 semaphore(%run_scoped3A : memref<!tpu.dma_semaphore, #tpu.memory_space<semaphore_mem>>) src(%arg8 : memref<128x128xf32, #tpu.memory_space<vmem>>) dst(%dma_wait3A_98 : memref<128x128xf32, #tpu.memory_space<hbm>>)
      tpu.yield
    }) : () -> ()
    %add3A_69 = arith.constant 512 : i32
    %add3A_70 = arith.addi %mul3A_2, %add3A_69 : i32
    %dma_start3A_71 = arith.constant 0 : i32
    %dma_start3A_72 = tpu.memref_slice %arg9[%add3A_70, %dma_start3A_71] : memref<10240x128xf32, #tpu.memory_space<vmem_shared>> -> memref<128x128xf32, #tpu.memory_space<vmem_shared>>
    %dma_start3A_73 = arith.constant 0 : i32
    %dma_start3A_74 = tpu.memref_slice %arg9[%add3A_70, %dma_start3A_73] : memref<10240x128xf32, #tpu.memory_space<vmem_shared>> -> memref<128x128xf32, #tpu.memory_space<vmem_shared>>
    tpu.enqueue_dma source(%dma_start3A_74 : memref<128x128xf32, #tpu.memory_space<vmem_shared>>) target(%arg8 : memref<128x128xf32, #tpu.memory_space<vmem>>) target_semaphore(%arg10 : memref<!tpu.dma_semaphore, #tpu.memory_space<semaphore_mem>>)
    %dma_wait3A_75 = arith.constant 0 : i32
    %dma_wait3A_76 = tpu.memref_slice %arg9[%mul3A_2, %dma_wait3A_75] : memref<10240x128xf32, #tpu.memory_space<vmem_shared>> -> memref<128x128xf32, #tpu.memory_space<vmem_shared>>
    %dma_wait3A_77 = arith.constant 0 : i32
    %dma_wait3A_78 = tpu.memref_slice %arg9[%mul3A_2, %dma_wait3A_77] : memref<10240x128xf32, #tpu.memory_space<vmem_shared>> -> memref<128x128xf32, #tpu.memory_space<vmem_shared>>
    tpu.wait_dma2 semaphore(%arg11 : memref<!tpu.dma_semaphore, #tpu.memory_space<semaphore_mem>>) src(%dma_wait3A_78 : memref<128x128xf32, #tpu.memory_space<vmem_shared>>) dst(%arg7 : memref<128x128xf32, #tpu.memory_space<vmem>>)
    %add3A_79 = arith.constant 384 : i32
    %add3A_80 = arith.addi %mul3A_2, %add3A_79 : i32
    "tpu.region"() ({
      %run_scoped3A = tpu.sem_alloc : memref<!tpu.dma_semaphore, #tpu.memory_space<semaphore_mem>>
      %dma_start3A_87 = arith.constant 0 : i32
      %dma_start3A_88 = tpu.memref_slice %arg5[%arg0, %add3A_80, %dma_start3A_87] : memref<2x10240x128xf32, #tpu.memory_space<hbm>> -> memref<1x128x128xf32, #tpu.memory_space<hbm>>
      %dma_start3A_89 = tpu.memref_squeeze %dma_start3A_88 : memref<1x128x128xf32, #tpu.memory_space<hbm>> -> memref<128x128xf32, #tpu.memory_space<hbm>>
      %dma_start3A_90 = arith.constant 0 : i32
      %dma_start3A_91 = tpu.memref_slice %arg5[%arg0, %add3A_80, %dma_start3A_90] : memref<2x10240x128xf32, #tpu.memory_space<hbm>> -> memref<1x128x128xf32, #tpu.memory_space<hbm>>
      %dma_start3A_92 = tpu.memref_squeeze %dma_start3A_91 : memref<1x128x128xf32, #tpu.memory_space<hbm>> -> memref<128x128xf32, #tpu.memory_space<hbm>>
      tpu.enqueue_dma source(%arg7 : memref<128x128xf32, #tpu.memory_space<vmem>>) target(%dma_start3A_92 : memref<128x128xf32, #tpu.memory_space<hbm>>) target_semaphore(%run_scoped3A : memref<!tpu.dma_semaphore, #tpu.memory_space<semaphore_mem>>)
      %dma_wait3A_93 = arith.constant 0 : i32
      %dma_wait3A_94 = tpu.memref_slice %arg5[%arg0, %add3A_80, %dma_wait3A_93] : memref<2x10240x128xf32, #tpu.memory_space<hbm>> -> memref<1x128x128xf32, #tpu.memory_space<hbm>>
      %dma_wait3A_95 = tpu.memref_squeeze %dma_wait3A_94 : memref<1x128x128xf32, #tpu.memory_space<hbm>> -> memref<128x128xf32, #tpu.memory_space<hbm>>
      %dma_wait3A_96 = arith.constant 0 : i32
      %dma_wait3A_97 = tpu.memref_slice %arg5[%arg0, %add3A_80, %dma_wait3A_96] : memref<2x10240x128xf32, #tpu.memory_space<hbm>> -> memref<1x128x128xf32, #tpu.memory_space<hbm>>
      %dma_wait3A_98 = tpu.memref_squeeze %dma_wait3A_97 : memref<1x128x128xf32, #tpu.memory_space<hbm>> -> memref<128x128xf32, #tpu.memory_space<hbm>>
      tpu.wait_dma2 semaphore(%run_scoped3A : memref<!tpu.dma_semaphore, #tpu.memory_space<semaphore_mem>>) src(%arg7 : memref<128x128xf32, #tpu.memory_space<vmem>>) dst(%dma_wait3A_98 : memref<128x128xf32, #tpu.memory_space<hbm>>)
      tpu.yield
    }) : () -> ()
    %dma_wait3A_81 = arith.constant 0 : i32
    %dma_wait3A_82 = tpu.memref_slice %arg9[%mul3A_2, %dma_wait3A_81] : memref<10240x128xf32, #tpu.memory_space<vmem_shared>> -> memref<128x128xf32, #tpu.memory_space<vmem_shared>>
    %dma_wait3A_83 = arith.constant 0 : i32
    %dma_wait3A_84 = tpu.memref_slice %arg9[%mul3A_2, %dma_wait3A_83] : memref<10240x128xf32, #tpu.memory_space<vmem_shared>> -> memref<128x128xf32, #tpu.memory_space<vmem_shared>>
    tpu.wait_dma2 semaphore(%arg10 : memref<!tpu.dma_semaphore, #tpu.memory_space<semaphore_mem>>) src(%dma_wait3A_84 : memref<128x128xf32, #tpu.memory_space<vmem_shared>>) dst(%arg8 : memref<128x128xf32, #tpu.memory_space<vmem>>)
    %add3A_85 = arith.constant 512 : i32
    %add3A_86 = arith.addi %mul3A_2, %add3A_85 : i32
    "tpu.region"() ({
      %run_scoped3A = tpu.sem_alloc : memref<!tpu.dma_semaphore, #tpu.memory_space<semaphore_mem>>
      %dma_start3A_87 = arith.constant 0 : i32
      %dma_start3A_88 = tpu.memref_slice %arg5[%arg0, %add3A_86, %dma_start3A_87] : memref<2x10240x128xf32, #tpu.memory_space<hbm>> -> memref<1x128x128xf32, #tpu.memory_space<hbm>>
      %dma_start3A_89 = tpu.memref_squeeze %dma_start3A_88 : memref<1x128x128xf32, #tpu.memory_space<hbm>> -> memref<128x128xf32, #tpu.memory_space<hbm>>
      %dma_start3A_90 = arith.constant 0 : i32
      %dma_start3A_91 = tpu.memref_slice %arg5[%arg0, %add3A_86, %dma_start3A_90] : memref<2x10240x128xf32, #tpu.memory_space<hbm>> -> memref<1x128x128xf32, #tpu.memory_space<hbm>>
      %dma_start3A_92 = tpu.memref_squeeze %dma_start3A_91 : memref<1x128x128xf32, #tpu.memory_space<hbm>> -> memref<128x128xf32, #tpu.memory_space<hbm>>
      tpu.enqueue_dma source(%arg8 : memref<128x128xf32, #tpu.memory_space<vmem>>) target(%dma_start3A_92 : memref<128x128xf32, #tpu.memory_space<hbm>>) target_semaphore(%run_scoped3A : memref<!tpu.dma_semaphore, #tpu.memory_space<semaphore_mem>>)
      %dma_wait3A_93 = arith.constant 0 : i32
      %dma_wait3A_94 = tpu.memref_slice %arg5[%arg0, %add3A_86, %dma_wait3A_93] : memref<2x10240x128xf32, #tpu.memory_space<hbm>> -> memref<1x128x128xf32, #tpu.memory_space<hbm>>
      %dma_wait3A_95 = tpu.memref_squeeze %dma_wait3A_94 : memref<1x128x128xf32, #tpu.memory_space<hbm>> -> memref<128x128xf32, #tpu.memory_space<hbm>>
      %dma_wait3A_96 = arith.constant 0 : i32
      %dma_wait3A_97 = tpu.memref_slice %arg5[%arg0, %add3A_86, %dma_wait3A_96] : memref<2x10240x128xf32, #tpu.memory_space<hbm>> -> memref<1x128x128xf32, #tpu.memory_space<hbm>>
      %dma_wait3A_98 = tpu.memref_squeeze %dma_wait3A_97 : memref<1x128x128xf32, #tpu.memory_space<hbm>> -> memref<128x128xf32, #tpu.memory_space<hbm>>
      tpu.wait_dma2 semaphore(%run_scoped3A : memref<!tpu.dma_semaphore, #tpu.memory_space<semaphore_mem>>) src(%arg8 : memref<128x128xf32, #tpu.memory_space<vmem>>) dst(%dma_wait3A_98 : memref<128x128xf32, #tpu.memory_space<hbm>>)
      tpu.yield
    }) : () -> ()
    return
  }
}

#map = affine_map<(d0, d1) -> (0, 0)>
#map1 = affine_map<(d0, d1) -> (0, 0, 0)>
module attributes {stable_mosaic.version = 14 : i64} {
  func.func @_agg_kernel(%arg0: i32, %arg1: i32, %arg2: memref<10240x128xf32, #tpu.memory_space<hbm>>, %arg3: memref<32x80x128xi32, #tpu.memory_space<hbm>>, %arg4: memref<32x80x128xi32, #tpu.memory_space<hbm>>, %arg5: memref<128x128xf32, #tpu.memory_space<hbm>>, %arg6: memref<2x10240x128xf32, #tpu.memory_space<hbm>>, %arg7: memref<40x128xi32, #tpu.memory_space<vmem>>, %arg8: memref<40x128xi32, #tpu.memory_space<vmem>>, %arg9: memref<128x128xf32, #tpu.memory_space<vmem>>, %arg10: memref<128x128xf32, #tpu.memory_space<vmem>>, %arg11: memref<10240x128xf32, #tpu.memory_space<vmem_shared>>, %arg12: memref<!tpu.dma_semaphore, #tpu.memory_space<semaphore_mem>>, %arg13: memref<!tpu.dma_semaphore, #tpu.memory_space<semaphore_mem>>, %arg14: memref<!tpu.dma_semaphore, #tpu.memory_space<semaphore_mem>>, %arg15: memref<!tpu.dma_semaphore, #tpu.memory_space<semaphore_mem>>) attributes {dimension_semantics = [#tpu.dimension_semantics<core_parallel>, #tpu.dimension_semantics<subcore_parallel>], iteration_bounds = array<i64: 2, 16>, scalar_prefetch = 0 : i64, scratch_operands = 9 : i64, tpu.core_type = #tpu.core_type<sc_vector_subcore>, window_params = [{transform_indices = #map}, {transform_indices = #map1}, {transform_indices = #map1}, {transform_indices = #map}, {transform_indices = #map1}]} {
    %mul3A = arith.constant 16 : i32
    %mul3A_0 = arith.muli %arg0, %mul3A : i32
    %add3A = arith.addi %mul3A_0, %arg1 : i32
    %mul3A_1 = arith.constant 640 : i32
    %mul3A_2 = arith.muli %arg1, %mul3A_1 : i32
    %dma_start3A = arith.constant 0 : i32
    %dma_start3A_3 = arith.constant 0 : i32
    %dma_start3A_4 = tpu.memref_slice %arg3[%add3A, %dma_start3A, %dma_start3A_3] : memref<32x80x128xi32, #tpu.memory_space<hbm>> -> memref<1x40x128xi32, #tpu.memory_space<hbm>>
    %dma_start3A_5 = tpu.memref_squeeze %dma_start3A_4 : memref<1x40x128xi32, #tpu.memory_space<hbm>> -> memref<40x128xi32, #tpu.memory_space<hbm>>
    %dma_start3A_6 = arith.constant 0 : i32
    %dma_start3A_7 = arith.constant 0 : i32
    %dma_start3A_8 = tpu.memref_slice %arg3[%add3A, %dma_start3A_6, %dma_start3A_7] : memref<32x80x128xi32, #tpu.memory_space<hbm>> -> memref<1x40x128xi32, #tpu.memory_space<hbm>>
    %dma_start3A_9 = tpu.memref_squeeze %dma_start3A_8 : memref<1x40x128xi32, #tpu.memory_space<hbm>> -> memref<40x128xi32, #tpu.memory_space<hbm>>
    tpu.enqueue_dma source(%dma_start3A_9 : memref<40x128xi32, #tpu.memory_space<hbm>>) target(%arg7 : memref<40x128xi32, #tpu.memory_space<vmem>>) target_semaphore(%arg14 : memref<!tpu.dma_semaphore, #tpu.memory_space<semaphore_mem>>)
    %dma_start3A_10 = arith.constant 0 : i32
    %dma_start3A_11 = arith.constant 0 : i32
    %dma_start3A_12 = tpu.memref_slice %arg4[%add3A, %dma_start3A_10, %dma_start3A_11] : memref<32x80x128xi32, #tpu.memory_space<hbm>> -> memref<1x40x128xi32, #tpu.memory_space<hbm>>
    %dma_start3A_13 = tpu.memref_squeeze %dma_start3A_12 : memref<1x40x128xi32, #tpu.memory_space<hbm>> -> memref<40x128xi32, #tpu.memory_space<hbm>>
    %dma_start3A_14 = arith.constant 0 : i32
    %dma_start3A_15 = arith.constant 0 : i32
    %dma_start3A_16 = tpu.memref_slice %arg4[%add3A, %dma_start3A_14, %dma_start3A_15] : memref<32x80x128xi32, #tpu.memory_space<hbm>> -> memref<1x40x128xi32, #tpu.memory_space<hbm>>
    %dma_start3A_17 = tpu.memref_squeeze %dma_start3A_16 : memref<1x40x128xi32, #tpu.memory_space<hbm>> -> memref<40x128xi32, #tpu.memory_space<hbm>>
    tpu.enqueue_dma source(%dma_start3A_17 : memref<40x128xi32, #tpu.memory_space<hbm>>) target(%arg8 : memref<40x128xi32, #tpu.memory_space<vmem>>) target_semaphore(%arg15 : memref<!tpu.dma_semaphore, #tpu.memory_space<semaphore_mem>>)
    %eq3A = arith.constant 0 : i32
    %eq3A_18 = arith.cmpi eq, %arg0, %eq3A : i32
    %convert_element_type3A = arith.extui %eq3A_18 : i1 to i32
    %cond3A = arith.constant 0 : i32
    %cond3A_19 = arith.cmpi ne, %convert_element_type3A, %cond3A : i32
    scf.if %cond3A_19 {
      %dma_start3A_155 = arith.constant 0 : i32
      %dma_start3A_156 = tpu.memref_slice %arg2[%mul3A_2, %dma_start3A_155] : memref<10240x128xf32, #tpu.memory_space<hbm>> -> memref<128x128xf32, #tpu.memory_space<hbm>>
      %dma_start3A_157 = arith.constant 0 : i32
      %dma_start3A_158 = tpu.memref_slice %arg2[%mul3A_2, %dma_start3A_157] : memref<10240x128xf32, #tpu.memory_space<hbm>> -> memref<128x128xf32, #tpu.memory_space<hbm>>
      tpu.enqueue_dma source(%dma_start3A_158 : memref<128x128xf32, #tpu.memory_space<hbm>>) target(%arg9 : memref<128x128xf32, #tpu.memory_space<vmem>>) target_semaphore(%arg12 : memref<!tpu.dma_semaphore, #tpu.memory_space<semaphore_mem>>)
      %add3A_159 = arith.constant 128 : i32
      %add3A_160 = arith.addi %mul3A_2, %add3A_159 : i32
      %dma_start3A_161 = arith.constant 0 : i32
      %dma_start3A_162 = tpu.memref_slice %arg2[%add3A_160, %dma_start3A_161] : memref<10240x128xf32, #tpu.memory_space<hbm>> -> memref<128x128xf32, #tpu.memory_space<hbm>>
      %dma_start3A_163 = arith.constant 0 : i32
      %dma_start3A_164 = tpu.memref_slice %arg2[%add3A_160, %dma_start3A_163] : memref<10240x128xf32, #tpu.memory_space<hbm>> -> memref<128x128xf32, #tpu.memory_space<hbm>>
      tpu.enqueue_dma source(%dma_start3A_164 : memref<128x128xf32, #tpu.memory_space<hbm>>) target(%arg10 : memref<128x128xf32, #tpu.memory_space<vmem>>) target_semaphore(%arg13 : memref<!tpu.dma_semaphore, #tpu.memory_space<semaphore_mem>>)
      %dma_wait3A_165 = arith.constant 0 : i32
      %dma_wait3A_166 = tpu.memref_slice %arg2[%mul3A_2, %dma_wait3A_165] : memref<10240x128xf32, #tpu.memory_space<hbm>> -> memref<128x128xf32, #tpu.memory_space<hbm>>
      %dma_wait3A_167 = arith.constant 0 : i32
      %dma_wait3A_168 = tpu.memref_slice %arg2[%mul3A_2, %dma_wait3A_167] : memref<10240x128xf32, #tpu.memory_space<hbm>> -> memref<128x128xf32, #tpu.memory_space<hbm>>
      tpu.wait_dma2 semaphore(%arg12 : memref<!tpu.dma_semaphore, #tpu.memory_space<semaphore_mem>>) src(%dma_wait3A_168 : memref<128x128xf32, #tpu.memory_space<hbm>>) dst(%arg9 : memref<128x128xf32, #tpu.memory_space<vmem>>)
      %add3A_169 = arith.constant 0 : i32
      %add3A_170 = arith.addi %mul3A_2, %add3A_169 : i32
      "tpu.region"() ({
        %run_scoped3A = tpu.sem_alloc : memref<!tpu.dma_semaphore, #tpu.memory_space<semaphore_mem>>
        %dma_start3A_213 = arith.constant 0 : i32
        %dma_start3A_214 = tpu.memref_slice %arg11[%add3A_170, %dma_start3A_213] : memref<10240x128xf32, #tpu.memory_space<vmem_shared>> -> memref<128x128xf32, #tpu.memory_space<vmem_shared>>
        %dma_start3A_215 = arith.constant 0 : i32
        %dma_start3A_216 = tpu.memref_slice %arg11[%add3A_170, %dma_start3A_215] : memref<10240x128xf32, #tpu.memory_space<vmem_shared>> -> memref<128x128xf32, #tpu.memory_space<vmem_shared>>
        tpu.enqueue_dma source(%arg9 : memref<128x128xf32, #tpu.memory_space<vmem>>) target(%dma_start3A_216 : memref<128x128xf32, #tpu.memory_space<vmem_shared>>) target_semaphore(%run_scoped3A : memref<!tpu.dma_semaphore, #tpu.memory_space<semaphore_mem>>)
        %dma_wait3A_217 = arith.constant 0 : i32
        %dma_wait3A_218 = tpu.memref_slice %arg11[%add3A_170, %dma_wait3A_217] : memref<10240x128xf32, #tpu.memory_space<vmem_shared>> -> memref<128x128xf32, #tpu.memory_space<vmem_shared>>
        %dma_wait3A_219 = arith.constant 0 : i32
        %dma_wait3A_220 = tpu.memref_slice %arg11[%add3A_170, %dma_wait3A_219] : memref<10240x128xf32, #tpu.memory_space<vmem_shared>> -> memref<128x128xf32, #tpu.memory_space<vmem_shared>>
        tpu.wait_dma2 semaphore(%run_scoped3A : memref<!tpu.dma_semaphore, #tpu.memory_space<semaphore_mem>>) src(%arg9 : memref<128x128xf32, #tpu.memory_space<vmem>>) dst(%dma_wait3A_220 : memref<128x128xf32, #tpu.memory_space<vmem_shared>>)
        tpu.yield
      }) : () -> ()
      %add3A_171 = arith.constant 256 : i32
      %add3A_172 = arith.addi %mul3A_2, %add3A_171 : i32
      %dma_start3A_173 = arith.constant 0 : i32
      %dma_start3A_174 = tpu.memref_slice %arg2[%add3A_172, %dma_start3A_173] : memref<10240x128xf32, #tpu.memory_space<hbm>> -> memref<128x128xf32, #tpu.memory_space<hbm>>
      %dma_start3A_175 = arith.constant 0 : i32
      %dma_start3A_176 = tpu.memref_slice %arg2[%add3A_172, %dma_start3A_175] : memref<10240x128xf32, #tpu.memory_space<hbm>> -> memref<128x128xf32, #tpu.memory_space<hbm>>
      tpu.enqueue_dma source(%dma_start3A_176 : memref<128x128xf32, #tpu.memory_space<hbm>>) target(%arg9 : memref<128x128xf32, #tpu.memory_space<vmem>>) target_semaphore(%arg12 : memref<!tpu.dma_semaphore, #tpu.memory_space<semaphore_mem>>)
      %dma_wait3A_177 = arith.constant 0 : i32
      %dma_wait3A_178 = tpu.memref_slice %arg2[%mul3A_2, %dma_wait3A_177] : memref<10240x128xf32, #tpu.memory_space<hbm>> -> memref<128x128xf32, #tpu.memory_space<hbm>>
      %dma_wait3A_179 = arith.constant 0 : i32
      %dma_wait3A_180 = tpu.memref_slice %arg2[%mul3A_2, %dma_wait3A_179] : memref<10240x128xf32, #tpu.memory_space<hbm>> -> memref<128x128xf32, #tpu.memory_space<hbm>>
      tpu.wait_dma2 semaphore(%arg13 : memref<!tpu.dma_semaphore, #tpu.memory_space<semaphore_mem>>) src(%dma_wait3A_180 : memref<128x128xf32, #tpu.memory_space<hbm>>) dst(%arg10 : memref<128x128xf32, #tpu.memory_space<vmem>>)
      %add3A_181 = arith.constant 128 : i32
      %add3A_182 = arith.addi %mul3A_2, %add3A_181 : i32
      "tpu.region"() ({
        %run_scoped3A = tpu.sem_alloc : memref<!tpu.dma_semaphore, #tpu.memory_space<semaphore_mem>>
        %dma_start3A_213 = arith.constant 0 : i32
        %dma_start3A_214 = tpu.memref_slice %arg11[%add3A_182, %dma_start3A_213] : memref<10240x128xf32, #tpu.memory_space<vmem_shared>> -> memref<128x128xf32, #tpu.memory_space<vmem_shared>>
        %dma_start3A_215 = arith.constant 0 : i32
        %dma_start3A_216 = tpu.memref_slice %arg11[%add3A_182, %dma_start3A_215] : memref<10240x128xf32, #tpu.memory_space<vmem_shared>> -> memref<128x128xf32, #tpu.memory_space<vmem_shared>>
        tpu.enqueue_dma source(%arg10 : memref<128x128xf32, #tpu.memory_space<vmem>>) target(%dma_start3A_216 : memref<128x128xf32, #tpu.memory_space<vmem_shared>>) target_semaphore(%run_scoped3A : memref<!tpu.dma_semaphore, #tpu.memory_space<semaphore_mem>>)
        %dma_wait3A_217 = arith.constant 0 : i32
        %dma_wait3A_218 = tpu.memref_slice %arg11[%add3A_182, %dma_wait3A_217] : memref<10240x128xf32, #tpu.memory_space<vmem_shared>> -> memref<128x128xf32, #tpu.memory_space<vmem_shared>>
        %dma_wait3A_219 = arith.constant 0 : i32
        %dma_wait3A_220 = tpu.memref_slice %arg11[%add3A_182, %dma_wait3A_219] : memref<10240x128xf32, #tpu.memory_space<vmem_shared>> -> memref<128x128xf32, #tpu.memory_space<vmem_shared>>
        tpu.wait_dma2 semaphore(%run_scoped3A : memref<!tpu.dma_semaphore, #tpu.memory_space<semaphore_mem>>) src(%arg10 : memref<128x128xf32, #tpu.memory_space<vmem>>) dst(%dma_wait3A_220 : memref<128x128xf32, #tpu.memory_space<vmem_shared>>)
        tpu.yield
      }) : () -> ()
      %add3A_183 = arith.constant 384 : i32
      %add3A_184 = arith.addi %mul3A_2, %add3A_183 : i32
      %dma_start3A_185 = arith.constant 0 : i32
      %dma_start3A_186 = tpu.memref_slice %arg2[%add3A_184, %dma_start3A_185] : memref<10240x128xf32, #tpu.memory_space<hbm>> -> memref<128x128xf32, #tpu.memory_space<hbm>>
      %dma_start3A_187 = arith.constant 0 : i32
      %dma_start3A_188 = tpu.memref_slice %arg2[%add3A_184, %dma_start3A_187] : memref<10240x128xf32, #tpu.memory_space<hbm>> -> memref<128x128xf32, #tpu.memory_space<hbm>>
      tpu.enqueue_dma source(%dma_start3A_188 : memref<128x128xf32, #tpu.memory_space<hbm>>) target(%arg10 : memref<128x128xf32, #tpu.memory_space<vmem>>) target_semaphore(%arg13 : memref<!tpu.dma_semaphore, #tpu.memory_space<semaphore_mem>>)
      %dma_wait3A_189 = arith.constant 0 : i32
      %dma_wait3A_190 = tpu.memref_slice %arg2[%mul3A_2, %dma_wait3A_189] : memref<10240x128xf32, #tpu.memory_space<hbm>> -> memref<128x128xf32, #tpu.memory_space<hbm>>
      %dma_wait3A_191 = arith.constant 0 : i32
      %dma_wait3A_192 = tpu.memref_slice %arg2[%mul3A_2, %dma_wait3A_191] : memref<10240x128xf32, #tpu.memory_space<hbm>> -> memref<128x128xf32, #tpu.memory_space<hbm>>
      tpu.wait_dma2 semaphore(%arg12 : memref<!tpu.dma_semaphore, #tpu.memory_space<semaphore_mem>>) src(%dma_wait3A_192 : memref<128x128xf32, #tpu.memory_space<hbm>>) dst(%arg9 : memref<128x128xf32, #tpu.memory_space<vmem>>)
      %add3A_193 = arith.constant 256 : i32
      %add3A_194 = arith.addi %mul3A_2, %add3A_193 : i32
      "tpu.region"() ({
        %run_scoped3A = tpu.sem_alloc : memref<!tpu.dma_semaphore, #tpu.memory_space<semaphore_mem>>
        %dma_start3A_213 = arith.constant 0 : i32
        %dma_start3A_214 = tpu.memref_slice %arg11[%add3A_194, %dma_start3A_213] : memref<10240x128xf32, #tpu.memory_space<vmem_shared>> -> memref<128x128xf32, #tpu.memory_space<vmem_shared>>
        %dma_start3A_215 = arith.constant 0 : i32
        %dma_start3A_216 = tpu.memref_slice %arg11[%add3A_194, %dma_start3A_215] : memref<10240x128xf32, #tpu.memory_space<vmem_shared>> -> memref<128x128xf32, #tpu.memory_space<vmem_shared>>
        tpu.enqueue_dma source(%arg9 : memref<128x128xf32, #tpu.memory_space<vmem>>) target(%dma_start3A_216 : memref<128x128xf32, #tpu.memory_space<vmem_shared>>) target_semaphore(%run_scoped3A : memref<!tpu.dma_semaphore, #tpu.memory_space<semaphore_mem>>)
        %dma_wait3A_217 = arith.constant 0 : i32
        %dma_wait3A_218 = tpu.memref_slice %arg11[%add3A_194, %dma_wait3A_217] : memref<10240x128xf32, #tpu.memory_space<vmem_shared>> -> memref<128x128xf32, #tpu.memory_space<vmem_shared>>
        %dma_wait3A_219 = arith.constant 0 : i32
        %dma_wait3A_220 = tpu.memref_slice %arg11[%add3A_194, %dma_wait3A_219] : memref<10240x128xf32, #tpu.memory_space<vmem_shared>> -> memref<128x128xf32, #tpu.memory_space<vmem_shared>>
        tpu.wait_dma2 semaphore(%run_scoped3A : memref<!tpu.dma_semaphore, #tpu.memory_space<semaphore_mem>>) src(%arg9 : memref<128x128xf32, #tpu.memory_space<vmem>>) dst(%dma_wait3A_220 : memref<128x128xf32, #tpu.memory_space<vmem_shared>>)
        tpu.yield
      }) : () -> ()
      %add3A_195 = arith.constant 512 : i32
      %add3A_196 = arith.addi %mul3A_2, %add3A_195 : i32
      %dma_start3A_197 = arith.constant 0 : i32
      %dma_start3A_198 = tpu.memref_slice %arg2[%add3A_196, %dma_start3A_197] : memref<10240x128xf32, #tpu.memory_space<hbm>> -> memref<128x128xf32, #tpu.memory_space<hbm>>
      %dma_start3A_199 = arith.constant 0 : i32
      %dma_start3A_200 = tpu.memref_slice %arg2[%add3A_196, %dma_start3A_199] : memref<10240x128xf32, #tpu.memory_space<hbm>> -> memref<128x128xf32, #tpu.memory_space<hbm>>
      tpu.enqueue_dma source(%dma_start3A_200 : memref<128x128xf32, #tpu.memory_space<hbm>>) target(%arg9 : memref<128x128xf32, #tpu.memory_space<vmem>>) target_semaphore(%arg12 : memref<!tpu.dma_semaphore, #tpu.memory_space<semaphore_mem>>)
      %dma_wait3A_201 = arith.constant 0 : i32
      %dma_wait3A_202 = tpu.memref_slice %arg2[%mul3A_2, %dma_wait3A_201] : memref<10240x128xf32, #tpu.memory_space<hbm>> -> memref<128x128xf32, #tpu.memory_space<hbm>>
      %dma_wait3A_203 = arith.constant 0 : i32
      %dma_wait3A_204 = tpu.memref_slice %arg2[%mul3A_2, %dma_wait3A_203] : memref<10240x128xf32, #tpu.memory_space<hbm>> -> memref<128x128xf32, #tpu.memory_space<hbm>>
      tpu.wait_dma2 semaphore(%arg13 : memref<!tpu.dma_semaphore, #tpu.memory_space<semaphore_mem>>) src(%dma_wait3A_204 : memref<128x128xf32, #tpu.memory_space<hbm>>) dst(%arg10 : memref<128x128xf32, #tpu.memory_space<vmem>>)
      %add3A_205 = arith.constant 384 : i32
      %add3A_206 = arith.addi %mul3A_2, %add3A_205 : i32
      "tpu.region"() ({
        %run_scoped3A = tpu.sem_alloc : memref<!tpu.dma_semaphore, #tpu.memory_space<semaphore_mem>>
        %dma_start3A_213 = arith.constant 0 : i32
        %dma_start3A_214 = tpu.memref_slice %arg11[%add3A_206, %dma_start3A_213] : memref<10240x128xf32, #tpu.memory_space<vmem_shared>> -> memref<128x128xf32, #tpu.memory_space<vmem_shared>>
        %dma_start3A_215 = arith.constant 0 : i32
        %dma_start3A_216 = tpu.memref_slice %arg11[%add3A_206, %dma_start3A_215] : memref<10240x128xf32, #tpu.memory_space<vmem_shared>> -> memref<128x128xf32, #tpu.memory_space<vmem_shared>>
        tpu.enqueue_dma source(%arg10 : memref<128x128xf32, #tpu.memory_space<vmem>>) target(%dma_start3A_216 : memref<128x128xf32, #tpu.memory_space<vmem_shared>>) target_semaphore(%run_scoped3A : memref<!tpu.dma_semaphore, #tpu.memory_space<semaphore_mem>>)
        %dma_wait3A_217 = arith.constant 0 : i32
        %dma_wait3A_218 = tpu.memref_slice %arg11[%add3A_206, %dma_wait3A_217] : memref<10240x128xf32, #tpu.memory_space<vmem_shared>> -> memref<128x128xf32, #tpu.memory_space<vmem_shared>>
        %dma_wait3A_219 = arith.constant 0 : i32
        %dma_wait3A_220 = tpu.memref_slice %arg11[%add3A_206, %dma_wait3A_219] : memref<10240x128xf32, #tpu.memory_space<vmem_shared>> -> memref<128x128xf32, #tpu.memory_space<vmem_shared>>
        tpu.wait_dma2 semaphore(%run_scoped3A : memref<!tpu.dma_semaphore, #tpu.memory_space<semaphore_mem>>) src(%arg10 : memref<128x128xf32, #tpu.memory_space<vmem>>) dst(%dma_wait3A_220 : memref<128x128xf32, #tpu.memory_space<vmem_shared>>)
        tpu.yield
      }) : () -> ()
      %dma_wait3A_207 = arith.constant 0 : i32
      %dma_wait3A_208 = tpu.memref_slice %arg2[%mul3A_2, %dma_wait3A_207] : memref<10240x128xf32, #tpu.memory_space<hbm>> -> memref<128x128xf32, #tpu.memory_space<hbm>>
      %dma_wait3A_209 = arith.constant 0 : i32
      %dma_wait3A_210 = tpu.memref_slice %arg2[%mul3A_2, %dma_wait3A_209] : memref<10240x128xf32, #tpu.memory_space<hbm>> -> memref<128x128xf32, #tpu.memory_space<hbm>>
      tpu.wait_dma2 semaphore(%arg12 : memref<!tpu.dma_semaphore, #tpu.memory_space<semaphore_mem>>) src(%dma_wait3A_210 : memref<128x128xf32, #tpu.memory_space<hbm>>) dst(%arg9 : memref<128x128xf32, #tpu.memory_space<vmem>>)
      %add3A_211 = arith.constant 512 : i32
      %add3A_212 = arith.addi %mul3A_2, %add3A_211 : i32
      "tpu.region"() ({
        %run_scoped3A = tpu.sem_alloc : memref<!tpu.dma_semaphore, #tpu.memory_space<semaphore_mem>>
        %dma_start3A_213 = arith.constant 0 : i32
        %dma_start3A_214 = tpu.memref_slice %arg11[%add3A_212, %dma_start3A_213] : memref<10240x128xf32, #tpu.memory_space<vmem_shared>> -> memref<128x128xf32, #tpu.memory_space<vmem_shared>>
        %dma_start3A_215 = arith.constant 0 : i32
        %dma_start3A_216 = tpu.memref_slice %arg11[%add3A_212, %dma_start3A_215] : memref<10240x128xf32, #tpu.memory_space<vmem_shared>> -> memref<128x128xf32, #tpu.memory_space<vmem_shared>>
        tpu.enqueue_dma source(%arg9 : memref<128x128xf32, #tpu.memory_space<vmem>>) target(%dma_start3A_216 : memref<128x128xf32, #tpu.memory_space<vmem_shared>>) target_semaphore(%run_scoped3A : memref<!tpu.dma_semaphore, #tpu.memory_space<semaphore_mem>>)
        %dma_wait3A_217 = arith.constant 0 : i32
        %dma_wait3A_218 = tpu.memref_slice %arg11[%add3A_212, %dma_wait3A_217] : memref<10240x128xf32, #tpu.memory_space<vmem_shared>> -> memref<128x128xf32, #tpu.memory_space<vmem_shared>>
        %dma_wait3A_219 = arith.constant 0 : i32
        %dma_wait3A_220 = tpu.memref_slice %arg11[%add3A_212, %dma_wait3A_219] : memref<10240x128xf32, #tpu.memory_space<vmem_shared>> -> memref<128x128xf32, #tpu.memory_space<vmem_shared>>
        tpu.wait_dma2 semaphore(%run_scoped3A : memref<!tpu.dma_semaphore, #tpu.memory_space<semaphore_mem>>) src(%arg9 : memref<128x128xf32, #tpu.memory_space<vmem>>) dst(%dma_wait3A_220 : memref<128x128xf32, #tpu.memory_space<vmem_shared>>)
        tpu.yield
      }) : () -> ()
    } else {
    }
    %ne3A = arith.constant 0 : i32
    %ne3A_20 = arith.cmpi ne, %arg0, %ne3A : i32
    %convert_element_type3A_21 = arith.extui %ne3A_20 : i1 to i32
    %cond3A_22 = arith.constant 0 : i32
    %cond3A_23 = arith.cmpi ne, %convert_element_type3A_21, %cond3A_22 : i32
    scf.if %cond3A_23 {
      "tpu.region"() ({
        %run_scoped3A = tpu.sem_alloc : memref<!tpu.dma_semaphore, #tpu.memory_space<semaphore_mem>>
        tpu.enqueue_dma source(%arg5 : memref<128x128xf32, #tpu.memory_space<hbm>>) target(%arg9 : memref<128x128xf32, #tpu.memory_space<vmem>>) target_semaphore(%run_scoped3A : memref<!tpu.dma_semaphore, #tpu.memory_space<semaphore_mem>>)
        tpu.wait_dma2 semaphore(%run_scoped3A : memref<!tpu.dma_semaphore, #tpu.memory_space<semaphore_mem>>) src(%arg5 : memref<128x128xf32, #tpu.memory_space<hbm>>) dst(%arg9 : memref<128x128xf32, #tpu.memory_space<vmem>>)
        tpu.yield
      }) : () -> ()
      %add3A_155 = arith.constant 0 : i32
      %add3A_156 = arith.addi %mul3A_2, %add3A_155 : i32
      %dma_start3A_157 = arith.constant 0 : i32
      %dma_start3A_158 = tpu.memref_slice %arg11[%add3A_156, %dma_start3A_157] : memref<10240x128xf32, #tpu.memory_space<vmem_shared>> -> memref<128x128xf32, #tpu.memory_space<vmem_shared>>
      %dma_start3A_159 = arith.constant 0 : i32
      %dma_start3A_160 = tpu.memref_slice %arg11[%add3A_156, %dma_start3A_159] : memref<10240x128xf32, #tpu.memory_space<vmem_shared>> -> memref<128x128xf32, #tpu.memory_space<vmem_shared>>
      tpu.enqueue_dma source(%arg9 : memref<128x128xf32, #tpu.memory_space<vmem>>) target(%dma_start3A_160 : memref<128x128xf32, #tpu.memory_space<vmem_shared>>) target_semaphore(%arg12 : memref<!tpu.dma_semaphore, #tpu.memory_space<semaphore_mem>>)
      %add3A_161 = arith.constant 128 : i32
      %add3A_162 = arith.addi %mul3A_2, %add3A_161 : i32
      %dma_start3A_163 = arith.constant 0 : i32
      %dma_start3A_164 = tpu.memref_slice %arg11[%add3A_162, %dma_start3A_163] : memref<10240x128xf32, #tpu.memory_space<vmem_shared>> -> memref<128x128xf32, #tpu.memory_space<vmem_shared>>
      %dma_start3A_165 = arith.constant 0 : i32
      %dma_start3A_166 = tpu.memref_slice %arg11[%add3A_162, %dma_start3A_165] : memref<10240x128xf32, #tpu.memory_space<vmem_shared>> -> memref<128x128xf32, #tpu.memory_space<vmem_shared>>
      tpu.enqueue_dma source(%arg9 : memref<128x128xf32, #tpu.memory_space<vmem>>) target(%dma_start3A_166 : memref<128x128xf32, #tpu.memory_space<vmem_shared>>) target_semaphore(%arg12 : memref<!tpu.dma_semaphore, #tpu.memory_space<semaphore_mem>>)
      %add3A_167 = arith.constant 256 : i32
      %add3A_168 = arith.addi %mul3A_2, %add3A_167 : i32
      %dma_start3A_169 = arith.constant 0 : i32
      %dma_start3A_170 = tpu.memref_slice %arg11[%add3A_168, %dma_start3A_169] : memref<10240x128xf32, #tpu.memory_space<vmem_shared>> -> memref<128x128xf32, #tpu.memory_space<vmem_shared>>
      %dma_start3A_171 = arith.constant 0 : i32
      %dma_start3A_172 = tpu.memref_slice %arg11[%add3A_168, %dma_start3A_171] : memref<10240x128xf32, #tpu.memory_space<vmem_shared>> -> memref<128x128xf32, #tpu.memory_space<vmem_shared>>
      tpu.enqueue_dma source(%arg9 : memref<128x128xf32, #tpu.memory_space<vmem>>) target(%dma_start3A_172 : memref<128x128xf32, #tpu.memory_space<vmem_shared>>) target_semaphore(%arg12 : memref<!tpu.dma_semaphore, #tpu.memory_space<semaphore_mem>>)
      %add3A_173 = arith.constant 384 : i32
      %add3A_174 = arith.addi %mul3A_2, %add3A_173 : i32
      %dma_start3A_175 = arith.constant 0 : i32
      %dma_start3A_176 = tpu.memref_slice %arg11[%add3A_174, %dma_start3A_175] : memref<10240x128xf32, #tpu.memory_space<vmem_shared>> -> memref<128x128xf32, #tpu.memory_space<vmem_shared>>
      %dma_start3A_177 = arith.constant 0 : i32
      %dma_start3A_178 = tpu.memref_slice %arg11[%add3A_174, %dma_start3A_177] : memref<10240x128xf32, #tpu.memory_space<vmem_shared>> -> memref<128x128xf32, #tpu.memory_space<vmem_shared>>
      tpu.enqueue_dma source(%arg9 : memref<128x128xf32, #tpu.memory_space<vmem>>) target(%dma_start3A_178 : memref<128x128xf32, #tpu.memory_space<vmem_shared>>) target_semaphore(%arg12 : memref<!tpu.dma_semaphore, #tpu.memory_space<semaphore_mem>>)
      %add3A_179 = arith.constant 512 : i32
      %add3A_180 = arith.addi %mul3A_2, %add3A_179 : i32
      %dma_start3A_181 = arith.constant 0 : i32
      %dma_start3A_182 = tpu.memref_slice %arg11[%add3A_180, %dma_start3A_181] : memref<10240x128xf32, #tpu.memory_space<vmem_shared>> -> memref<128x128xf32, #tpu.memory_space<vmem_shared>>
      %dma_start3A_183 = arith.constant 0 : i32
      %dma_start3A_184 = tpu.memref_slice %arg11[%add3A_180, %dma_start3A_183] : memref<10240x128xf32, #tpu.memory_space<vmem_shared>> -> memref<128x128xf32, #tpu.memory_space<vmem_shared>>
      tpu.enqueue_dma source(%arg9 : memref<128x128xf32, #tpu.memory_space<vmem>>) target(%dma_start3A_184 : memref<128x128xf32, #tpu.memory_space<vmem_shared>>) target_semaphore(%arg12 : memref<!tpu.dma_semaphore, #tpu.memory_space<semaphore_mem>>)
      %add3A_185 = arith.constant 0 : i32
      %add3A_186 = arith.addi %mul3A_2, %add3A_185 : i32
      %dma_wait3A_187 = arith.constant 0 : i32
      %dma_wait3A_188 = tpu.memref_slice %arg11[%add3A_186, %dma_wait3A_187] : memref<10240x128xf32, #tpu.memory_space<vmem_shared>> -> memref<128x128xf32, #tpu.memory_space<vmem_shared>>
      %dma_wait3A_189 = arith.constant 0 : i32
      %dma_wait3A_190 = tpu.memref_slice %arg11[%add3A_186, %dma_wait3A_189] : memref<10240x128xf32, #tpu.memory_space<vmem_shared>> -> memref<128x128xf32, #tpu.memory_space<vmem_shared>>
      tpu.wait_dma2 semaphore(%arg12 : memref<!tpu.dma_semaphore, #tpu.memory_space<semaphore_mem>>) src(%arg9 : memref<128x128xf32, #tpu.memory_space<vmem>>) dst(%dma_wait3A_190 : memref<128x128xf32, #tpu.memory_space<vmem_shared>>)
      %add3A_191 = arith.constant 128 : i32
      %add3A_192 = arith.addi %mul3A_2, %add3A_191 : i32
      %dma_wait3A_193 = arith.constant 0 : i32
      %dma_wait3A_194 = tpu.memref_slice %arg11[%add3A_192, %dma_wait3A_193] : memref<10240x128xf32, #tpu.memory_space<vmem_shared>> -> memref<128x128xf32, #tpu.memory_space<vmem_shared>>
      %dma_wait3A_195 = arith.constant 0 : i32
      %dma_wait3A_196 = tpu.memref_slice %arg11[%add3A_192, %dma_wait3A_195] : memref<10240x128xf32, #tpu.memory_space<vmem_shared>> -> memref<128x128xf32, #tpu.memory_space<vmem_shared>>
      tpu.wait_dma2 semaphore(%arg12 : memref<!tpu.dma_semaphore, #tpu.memory_space<semaphore_mem>>) src(%arg9 : memref<128x128xf32, #tpu.memory_space<vmem>>) dst(%dma_wait3A_196 : memref<128x128xf32, #tpu.memory_space<vmem_shared>>)
      %add3A_197 = arith.constant 256 : i32
      %add3A_198 = arith.addi %mul3A_2, %add3A_197 : i32
      %dma_wait3A_199 = arith.constant 0 : i32
      %dma_wait3A_200 = tpu.memref_slice %arg11[%add3A_198, %dma_wait3A_199] : memref<10240x128xf32, #tpu.memory_space<vmem_shared>> -> memref<128x128xf32, #tpu.memory_space<vmem_shared>>
      %dma_wait3A_201 = arith.constant 0 : i32
      %dma_wait3A_202 = tpu.memref_slice %arg11[%add3A_198, %dma_wait3A_201] : memref<10240x128xf32, #tpu.memory_space<vmem_shared>> -> memref<128x128xf32, #tpu.memory_space<vmem_shared>>
      tpu.wait_dma2 semaphore(%arg12 : memref<!tpu.dma_semaphore, #tpu.memory_space<semaphore_mem>>) src(%arg9 : memref<128x128xf32, #tpu.memory_space<vmem>>) dst(%dma_wait3A_202 : memref<128x128xf32, #tpu.memory_space<vmem_shared>>)
      %add3A_203 = arith.constant 384 : i32
      %add3A_204 = arith.addi %mul3A_2, %add3A_203 : i32
      %dma_wait3A_205 = arith.constant 0 : i32
      %dma_wait3A_206 = tpu.memref_slice %arg11[%add3A_204, %dma_wait3A_205] : memref<10240x128xf32, #tpu.memory_space<vmem_shared>> -> memref<128x128xf32, #tpu.memory_space<vmem_shared>>
      %dma_wait3A_207 = arith.constant 0 : i32
      %dma_wait3A_208 = tpu.memref_slice %arg11[%add3A_204, %dma_wait3A_207] : memref<10240x128xf32, #tpu.memory_space<vmem_shared>> -> memref<128x128xf32, #tpu.memory_space<vmem_shared>>
      tpu.wait_dma2 semaphore(%arg12 : memref<!tpu.dma_semaphore, #tpu.memory_space<semaphore_mem>>) src(%arg9 : memref<128x128xf32, #tpu.memory_space<vmem>>) dst(%dma_wait3A_208 : memref<128x128xf32, #tpu.memory_space<vmem_shared>>)
      %add3A_209 = arith.constant 512 : i32
      %add3A_210 = arith.addi %mul3A_2, %add3A_209 : i32
      %dma_wait3A_211 = arith.constant 0 : i32
      %dma_wait3A_212 = tpu.memref_slice %arg11[%add3A_210, %dma_wait3A_211] : memref<10240x128xf32, #tpu.memory_space<vmem_shared>> -> memref<128x128xf32, #tpu.memory_space<vmem_shared>>
      %dma_wait3A_213 = arith.constant 0 : i32
      %dma_wait3A_214 = tpu.memref_slice %arg11[%add3A_210, %dma_wait3A_213] : memref<10240x128xf32, #tpu.memory_space<vmem_shared>> -> memref<128x128xf32, #tpu.memory_space<vmem_shared>>
      tpu.wait_dma2 semaphore(%arg12 : memref<!tpu.dma_semaphore, #tpu.memory_space<semaphore_mem>>) src(%arg9 : memref<128x128xf32, #tpu.memory_space<vmem>>) dst(%dma_wait3A_214 : memref<128x128xf32, #tpu.memory_space<vmem_shared>>)
    } else {
    }
    %barrier3A = arith.constant 0 : index
    tpu.barrier barrier_id(%barrier3A)
    %dma_wait3A = arith.constant 0 : i32
    %dma_wait3A_24 = arith.constant 0 : i32
    %dma_wait3A_25 = tpu.memref_slice %arg3[%add3A, %dma_wait3A, %dma_wait3A_24] : memref<32x80x128xi32, #tpu.memory_space<hbm>> -> memref<1x40x128xi32, #tpu.memory_space<hbm>>
    %dma_wait3A_26 = tpu.memref_squeeze %dma_wait3A_25 : memref<1x40x128xi32, #tpu.memory_space<hbm>> -> memref<40x128xi32, #tpu.memory_space<hbm>>
    %dma_wait3A_27 = arith.constant 0 : i32
    %dma_wait3A_28 = arith.constant 0 : i32
    %dma_wait3A_29 = tpu.memref_slice %arg3[%add3A, %dma_wait3A_27, %dma_wait3A_28] : memref<32x80x128xi32, #tpu.memory_space<hbm>> -> memref<1x40x128xi32, #tpu.memory_space<hbm>>
    %dma_wait3A_30 = tpu.memref_squeeze %dma_wait3A_29 : memref<1x40x128xi32, #tpu.memory_space<hbm>> -> memref<40x128xi32, #tpu.memory_space<hbm>>
    tpu.wait_dma2 semaphore(%arg14 : memref<!tpu.dma_semaphore, #tpu.memory_space<semaphore_mem>>) src(%dma_wait3A_30 : memref<40x128xi32, #tpu.memory_space<hbm>>) dst(%arg7 : memref<40x128xi32, #tpu.memory_space<vmem>>)
    %dma_wait3A_31 = arith.constant 0 : i32
    %dma_wait3A_32 = arith.constant 0 : i32
    %dma_wait3A_33 = tpu.memref_slice %arg4[%add3A, %dma_wait3A_31, %dma_wait3A_32] : memref<32x80x128xi32, #tpu.memory_space<hbm>> -> memref<1x40x128xi32, #tpu.memory_space<hbm>>
    %dma_wait3A_34 = tpu.memref_squeeze %dma_wait3A_33 : memref<1x40x128xi32, #tpu.memory_space<hbm>> -> memref<40x128xi32, #tpu.memory_space<hbm>>
    %dma_wait3A_35 = arith.constant 0 : i32
    %dma_wait3A_36 = arith.constant 0 : i32
    %dma_wait3A_37 = tpu.memref_slice %arg4[%add3A, %dma_wait3A_35, %dma_wait3A_36] : memref<32x80x128xi32, #tpu.memory_space<hbm>> -> memref<1x40x128xi32, #tpu.memory_space<hbm>>
    %dma_wait3A_38 = tpu.memref_squeeze %dma_wait3A_37 : memref<1x40x128xi32, #tpu.memory_space<hbm>> -> memref<40x128xi32, #tpu.memory_space<hbm>>
    tpu.wait_dma2 semaphore(%arg15 : memref<!tpu.dma_semaphore, #tpu.memory_space<semaphore_mem>>) src(%dma_wait3A_38 : memref<40x128xi32, #tpu.memory_space<hbm>>) dst(%arg8 : memref<40x128xi32, #tpu.memory_space<vmem>>)
    %dma_start3A_39 = arith.constant 0 : i32
    %dma_start3A_40 = arith.constant 0 : i32
    %dma_start3A_41 = tpu.memref_slice %arg7[%dma_start3A_39, %dma_start3A_40] : memref<40x128xi32, #tpu.memory_space<vmem>> -> memref<1x128xi32, #tpu.memory_space<vmem>>
    %dma_start3A_42 = tpu.memref_squeeze %dma_start3A_41 : memref<1x128xi32, #tpu.memory_space<vmem>> -> memref<128xi32, #tpu.memory_space<vmem>>
    %dma_start3A_43 = arith.constant 0 : i32
    %dma_start3A_44 = arith.constant 0 : i32
    %dma_start3A_45 = tpu.memref_slice %arg2[%dma_start3A_43, %dma_start3A_44] : memref<10240x128xf32, #tpu.memory_space<hbm>> -> memref<10240x128xf32, #tpu.memory_space<hbm>>
    tpu.enqueue_indirect_dma source(%dma_start3A_45 : memref<10240x128xf32, #tpu.memory_space<hbm>>) target(%arg9 : memref<128x128xf32, #tpu.memory_space<vmem>>) offsets(%dma_start3A_42 : memref<128xi32, #tpu.memory_space<vmem>>) semaphore(%arg12 : memref<!tpu.dma_semaphore, #tpu.memory_space<semaphore_mem>>)
    %scan3A = arith.constant 0 : i32
    %scan3A_46 = arith.constant 0 : i32
    %scan3A_47 = arith.constant 20 : i32
    %scan3A_48 = arith.addi %scan3A_46, %scan3A_47 : i32
    %scan3A_49 = arith.constant 1 : i32
    scf.for %scan3A_155 = %scan3A_46 to %scan3A_48 step %scan3A_49  : i32 {
      %mul3A_156 = arith.constant 2 : i32
      %mul3A_157 = arith.muli %mul3A_156, %scan3A_155 : i32
      %add3A_158 = arith.constant 1 : i32
      %add3A_159 = arith.addi %mul3A_157, %add3A_158 : i32
      %dma_start3A_160 = arith.constant 0 : i32
      %dma_start3A_161 = tpu.memref_slice %arg7[%add3A_159, %dma_start3A_160] : memref<40x128xi32, #tpu.memory_space<vmem>> -> memref<1x128xi32, #tpu.memory_space<vmem>>
      %dma_start3A_162 = tpu.memref_squeeze %dma_start3A_161 : memref<1x128xi32, #tpu.memory_space<vmem>> -> memref<128xi32, #tpu.memory_space<vmem>>
      %dma_start3A_163 = arith.constant 0 : i32
      %dma_start3A_164 = arith.constant 0 : i32
      %dma_start3A_165 = tpu.memref_slice %arg2[%dma_start3A_163, %dma_start3A_164] : memref<10240x128xf32, #tpu.memory_space<hbm>> -> memref<10240x128xf32, #tpu.memory_space<hbm>>
      tpu.enqueue_indirect_dma source(%dma_start3A_165 : memref<10240x128xf32, #tpu.memory_space<hbm>>) target(%arg10 : memref<128x128xf32, #tpu.memory_space<vmem>>) offsets(%dma_start3A_162 : memref<128xi32, #tpu.memory_space<vmem>>) semaphore(%arg13 : memref<!tpu.dma_semaphore, #tpu.memory_space<semaphore_mem>>)
      %dma_wait3A_166 = arith.constant 0 : i32
      %dma_wait3A_167 = arith.constant 0 : i32
      %dma_wait3A_168 = tpu.memref_slice %arg7[%dma_wait3A_166, %dma_wait3A_167] : memref<40x128xi32, #tpu.memory_space<vmem>> -> memref<1x128xi32, #tpu.memory_space<vmem>>
      %dma_wait3A_169 = tpu.memref_squeeze %dma_wait3A_168 : memref<1x128xi32, #tpu.memory_space<vmem>> -> memref<128xi32, #tpu.memory_space<vmem>>
      %dma_wait3A_170 = arith.constant 0 : i32
      %dma_wait3A_171 = arith.constant 0 : i32
      %dma_wait3A_172 = tpu.memref_slice %arg2[%dma_wait3A_170, %dma_wait3A_171] : memref<10240x128xf32, #tpu.memory_space<hbm>> -> memref<10240x128xf32, #tpu.memory_space<hbm>>
      tpu.wait_indirect_dma semaphore(%arg12 : memref<!tpu.dma_semaphore, #tpu.memory_space<semaphore_mem>>) src(%dma_wait3A_172 : memref<10240x128xf32, #tpu.memory_space<hbm>>) dst(%arg9 : memref<128x128xf32, #tpu.memory_space<vmem>>)
      "tpu.region"() ({
        %run_scoped3A = tpu.sem_alloc : memref<!tpu.dma_semaphore, #tpu.memory_space<semaphore_mem>>
        %dma_start3A_188 = arith.constant 0 : i32
        %dma_start3A_189 = tpu.memref_slice %arg8[%mul3A_157, %dma_start3A_188] : memref<40x128xi32, #tpu.memory_space<vmem>> -> memref<1x128xi32, #tpu.memory_space<vmem>>
        %dma_start3A_190 = tpu.memref_squeeze %dma_start3A_189 : memref<1x128xi32, #tpu.memory_space<vmem>> -> memref<128xi32, #tpu.memory_space<vmem>>
        %dma_start3A_191 = arith.constant 0 : i32
        %dma_start3A_192 = arith.constant 0 : i32
        %dma_start3A_193 = tpu.memref_slice %arg11[%dma_start3A_191, %dma_start3A_192] : memref<10240x128xf32, #tpu.memory_space<vmem_shared>> -> memref<10240x128xf32, #tpu.memory_space<vmem_shared>>
        tpu.enqueue_indirect_dma source(%arg9 : memref<128x128xf32, #tpu.memory_space<vmem>>) target(%dma_start3A_193 : memref<10240x128xf32, #tpu.memory_space<vmem_shared>>) offsets(%dma_start3A_190 : memref<128xi32, #tpu.memory_space<vmem>>) semaphore(%run_scoped3A : memref<!tpu.dma_semaphore, #tpu.memory_space<semaphore_mem>>) {add = true}
        %dma_wait3A_194 = arith.constant 0 : i32
        %dma_wait3A_195 = tpu.memref_slice %arg8[%mul3A_157, %dma_wait3A_194] : memref<40x128xi32, #tpu.memory_space<vmem>> -> memref<1x128xi32, #tpu.memory_space<vmem>>
        %dma_wait3A_196 = tpu.memref_squeeze %dma_wait3A_195 : memref<1x128xi32, #tpu.memory_space<vmem>> -> memref<128xi32, #tpu.memory_space<vmem>>
        %dma_wait3A_197 = arith.constant 0 : i32
        %dma_wait3A_198 = arith.constant 0 : i32
        %dma_wait3A_199 = tpu.memref_slice %arg11[%dma_wait3A_197, %dma_wait3A_198] : memref<10240x128xf32, #tpu.memory_space<vmem_shared>> -> memref<10240x128xf32, #tpu.memory_space<vmem_shared>>
        tpu.wait_indirect_dma semaphore(%run_scoped3A : memref<!tpu.dma_semaphore, #tpu.memory_space<semaphore_mem>>) src(%arg9 : memref<128x128xf32, #tpu.memory_space<vmem>>) dst(%dma_wait3A_199 : memref<10240x128xf32, #tpu.memory_space<vmem_shared>>)
        tpu.yield
      }) : () -> ()
      %add3A_173 = arith.constant 2 : i32
      %add3A_174 = arith.addi %mul3A_157, %add3A_173 : i32
      %lt3A = arith.constant 40 : i32
      %lt3A_175 = arith.cmpi slt, %add3A_174, %lt3A : i32
      %convert_element_type3A_176 = arith.extui %lt3A_175 : i1 to i32
      %cond3A_177 = arith.constant 0 : i32
      %cond3A_178 = arith.cmpi ne, %convert_element_type3A_176, %cond3A_177 : i32
      scf.if %cond3A_178 {
        %add3A_188 = arith.constant 2 : i32
        %add3A_189 = arith.addi %mul3A_157, %add3A_188 : i32
        %dma_start3A_190 = arith.constant 0 : i32
        %dma_start3A_191 = tpu.memref_slice %arg7[%add3A_189, %dma_start3A_190] : memref<40x128xi32, #tpu.memory_space<vmem>> -> memref<1x128xi32, #tpu.memory_space<vmem>>
        %dma_start3A_192 = tpu.memref_squeeze %dma_start3A_191 : memref<1x128xi32, #tpu.memory_space<vmem>> -> memref<128xi32, #tpu.memory_space<vmem>>
        %dma_start3A_193 = arith.constant 0 : i32
        %dma_start3A_194 = arith.constant 0 : i32
        %dma_start3A_195 = tpu.memref_slice %arg2[%dma_start3A_193, %dma_start3A_194] : memref<10240x128xf32, #tpu.memory_space<hbm>> -> memref<10240x128xf32, #tpu.memory_space<hbm>>
        tpu.enqueue_indirect_dma source(%dma_start3A_195 : memref<10240x128xf32, #tpu.memory_space<hbm>>) target(%arg9 : memref<128x128xf32, #tpu.memory_space<vmem>>) offsets(%dma_start3A_192 : memref<128xi32, #tpu.memory_space<vmem>>) semaphore(%arg12 : memref<!tpu.dma_semaphore, #tpu.memory_space<semaphore_mem>>)
      } else {
      }
      %dma_wait3A_179 = arith.constant 0 : i32
      %dma_wait3A_180 = arith.constant 0 : i32
      %dma_wait3A_181 = tpu.memref_slice %arg7[%dma_wait3A_179, %dma_wait3A_180] : memref<40x128xi32, #tpu.memory_space<vmem>> -> memref<1x128xi32, #tpu.memory_space<vmem>>
      %dma_wait3A_182 = tpu.memref_squeeze %dma_wait3A_181 : memref<1x128xi32, #tpu.memory_space<vmem>> -> memref<128xi32, #tpu.memory_space<vmem>>
      %dma_wait3A_183 = arith.constant 0 : i32
      %dma_wait3A_184 = arith.constant 0 : i32
      %dma_wait3A_185 = tpu.memref_slice %arg2[%dma_wait3A_183, %dma_wait3A_184] : memref<10240x128xf32, #tpu.memory_space<hbm>> -> memref<10240x128xf32, #tpu.memory_space<hbm>>
      tpu.wait_indirect_dma semaphore(%arg13 : memref<!tpu.dma_semaphore, #tpu.memory_space<semaphore_mem>>) src(%dma_wait3A_185 : memref<10240x128xf32, #tpu.memory_space<hbm>>) dst(%arg10 : memref<128x128xf32, #tpu.memory_space<vmem>>)
      %add3A_186 = arith.constant 1 : i32
      %add3A_187 = arith.addi %mul3A_157, %add3A_186 : i32
      "tpu.region"() ({
        %run_scoped3A = tpu.sem_alloc : memref<!tpu.dma_semaphore, #tpu.memory_space<semaphore_mem>>
        %dma_start3A_188 = arith.constant 0 : i32
        %dma_start3A_189 = tpu.memref_slice %arg8[%add3A_187, %dma_start3A_188] : memref<40x128xi32, #tpu.memory_space<vmem>> -> memref<1x128xi32, #tpu.memory_space<vmem>>
        %dma_start3A_190 = tpu.memref_squeeze %dma_start3A_189 : memref<1x128xi32, #tpu.memory_space<vmem>> -> memref<128xi32, #tpu.memory_space<vmem>>
        %dma_start3A_191 = arith.constant 0 : i32
        %dma_start3A_192 = arith.constant 0 : i32
        %dma_start3A_193 = tpu.memref_slice %arg11[%dma_start3A_191, %dma_start3A_192] : memref<10240x128xf32, #tpu.memory_space<vmem_shared>> -> memref<10240x128xf32, #tpu.memory_space<vmem_shared>>
        tpu.enqueue_indirect_dma source(%arg10 : memref<128x128xf32, #tpu.memory_space<vmem>>) target(%dma_start3A_193 : memref<10240x128xf32, #tpu.memory_space<vmem_shared>>) offsets(%dma_start3A_190 : memref<128xi32, #tpu.memory_space<vmem>>) semaphore(%run_scoped3A : memref<!tpu.dma_semaphore, #tpu.memory_space<semaphore_mem>>) {add = true}
        %dma_wait3A_194 = arith.constant 0 : i32
        %dma_wait3A_195 = tpu.memref_slice %arg8[%add3A_187, %dma_wait3A_194] : memref<40x128xi32, #tpu.memory_space<vmem>> -> memref<1x128xi32, #tpu.memory_space<vmem>>
        %dma_wait3A_196 = tpu.memref_squeeze %dma_wait3A_195 : memref<1x128xi32, #tpu.memory_space<vmem>> -> memref<128xi32, #tpu.memory_space<vmem>>
        %dma_wait3A_197 = arith.constant 0 : i32
        %dma_wait3A_198 = arith.constant 0 : i32
        %dma_wait3A_199 = tpu.memref_slice %arg11[%dma_wait3A_197, %dma_wait3A_198] : memref<10240x128xf32, #tpu.memory_space<vmem_shared>> -> memref<10240x128xf32, #tpu.memory_space<vmem_shared>>
        tpu.wait_indirect_dma semaphore(%run_scoped3A : memref<!tpu.dma_semaphore, #tpu.memory_space<semaphore_mem>>) src(%arg10 : memref<128x128xf32, #tpu.memory_space<vmem>>) dst(%dma_wait3A_199 : memref<10240x128xf32, #tpu.memory_space<vmem_shared>>)
        tpu.yield
      }) : () -> ()
    }
    %scan3A_50 = arith.constant 20 : i32
    %dma_start3A_51 = arith.constant 40 : i32
    %dma_start3A_52 = arith.constant 0 : i32
    %dma_start3A_53 = tpu.memref_slice %arg3[%add3A, %dma_start3A_51, %dma_start3A_52] : memref<32x80x128xi32, #tpu.memory_space<hbm>> -> memref<1x40x128xi32, #tpu.memory_space<hbm>>
    %dma_start3A_54 = tpu.memref_squeeze %dma_start3A_53 : memref<1x40x128xi32, #tpu.memory_space<hbm>> -> memref<40x128xi32, #tpu.memory_space<hbm>>
    %dma_start3A_55 = arith.constant 40 : i32
    %dma_start3A_56 = arith.constant 0 : i32
    %dma_start3A_57 = tpu.memref_slice %arg3[%add3A, %dma_start3A_55, %dma_start3A_56] : memref<32x80x128xi32, #tpu.memory_space<hbm>> -> memref<1x40x128xi32, #tpu.memory_space<hbm>>
    %dma_start3A_58 = tpu.memref_squeeze %dma_start3A_57 : memref<1x40x128xi32, #tpu.memory_space<hbm>> -> memref<40x128xi32, #tpu.memory_space<hbm>>
    tpu.enqueue_dma source(%dma_start3A_58 : memref<40x128xi32, #tpu.memory_space<hbm>>) target(%arg7 : memref<40x128xi32, #tpu.memory_space<vmem>>) target_semaphore(%arg14 : memref<!tpu.dma_semaphore, #tpu.memory_space<semaphore_mem>>)
    %dma_start3A_59 = arith.constant 40 : i32
    %dma_start3A_60 = arith.constant 0 : i32
    %dma_start3A_61 = tpu.memref_slice %arg4[%add3A, %dma_start3A_59, %dma_start3A_60] : memref<32x80x128xi32, #tpu.memory_space<hbm>> -> memref<1x40x128xi32, #tpu.memory_space<hbm>>
    %dma_start3A_62 = tpu.memref_squeeze %dma_start3A_61 : memref<1x40x128xi32, #tpu.memory_space<hbm>> -> memref<40x128xi32, #tpu.memory_space<hbm>>
    %dma_start3A_63 = arith.constant 40 : i32
    %dma_start3A_64 = arith.constant 0 : i32
    %dma_start3A_65 = tpu.memref_slice %arg4[%add3A, %dma_start3A_63, %dma_start3A_64] : memref<32x80x128xi32, #tpu.memory_space<hbm>> -> memref<1x40x128xi32, #tpu.memory_space<hbm>>
    %dma_start3A_66 = tpu.memref_squeeze %dma_start3A_65 : memref<1x40x128xi32, #tpu.memory_space<hbm>> -> memref<40x128xi32, #tpu.memory_space<hbm>>
    tpu.enqueue_dma source(%dma_start3A_66 : memref<40x128xi32, #tpu.memory_space<hbm>>) target(%arg8 : memref<40x128xi32, #tpu.memory_space<vmem>>) target_semaphore(%arg15 : memref<!tpu.dma_semaphore, #tpu.memory_space<semaphore_mem>>)
    %dma_wait3A_67 = arith.constant 40 : i32
    %dma_wait3A_68 = arith.constant 0 : i32
    %dma_wait3A_69 = tpu.memref_slice %arg3[%add3A, %dma_wait3A_67, %dma_wait3A_68] : memref<32x80x128xi32, #tpu.memory_space<hbm>> -> memref<1x40x128xi32, #tpu.memory_space<hbm>>
    %dma_wait3A_70 = tpu.memref_squeeze %dma_wait3A_69 : memref<1x40x128xi32, #tpu.memory_space<hbm>> -> memref<40x128xi32, #tpu.memory_space<hbm>>
    %dma_wait3A_71 = arith.constant 40 : i32
    %dma_wait3A_72 = arith.constant 0 : i32
    %dma_wait3A_73 = tpu.memref_slice %arg3[%add3A, %dma_wait3A_71, %dma_wait3A_72] : memref<32x80x128xi32, #tpu.memory_space<hbm>> -> memref<1x40x128xi32, #tpu.memory_space<hbm>>
    %dma_wait3A_74 = tpu.memref_squeeze %dma_wait3A_73 : memref<1x40x128xi32, #tpu.memory_space<hbm>> -> memref<40x128xi32, #tpu.memory_space<hbm>>
    tpu.wait_dma2 semaphore(%arg14 : memref<!tpu.dma_semaphore, #tpu.memory_space<semaphore_mem>>) src(%dma_wait3A_74 : memref<40x128xi32, #tpu.memory_space<hbm>>) dst(%arg7 : memref<40x128xi32, #tpu.memory_space<vmem>>)
    %dma_wait3A_75 = arith.constant 40 : i32
    %dma_wait3A_76 = arith.constant 0 : i32
    %dma_wait3A_77 = tpu.memref_slice %arg4[%add3A, %dma_wait3A_75, %dma_wait3A_76] : memref<32x80x128xi32, #tpu.memory_space<hbm>> -> memref<1x40x128xi32, #tpu.memory_space<hbm>>
    %dma_wait3A_78 = tpu.memref_squeeze %dma_wait3A_77 : memref<1x40x128xi32, #tpu.memory_space<hbm>> -> memref<40x128xi32, #tpu.memory_space<hbm>>
    %dma_wait3A_79 = arith.constant 40 : i32
    %dma_wait3A_80 = arith.constant 0 : i32
    %dma_wait3A_81 = tpu.memref_slice %arg4[%add3A, %dma_wait3A_79, %dma_wait3A_80] : memref<32x80x128xi32, #tpu.memory_space<hbm>> -> memref<1x40x128xi32, #tpu.memory_space<hbm>>
    %dma_wait3A_82 = tpu.memref_squeeze %dma_wait3A_81 : memref<1x40x128xi32, #tpu.memory_space<hbm>> -> memref<40x128xi32, #tpu.memory_space<hbm>>
    tpu.wait_dma2 semaphore(%arg15 : memref<!tpu.dma_semaphore, #tpu.memory_space<semaphore_mem>>) src(%dma_wait3A_82 : memref<40x128xi32, #tpu.memory_space<hbm>>) dst(%arg8 : memref<40x128xi32, #tpu.memory_space<vmem>>)
    %dma_start3A_83 = arith.constant 0 : i32
    %dma_start3A_84 = arith.constant 0 : i32
    %dma_start3A_85 = tpu.memref_slice %arg7[%dma_start3A_83, %dma_start3A_84] : memref<40x128xi32, #tpu.memory_space<vmem>> -> memref<1x128xi32, #tpu.memory_space<vmem>>
    %dma_start3A_86 = tpu.memref_squeeze %dma_start3A_85 : memref<1x128xi32, #tpu.memory_space<vmem>> -> memref<128xi32, #tpu.memory_space<vmem>>
    %dma_start3A_87 = arith.constant 0 : i32
    %dma_start3A_88 = arith.constant 0 : i32
    %dma_start3A_89 = tpu.memref_slice %arg2[%dma_start3A_87, %dma_start3A_88] : memref<10240x128xf32, #tpu.memory_space<hbm>> -> memref<10240x128xf32, #tpu.memory_space<hbm>>
    tpu.enqueue_indirect_dma source(%dma_start3A_89 : memref<10240x128xf32, #tpu.memory_space<hbm>>) target(%arg9 : memref<128x128xf32, #tpu.memory_space<vmem>>) offsets(%dma_start3A_86 : memref<128xi32, #tpu.memory_space<vmem>>) semaphore(%arg12 : memref<!tpu.dma_semaphore, #tpu.memory_space<semaphore_mem>>)
    %scan3A_90 = arith.constant 0 : i32
    %scan3A_91 = arith.constant 0 : i32
    %scan3A_92 = arith.constant 20 : i32
    %scan3A_93 = arith.addi %scan3A_91, %scan3A_92 : i32
    %scan3A_94 = arith.constant 1 : i32
    scf.for %scan3A_155 = %scan3A_91 to %scan3A_93 step %scan3A_94  : i32 {
      %mul3A_156 = arith.constant 2 : i32
      %mul3A_157 = arith.muli %mul3A_156, %scan3A_155 : i32
      %add3A_158 = arith.constant 1 : i32
      %add3A_159 = arith.addi %mul3A_157, %add3A_158 : i32
      %dma_start3A_160 = arith.constant 0 : i32
      %dma_start3A_161 = tpu.memref_slice %arg7[%add3A_159, %dma_start3A_160] : memref<40x128xi32, #tpu.memory_space<vmem>> -> memref<1x128xi32, #tpu.memory_space<vmem>>
      %dma_start3A_162 = tpu.memref_squeeze %dma_start3A_161 : memref<1x128xi32, #tpu.memory_space<vmem>> -> memref<128xi32, #tpu.memory_space<vmem>>
      %dma_start3A_163 = arith.constant 0 : i32
      %dma_start3A_164 = arith.constant 0 : i32
      %dma_start3A_165 = tpu.memref_slice %arg2[%dma_start3A_163, %dma_start3A_164] : memref<10240x128xf32, #tpu.memory_space<hbm>> -> memref<10240x128xf32, #tpu.memory_space<hbm>>
      tpu.enqueue_indirect_dma source(%dma_start3A_165 : memref<10240x128xf32, #tpu.memory_space<hbm>>) target(%arg10 : memref<128x128xf32, #tpu.memory_space<vmem>>) offsets(%dma_start3A_162 : memref<128xi32, #tpu.memory_space<vmem>>) semaphore(%arg13 : memref<!tpu.dma_semaphore, #tpu.memory_space<semaphore_mem>>)
      %dma_wait3A_166 = arith.constant 0 : i32
      %dma_wait3A_167 = arith.constant 0 : i32
      %dma_wait3A_168 = tpu.memref_slice %arg7[%dma_wait3A_166, %dma_wait3A_167] : memref<40x128xi32, #tpu.memory_space<vmem>> -> memref<1x128xi32, #tpu.memory_space<vmem>>
      %dma_wait3A_169 = tpu.memref_squeeze %dma_wait3A_168 : memref<1x128xi32, #tpu.memory_space<vmem>> -> memref<128xi32, #tpu.memory_space<vmem>>
      %dma_wait3A_170 = arith.constant 0 : i32
      %dma_wait3A_171 = arith.constant 0 : i32
      %dma_wait3A_172 = tpu.memref_slice %arg2[%dma_wait3A_170, %dma_wait3A_171] : memref<10240x128xf32, #tpu.memory_space<hbm>> -> memref<10240x128xf32, #tpu.memory_space<hbm>>
      tpu.wait_indirect_dma semaphore(%arg12 : memref<!tpu.dma_semaphore, #tpu.memory_space<semaphore_mem>>) src(%dma_wait3A_172 : memref<10240x128xf32, #tpu.memory_space<hbm>>) dst(%arg9 : memref<128x128xf32, #tpu.memory_space<vmem>>)
      "tpu.region"() ({
        %run_scoped3A = tpu.sem_alloc : memref<!tpu.dma_semaphore, #tpu.memory_space<semaphore_mem>>
        %dma_start3A_188 = arith.constant 0 : i32
        %dma_start3A_189 = tpu.memref_slice %arg8[%mul3A_157, %dma_start3A_188] : memref<40x128xi32, #tpu.memory_space<vmem>> -> memref<1x128xi32, #tpu.memory_space<vmem>>
        %dma_start3A_190 = tpu.memref_squeeze %dma_start3A_189 : memref<1x128xi32, #tpu.memory_space<vmem>> -> memref<128xi32, #tpu.memory_space<vmem>>
        %dma_start3A_191 = arith.constant 0 : i32
        %dma_start3A_192 = arith.constant 0 : i32
        %dma_start3A_193 = tpu.memref_slice %arg11[%dma_start3A_191, %dma_start3A_192] : memref<10240x128xf32, #tpu.memory_space<vmem_shared>> -> memref<10240x128xf32, #tpu.memory_space<vmem_shared>>
        tpu.enqueue_indirect_dma source(%arg9 : memref<128x128xf32, #tpu.memory_space<vmem>>) target(%dma_start3A_193 : memref<10240x128xf32, #tpu.memory_space<vmem_shared>>) offsets(%dma_start3A_190 : memref<128xi32, #tpu.memory_space<vmem>>) semaphore(%run_scoped3A : memref<!tpu.dma_semaphore, #tpu.memory_space<semaphore_mem>>) {add = true}
        %dma_wait3A_194 = arith.constant 0 : i32
        %dma_wait3A_195 = tpu.memref_slice %arg8[%mul3A_157, %dma_wait3A_194] : memref<40x128xi32, #tpu.memory_space<vmem>> -> memref<1x128xi32, #tpu.memory_space<vmem>>
        %dma_wait3A_196 = tpu.memref_squeeze %dma_wait3A_195 : memref<1x128xi32, #tpu.memory_space<vmem>> -> memref<128xi32, #tpu.memory_space<vmem>>
        %dma_wait3A_197 = arith.constant 0 : i32
        %dma_wait3A_198 = arith.constant 0 : i32
        %dma_wait3A_199 = tpu.memref_slice %arg11[%dma_wait3A_197, %dma_wait3A_198] : memref<10240x128xf32, #tpu.memory_space<vmem_shared>> -> memref<10240x128xf32, #tpu.memory_space<vmem_shared>>
        tpu.wait_indirect_dma semaphore(%run_scoped3A : memref<!tpu.dma_semaphore, #tpu.memory_space<semaphore_mem>>) src(%arg9 : memref<128x128xf32, #tpu.memory_space<vmem>>) dst(%dma_wait3A_199 : memref<10240x128xf32, #tpu.memory_space<vmem_shared>>)
        tpu.yield
      }) : () -> ()
      %add3A_173 = arith.constant 2 : i32
      %add3A_174 = arith.addi %mul3A_157, %add3A_173 : i32
      %lt3A = arith.constant 40 : i32
      %lt3A_175 = arith.cmpi slt, %add3A_174, %lt3A : i32
      %convert_element_type3A_176 = arith.extui %lt3A_175 : i1 to i32
      %cond3A_177 = arith.constant 0 : i32
      %cond3A_178 = arith.cmpi ne, %convert_element_type3A_176, %cond3A_177 : i32
      scf.if %cond3A_178 {
        %add3A_188 = arith.constant 2 : i32
        %add3A_189 = arith.addi %mul3A_157, %add3A_188 : i32
        %dma_start3A_190 = arith.constant 0 : i32
        %dma_start3A_191 = tpu.memref_slice %arg7[%add3A_189, %dma_start3A_190] : memref<40x128xi32, #tpu.memory_space<vmem>> -> memref<1x128xi32, #tpu.memory_space<vmem>>
        %dma_start3A_192 = tpu.memref_squeeze %dma_start3A_191 : memref<1x128xi32, #tpu.memory_space<vmem>> -> memref<128xi32, #tpu.memory_space<vmem>>
        %dma_start3A_193 = arith.constant 0 : i32
        %dma_start3A_194 = arith.constant 0 : i32
        %dma_start3A_195 = tpu.memref_slice %arg2[%dma_start3A_193, %dma_start3A_194] : memref<10240x128xf32, #tpu.memory_space<hbm>> -> memref<10240x128xf32, #tpu.memory_space<hbm>>
        tpu.enqueue_indirect_dma source(%dma_start3A_195 : memref<10240x128xf32, #tpu.memory_space<hbm>>) target(%arg9 : memref<128x128xf32, #tpu.memory_space<vmem>>) offsets(%dma_start3A_192 : memref<128xi32, #tpu.memory_space<vmem>>) semaphore(%arg12 : memref<!tpu.dma_semaphore, #tpu.memory_space<semaphore_mem>>)
      } else {
      }
      %dma_wait3A_179 = arith.constant 0 : i32
      %dma_wait3A_180 = arith.constant 0 : i32
      %dma_wait3A_181 = tpu.memref_slice %arg7[%dma_wait3A_179, %dma_wait3A_180] : memref<40x128xi32, #tpu.memory_space<vmem>> -> memref<1x128xi32, #tpu.memory_space<vmem>>
      %dma_wait3A_182 = tpu.memref_squeeze %dma_wait3A_181 : memref<1x128xi32, #tpu.memory_space<vmem>> -> memref<128xi32, #tpu.memory_space<vmem>>
      %dma_wait3A_183 = arith.constant 0 : i32
      %dma_wait3A_184 = arith.constant 0 : i32
      %dma_wait3A_185 = tpu.memref_slice %arg2[%dma_wait3A_183, %dma_wait3A_184] : memref<10240x128xf32, #tpu.memory_space<hbm>> -> memref<10240x128xf32, #tpu.memory_space<hbm>>
      tpu.wait_indirect_dma semaphore(%arg13 : memref<!tpu.dma_semaphore, #tpu.memory_space<semaphore_mem>>) src(%dma_wait3A_185 : memref<10240x128xf32, #tpu.memory_space<hbm>>) dst(%arg10 : memref<128x128xf32, #tpu.memory_space<vmem>>)
      %add3A_186 = arith.constant 1 : i32
      %add3A_187 = arith.addi %mul3A_157, %add3A_186 : i32
      "tpu.region"() ({
        %run_scoped3A = tpu.sem_alloc : memref<!tpu.dma_semaphore, #tpu.memory_space<semaphore_mem>>
        %dma_start3A_188 = arith.constant 0 : i32
        %dma_start3A_189 = tpu.memref_slice %arg8[%add3A_187, %dma_start3A_188] : memref<40x128xi32, #tpu.memory_space<vmem>> -> memref<1x128xi32, #tpu.memory_space<vmem>>
        %dma_start3A_190 = tpu.memref_squeeze %dma_start3A_189 : memref<1x128xi32, #tpu.memory_space<vmem>> -> memref<128xi32, #tpu.memory_space<vmem>>
        %dma_start3A_191 = arith.constant 0 : i32
        %dma_start3A_192 = arith.constant 0 : i32
        %dma_start3A_193 = tpu.memref_slice %arg11[%dma_start3A_191, %dma_start3A_192] : memref<10240x128xf32, #tpu.memory_space<vmem_shared>> -> memref<10240x128xf32, #tpu.memory_space<vmem_shared>>
        tpu.enqueue_indirect_dma source(%arg10 : memref<128x128xf32, #tpu.memory_space<vmem>>) target(%dma_start3A_193 : memref<10240x128xf32, #tpu.memory_space<vmem_shared>>) offsets(%dma_start3A_190 : memref<128xi32, #tpu.memory_space<vmem>>) semaphore(%run_scoped3A : memref<!tpu.dma_semaphore, #tpu.memory_space<semaphore_mem>>) {add = true}
        %dma_wait3A_194 = arith.constant 0 : i32
        %dma_wait3A_195 = tpu.memref_slice %arg8[%add3A_187, %dma_wait3A_194] : memref<40x128xi32, #tpu.memory_space<vmem>> -> memref<1x128xi32, #tpu.memory_space<vmem>>
        %dma_wait3A_196 = tpu.memref_squeeze %dma_wait3A_195 : memref<1x128xi32, #tpu.memory_space<vmem>> -> memref<128xi32, #tpu.memory_space<vmem>>
        %dma_wait3A_197 = arith.constant 0 : i32
        %dma_wait3A_198 = arith.constant 0 : i32
        %dma_wait3A_199 = tpu.memref_slice %arg11[%dma_wait3A_197, %dma_wait3A_198] : memref<10240x128xf32, #tpu.memory_space<vmem_shared>> -> memref<10240x128xf32, #tpu.memory_space<vmem_shared>>
        tpu.wait_indirect_dma semaphore(%run_scoped3A : memref<!tpu.dma_semaphore, #tpu.memory_space<semaphore_mem>>) src(%arg10 : memref<128x128xf32, #tpu.memory_space<vmem>>) dst(%dma_wait3A_199 : memref<10240x128xf32, #tpu.memory_space<vmem_shared>>)
        tpu.yield
      }) : () -> ()
    }
    %scan3A_95 = arith.constant 20 : i32
    %barrier3A_96 = arith.constant 0 : index
    tpu.barrier barrier_id(%barrier3A_96)
    %dma_start3A_97 = arith.constant 0 : i32
    %dma_start3A_98 = tpu.memref_slice %arg11[%mul3A_2, %dma_start3A_97] : memref<10240x128xf32, #tpu.memory_space<vmem_shared>> -> memref<128x128xf32, #tpu.memory_space<vmem_shared>>
    %dma_start3A_99 = arith.constant 0 : i32
    %dma_start3A_100 = tpu.memref_slice %arg11[%mul3A_2, %dma_start3A_99] : memref<10240x128xf32, #tpu.memory_space<vmem_shared>> -> memref<128x128xf32, #tpu.memory_space<vmem_shared>>
    tpu.enqueue_dma source(%dma_start3A_100 : memref<128x128xf32, #tpu.memory_space<vmem_shared>>) target(%arg9 : memref<128x128xf32, #tpu.memory_space<vmem>>) target_semaphore(%arg12 : memref<!tpu.dma_semaphore, #tpu.memory_space<semaphore_mem>>)
    %add3A_101 = arith.constant 128 : i32
    %add3A_102 = arith.addi %mul3A_2, %add3A_101 : i32
    %dma_start3A_103 = arith.constant 0 : i32
    %dma_start3A_104 = tpu.memref_slice %arg11[%add3A_102, %dma_start3A_103] : memref<10240x128xf32, #tpu.memory_space<vmem_shared>> -> memref<128x128xf32, #tpu.memory_space<vmem_shared>>
    %dma_start3A_105 = arith.constant 0 : i32
    %dma_start3A_106 = tpu.memref_slice %arg11[%add3A_102, %dma_start3A_105] : memref<10240x128xf32, #tpu.memory_space<vmem_shared>> -> memref<128x128xf32, #tpu.memory_space<vmem_shared>>
    tpu.enqueue_dma source(%dma_start3A_106 : memref<128x128xf32, #tpu.memory_space<vmem_shared>>) target(%arg10 : memref<128x128xf32, #tpu.memory_space<vmem>>) target_semaphore(%arg13 : memref<!tpu.dma_semaphore, #tpu.memory_space<semaphore_mem>>)
    %dma_wait3A_107 = arith.constant 0 : i32
    %dma_wait3A_108 = tpu.memref_slice %arg11[%mul3A_2, %dma_wait3A_107] : memref<10240x128xf32, #tpu.memory_space<vmem_shared>> -> memref<128x128xf32, #tpu.memory_space<vmem_shared>>
    %dma_wait3A_109 = arith.constant 0 : i32
    %dma_wait3A_110 = tpu.memref_slice %arg11[%mul3A_2, %dma_wait3A_109] : memref<10240x128xf32, #tpu.memory_space<vmem_shared>> -> memref<128x128xf32, #tpu.memory_space<vmem_shared>>
    tpu.wait_dma2 semaphore(%arg12 : memref<!tpu.dma_semaphore, #tpu.memory_space<semaphore_mem>>) src(%dma_wait3A_110 : memref<128x128xf32, #tpu.memory_space<vmem_shared>>) dst(%arg9 : memref<128x128xf32, #tpu.memory_space<vmem>>)
    %add3A_111 = arith.constant 0 : i32
    %add3A_112 = arith.addi %mul3A_2, %add3A_111 : i32
    "tpu.region"() ({
      %run_scoped3A = tpu.sem_alloc : memref<!tpu.dma_semaphore, #tpu.memory_space<semaphore_mem>>
      %dma_start3A_155 = arith.constant 0 : i32
      %dma_start3A_156 = tpu.memref_slice %arg6[%arg0, %add3A_112, %dma_start3A_155] : memref<2x10240x128xf32, #tpu.memory_space<hbm>> -> memref<1x128x128xf32, #tpu.memory_space<hbm>>
      %dma_start3A_157 = tpu.memref_squeeze %dma_start3A_156 : memref<1x128x128xf32, #tpu.memory_space<hbm>> -> memref<128x128xf32, #tpu.memory_space<hbm>>
      %dma_start3A_158 = arith.constant 0 : i32
      %dma_start3A_159 = tpu.memref_slice %arg6[%arg0, %add3A_112, %dma_start3A_158] : memref<2x10240x128xf32, #tpu.memory_space<hbm>> -> memref<1x128x128xf32, #tpu.memory_space<hbm>>
      %dma_start3A_160 = tpu.memref_squeeze %dma_start3A_159 : memref<1x128x128xf32, #tpu.memory_space<hbm>> -> memref<128x128xf32, #tpu.memory_space<hbm>>
      tpu.enqueue_dma source(%arg9 : memref<128x128xf32, #tpu.memory_space<vmem>>) target(%dma_start3A_160 : memref<128x128xf32, #tpu.memory_space<hbm>>) target_semaphore(%run_scoped3A : memref<!tpu.dma_semaphore, #tpu.memory_space<semaphore_mem>>)
      %dma_wait3A_161 = arith.constant 0 : i32
      %dma_wait3A_162 = tpu.memref_slice %arg6[%arg0, %add3A_112, %dma_wait3A_161] : memref<2x10240x128xf32, #tpu.memory_space<hbm>> -> memref<1x128x128xf32, #tpu.memory_space<hbm>>
      %dma_wait3A_163 = tpu.memref_squeeze %dma_wait3A_162 : memref<1x128x128xf32, #tpu.memory_space<hbm>> -> memref<128x128xf32, #tpu.memory_space<hbm>>
      %dma_wait3A_164 = arith.constant 0 : i32
      %dma_wait3A_165 = tpu.memref_slice %arg6[%arg0, %add3A_112, %dma_wait3A_164] : memref<2x10240x128xf32, #tpu.memory_space<hbm>> -> memref<1x128x128xf32, #tpu.memory_space<hbm>>
      %dma_wait3A_166 = tpu.memref_squeeze %dma_wait3A_165 : memref<1x128x128xf32, #tpu.memory_space<hbm>> -> memref<128x128xf32, #tpu.memory_space<hbm>>
      tpu.wait_dma2 semaphore(%run_scoped3A : memref<!tpu.dma_semaphore, #tpu.memory_space<semaphore_mem>>) src(%arg9 : memref<128x128xf32, #tpu.memory_space<vmem>>) dst(%dma_wait3A_166 : memref<128x128xf32, #tpu.memory_space<hbm>>)
      tpu.yield
    }) : () -> ()
    %add3A_113 = arith.constant 256 : i32
    %add3A_114 = arith.addi %mul3A_2, %add3A_113 : i32
    %dma_start3A_115 = arith.constant 0 : i32
    %dma_start3A_116 = tpu.memref_slice %arg11[%add3A_114, %dma_start3A_115] : memref<10240x128xf32, #tpu.memory_space<vmem_shared>> -> memref<128x128xf32, #tpu.memory_space<vmem_shared>>
    %dma_start3A_117 = arith.constant 0 : i32
    %dma_start3A_118 = tpu.memref_slice %arg11[%add3A_114, %dma_start3A_117] : memref<10240x128xf32, #tpu.memory_space<vmem_shared>> -> memref<128x128xf32, #tpu.memory_space<vmem_shared>>
    tpu.enqueue_dma source(%dma_start3A_118 : memref<128x128xf32, #tpu.memory_space<vmem_shared>>) target(%arg9 : memref<128x128xf32, #tpu.memory_space<vmem>>) target_semaphore(%arg12 : memref<!tpu.dma_semaphore, #tpu.memory_space<semaphore_mem>>)
    %dma_wait3A_119 = arith.constant 0 : i32
    %dma_wait3A_120 = tpu.memref_slice %arg11[%mul3A_2, %dma_wait3A_119] : memref<10240x128xf32, #tpu.memory_space<vmem_shared>> -> memref<128x128xf32, #tpu.memory_space<vmem_shared>>
    %dma_wait3A_121 = arith.constant 0 : i32
    %dma_wait3A_122 = tpu.memref_slice %arg11[%mul3A_2, %dma_wait3A_121] : memref<10240x128xf32, #tpu.memory_space<vmem_shared>> -> memref<128x128xf32, #tpu.memory_space<vmem_shared>>
    tpu.wait_dma2 semaphore(%arg13 : memref<!tpu.dma_semaphore, #tpu.memory_space<semaphore_mem>>) src(%dma_wait3A_122 : memref<128x128xf32, #tpu.memory_space<vmem_shared>>) dst(%arg10 : memref<128x128xf32, #tpu.memory_space<vmem>>)
    %add3A_123 = arith.constant 128 : i32
    %add3A_124 = arith.addi %mul3A_2, %add3A_123 : i32
    "tpu.region"() ({
      %run_scoped3A = tpu.sem_alloc : memref<!tpu.dma_semaphore, #tpu.memory_space<semaphore_mem>>
      %dma_start3A_155 = arith.constant 0 : i32
      %dma_start3A_156 = tpu.memref_slice %arg6[%arg0, %add3A_124, %dma_start3A_155] : memref<2x10240x128xf32, #tpu.memory_space<hbm>> -> memref<1x128x128xf32, #tpu.memory_space<hbm>>
      %dma_start3A_157 = tpu.memref_squeeze %dma_start3A_156 : memref<1x128x128xf32, #tpu.memory_space<hbm>> -> memref<128x128xf32, #tpu.memory_space<hbm>>
      %dma_start3A_158 = arith.constant 0 : i32
      %dma_start3A_159 = tpu.memref_slice %arg6[%arg0, %add3A_124, %dma_start3A_158] : memref<2x10240x128xf32, #tpu.memory_space<hbm>> -> memref<1x128x128xf32, #tpu.memory_space<hbm>>
      %dma_start3A_160 = tpu.memref_squeeze %dma_start3A_159 : memref<1x128x128xf32, #tpu.memory_space<hbm>> -> memref<128x128xf32, #tpu.memory_space<hbm>>
      tpu.enqueue_dma source(%arg10 : memref<128x128xf32, #tpu.memory_space<vmem>>) target(%dma_start3A_160 : memref<128x128xf32, #tpu.memory_space<hbm>>) target_semaphore(%run_scoped3A : memref<!tpu.dma_semaphore, #tpu.memory_space<semaphore_mem>>)
      %dma_wait3A_161 = arith.constant 0 : i32
      %dma_wait3A_162 = tpu.memref_slice %arg6[%arg0, %add3A_124, %dma_wait3A_161] : memref<2x10240x128xf32, #tpu.memory_space<hbm>> -> memref<1x128x128xf32, #tpu.memory_space<hbm>>
      %dma_wait3A_163 = tpu.memref_squeeze %dma_wait3A_162 : memref<1x128x128xf32, #tpu.memory_space<hbm>> -> memref<128x128xf32, #tpu.memory_space<hbm>>
      %dma_wait3A_164 = arith.constant 0 : i32
      %dma_wait3A_165 = tpu.memref_slice %arg6[%arg0, %add3A_124, %dma_wait3A_164] : memref<2x10240x128xf32, #tpu.memory_space<hbm>> -> memref<1x128x128xf32, #tpu.memory_space<hbm>>
      %dma_wait3A_166 = tpu.memref_squeeze %dma_wait3A_165 : memref<1x128x128xf32, #tpu.memory_space<hbm>> -> memref<128x128xf32, #tpu.memory_space<hbm>>
      tpu.wait_dma2 semaphore(%run_scoped3A : memref<!tpu.dma_semaphore, #tpu.memory_space<semaphore_mem>>) src(%arg10 : memref<128x128xf32, #tpu.memory_space<vmem>>) dst(%dma_wait3A_166 : memref<128x128xf32, #tpu.memory_space<hbm>>)
      tpu.yield
    }) : () -> ()
    %add3A_125 = arith.constant 384 : i32
    %add3A_126 = arith.addi %mul3A_2, %add3A_125 : i32
    %dma_start3A_127 = arith.constant 0 : i32
    %dma_start3A_128 = tpu.memref_slice %arg11[%add3A_126, %dma_start3A_127] : memref<10240x128xf32, #tpu.memory_space<vmem_shared>> -> memref<128x128xf32, #tpu.memory_space<vmem_shared>>
    %dma_start3A_129 = arith.constant 0 : i32
    %dma_start3A_130 = tpu.memref_slice %arg11[%add3A_126, %dma_start3A_129] : memref<10240x128xf32, #tpu.memory_space<vmem_shared>> -> memref<128x128xf32, #tpu.memory_space<vmem_shared>>
    tpu.enqueue_dma source(%dma_start3A_130 : memref<128x128xf32, #tpu.memory_space<vmem_shared>>) target(%arg10 : memref<128x128xf32, #tpu.memory_space<vmem>>) target_semaphore(%arg13 : memref<!tpu.dma_semaphore, #tpu.memory_space<semaphore_mem>>)
    %dma_wait3A_131 = arith.constant 0 : i32
    %dma_wait3A_132 = tpu.memref_slice %arg11[%mul3A_2, %dma_wait3A_131] : memref<10240x128xf32, #tpu.memory_space<vmem_shared>> -> memref<128x128xf32, #tpu.memory_space<vmem_shared>>
    %dma_wait3A_133 = arith.constant 0 : i32
    %dma_wait3A_134 = tpu.memref_slice %arg11[%mul3A_2, %dma_wait3A_133] : memref<10240x128xf32, #tpu.memory_space<vmem_shared>> -> memref<128x128xf32, #tpu.memory_space<vmem_shared>>
    tpu.wait_dma2 semaphore(%arg12 : memref<!tpu.dma_semaphore, #tpu.memory_space<semaphore_mem>>) src(%dma_wait3A_134 : memref<128x128xf32, #tpu.memory_space<vmem_shared>>) dst(%arg9 : memref<128x128xf32, #tpu.memory_space<vmem>>)
    %add3A_135 = arith.constant 256 : i32
    %add3A_136 = arith.addi %mul3A_2, %add3A_135 : i32
    "tpu.region"() ({
      %run_scoped3A = tpu.sem_alloc : memref<!tpu.dma_semaphore, #tpu.memory_space<semaphore_mem>>
      %dma_start3A_155 = arith.constant 0 : i32
      %dma_start3A_156 = tpu.memref_slice %arg6[%arg0, %add3A_136, %dma_start3A_155] : memref<2x10240x128xf32, #tpu.memory_space<hbm>> -> memref<1x128x128xf32, #tpu.memory_space<hbm>>
      %dma_start3A_157 = tpu.memref_squeeze %dma_start3A_156 : memref<1x128x128xf32, #tpu.memory_space<hbm>> -> memref<128x128xf32, #tpu.memory_space<hbm>>
      %dma_start3A_158 = arith.constant 0 : i32
      %dma_start3A_159 = tpu.memref_slice %arg6[%arg0, %add3A_136, %dma_start3A_158] : memref<2x10240x128xf32, #tpu.memory_space<hbm>> -> memref<1x128x128xf32, #tpu.memory_space<hbm>>
      %dma_start3A_160 = tpu.memref_squeeze %dma_start3A_159 : memref<1x128x128xf32, #tpu.memory_space<hbm>> -> memref<128x128xf32, #tpu.memory_space<hbm>>
      tpu.enqueue_dma source(%arg9 : memref<128x128xf32, #tpu.memory_space<vmem>>) target(%dma_start3A_160 : memref<128x128xf32, #tpu.memory_space<hbm>>) target_semaphore(%run_scoped3A : memref<!tpu.dma_semaphore, #tpu.memory_space<semaphore_mem>>)
      %dma_wait3A_161 = arith.constant 0 : i32
      %dma_wait3A_162 = tpu.memref_slice %arg6[%arg0, %add3A_136, %dma_wait3A_161] : memref<2x10240x128xf32, #tpu.memory_space<hbm>> -> memref<1x128x128xf32, #tpu.memory_space<hbm>>
      %dma_wait3A_163 = tpu.memref_squeeze %dma_wait3A_162 : memref<1x128x128xf32, #tpu.memory_space<hbm>> -> memref<128x128xf32, #tpu.memory_space<hbm>>
      %dma_wait3A_164 = arith.constant 0 : i32
      %dma_wait3A_165 = tpu.memref_slice %arg6[%arg0, %add3A_136, %dma_wait3A_164] : memref<2x10240x128xf32, #tpu.memory_space<hbm>> -> memref<1x128x128xf32, #tpu.memory_space<hbm>>
      %dma_wait3A_166 = tpu.memref_squeeze %dma_wait3A_165 : memref<1x128x128xf32, #tpu.memory_space<hbm>> -> memref<128x128xf32, #tpu.memory_space<hbm>>
      tpu.wait_dma2 semaphore(%run_scoped3A : memref<!tpu.dma_semaphore, #tpu.memory_space<semaphore_mem>>) src(%arg9 : memref<128x128xf32, #tpu.memory_space<vmem>>) dst(%dma_wait3A_166 : memref<128x128xf32, #tpu.memory_space<hbm>>)
      tpu.yield
    }) : () -> ()
    %add3A_137 = arith.constant 512 : i32
    %add3A_138 = arith.addi %mul3A_2, %add3A_137 : i32
    %dma_start3A_139 = arith.constant 0 : i32
    %dma_start3A_140 = tpu.memref_slice %arg11[%add3A_138, %dma_start3A_139] : memref<10240x128xf32, #tpu.memory_space<vmem_shared>> -> memref<128x128xf32, #tpu.memory_space<vmem_shared>>
    %dma_start3A_141 = arith.constant 0 : i32
    %dma_start3A_142 = tpu.memref_slice %arg11[%add3A_138, %dma_start3A_141] : memref<10240x128xf32, #tpu.memory_space<vmem_shared>> -> memref<128x128xf32, #tpu.memory_space<vmem_shared>>
    tpu.enqueue_dma source(%dma_start3A_142 : memref<128x128xf32, #tpu.memory_space<vmem_shared>>) target(%arg9 : memref<128x128xf32, #tpu.memory_space<vmem>>) target_semaphore(%arg12 : memref<!tpu.dma_semaphore, #tpu.memory_space<semaphore_mem>>)
    %dma_wait3A_143 = arith.constant 0 : i32
    %dma_wait3A_144 = tpu.memref_slice %arg11[%mul3A_2, %dma_wait3A_143] : memref<10240x128xf32, #tpu.memory_space<vmem_shared>> -> memref<128x128xf32, #tpu.memory_space<vmem_shared>>
    %dma_wait3A_145 = arith.constant 0 : i32
    %dma_wait3A_146 = tpu.memref_slice %arg11[%mul3A_2, %dma_wait3A_145] : memref<10240x128xf32, #tpu.memory_space<vmem_shared>> -> memref<128x128xf32, #tpu.memory_space<vmem_shared>>
    tpu.wait_dma2 semaphore(%arg13 : memref<!tpu.dma_semaphore, #tpu.memory_space<semaphore_mem>>) src(%dma_wait3A_146 : memref<128x128xf32, #tpu.memory_space<vmem_shared>>) dst(%arg10 : memref<128x128xf32, #tpu.memory_space<vmem>>)
    %add3A_147 = arith.constant 384 : i32
    %add3A_148 = arith.addi %mul3A_2, %add3A_147 : i32
    "tpu.region"() ({
      %run_scoped3A = tpu.sem_alloc : memref<!tpu.dma_semaphore, #tpu.memory_space<semaphore_mem>>
      %dma_start3A_155 = arith.constant 0 : i32
      %dma_start3A_156 = tpu.memref_slice %arg6[%arg0, %add3A_148, %dma_start3A_155] : memref<2x10240x128xf32, #tpu.memory_space<hbm>> -> memref<1x128x128xf32, #tpu.memory_space<hbm>>
      %dma_start3A_157 = tpu.memref_squeeze %dma_start3A_156 : memref<1x128x128xf32, #tpu.memory_space<hbm>> -> memref<128x128xf32, #tpu.memory_space<hbm>>
      %dma_start3A_158 = arith.constant 0 : i32
      %dma_start3A_159 = tpu.memref_slice %arg6[%arg0, %add3A_148, %dma_start3A_158] : memref<2x10240x128xf32, #tpu.memory_space<hbm>> -> memref<1x128x128xf32, #tpu.memory_space<hbm>>
      %dma_start3A_160 = tpu.memref_squeeze %dma_start3A_159 : memref<1x128x128xf32, #tpu.memory_space<hbm>> -> memref<128x128xf32, #tpu.memory_space<hbm>>
      tpu.enqueue_dma source(%arg10 : memref<128x128xf32, #tpu.memory_space<vmem>>) target(%dma_start3A_160 : memref<128x128xf32, #tpu.memory_space<hbm>>) target_semaphore(%run_scoped3A : memref<!tpu.dma_semaphore, #tpu.memory_space<semaphore_mem>>)
      %dma_wait3A_161 = arith.constant 0 : i32
      %dma_wait3A_162 = tpu.memref_slice %arg6[%arg0, %add3A_148, %dma_wait3A_161] : memref<2x10240x128xf32, #tpu.memory_space<hbm>> -> memref<1x128x128xf32, #tpu.memory_space<hbm>>
      %dma_wait3A_163 = tpu.memref_squeeze %dma_wait3A_162 : memref<1x128x128xf32, #tpu.memory_space<hbm>> -> memref<128x128xf32, #tpu.memory_space<hbm>>
      %dma_wait3A_164 = arith.constant 0 : i32
      %dma_wait3A_165 = tpu.memref_slice %arg6[%arg0, %add3A_148, %dma_wait3A_164] : memref<2x10240x128xf32, #tpu.memory_space<hbm>> -> memref<1x128x128xf32, #tpu.memory_space<hbm>>
      %dma_wait3A_166 = tpu.memref_squeeze %dma_wait3A_165 : memref<1x128x128xf32, #tpu.memory_space<hbm>> -> memref<128x128xf32, #tpu.memory_space<hbm>>
      tpu.wait_dma2 semaphore(%run_scoped3A : memref<!tpu.dma_semaphore, #tpu.memory_space<semaphore_mem>>) src(%arg10 : memref<128x128xf32, #tpu.memory_space<vmem>>) dst(%dma_wait3A_166 : memref<128x128xf32, #tpu.memory_space<hbm>>)
      tpu.yield
    }) : () -> ()
    %dma_wait3A_149 = arith.constant 0 : i32
    %dma_wait3A_150 = tpu.memref_slice %arg11[%mul3A_2, %dma_wait3A_149] : memref<10240x128xf32, #tpu.memory_space<vmem_shared>> -> memref<128x128xf32, #tpu.memory_space<vmem_shared>>
    %dma_wait3A_151 = arith.constant 0 : i32
    %dma_wait3A_152 = tpu.memref_slice %arg11[%mul3A_2, %dma_wait3A_151] : memref<10240x128xf32, #tpu.memory_space<vmem_shared>> -> memref<128x128xf32, #tpu.memory_space<vmem_shared>>
    tpu.wait_dma2 semaphore(%arg12 : memref<!tpu.dma_semaphore, #tpu.memory_space<semaphore_mem>>) src(%dma_wait3A_152 : memref<128x128xf32, #tpu.memory_space<vmem_shared>>) dst(%arg9 : memref<128x128xf32, #tpu.memory_space<vmem>>)
    %add3A_153 = arith.constant 512 : i32
    %add3A_154 = arith.addi %mul3A_2, %add3A_153 : i32
    "tpu.region"() ({
      %run_scoped3A = tpu.sem_alloc : memref<!tpu.dma_semaphore, #tpu.memory_space<semaphore_mem>>
      %dma_start3A_155 = arith.constant 0 : i32
      %dma_start3A_156 = tpu.memref_slice %arg6[%arg0, %add3A_154, %dma_start3A_155] : memref<2x10240x128xf32, #tpu.memory_space<hbm>> -> memref<1x128x128xf32, #tpu.memory_space<hbm>>
      %dma_start3A_157 = tpu.memref_squeeze %dma_start3A_156 : memref<1x128x128xf32, #tpu.memory_space<hbm>> -> memref<128x128xf32, #tpu.memory_space<hbm>>
      %dma_start3A_158 = arith.constant 0 : i32
      %dma_start3A_159 = tpu.memref_slice %arg6[%arg0, %add3A_154, %dma_start3A_158] : memref<2x10240x128xf32, #tpu.memory_space<hbm>> -> memref<1x128x128xf32, #tpu.memory_space<hbm>>
      %dma_start3A_160 = tpu.memref_squeeze %dma_start3A_159 : memref<1x128x128xf32, #tpu.memory_space<hbm>> -> memref<128x128xf32, #tpu.memory_space<hbm>>
      tpu.enqueue_dma source(%arg9 : memref<128x128xf32, #tpu.memory_space<vmem>>) target(%dma_start3A_160 : memref<128x128xf32, #tpu.memory_space<hbm>>) target_semaphore(%run_scoped3A : memref<!tpu.dma_semaphore, #tpu.memory_space<semaphore_mem>>)
      %dma_wait3A_161 = arith.constant 0 : i32
      %dma_wait3A_162 = tpu.memref_slice %arg6[%arg0, %add3A_154, %dma_wait3A_161] : memref<2x10240x128xf32, #tpu.memory_space<hbm>> -> memref<1x128x128xf32, #tpu.memory_space<hbm>>
      %dma_wait3A_163 = tpu.memref_squeeze %dma_wait3A_162 : memref<1x128x128xf32, #tpu.memory_space<hbm>> -> memref<128x128xf32, #tpu.memory_space<hbm>>
      %dma_wait3A_164 = arith.constant 0 : i32
      %dma_wait3A_165 = tpu.memref_slice %arg6[%arg0, %add3A_154, %dma_wait3A_164] : memref<2x10240x128xf32, #tpu.memory_space<hbm>> -> memref<1x128x128xf32, #tpu.memory_space<hbm>>
      %dma_wait3A_166 = tpu.memref_squeeze %dma_wait3A_165 : memref<1x128x128xf32, #tpu.memory_space<hbm>> -> memref<128x128xf32, #tpu.memory_space<hbm>>
      tpu.wait_dma2 semaphore(%run_scoped3A : memref<!tpu.dma_semaphore, #tpu.memory_space<semaphore_mem>>) src(%arg9 : memref<128x128xf32, #tpu.memory_space<vmem>>) dst(%dma_wait3A_166 : memref<128x128xf32, #tpu.memory_space<hbm>>)
      tpu.yield
    }) : () -> ()
    return
  }
}

module attributes {stable_mosaic.version = 14 : i64} {
  func.func @_stage_mm_body(%arg0: i32, %arg1: memref<1024x128xf32, #tpu.memory_space<vmem>>, %arg2: memref<128x128xf32, #tpu.memory_space<vmem>>, %arg3: memref<1024x128xf32, #tpu.memory_space<vmem>>) attributes {dimension_semantics = [#tpu.dimension_semantics<arbitrary>], iteration_bounds = array<i64: 10>, scalar_prefetch = 0 : i64, scratch_operands = 0 : i64, tpu.core_type = #tpu.core_type<tc>, window_params = [{transform_indices = @transform_0, window_bounds = array<i64: 1024, 128>}, {pipeline_mode = #tpu.pipeline_mode<synchronous>, transform_indices = @transform_1, window_bounds = array<i64: 128, 128>}, {transform_indices = @transform_2, window_bounds = array<i64: 1024, 128>}]} {
    %get3A = arith.constant 0 : index
    %get3A_0 = arith.constant 0 : index
    %get3A_1 = vector.load %arg1[%get3A, %get3A_0] : memref<1024x128xf32, #tpu.memory_space<vmem>>, vector<1024x128xf32>
    %get3A_2 = arith.constant 0 : index
    %get3A_3 = arith.constant 0 : index
    %get3A_4 = vector.load %arg2[%get3A_2, %get3A_3] : memref<128x128xf32, #tpu.memory_space<vmem>>, vector<128x128xf32>
    %dot_general3A = arith.constant dense<0.000000e+00> : vector<1024x128xf32>
    %dot_general3A_5 = tpu.matmul %get3A_1, %get3A_4, %dot_general3A {dimension_numbers = #tpu.dot_dimension_numbers<[1], [0], [0], [1], [0, 0, 1, 1], [], []>, transpose_lhs_hint = false} : vector<1024x128xf32>, vector<128x128xf32>, vector<1024x128xf32> -> vector<1024x128xf32>
    %swap3A = arith.constant 0 : index
    %swap3A_6 = arith.constant 0 : index
    %swap3A_7 = vector.load %arg3[%swap3A, %swap3A_6] : memref<1024x128xf32, #tpu.memory_space<vmem>>, vector<1024x128xf32>
    tpu.vector_store %arg3[%swap3A, %swap3A_6], %dot_general3A_5 {strides = array<i32>} : memref<1024x128xf32, #tpu.memory_space<vmem>>, vector<1024x128xf32>,
    return
  }
  func.func @transform_0(%arg0: i32) -> (i32, i32) {
    %c0_i32 = arith.constant 0 : i32
    %c0_i32_0 = arith.constant 0 : i32
    return %arg0, %c0_i32 : i32, i32
  }
  func.func @transform_1(%arg0: i32) -> (i32, i32) {
    %c0_i32 = arith.constant 0 : i32
    %c0_i32_0 = arith.constant 0 : i32
    %c0_i32_1 = arith.constant 0 : i32
    return %c0_i32, %c0_i32_0 : i32, i32
  }
  func.func @transform_2(%arg0: i32) -> (i32, i32) {
    %c0_i32 = arith.constant 0 : i32
    %c0_i32_0 = arith.constant 0 : i32
    return %arg0, %c0_i32 : i32, i32
  }
}

module attributes {stable_mosaic.version = 14 : i64} {
  func.func @_stage_scale_body(%arg0: i32, %arg1: memref<1024x128xf32, #tpu.memory_space<vmem>>, %arg2: memref<2x1024x128xf32, #tpu.memory_space<vmem>>, %arg3: memref<1024x128xf32, #tpu.memory_space<vmem>>) attributes {dimension_semantics = [#tpu.dimension_semantics<arbitrary>], iteration_bounds = array<i64: 10>, scalar_prefetch = 0 : i64, scratch_operands = 0 : i64, tpu.core_type = #tpu.core_type<tc>, window_params = [{transform_indices = @transform_0, window_bounds = array<i64: 1024, 128>}, {transform_indices = @transform_1, window_bounds = array<i64: 2, 1024, 128>}, {transform_indices = @transform_2, window_bounds = array<i64: 1024, 128>}]} {
    %get3A = arith.constant 0 : index
    %get3A_0 = arith.constant 0 : index
    %get3A_1 = arith.constant 0 : index
    %get3A_2 = vector.load %arg2[%get3A, %get3A_0, %get3A_1] : memref<2x1024x128xf32, #tpu.memory_space<vmem>>, vector<1x1024x1xf32>
    %get3A_3 = vector.shape_cast %get3A_2 : vector<1x1024x1xf32> to vector<1024xf32>
    %get3A_4 = arith.constant 1 : index
    %get3A_5 = arith.constant 0 : index
    %get3A_6 = arith.constant 0 : index
    %get3A_7 = vector.load %arg2[%get3A_4, %get3A_5, %get3A_6] : memref<2x1024x128xf32, #tpu.memory_space<vmem>>, vector<1x1024x1xf32>
    %get3A_8 = vector.shape_cast %get3A_7 : vector<1x1024x1xf32> to vector<1024xf32>
    %add3A = arith.addf %get3A_3, %get3A_8 : vector<1024xf32>
    %rsqrt3A = math.rsqrt %add3A : vector<1024xf32>
    %get3A_9 = arith.constant 0 : index
    %get3A_10 = arith.constant 0 : index
    %get3A_11 = vector.load %arg1[%get3A_9, %get3A_10] : memref<1024x128xf32, #tpu.memory_space<vmem>>, vector<1024x128xf32>
    %broadcast_in_dim3A = vector.shape_cast %rsqrt3A : vector<1024xf32> to vector<1024x1xf32>
    %mul3A = vector.broadcast %broadcast_in_dim3A : vector<1024x1xf32> to vector<1024x128xf32>
    %mul3A_12 = arith.mulf %get3A_11, %mul3A : vector<1024x128xf32>
    %swap3A = arith.constant 0 : index
    %swap3A_13 = arith.constant 0 : index
    %swap3A_14 = vector.load %arg3[%swap3A, %swap3A_13] : memref<1024x128xf32, #tpu.memory_space<vmem>>, vector<1024x128xf32>
    tpu.vector_store %arg3[%swap3A, %swap3A_13], %mul3A_12 {strides = array<i32>} : memref<1024x128xf32, #tpu.memory_space<vmem>>, vector<1024x128xf32>,
    return
  }
  func.func @transform_0(%arg0: i32) -> (i32, i32) {
    %c0_i32 = arith.constant 0 : i32
    %c0_i32_0 = arith.constant 0 : i32
    return %arg0, %c0_i32 : i32, i32
  }
  func.func @transform_1(%arg0: i32) -> (i32, i32, i32) {
    %c0_i32 = arith.constant 0 : i32
    %c0_i32_0 = arith.constant 0 : i32
    %c0_i32_1 = arith.constant 0 : i32
    return %c0_i32, %arg0, %c0_i32_0 : i32, i32, i32
  }
  func.func @transform_2(%arg0: i32) -> (i32, i32) {
    %c0_i32 = arith.constant 0 : i32
    %c0_i32_0 = arith.constant 0 : i32
    return %arg0, %c0_i32 : i32, i32
  }
}

module attributes {stable_mosaic.version = 14 : i64} {
  func.func @_stage_mid_body(%arg0: i32, %arg1: memref<2x1024x128xf32, #tpu.memory_space<vmem>>, %arg2: memref<2x1024x128xf32, #tpu.memory_space<vmem>>, %arg3: memref<1x128xf32, #tpu.memory_space<vmem>>, %arg4: memref<128x128xf32, #tpu.memory_space<vmem>>, %arg5: memref<1024x128xf32, #tpu.memory_space<vmem>>) attributes {dimension_semantics = [#tpu.dimension_semantics<arbitrary>], iteration_bounds = array<i64: 10>, scalar_prefetch = 0 : i64, scratch_operands = 0 : i64, tpu.core_type = #tpu.core_type<tc>, window_params = [{transform_indices = @transform_0, window_bounds = array<i64: 2, 1024, 128>}, {transform_indices = @transform_1, window_bounds = array<i64: 2, 1024, 128>}, {pipeline_mode = #tpu.pipeline_mode<synchronous>, transform_indices = @transform_2, window_bounds = array<i64: 1, 128>}, {pipeline_mode = #tpu.pipeline_mode<synchronous>, transform_indices = @transform_3, window_bounds = array<i64: 128, 128>}, {transform_indices = @transform_4, window_bounds = array<i64: 1024, 128>}]} {
    %get3A = arith.constant 0 : index
    %get3A_0 = arith.constant 0 : index
    %get3A_1 = arith.constant 0 : index
    %get3A_2 = vector.load %arg2[%get3A, %get3A_0, %get3A_1] : memref<2x1024x128xf32, #tpu.memory_space<vmem>>, vector<1x1024x1xf32>
    %get3A_3 = vector.shape_cast %get3A_2 : vector<1x1024x1xf32> to vector<1024xf32>
    %get3A_4 = arith.constant 1 : index
    %get3A_5 = arith.constant 0 : index
    %get3A_6 = arith.constant 0 : index
    %get3A_7 = vector.load %arg2[%get3A_4, %get3A_5, %get3A_6] : memref<2x1024x128xf32, #tpu.memory_space<vmem>>, vector<1x1024x1xf32>
    %get3A_8 = vector.shape_cast %get3A_7 : vector<1x1024x1xf32> to vector<1024xf32>
    %add3A = arith.addf %get3A_3, %get3A_8 : vector<1024xf32>
    %rsqrt3A = math.rsqrt %add3A : vector<1024xf32>
    %get3A_9 = arith.constant 0 : index
    %get3A_10 = arith.constant 0 : index
    %get3A_11 = arith.constant 0 : index
    %get3A_12 = vector.load %arg1[%get3A_9, %get3A_10, %get3A_11] : memref<2x1024x128xf32, #tpu.memory_space<vmem>>, vector<1x1024x128xf32>
    %get3A_13 = vector.shape_cast %get3A_12 : vector<1x1024x128xf32> to vector<1024x128xf32>
    %get3A_14 = arith.constant 1 : index
    %get3A_15 = arith.constant 0 : index
    %get3A_16 = arith.constant 0 : index
    %get3A_17 = vector.load %arg1[%get3A_14, %get3A_15, %get3A_16] : memref<2x1024x128xf32, #tpu.memory_space<vmem>>, vector<1x1024x128xf32>
    %get3A_18 = vector.shape_cast %get3A_17 : vector<1x1024x128xf32> to vector<1024x128xf32>
    %add3A_19 = arith.addf %get3A_13, %get3A_18 : vector<1024x128xf32>
    %broadcast_in_dim3A = vector.shape_cast %rsqrt3A : vector<1024xf32> to vector<1024x1xf32>
    %mul3A = vector.broadcast %broadcast_in_dim3A : vector<1024x1xf32> to vector<1024x128xf32>
    %mul3A_20 = arith.mulf %add3A_19, %mul3A : vector<1024x128xf32>
    %get3A_21 = arith.constant 0 : index
    %get3A_22 = arith.constant 0 : index
    %get3A_23 = vector.load %arg3[%get3A_21, %get3A_22] : memref<1x128xf32, #tpu.memory_space<vmem>>, vector<1x128xf32>
    %get3A_24 = vector.shape_cast %get3A_23 : vector<1x128xf32> to vector<128xf32>
    %broadcast_in_dim3A_25 = vector.shape_cast %get3A_24 : vector<128xf32> to vector<1x128xf32>
    %add3A_26 = vector.broadcast %broadcast_in_dim3A_25 : vector<1x128xf32> to vector<1024x128xf32>
    %add3A_27 = arith.addf %mul3A_20, %add3A_26 : vector<1024x128xf32>
    %max3A = arith.constant 0.000000e+00 : f32
    %max3A_28 = vector.broadcast %max3A : f32 to vector<1024x128xf32>
    %max3A_29 = arith.maximumf %add3A_27, %max3A_28 : vector<1024x128xf32>
    %get3A_30 = arith.constant 0 : index
    %get3A_31 = arith.constant 0 : index
    %get3A_32 = vector.load %arg4[%get3A_30, %get3A_31] : memref<128x128xf32, #tpu.memory_space<vmem>>, vector<128x128xf32>
    %dot_general3A = arith.constant dense<0.000000e+00> : vector<1024x128xf32>
    %dot_general3A_33 = tpu.matmul %max3A_29, %get3A_32, %dot_general3A {dimension_numbers = #tpu.dot_dimension_numbers<[1], [0], [0], [1], [0, 0, 1, 1], [], []>, transpose_lhs_hint = false} : vector<1024x128xf32>, vector<128x128xf32>, vector<1024x128xf32> -> vector<1024x128xf32>
    %broadcast_in_dim3A_34 = vector.shape_cast %rsqrt3A : vector<1024xf32> to vector<1024x1xf32>
    %mul3A_35 = vector.broadcast %broadcast_in_dim3A_34 : vector<1024x1xf32> to vector<1024x128xf32>
    %mul3A_36 = arith.mulf %dot_general3A_33, %mul3A_35 : vector<1024x128xf32>
    %swap3A = arith.constant 0 : index
    %swap3A_37 = arith.constant 0 : index
    %swap3A_38 = vector.load %arg5[%swap3A, %swap3A_37] : memref<1024x128xf32, #tpu.memory_space<vmem>>, vector<1024x128xf32>
    tpu.vector_store %arg5[%swap3A, %swap3A_37], %mul3A_36 {strides = array<i32>} : memref<1024x128xf32, #tpu.memory_space<vmem>>, vector<1024x128xf32>,
    return
  }
  func.func @transform_0(%arg0: i32) -> (i32, i32, i32) {
    %c0_i32 = arith.constant 0 : i32
    %c0_i32_0 = arith.constant 0 : i32
    %c0_i32_1 = arith.constant 0 : i32
    return %c0_i32, %arg0, %c0_i32_0 : i32, i32, i32
  }
  func.func @transform_1(%arg0: i32) -> (i32, i32, i32) {
    %c0_i32 = arith.constant 0 : i32
    %c0_i32_0 = arith.constant 0 : i32
    %c0_i32_1 = arith.constant 0 : i32
    return %c0_i32, %arg0, %c0_i32_0 : i32, i32, i32
  }
  func.func @transform_2(%arg0: i32) -> (i32, i32) {
    %c0_i32 = arith.constant 0 : i32
    %c0_i32_0 = arith.constant 0 : i32
    %c0_i32_1 = arith.constant 0 : i32
    return %c0_i32, %c0_i32_0 : i32, i32
  }
  func.func @transform_3(%arg0: i32) -> (i32, i32) {
    %c0_i32 = arith.constant 0 : i32
    %c0_i32_0 = arith.constant 0 : i32
    %c0_i32_1 = arith.constant 0 : i32
    return %c0_i32, %c0_i32_0 : i32, i32
  }
  func.func @transform_4(%arg0: i32) -> (i32, i32) {
    %c0_i32 = arith.constant 0 : i32
    %c0_i32_0 = arith.constant 0 : i32
    return %arg0, %c0_i32 : i32, i32
  }
}

module attributes {stable_mosaic.version = 14 : i64} {
  func.func @_stage_out_body(%arg0: i32, %arg1: memref<2x1024x128xf32, #tpu.memory_space<vmem>>, %arg2: memref<2x1024x128xf32, #tpu.memory_space<vmem>>, %arg3: memref<1x128xf32, #tpu.memory_space<vmem>>, %arg4: memref<128x64xf32, #tpu.memory_space<vmem>>, %arg5: memref<1x64xf32, #tpu.memory_space<vmem>>, %arg6: memref<1024x64xf32, #tpu.memory_space<vmem>>) attributes {dimension_semantics = [#tpu.dimension_semantics<arbitrary>], iteration_bounds = array<i64: 10>, scalar_prefetch = 0 : i64, scratch_operands = 0 : i64, tpu.core_type = #tpu.core_type<tc>, window_params = [{transform_indices = @transform_0, window_bounds = array<i64: 2, 1024, 128>}, {transform_indices = @transform_1, window_bounds = array<i64: 2, 1024, 128>}, {pipeline_mode = #tpu.pipeline_mode<synchronous>, transform_indices = @transform_2, window_bounds = array<i64: 1, 128>}, {pipeline_mode = #tpu.pipeline_mode<synchronous>, transform_indices = @transform_3, window_bounds = array<i64: 128, 64>}, {pipeline_mode = #tpu.pipeline_mode<synchronous>, transform_indices = @transform_4, window_bounds = array<i64: 1, 64>}, {transform_indices = @transform_5, window_bounds = array<i64: 1024, 64>}]} {
    %get3A = arith.constant 0 : index
    %get3A_0 = arith.constant 0 : index
    %get3A_1 = arith.constant 0 : index
    %get3A_2 = vector.load %arg2[%get3A, %get3A_0, %get3A_1] : memref<2x1024x128xf32, #tpu.memory_space<vmem>>, vector<1x1024x1xf32>
    %get3A_3 = vector.shape_cast %get3A_2 : vector<1x1024x1xf32> to vector<1024xf32>
    %get3A_4 = arith.constant 1 : index
    %get3A_5 = arith.constant 0 : index
    %get3A_6 = arith.constant 0 : index
    %get3A_7 = vector.load %arg2[%get3A_4, %get3A_5, %get3A_6] : memref<2x1024x128xf32, #tpu.memory_space<vmem>>, vector<1x1024x1xf32>
    %get3A_8 = vector.shape_cast %get3A_7 : vector<1x1024x1xf32> to vector<1024xf32>
    %add3A = arith.addf %get3A_3, %get3A_8 : vector<1024xf32>
    %rsqrt3A = math.rsqrt %add3A : vector<1024xf32>
    %get3A_9 = arith.constant 0 : index
    %get3A_10 = arith.constant 0 : index
    %get3A_11 = arith.constant 0 : index
    %get3A_12 = vector.load %arg1[%get3A_9, %get3A_10, %get3A_11] : memref<2x1024x128xf32, #tpu.memory_space<vmem>>, vector<1x1024x128xf32>
    %get3A_13 = vector.shape_cast %get3A_12 : vector<1x1024x128xf32> to vector<1024x128xf32>
    %get3A_14 = arith.constant 1 : index
    %get3A_15 = arith.constant 0 : index
    %get3A_16 = arith.constant 0 : index
    %get3A_17 = vector.load %arg1[%get3A_14, %get3A_15, %get3A_16] : memref<2x1024x128xf32, #tpu.memory_space<vmem>>, vector<1x1024x128xf32>
    %get3A_18 = vector.shape_cast %get3A_17 : vector<1x1024x128xf32> to vector<1024x128xf32>
    %add3A_19 = arith.addf %get3A_13, %get3A_18 : vector<1024x128xf32>
    %broadcast_in_dim3A = vector.shape_cast %rsqrt3A : vector<1024xf32> to vector<1024x1xf32>
    %mul3A = vector.broadcast %broadcast_in_dim3A : vector<1024x1xf32> to vector<1024x128xf32>
    %mul3A_20 = arith.mulf %add3A_19, %mul3A : vector<1024x128xf32>
    %get3A_21 = arith.constant 0 : index
    %get3A_22 = arith.constant 0 : index
    %get3A_23 = vector.load %arg3[%get3A_21, %get3A_22] : memref<1x128xf32, #tpu.memory_space<vmem>>, vector<1x128xf32>
    %get3A_24 = vector.shape_cast %get3A_23 : vector<1x128xf32> to vector<128xf32>
    %broadcast_in_dim3A_25 = vector.shape_cast %get3A_24 : vector<128xf32> to vector<1x128xf32>
    %add3A_26 = vector.broadcast %broadcast_in_dim3A_25 : vector<1x128xf32> to vector<1024x128xf32>
    %add3A_27 = arith.addf %mul3A_20, %add3A_26 : vector<1024x128xf32>
    %max3A = arith.constant 0.000000e+00 : f32
    %max3A_28 = vector.broadcast %max3A : f32 to vector<1024x128xf32>
    %max3A_29 = arith.maximumf %add3A_27, %max3A_28 : vector<1024x128xf32>
    %get3A_30 = arith.constant 0 : index
    %get3A_31 = arith.constant 0 : index
    %get3A_32 = vector.load %arg4[%get3A_30, %get3A_31] : memref<128x64xf32, #tpu.memory_space<vmem>>, vector<128x64xf32>
    %dot_general3A = arith.constant dense<0.000000e+00> : vector<1024x64xf32>
    %dot_general3A_33 = tpu.matmul %max3A_29, %get3A_32, %dot_general3A {dimension_numbers = #tpu.dot_dimension_numbers<[1], [0], [0], [1], [0, 0, 1, 1], [], []>, transpose_lhs_hint = false} : vector<1024x128xf32>, vector<128x64xf32>, vector<1024x64xf32> -> vector<1024x64xf32>
    %get3A_34 = arith.constant 0 : index
    %get3A_35 = arith.constant 0 : index
    %get3A_36 = vector.load %arg5[%get3A_34, %get3A_35] : memref<1x64xf32, #tpu.memory_space<vmem>>, vector<1x64xf32>
    %get3A_37 = vector.shape_cast %get3A_36 : vector<1x64xf32> to vector<64xf32>
    %broadcast_in_dim3A_38 = vector.shape_cast %get3A_37 : vector<64xf32> to vector<1x64xf32>
    %add3A_39 = vector.broadcast %broadcast_in_dim3A_38 : vector<1x64xf32> to vector<1024x64xf32>
    %add3A_40 = arith.addf %dot_general3A_33, %add3A_39 : vector<1024x64xf32>
    %reduce_max3A = arith.constant dense<0xFF800000> : vector<1024xf32>
    %reduce_max3A_41 = vector.multi_reduction <maximumf>, %add3A_40, %reduce_max3A [1] : vector<1024x64xf32> to vector<1024xf32>
    %broadcast_in_dim3A_42 = vector.shape_cast %reduce_max3A_41 : vector<1024xf32> to vector<1024x1xf32>
    %sub3A = vector.broadcast %broadcast_in_dim3A_42 : vector<1024x1xf32> to vector<1024x64xf32>
    %sub3A_43 = arith.subf %add3A_40, %sub3A : vector<1024x64xf32>
    %exp3A = math.exp %sub3A_43 : vector<1024x64xf32>
    %reduce_sum3A = arith.constant dense<0.000000e+00> : vector<1024xf32>
    %reduce_sum3A_44 = vector.multi_reduction <add>, %exp3A, %reduce_sum3A [1] : vector<1024x64xf32> to vector<1024xf32>
    %broadcast_in_dim3A_45 = vector.shape_cast %reduce_sum3A_44 : vector<1024xf32> to vector<1024x1xf32>
    %log3A = math.log %broadcast_in_dim3A_45 : vector<1024x1xf32>
    %sub3A_46 = vector.broadcast %log3A : vector<1024x1xf32> to vector<1024x64xf32>
    %sub3A_47 = arith.subf %sub3A_43, %sub3A_46 : vector<1024x64xf32>
    %swap3A = arith.constant 0 : index
    %swap3A_48 = arith.constant 0 : index
    %swap3A_49 = vector.load %arg6[%swap3A, %swap3A_48] : memref<1024x64xf32, #tpu.memory_space<vmem>>, vector<1024x64xf32>
    tpu.vector_store %arg6[%swap3A, %swap3A_48], %sub3A_47 {strides = array<i32>} : memref<1024x64xf32, #tpu.memory_space<vmem>>, vector<1024x64xf32>,
    return
  }
  func.func @transform_0(%arg0: i32) -> (i32, i32, i32) {
    %c0_i32 = arith.constant 0 : i32
    %c0_i32_0 = arith.constant 0 : i32
    %c0_i32_1 = arith.constant 0 : i32
    return %c0_i32, %arg0, %c0_i32_0 : i32, i32, i32
  }
  func.func @transform_1(%arg0: i32) -> (i32, i32, i32) {
    %c0_i32 = arith.constant 0 : i32
    %c0_i32_0 = arith.constant 0 : i32
    %c0_i32_1 = arith.constant 0 : i32
    return %c0_i32, %arg0, %c0_i32_0 : i32, i32, i32
  }
  func.func @transform_2(%arg0: i32) -> (i32, i32) {
    %c0_i32 = arith.constant 0 : i32
    %c0_i32_0 = arith.constant 0 : i32
    %c0_i32_1 = arith.constant 0 : i32
    return %c0_i32, %c0_i32_0 : i32, i32
  }
  func.func @transform_3(%arg0: i32) -> (i32, i32) {
    %c0_i32 = arith.constant 0 : i32
    %c0_i32_0 = arith.constant 0 : i32
    %c0_i32_1 = arith.constant 0 : i32
    return %c0_i32, %c0_i32_0 : i32, i32
  }
  func.func @transform_4(%arg0: i32) -> (i32, i32) {
    %c0_i32 = arith.constant 0 : i32
    %c0_i32_0 = arith.constant 0 : i32
    %c0_i32_1 = arith.constant 0 : i32
    return %c0_i32, %c0_i32_0 : i32, i32
  }
  func.func @transform_5(%arg0: i32) -> (i32, i32) {
    %c0_i32 = arith.constant 0 : i32
    %c0_i32_0 = arith.constant 0 : i32
    return %arg0, %c0_i32 : i32, i32
  }
}

</mosaic_0001>

<sc_bundles>
// kernel: kernel.12.cloned.1.call-start
scs
__scs_entry_jumppad:
0x0: {  	(pc) =	sbr.rel $0x88, $3  }
0x1: {  	(tag) =	ssettag $0x0;
	lr =	simm.s32 $0x1  }
0x2: {  	[smem:$0x3F99] =	sst lr;
	_ =	strace $0xD0000000  }
0x3: {  	_ = 	snop  }
0x4: {  	_ = 	snop  }
0x5: {  	_ = 	snop  }
0x6: {  	_ = 	snop  }
0x7: {  	_ = 	snop  }
__scs_overlays_trampoline_lowered:
0x8: {  	[smem:$0x3FA8] =	sst s0  }
0x9: {  	[smem:$0x3FA9] =	sst s1  }
0xa: {  	[smem:$0x3FAA] =	sst s2  }
0xb: {  	[smem:$0x3FAB] =	sst s3  }
0xc: {  	[smem:$0x3FAC] =	sst s4  }
0xd: {  	[smem:$0x3FAD] =	sst s5  }
0xe: {  	[smem:$0x3FAE] =	sst s6  }
0xf: {  	[smem:$0x3FAF] =	sst s7  }
0x10: {  	[smem:$0x3FB0] =	sst s8  }
0x11: {  	[smem:$0x3FB1] =	sst s9;
	s0 =	simm.s32 @!p0 $0x0  }
0x12: {  	s1 =	sld [smem:$0x3F97];
	s0 =	simm.s32 @p0 $0x1  }
0x13: {  	[smem:$0x3FB2] =	sst s0;
	s0 =	simm.s32 @!p1 $0x0  }
0x14: {  	s2 =	sld [smem:$0x3F96];
	s0 =	simm.s32 @p1 $0x1  }
0x15: {  	[smem:$0x3FB3] =	sst s0;
	s0 =	simm.s32 @!p2 $0x0  }
0x16: {  	s3 =	sld [smem:$0x3FDB];
	s0 =	simm.s32 @p2 $0x1  }
0x17: {  	s4 =	simm.s32 $0x1BF5;
	[smem:$0x3FB5] =	sst s0  }
0x18: {  	s0 =	sld [smem:$0x3F98];
	_ =	swait.ge [sflag:s4], $0x0  }
0x19: {  	s7 =	sld [smem:$0x3F99]  }
0x1a: {  	s8 =	sadd.s32 $0xFFFFE003, lr  }
0x1b: {  	s9 =	sadd.s32 $0xFFFFFEF7, lr;
	s5 =	simm.s32 $0xFFFFFFFF;
	p2 =	slt.u32 s8, $0xFFFFF086  }
0x1c: {  	p1 =	slt.u32 s9, $0xF7A;
	s5 =	simm.s32 @!p2 $0x0  }
0x1d: {  	s5 =	simm.s32 @p1 $0x1;
	p0 =	seq.s32 s7, s2  }
0x1e: {  	s7 =	smul.u32 @!p0 $0xF7A, s2;
	p2 =	seq.s32 @!p0 s5, $0x0  }
0x1f: {  	s9 =	smul.u32 $0xF7A, s1;
	s8 =	simm.s32 @!p0 $0x1BF5;
	p2 =	por !p2, p0  }
0x20: {  	[sflag:s8] =	ssyncset.s32 @!p0 $0xFFFFF086;
	s6 =	sadd.s32 @!p0 s3, s7;
	s7 =	simm.s32 @!p0 $0x108  }
0x21: {  	s3 =	sadd.s32 s3, s9;
	s6 =	sadd.s32 @!p0 $0x88, s6;
	s7 =	simm.s32 @p2 $0x1082  }
0x22: {  	[simem:s7], [sflag:s8] =	dma.local @!p0 [hbm:s6], $0xF7A  }
0x23: {  	s9 =	sor.u32 $0xD0000000, s2;
	s6 =	simm.s32 $0x108;
	_ =	swait.ge @!p0 [sflag:s8], $0x0  }
0x24: {  	s3 =	sadd.s32 $0x88, s3;
	s6 =	simm.s32 @!p1 $0x1082;
	[sflag:s4] =	ssyncset.s32 $0xFFFFF086  }
0x25: {  	[simem:s6], [sflag:s4] =	dma.local [hbm:s3], $0xF7A  }
0x26: {  	[smem:$0x3F99] =	sst s1;
	(tag) =	ssettag s2;
	_ =	strace s9  }
0x27: {  	s1 =	sld [smem:$0x3FA9]  }
0x28: {  	s2 =	sld [smem:$0x3FAA]  }
0x29: {  	s4 =	sld [smem:$0x3FAC]  }
0x2a: {  	p0 =	seq.s32 s5, $0x0;
	s5 =	sld [smem:$0x3FAD]  }
0x2b: {  	s6 =	sld [smem:$0x3FAE]  }
0x2c: {  	s7 =	sld [smem:$0x3FAF]  }
0x2d: {  	s3 =	simm.s32 $0x108;
	s8 =	sld [smem:$0x3FB0]  }
0x2e: {  	s3 =	simm.s32 @!p0 $0x1082;
	s9 =	sld [smem:$0x3FB1]  }
0x2f: {  	lr =	sadd.s32 s0, s3;
	s0 =	sld [smem:$0x3FA8]  }
0x30: {  	s3 =	sld [smem:$0x3FAB]  }
0x31: {  	[smem:$0x3FB4] =	sst s10  }
0x32: {  	s10 =	sld [smem:$0x3FB2];
	_ =	sdelay $0x3  }
0x33: {  	p0 =	seq.s32 s10, $0x1;
	s10 =	sld [smem:$0x3FB4];
	_ =	sdelay $0x3  }
0x34: {  	[smem:$0x3FB4] =	sst s10  }
0x35: {  	s10 =	sld [smem:$0x3FB3];
	_ =	sdelay $0x3  }
0x36: {  	p1 =	seq.s32 s10, $0x1;
	s10 =	sld [smem:$0x3FB4];
	_ =	sdelay $0x3  }
0x37: {  	[smem:$0x3FB4] =	sst s10  }
0x38: {  	s10 =	sld [smem:$0x3FB5]  }
0x39: {  	_ = 	snop;
	(pc) =	sbr.ind lr, $3  }
0x3a: {  	_ = 	snop  }
0x3b: {  	_ = 	snop  }
0x3c: {  	p2 =	seq.s32 s10, $0x1;
	s10 =	sld [smem:$0x3FB4]  }
0x3d: {  	_ =	shalt  }
0x3e: {  	_ =	shalt  }
0x3f: {  	_ =	shalt  }
0x40: {  	_ =	shalt  }
0x41: {  	_ =	shalt  }
0x42: {  	_ =	shalt  }
0x43: {  	_ =	shalt  }
0x44: {  	_ =	shalt  }
0x45: {  	_ =	shalt  }
0x46: {  	_ =	shalt  }
0x47: {  	_ =	shalt  }
0x48: {  	_ =	shalt  }
0x49: {  	_ =	shalt  }
0x4a: {  	_ =	shalt  }
0x4b: {  	_ =	shalt  }
0x4c: {  	_ =	shalt  }
0x4d: {  	_ =	shalt  }
0x4e: {  	_ =	shalt  }
0x4f: {  	_ =	shalt  }
0x50: {  	_ =	shalt  }
0x51: {  	_ =	shalt  }
0x52: {  	_ =	shalt  }
0x53: {  	_ =	shalt  }
0x54: {  	_ =	shalt  }
0x55: {  	_ =	shalt  }
0x56: {  	_ =	shalt  }
0x57: {  	_ =	shalt  }
0x58: {  	_ =	shalt  }
0x59: {  	_ =	shalt  }
0x5a: {  	_ =	shalt  }
0x5b: {  	_ =	shalt  }
0x5c: {  	_ =	shalt  }
0x5d: {  	_ =	shalt  }
0x5e: {  	_ =	shalt  }
0x5f: {  	_ =	shalt  }
0x60: {  	_ =	shalt  }
0x61: {  	_ =	shalt  }
0x62: {  	_ =	shalt  }
0x63: {  	_ =	shalt  }
0x64: {  	_ =	shalt  }
0x65: {  	_ =	shalt  }
0x66: {  	_ =	shalt  }
0x67: {  	_ =	shalt  }
0x68: {  	_ =	shalt  }
0x69: {  	_ =	shalt  }
0x6a: {  	_ =	shalt  }
0x6b: {  	_ =	shalt  }
0x6c: {  	_ =	shalt  }
0x6d: {  	_ =	shalt  }
0x6e: {  	_ =	shalt  }
0x6f: {  	_ =	shalt  }
0x70: {  	_ =	shalt  }
0x71: {  	_ =	shalt  }
0x72: {  	_ =	shalt  }
0x73: {  	_ =	shalt  }
0x74: {  	_ =	shalt  }
0x75: {  	_ =	shalt  }
0x76: {  	_ =	shalt  }
0x77: {  	_ =	shalt  }
0x78: {  	_ =	shalt  }
0x79: {  	_ =	shalt  }
0x7a: {  	_ =	shalt  }
0x7b: {  	_ =	shalt  }
0x7c: {  	_ =	shalt  }
0x7d: {  	_ =	shalt  }
0x7e: {  	_ =	shalt  }
0x7f: {  	_ =	shalt  }
0x80: {  	_ =	shalt  }
0x81: {  	_ =	shalt  }
0x82: {  	_ =	shalt  }
0x83: {  	_ =	shalt  }
0x84: {  	_ =	shalt  }
0x85: {  	_ =	shalt  }
0x86: {  	_ =	shalt  }
0x87: {  	_ =	shalt  }
.Lfunc_end0:
.L_simem_size_0:
called_computation.1_lowered:
.L_overlay_start_0:
0x88: {  	s2 =	sld [smem:$0x3FD9]  }
0x89: {  	s3 =	sld [smem:$0x3FFE];
	_ =	sdelay $0x1  }
0x8a: {  	s1 =	srdreg.scid  }
0x8b: {  	s0 =	sand.u32 $0x1, s1  }
0x8c: {  	s17 =	sshll.u32 s0, $0xA;
	s2 =	sadd.s32 s3, s2  }
0x8d: {  	s2 =	sadd.s32 s2, s17  }
0x8e: {  	[smem:$0x3FC0] =	sst s2  }
0x8f: {  	_ = 	snop  }
0x90: {  	s2 =	sld [smem:$0x3FD0];
	(tm) =	ssettm $0x1  }
0x91: {  	s18 =	sld [smem:$0x3FFB];
	_ =	sdelay $0x3  }
0x92: {  	_ =	strace s18  }
0x93: {  	s3 =	sld [smem:$0x3FFC];
	_ =	sdelay $0x3  }
0x94: {  	_ =	strace s3  }
0x95: {  	s3 =	sld [smem:$0x3FFD];
	_ =	sdelay $0x3  }
0x96: {  	_ =	strace s3  }
0x97: {  	_ =	strace $0x8FFFFFFF  }
0x98: {  	s19 =	sld [smem:$0x3FDB];
	_ =	sdelay $0x1  }
0x99: {  	s4 =	simm.s32 $_scs_section_size  }
0x9a: {  	s5 =	simm.s32 $_size__tile_overlayer_lowered;
	s6 =	simm.s32 $_tile_overlayer_lowered  }
0x9b: {  	s22 =	simm.s32 $0x1BFF;
	s21 =	sshll.u32 s6, $0x1;
	s3 =	sadd.s32 s4, s19  }
0x9c: {  	s7 =	simm.s32 $0x0;
	s20 =	sshll.u32 s5, $0x1;
	s5 =	sadd.s32 s21, s3  }
0x9d: {  	[timem:s7], [sflag:s22] =	dma.local [hbm:s5], s20  }
0x9e: {  	_ =	swait.ge [sflag:s22], s20  }
0x9f: {  	s4 =	ssub.s32 $0x0, s20;
	[sflag:s22] =	ssyncset.done $0x0  }
0xa0: {  	[sflag:s22] =	ssyncadd.s32 s4;
	_ =	sdelay $0x1  }
0xa1: {  	s23 =	simm.s32 $0x1B8B  }
0xa2: {  	_ =	swait.ge [sflag:s23], $0x1  }
0xa3: {  	[sflag:s23] =	ssyncset.done $0x0  }
0xa4: {  	s25 =	simm.s32 $0x1B8E;
	s24 =	sld [smem:$0x3FFE];
	[sflag:s23] =	ssyncadd.s32 $0xFFFFFFFF  }
0xa5: {  	s26 =	simm.s32 $execute0_lowered;
	[smem:$0x3FD2] =	sst s25  }
0xa6: {  	s5 =	sshll.u32 s26, $0x1;
	_ =	strace $0x80000049;
	[dreg:$0x1] =	wrdreg $0xFFFFFFFF  }
0xa7: {  	s28 =	simm.s32 $_size_execute0_lowered;
	s3 =	sadd.s32 s3, s5;
	[dreg:$0x0] =	wrdreg $0x0  }
0xa8: {  	s5 =	sshll.u32 s28, $0x1;
	[dreg:$0x2] =	wrdreg s3  }
0xa9: {  	[dreg:$0x3] =	wrdreg s5  }
0xaa: {  	[dreg:$0x4] =	wrdreg $0xC0  }
0xab: {  	_ =	task [dreg:s7], $0x5FFFF  }
0xac: {  	[dreg:$0x1] =	wrdreg $0xFFFFFFFF  }
0xad: {  	[dreg:$0x0] =	wrdreg $0x60  }
0xae: {  	[dreg:$0x2] =	wrdreg s24  }
0xaf: {  	[dreg:$0x3] =	wrdreg s2  }
0xb0: {  	[dreg:$0x4] =	wrdreg $0xA8000  }
0xb1: {  	[dreg:$0x5] =	wrdreg $0x9  }
0xb2: {  	_ =	task.clear_ibuf [dreg:s7], $0x6FFFF;
	_ =	strace $0x90000049  }
0xb3: {  	s29 =	simm.s32 $0x9;
	_ =	strace $0x8000004B  }
0xb4: {  	_ =	swait.ge [sflag:s29], $0x1  }
0xb5: {  	[sflag:s29] =	ssyncadd.s32 $0xFFFFFFFF  }
0xb6: {  	_ =	strace $0x9000004B  }
0xb7: {  	_ =	sfence  }
0xb8: {  	s30 =	sld [smem:$0x0];
	_ =	sdelay $0x2  }
0xb9: {  	s31 =	sshll.u32 s1, $0xD;
	s1 =	sshrl.u32 s1, $0x2  }
0xba: {  	s3 =	sand.u32 $0x4000, s31;
	s1 =	sadd.s32 s1, s30  }
0xbb: {  	s0 =	sor.u32 s3, s0;
	s1 =	sshll.u32 s1, $0x11  }
0xbc: {  	s0 =	sor.u32 s1, s0  }
0xbd: {  	s0 =	sadd.s32 $0x8F2B, s0  }
0xbe: {  	[sflag:s0] =	ssyncadd.remote.s32 $0x1  }
0xbf: {  	_ =	sfence.sel $0xFFFF  }
0xc0: {  	[dreg:$0x0] =	wrdreg $0xFFFFFFFF;
	(pc) =	sbr.abs _section_cstart, $3  }
0xc1: {  	[dreg:$0x1] =	wrdreg $0xFFFFFFFF  }
0xc2: {  	_ =	task.clear_ibuf [dreg:s7], $0x2FFFF;
	_ =	strace $0x9FFFFFFF  }
0xc3: {  	(tm) =	ssettm $0x7FFFFFFF  }
tec
execute0_lowered:
.L_overlay_start_1:
0x0: {  	(tag) =	ssettag $0x1  }
0x1: {  	s0 =	rddreg [dreg:$0x0]  }
0x2: {  	s2 =	rddreg [dreg:$0x1]  }
0x3: {  	s1 =	rddreg [dreg:$0x2];
	s3 =	srdreg.scid  }
0x4: {  	s18 =	stileid.u32;
	s4 =	sand.u32 $0x1, s3;
	s3 =	simm.s32 $0x0  }
0x5: {  	s6 =	sadd.s32 $0x53400, s0;
	s7 =	sadd.s32 $0x85400, s0;
	s10 =	smul.u32 $0x280, s18  }
0x6: {  	s15 =	smul.u32 $0x14000, s18;
	s5 =	sshll.u32 s4, $0x4;
	[smem:$0x7FF] =	sst s3  }
0x7: {  	s8 =	ssub.s32 $0x2, s4;
	p0 =	sne.s32 s4, $0x0;
	s5 =	sor.u32 s18, s5  }
0x8: {  	_ =	strace $0x8000004A;
	s9 =	sshrl.u32 s8, $0x1;
	s5 =	smul.u32 $0x2800, s5  }
0x9: {  	s11 =	sadd.s32 $0x80, s10;
	s12 =	sadd.s32 $0x100, s10;
	s16 =	sadd.s32 $0x180, s10  }
0xa: {  	s10 =	sadd.s32 $0x200, s10;
	s8 =	ssub.s32 s8, s9;
	s5 =	sshrl.u32 s5, $0x3  }
0xb: {  	s9 =	smul.u32 $0x50000, s18;
	s17 =	sshll.u32 s12, $0x7;
	s13 =	sadd.s32 s6, s5  }
0xc: {  	s23 =	sshll.u32 s16, $0x7;
	s14 =	sadd.s32 s2, s5;
	[dreg:$0x4] =	wrdreg s13  }
0xd: {  	s24 =	sshll.u32 s10, $0x7;
	s5 =	sadd.s32 $0x280, s5;
	[dreg:$0x5] =	wrdreg s14  }
0xe: {  	s14 =	sshll.u32 s11, $0x7;
	s13 =	smul.u32 $0x140000, s4;
	s6 =	sadd.s32 s6, s5  }
0xf: {  	s2 =	sadd.s32 s2, s5;
	s4 =	simm.s32 $0x80;
	[dreg:$0x6] =	wrdreg s6  }
0x10: {  	[dreg:$0x7] =	wrdreg s2;
	s15 =	sadd.s32 s15, s13;
	s19 =	sadd.s32 s13, s14  }
0x11: {  	s25 =	sadd.s32 s13, s17;
	s26 =	sadd.s32 s13, s23;
	s31 =	sadd.s32 s13, s24  }
0x12: {  	s23 =	sadd.s32 s23, s1;
	s24 =	sadd.s32 s24, s1;
	s20 =	sshrl.u32 s15, $0x3  }
0x13: {  	s21 =	sshrl.u32 s19, $0x3;
	s5 =	sshrl.u32 s26, $0x3;
	s6 =	sshrl.u32 s31, $0x3  }
0x14: {  	s15 =	sshrl.u32 s9, $0x2;
	s19 =	smul.u32 $0x2800, s18;
	s26 =	sshll.u32 s10, $0x4  }
0x15: {  	s31 =	smax.u32 s8, $0x1;
	s8 =	simm.s32 $0x5;
	s9 =	simm.s32 $0x2  }
0x16: {  	s10 =	simm.s32 $0x1380;
	s2 =	sadd.s32 s7, s20;
	s22 =	sadd.s32 s7, s21  }
0x17: {  	s13 =	sadd.s32 s7, s6;
	s15 =	sadd.s32 s15, s1;
	[dreg:$0x13] =	wrdreg s31  }
0x18: {  	s20 =	sshll.u32 s11, $0x4;
	s6 =	simm.s32 $0x6800;
	[dreg:$0x8] =	wrdreg s2  }
0x19: {  	s11 =	simm.s32 $0x2700;
	[dreg:$0x9] =	wrdreg s22;
	s2 =	sshrl.u32 s25, $0x3  }
0x1a: {  	[dreg:$0xc] =	wrdreg s13;
	s13 =	sadd.s32 $0x5D400, s0;
	s0 =	sadd.s32 $0x2400, s0  }
0x1b: {  	s22 =	sshll.u32 s12, $0x4;
	s25 =	sshll.u32 s16, $0x4;
	s28 =	sadd.s32 $0x8000, s15  }
0x1c: {  	s29 =	sadd.s32 $0xC000, s15;
	s30 =	sadd.s32 $0x10000, s15;
	s12 =	simm.s32 $0x2780  }
0x1d: {  	s2 =	sadd.s32 s7, s2;
	[dreg:$0xd] =	wrdreg s0;
	s21 =	sadd.s32 s13, s19  }
0x1e: {  	s0 =	sadd.s32 s13, s20;
	s19 =	sadd.s32 s14, s1;
	[dreg:$0xa] =	wrdreg s2  }
0x1f: {  	s14 =	simm.s32 $0x0;
	s2 =	sadd.s32 s7, s5;
	[dreg:$0xe] =	wrdreg s21  }
0x20: {  	[dreg:$0xf] =	wrdreg s0;
	s0 =	sadd.s32 s13, s22;
	s21 =	sadd.s32 s17, s1  }
0x21: {  	s5 =	simm.s32 $0x2800;
	s7 =	simm.s32 $0x1;
	[dreg:$0xb] =	wrdreg s2  }
0x22: {  	[dreg:$0x10] =	wrdreg s0;
	s0 =	sadd.s32 s13, s25;
	s25 =	simm.s32 $0x1400  }
0x23: {  	s2 =	simm.s32 $0x4;
	[dreg:$0x11] =	wrdreg s0;
	s0 =	sadd.s32 s13, s26  }
0x24: {  	s26 =	sadd.s32 $0x4000, s15;
	[dreg:$0x12] =	wrdreg s0;
	s0 =	simm.s32 $0x3  }
.LBB2_1:
0x25: {  	s16 =	rddreg [dreg:$0x4]  }
0x26: {  	[tilespmem:s3], [sflag:$0x3] =	stream.linear.gather [hbm4b:s16+s3], $0x1400, $0x38;
	[tilespmem:$0x1E800] =	vst v63  }
0x27: {  	s18 =	rddreg [dreg:$0x5]  }
0x28: {  	[tilespmem:s25], [sflag:$0x4] =	stream.linear.gather [hbm4b:s18+s3], $0x1400, $0x38;
	[tilespmem:$0x1E800] =	vst v63  }
0x29: {  	s17 =	simm.s32 @p0 $0x2800;
	s16 =	simm.s32 @p0 $0x0;
	s18 =	rddreg [dreg:$0xd]  }
0x2a: {  	[tilespmem:s17], [sflag:$0x5] =	stream.linear.gather @p0 [hbm4b:s18+s16], $0x4000, $0x38;
	[tilespmem:$0x1E800] =	vst v63  }
0x2b: {  	s16 =	simm.s32 @p0 $0x5  }
0x2c: {  	_ =	swait.ge @p0 [sflag:s16], $0x4000  }
0x2d: {  	[sflag:s16] =	ssyncset.done @p0 $0x0  }
0x2e: {  	[sflag:s16] =	ssyncadd.s32 @p0 $0xFFFFC000  }
0x2f: {  	[spmem:s15] =	stream.linear.scatter @p0 [tilespmem:s17], [sflag:$0x1], $0x4000, $0x38;
	[tilespmem:$0x1E800] =	vst v63  }
0x30: {  	_ = 	snop  }
0x31: {  	[spmem:s26] =	stream.linear.scatter @p0 [tilespmem:s17], [sflag:$0x1], $0x4000, $0x38;
	[tilespmem:$0x1E800] =	vst v63  }
0x32: {  	_ = 	snop  }
0x33: {  	[spmem:s28] =	stream.linear.scatter @p0 [tilespmem:s17], [sflag:$0x1], $0x4000, $0x38;
	[tilespmem:$0x1E800] =	vst v63  }
0x34: {  	_ = 	snop  }
0x35: {  	[spmem:s29] =	stream.linear.scatter @p0 [tilespmem:s17], [sflag:$0x1], $0x4000, $0x38;
	[tilespmem:$0x1E800] =	vst v63  }
0x36: {  	s16 =	simm.s32 @p0 $0x1  }
0x37: {  	[spmem:s30] =	stream.linear.scatter @p0 [tilespmem:s17], [sflag:$0x1], $0x4000, $0x38;
	[tilespmem:$0x1E800] =	vst v63  }
0x38: {  	_ =	swait.ge @p0 [sflag:s16], $0x4000  }
0x39: {  	[sflag:s16] =	ssyncset.done @p0 $0x0  }
0x3a: {  	[sflag:s16] =	ssyncadd.s32 @p0 $0xFFFFC000  }
0x3b: {  	_ =	swait.ge @p0 [sflag:s16], $0x4000  }
0x3c: {  	[sflag:s16] =	ssyncset.done @p0 $0x0  }
0x3d: {  	[sflag:s16] =	ssyncadd.s32 @p0 $0xFFFFC000  }
0x3e: {  	_ =	swait.ge @p0 [sflag:s16], $0x4000  }
0x3f: {  	[sflag:s16] =	ssyncset.done @p0 $0x0  }
0x40: {  	[sflag:s16] =	ssyncadd.s32 @p0 $0xFFFFC000  }
0x41: {  	_ =	swait.ge @p0 [sflag:s16], $0x4000  }
0x42: {  	s17 =	simm.s32 @!p0 $0x2800;
	[sflag:s16] =	ssyncset.done @p0 $0x0  }
0x43: {  	s18 =	rddreg [dreg:$0xe];
	[sflag:s16] =	ssyncadd.s32 @p0 $0xFFFFC000;
	s16 =	simm.s32 @!p0 $0x0  }
0x44: {  	[tilespmem:s17], [sflag:$0x1] =	stream.linear.gather @!p0 [hbm4b:s18+s16], $0x4000, $0x38;
	[tilespmem:$0x1E800] =	vst v63  }
0x45: {  	s20 =	rddreg [dreg:$0xf];
	s18 =	simm.s32 @!p0 $0x6800  }
0x46: {  	[tilespmem:s18], [sflag:$0x2] =	stream.linear.gather @!p0 [hbm4b:s20+s16], $0x4000, $0x38;
	[tilespmem:$0x1E800] =	vst v63  }
0x47: {  	s20 =	simm.s32 @!p0 $0x1  }
0x48: {  	_ =	swait.ge @!p0 [sflag:s20], $0x4000  }
0x49: {  	[sflag:s20] =	ssyncset.done @!p0 $0x0  }
0x4a: {  	s22 =	simm.s32 @!p0 $0x5;
	[sflag:s20] =	ssyncadd.s32 @!p0 $0xFFFFC000  }
0x4b: {  	[spmem:s15] =	stream.linear.scatter @!p0 [tilespmem:s17], [sflag:$0x5], $0x4000, $0x38;
	[tilespmem:$0x1E800] =	vst v63  }
0x4c: {  	_ =	swait.ge @!p0 [sflag:s22], $0x4000  }
0x4d: {  	[sflag:s22] =	ssyncset.done @!p0 $0x0  }
0x4e: {  	s31 =	rddreg [dreg:$0x10];
	[sflag:s22] =	ssyncadd.s32 @!p0 $0xFFFFC000  }
0x4f: {  	[tilespmem:s17], [sflag:$0x1] =	stream.linear.gather @!p0 [hbm4b:s31+s16], $0x4000, $0x38;
	[tilespmem:$0x1E800] =	vst v63  }
0x50: {  	s31 =	simm.s32 @!p0 $0x2  }
0x51: {  	_ =	swait.ge @!p0 [sflag:s31], $0x4000  }
0x52: {  	[sflag:s31] =	ssyncset.done @!p0 $0x0  }
0x53: {  	[sflag:s31] =	ssyncadd.s32 @!p0 $0xFFFFC000  }
0x54: {  	[spmem:s19] =	stream.linear.scatter @!p0 [tilespmem:s18], [sflag:$0x5], $0x4000, $0x38;
	[tilespmem:$0x1E800] =	vst v63  }
0x55: {  	_ =	swait.ge @!p0 [sflag:s22], $0x4000  }
0x56: {  	[sflag:s22] =	ssyncset.done @!p0 $0x0  }
0x57: {  	s25 =	rddreg [dreg:$0x11];
	[sflag:s22] =	ssyncadd.s32 @!p0 $0xFFFFC000  }
0x58: {  	[tilespmem:s18], [sflag:$0x2] =	stream.linear.gather @!p0 [hbm4b:s25+s16], $0x4000, $0x38;
	[tilespmem:$0x1E800] =	vst v63  }
0x59: {  	_ =	swait.ge @!p0 [sflag:s20], $0x4000  }
0x5a: {  	[sflag:s20] =	ssyncset.done @!p0 $0x0  }
0x5b: {  	[sflag:s20] =	ssyncadd.s32 @!p0 $0xFFFFC000  }
0x5c: {  	[spmem:s21] =	stream.linear.scatter @!p0 [tilespmem:s17], [sflag:$0x5], $0x4000, $0x38;
	[tilespmem:$0x1E800] =	vst v63  }
0x5d: {  	_ =	swait.ge @!p0 [sflag:s22], $0x4000  }
0x5e: {  	[sflag:s22] =	ssyncset.done @!p0 $0x0  }
0x5f: {  	s25 =	rddreg [dreg:$0x12];
	[sflag:s22] =	ssyncadd.s32 @!p0 $0xFFFFC000  }
0x60: {  	[tilespmem:s17], [sflag:$0x1] =	stream.linear.gather @!p0 [hbm4b:s25+s16], $0x4000, $0x38;
	[tilespmem:$0x1E800] =	vst v63  }
0x61: {  	_ =	swait.ge @!p0 [sflag:s31], $0x4000  }
0x62: {  	[sflag:s31] =	ssyncset.done @!p0 $0x0  }
0x63: {  	[sflag:s31] =	ssyncadd.s32 @!p0 $0xFFFFC000  }
0x64: {  	[spmem:s23] =	stream.linear.scatter @!p0 [tilespmem:s18], [sflag:$0x5], $0x4000, $0x38;
	[tilespmem:$0x1E800] =	vst v63  }
0x65: {  	_ =	swait.ge @!p0 [sflag:s22], $0x4000  }
0x66: {  	[sflag:s22] =	ssyncset.done @!p0 $0x0  }
0x67: {  	[sflag:s22] =	ssyncadd.s32 @!p0 $0xFFFFC000  }
0x68: {  	_ =	swait.ge @!p0 [sflag:s20], $0x4000  }
0x69: {  	[sflag:s20] =	ssyncset.done @!p0 $0x0  }
0x6a: {  	s22 =	simm.s32 @p0 $0x1;
	[sflag:s20] =	ssyncadd.s32 @!p0 $0xFFFFC000  }
0x6b: {  	[spmem:s24] =	stream.linear.scatter @!p0 [tilespmem:s17], [sflag:$0x5], $0x4000, $0x38;
	[tilespmem:$0x1E800] =	vst v63  }
0x6c: {  	_ =	swait.ge [sflag:s22], $0x4000  }
0x6d: {  	[sflag:s22] =	ssyncset.done $0x0  }
0x6e: {  	[sflag:s22] =	ssyncadd.s32 $0xFFFFC000  }
0x6f: {  	[bflag:$0x0] =	sbarrier.arrive $0xFFFF  }
0x70: {  	_ =	swait.ge [sflag:s0], $0x1400  }
0x71: {  	[sflag:s0] =	ssyncset.done $0x0  }
0x72: {  	[sflag:s0] =	ssyncadd.s32 $0xFFFFEC00  }
0x73: {  	_ =	swait.ge [sflag:s2], $0x1400  }
0x74: {  	[sflag:s2] =	ssyncset.done $0x0  }
0x75: {  	[sflag:s2] =	ssyncadd.s32 $0xFFFFEC00  }
0x76: {  	[tilespmem:s5], [sflag:$0x1] =	stream.indirect.gather [hbm4b:s13+s4], $0x80, s3, s4, $0xb8;
	[tilespmem:$0x1E800] =	vst v63  }
0x77: {  	s20 =	simm.s32 $0x80  }
0x78: {  	[tilespmem:s6], [sflag:$0x2] =	stream.indirect.gather [hbm4b:s13+s4], $0x80, s20, s4, $0xb8;
	[tilespmem:$0x1E800] =	vst v63  }
0x79: {  	_ =	swait.ge [sflag:s7], $0x4000  }
0x7a: {  	[sflag:s7] =	ssyncset.done $0x0  }
0x7b: {  	s22 =	simm.s32 $0x1400;
	[sflag:s7] =	ssyncadd.s32 $0xFFFFC000  }
0x7c: {  	[spmem:s1] =	stream.indirect.scatter.add.f32 [tilespmem:s5], [sflag:$0x5], $0x80, s22, s4, $0xb8;
	[tilespmem:$0x1E800] =	vst v63  }
0x7d: {  	_ =	swait.ge [sflag:s8], $0x4000  }
0x7e: {  	[sflag:s8] =	ssyncset.done $0x0  }
0x7f: {  	s25 =	simm.s32 $0x100;
	[sflag:s8] =	ssyncadd.s32 $0xFFFFC000  }
0x80: {  	[tilespmem:s5], [sflag:$0x1] =	stream.indirect.gather [hbm4b:s13+s4], $0x80, s25, s4, $0xb8;
	[tilespmem:$0x1E800] =	vst v63  }
0x81: {  	_ =	swait.ge [sflag:s9], $0x4000  }
0x82: {  	[sflag:s9] =	ssyncset.done $0x0  }
0x83: {  	s31 =	simm.s32 $0x1480;
	[sflag:s9] =	ssyncadd.s32 $0xFFFFC000  }
0x84: {  	[spmem:s1] =	stream.indirect.scatter.add.f32 [tilespmem:s6], [sflag:$0x5], $0x80, s31, s4, $0xb8;
	[tilespmem:$0x1E800] =	vst v63  }
0x85: {  	_ =	swait.ge [sflag:s8], $0x4000  }
0x86: {  	s16 =	simm.s32 $0x100;
	s17 =	simm.s32 $0x800;
	[sflag:s8] =	ssyncset.done $0x0  }
.LBB2_2:
0x87: {  	s18 =	sadd.s32 $0x80, s16  }
0x88: {  	[sflag:s8] =	ssyncadd.s32 $0xFFFFC000;
	s20 =	smov.u32 s17;
	s22 =	sadd.s32 $0x400, s17  }
0x89: {  	[tilespmem:s6], [sflag:$0x2] =	stream.indirect.gather [hbm4b:s13+s4], $0x80, s18, s4, $0xb8;
	[tilespmem:$0x1E800] =	vst v63  }
0x8a: {  	p1 =	sne.s32 s17, $0x4800;
	_ =	swait.ge [sflag:s7], $0x4000  }
0x8b: {  	[sflag:s7] =	ssyncset.done $0x0  }
0x8c: {  	s17 =	sadd.s32 $0x1400, s16;
	[sflag:s7] =	ssyncadd.s32 $0xFFFFC000  }
0x8d: {  	[spmem:s1] =	stream.indirect.scatter.add.f32 [tilespmem:s5], [sflag:$0x5], $0x80, s17, s4, $0xb8;
	[tilespmem:$0x1E800] =	vst v63  }
0x8e: {  	_ =	swait.ge [sflag:s8], $0x4000  }
0x8f: {  	[sflag:s8] =	ssyncset.done $0x0  }
0x90: {  	s17 =	sadd.s32 $0x100, s16;
	[sflag:s8] =	ssyncadd.s32 $0xFFFFC000  }
0x91: {  	[tilespmem:s5], [sflag:$0x1] =	stream.indirect.gather [hbm4b:s13+s4], $0x80, s17, s4, $0xb8;
	[tilespmem:$0x1E800] =	vst v63  }
0x92: {  	_ =	swait.ge [sflag:s9], $0x4000  }
.Ltmp0:
0x93: {  	[sflag:s9] =	ssyncset.done $0x0;
	(pc) =	sbr.rel @p1 .LBB2_2-.Ltmp0, $4  }
0x94: {  	s16 =	sadd.s32 $0x1480, s16;
	[sflag:s9] =	ssyncadd.s32 $0xFFFFC000  }
0x95: {  	[spmem:s1] =	stream.indirect.scatter.add.f32 [tilespmem:s6], [sflag:$0x5], $0x80, s16, s4, $0xb8;
	[tilespmem:$0x1E800] =	vst v63  }
0x96: {  	_ =	swait.ge [sflag:s8], $0x4000  }
0x97: {  	s17 =	smov.u32 s22;
	s16 =	sshra.s32 s20, $0x2;
	[sflag:s8] =	ssyncset.done $0x0  }
0x98: {  	s17 =	sadd.s32 $0x80, s16;
	[sflag:s8] =	ssyncadd.s32 $0xFFFFC000  }
0x99: {  	[tilespmem:s6], [sflag:$0x2] =	stream.indirect.gather [hbm4b:s13+s4], $0x80, s17, s4, $0xb8;
	[tilespmem:$0x1E800] =	vst v63  }
0x9a: {  	_ =	swait.ge [sflag:s7], $0x4000  }
0x9b: {  	[sflag:s7] =	ssyncset.done $0x0  }
0x9c: {  	s31 =	sadd.s32 $0x1400, s16;
	[sflag:s7] =	ssyncadd.s32 $0xFFFFC000  }
0x9d: {  	[spmem:s1] =	stream.indirect.scatter.add.f32 [tilespmem:s5], [sflag:$0x5], $0x80, s31, s4, $0xb8;
	[tilespmem:$0x1E800] =	vst v63  }
0x9e: {  	_ =	swait.ge [sflag:s8], $0x4000  }
0x9f: {  	[sflag:s8] =	ssyncset.done $0x0  }
0xa0: {  	s18 =	sadd.s32 $0x100, s16;
	[sflag:s8] =	ssyncadd.s32 $0xFFFFC000  }
0xa1: {  	[tilespmem:s5], [sflag:$0x1] =	stream.indirect.gather [hbm4b:s13+s4], $0x80, s18, s4, $0xb8;
	[tilespmem:$0x1E800] =	vst v63  }
0xa2: {  	_ =	swait.ge [sflag:s9], $0x4000  }
0xa3: {  	[sflag:s9] =	ssyncset.done $0x0  }
0xa4: {  	s20 =	sadd.s32 $0x1480, s16;
	[sflag:s9] =	ssyncadd.s32 $0xFFFFC000  }
0xa5: {  	[spmem:s1] =	stream.indirect.scatter.add.f32 [tilespmem:s6], [sflag:$0x5], $0x80, s20, s4, $0xb8;
	[tilespmem:$0x1E800] =	vst v63  }
0xa6: {  	_ =	swait.ge [sflag:s8], $0x4000  }
0xa7: {  	[sflag:s8] =	ssyncset.done $0x0  }
0xa8: {  	[sflag:s8] =	ssyncadd.s32 $0xFFFFC000  }
0xa9: {  	[tilespmem:s6], [sflag:$0x2] =	stream.indirect.gather [hbm4b:s13+s4], $0x80, s10, s4, $0xb8;
	[tilespmem:$0x1E800] =	vst v63  }
0xaa: {  	_ =	swait.ge [sflag:s7], $0x4000  }
0xab: {  	[sflag:s7] =	ssyncset.done $0x0  }
0xac: {  	[sflag:s7] =	ssyncadd.s32 $0xFFFFC000  }
0xad: {  	[spmem:s1] =	stream.indirect.scatter.add.f32 [tilespmem:s5], [sflag:$0x5], $0x80, s11, s4, $0xb8;
	[tilespmem:$0x1E800] =	vst v63  }
0xae: {  	_ =	swait.ge [sflag:s8], $0x4000  }
0xaf: {  	[sflag:s8] =	ssyncset.done $0x0  }
0xb0: {  	[sflag:s8] =	ssyncadd.s32 $0xFFFFC000  }
0xb1: {  	_ =	swait.ge [sflag:s9], $0x4000  }
0xb2: {  	[sflag:s9] =	ssyncset.done $0x0  }
0xb3: {  	[sflag:s9] =	ssyncadd.s32 $0xFFFFC000  }
0xb4: {  	[spmem:s1] =	stream.indirect.scatter.add.f32 [tilespmem:s6], [sflag:$0x5], $0x80, s12, s4, $0xb8;
	[tilespmem:$0x1E800] =	vst v63  }
0xb5: {  	_ =	swait.ge [sflag:s8], $0x4000  }
0xb6: {  	[sflag:s8] =	ssyncset.done $0x0  }
0xb7: {  	s22 =	simm.s32 $0x0;
	s25 =	rddreg [dreg:$0x6];
	[sflag:s8] =	ssyncadd.s32 $0xFFFFC000  }
0xb8: {  	[tilespmem:s22], [sflag:$0x3] =	stream.linear.gather [hbm4b:s25+s22], $0x1400, $0x38;
	[tilespmem:$0x1E800] =	vst v63  }
0xb9: {  	s31 =	rddreg [dreg:$0x7];
	s25 =	simm.s32 $0x1400  }
0xba: {  	[tilespmem:s25], [sflag:$0x4] =	stream.linear.gather [hbm4b:s31+s22], $0x1400, $0x38;
	[tilespmem:$0x1E800] =	vst v63  }
0xbb: {  	_ =	swait.ge [sflag:s0], $0x1400  }
0xbc: {  	[sflag:s0] =	ssyncset.done $0x0  }
0xbd: {  	[sflag:s0] =	ssyncadd.s32 $0xFFFFEC00  }
0xbe: {  	_ =	swait.ge [sflag:s2], $0x1400  }
0xbf: {  	[sflag:s2] =	ssyncset.done $0x0  }
0xc0: {  	[sflag:s2] =	ssyncadd.s32 $0xFFFFEC00  }
0xc1: {  	[tilespmem:s5], [sflag:$0x1] =	stream.indirect.gather [hbm4b:s13+s4], $0x80, s22, s4, $0xb8;
	[tilespmem:$0x1E800] =	vst v63  }
0xc2: {  	s18 =	simm.s32 $0x80  }
0xc3: {  	[tilespmem:s6], [sflag:$0x2] =	stream.indirect.gather [hbm4b:s13+s4], $0x80, s18, s4, $0xb8;
	[tilespmem:$0x1E800] =	vst v63  }
0xc4: {  	_ =	swait.ge [sflag:s7], $0x4000  }
0xc5: {  	[sflag:s7] =	ssyncset.done $0x0  }
0xc6: {  	s20 =	simm.s32 $0x1400;
	[sflag:s7] =	ssyncadd.s32 $0xFFFFC000  }
0xc7: {  	[spmem:s1] =	stream.indirect.scatter.add.f32 [tilespmem:s5], [sflag:$0x5], $0x80, s20, s4, $0xb8;
	[tilespmem:$0x1E800] =	vst v63  }
0xc8: {  	_ =	swait.ge [sflag:s8], $0x4000  }
0xc9: {  	[sflag:s8] =	ssyncset.done $0x0  }
0xca: {  	s22 =	simm.s32 $0x100;
	[sflag:s8] =	ssyncadd.s32 $0xFFFFC000  }
0xcb: {  	[tilespmem:s5], [sflag:$0x1] =	stream.indirect.gather [hbm4b:s13+s4], $0x80, s22, s4, $0xb8;
	[tilespmem:$0x1E800] =	vst v63  }
0xcc: {  	_ =	swait.ge [sflag:s9], $0x4000  }
0xcd: {  	[sflag:s9] =	ssyncset.done $0x0  }
0xce: {  	s31 =	simm.s32 $0x1480;
	[sflag:s9] =	ssyncadd.s32 $0xFFFFC000  }
0xcf: {  	[spmem:s1] =	stream.indirect.scatter.add.f32 [tilespmem:s6], [sflag:$0x5], $0x80, s31, s4, $0xb8;
	[tilespmem:$0x1E800] =	vst v63  }
0xd0: {  	_ =	swait.ge [sflag:s8], $0x4000  }
0xd1: {  	s16 =	simm.s32 $0x100;
	s17 =	simm.s32 $0x800;
	[sflag:s8] =	ssyncset.done $0x0  }
.LBB2_4:
0xd2: {  	s18 =	sadd.s32 $0x80, s16  }
0xd3: {  	[sflag:s8] =	ssyncadd.s32 $0xFFFFC000;
	s20 =	smov.u32 s17;
	s22 =	sadd.s32 $0x400, s17  }
0xd4: {  	[tilespmem:s6], [sflag:$0x2] =	stream.indirect.gather [hbm4b:s13+s4], $0x80, s18, s4, $0xb8;
	[tilespmem:$0x1E800] =	vst v63  }
0xd5: {  	p1 =	sne.s32 s17, $0x4800;
	_ =	swait.ge [sflag:s7], $0x4000  }
0xd6: {  	[sflag:s7] =	ssyncset.done $0x0  }
0xd7: {  	s17 =	sadd.s32 $0x1400, s16;
	[sflag:s7] =	ssyncadd.s32 $0xFFFFC000  }
0xd8: {  	[spmem:s1] =	stream.indirect.scatter.add.f32 [tilespmem:s5], [sflag:$0x5], $0x80, s17, s4, $0xb8;
	[tilespmem:$0x1E800] =	vst v63  }
0xd9: {  	_ =	swait.ge [sflag:s8], $0x4000  }
0xda: {  	[sflag:s8] =	ssyncset.done $0x0  }
0xdb: {  	s17 =	sadd.s32 $0x100, s16;
	[sflag:s8] =	ssyncadd.s32 $0xFFFFC000  }
0xdc: {  	[tilespmem:s5], [sflag:$0x1] =	stream.indirect.gather [hbm4b:s13+s4], $0x80, s17, s4, $0xb8;
	[tilespmem:$0x1E800] =	vst v63  }
0xdd: {  	_ =	swait.ge [sflag:s9], $0x4000  }
.Ltmp1:
0xde: {  	[sflag:s9] =	ssyncset.done $0x0;
	(pc) =	sbr.rel @p1 .LBB2_4-.Ltmp1, $4  }
0xdf: {  	s16 =	sadd.s32 $0x1480, s16;
	[sflag:s9] =	ssyncadd.s32 $0xFFFFC000  }
0xe0: {  	[spmem:s1] =	stream.indirect.scatter.add.f32 [tilespmem:s6], [sflag:$0x5], $0x80, s16, s4, $0xb8;
	[tilespmem:$0x1E800] =	vst v63  }
0xe1: {  	_ =	swait.ge [sflag:s8], $0x4000  }
0xe2: {  	s17 =	smov.u32 s22;
	s16 =	sshra.s32 s20, $0x2;
	[sflag:s8] =	ssyncset.done $0x0  }
0xe3: {  	s17 =	sadd.s32 $0x80, s16;
	[sflag:s8] =	ssyncadd.s32 $0xFFFFC000  }
0xe4: {  	[tilespmem:s6], [sflag:$0x2] =	stream.indirect.gather [hbm4b:s13+s4], $0x80, s17, s4, $0xb8;
	[tilespmem:$0x1E800] =	vst v63  }
0xe5: {  	_ =	swait.ge [sflag:s7], $0x4000  }
0xe6: {  	[sflag:s7] =	ssyncset.done $0x0  }
0xe7: {  	s18 =	sadd.s32 $0x1400, s16;
	[sflag:s7] =	ssyncadd.s32 $0xFFFFC000  }
0xe8: {  	[spmem:s1] =	stream.indirect.scatter.add.f32 [tilespmem:s5], [sflag:$0x5], $0x80, s18, s4, $0xb8;
	[tilespmem:$0x1E800] =	vst v63  }
0xe9: {  	_ =	swait.ge [sflag:s8], $0x4000  }
0xea: {  	[sflag:s8] =	ssyncset.done $0x0  }
0xeb: {  	s20 =	sadd.s32 $0x100, s16;
	[sflag:s8] =	ssyncadd.s32 $0xFFFFC000  }
0xec: {  	[tilespmem:s5], [sflag:$0x1] =	stream.indirect.gather [hbm4b:s13+s4], $0x80, s20, s4, $0xb8;
	[tilespmem:$0x1E800] =	vst v63  }
0xed: {  	_ =	swait.ge [sflag:s9], $0x4000  }
0xee: {  	[sflag:s9] =	ssyncset.done $0x0  }
0xef: {  	s22 =	sadd.s32 $0x1480, s16;
	[sflag:s9] =	ssyncadd.s32 $0xFFFFC000  }
0xf0: {  	[spmem:s1] =	stream.indirect.scatter.add.f32 [tilespmem:s6], [sflag:$0x5], $0x80, s22, s4, $0xb8;
	[tilespmem:$0x1E800] =	vst v63  }
0xf1: {  	_ =	swait.ge [sflag:s8], $0x4000  }
0xf2: {  	[sflag:s8] =	ssyncset.done $0x0  }
0xf3: {  	[sflag:s8] =	ssyncadd.s32 $0xFFFFC000  }
0xf4: {  	[tilespmem:s6], [sflag:$0x2] =	stream.indirect.gather [hbm4b:s13+s4], $0x80, s10, s4, $0xb8;
	[tilespmem:$0x1E800] =	vst v63  }
0xf5: {  	_ =	swait.ge [sflag:s7], $0x4000  }
0xf6: {  	[sflag:s7] =	ssyncset.done $0x0  }
0xf7: {  	[sflag:s7] =	ssyncadd.s32 $0xFFFFC000  }
0xf8: {  	[spmem:s1] =	stream.indirect.scatter.add.f32 [tilespmem:s5], [sflag:$0x5], $0x80, s11, s4, $0xb8;
	[tilespmem:$0x1E800] =	vst v63  }
0xf9: {  	_ =	swait.ge [sflag:s8], $0x4000  }
0xfa: {  	[sflag:s8] =	ssyncset.done $0x0  }
0xfb: {  	[sflag:s8] =	ssyncadd.s32 $0xFFFFC000  }
0xfc: {  	_ =	swait.ge [sflag:s9], $0x4000  }
0xfd: {  	[sflag:s9] =	ssyncset.done $0x0  }
0xfe: {  	[sflag:s9] =	ssyncadd.s32 $0xFFFFC000  }
0xff: {  	[spmem:s1] =	stream.indirect.scatter.add.f32 [tilespmem:s6], [sflag:$0x5], $0x80, s12, s4, $0xb8;
	[tilespmem:$0x1E800] =	vst v63  }
0x100: {  	_ =	swait.ge [sflag:s8], $0x4000  }
0x101: {  	[sflag:s8] =	ssyncset.done $0x0  }
0x102: {  	[sflag:s8] =	ssyncadd.s32 $0xFFFFC000  }
0x103: {  	[bflag:$0x0] =	sbarrier.arrive $0xFFFF  }
0x104: {  	[tilespmem:s5], [sflag:$0x1] =	stream.linear.gather [spmem:s15], $0x4000, $0x38;
	[tilespmem:$0x1E800] =	vst v63  }
0x105: {  	_ = 	snop  }
0x106: {  	[tilespmem:s6], [sflag:$0x2] =	stream.linear.gather [spmem:s19], $0x4000, $0x38;
	[tilespmem:$0x1E800] =	vst v63  }
0x107: {  	_ =	swait.ge [sflag:s7], $0x4000  }
0x108: {  	[sflag:s7] =	ssyncset.done $0x0  }
0x109: {  	s31 =	rddreg [dreg:$0x8];
	[sflag:s7] =	ssyncadd.s32 $0xFFFFC000  }
0x10a: {  	[hbm4b:s31+s3] =	stream.linear.scatter [tilespmem:s5], [sflag:$0x5], $0x4000, $0x38;
	[tilespmem:$0x1E800] =	vst v63  }
0x10b: {  	_ =	swait.ge [sflag:s8], $0x4000  }
0x10c: {  	[sflag:s8] =	ssyncset.done $0x0  }
0x10d: {  	[sflag:s8] =	ssyncadd.s32 $0xFFFFC000  }
0x10e: {  	[tilespmem:s5], [sflag:$0x1] =	stream.linear.gather [spmem:s21], $0x4000, $0x38;
	[tilespmem:$0x1E800] =	vst v63  }
0x10f: {  	_ =	swait.ge [sflag:s9], $0x4000  }
0x110: {  	[sflag:s9] =	ssyncset.done $0x0  }
0x111: {  	s17 =	rddreg [dreg:$0x9];
	[sflag:s9] =	ssyncadd.s32 $0xFFFFC000  }
0x112: {  	[hbm4b:s17+s3] =	stream.linear.scatter [tilespmem:s6], [sflag:$0x5], $0x4000, $0x38;
	[tilespmem:$0x1E800] =	vst v63  }
0x113: {  	_ =	swait.ge [sflag:s8], $0x4000  }
0x114: {  	[sflag:s8] =	ssyncset.done $0x0  }
0x115: {  	[sflag:s8] =	ssyncadd.s32 $0xFFFFC000  }
0x116: {  	[tilespmem:s6], [sflag:$0x2] =	stream.linear.gather [spmem:s23], $0x4000, $0x38;
	[tilespmem:$0x1E800] =	vst v63  }
0x117: {  	_ =	swait.ge [sflag:s7], $0x4000  }
0x118: {  	[sflag:s7] =	ssyncset.done $0x0  }
0x119: {  	s18 =	rddreg [dreg:$0xa];
	[sflag:s7] =	ssyncadd.s32 $0xFFFFC000  }
0x11a: {  	[hbm4b:s18+s3] =	stream.linear.scatter [tilespmem:s5], [sflag:$0x5], $0x4000, $0x38;
	[tilespmem:$0x1E800] =	vst v63  }
0x11b: {  	_ =	swait.ge [sflag:s8], $0x4000  }
0x11c: {  	[sflag:s8] =	ssyncset.done $0x0  }
0x11d: {  	[sflag:s8] =	ssyncadd.s32 $0xFFFFC000  }
0x11e: {  	[tilespmem:s5], [sflag:$0x1] =	stream.linear.gather [spmem:s24], $0x4000, $0x38;
	[tilespmem:$0x1E800] =	vst v63  }
0x11f: {  	_ =	swait.ge [sflag:s9], $0x4000  }
0x120: {  	[sflag:s9] =	ssyncset.done $0x0  }
0x121: {  	s20 =	rddreg [dreg:$0xb];
	[sflag:s9] =	ssyncadd.s32 $0xFFFFC000  }
0x122: {  	[hbm4b:s20+s3] =	stream.linear.scatter [tilespmem:s6], [sflag:$0x5], $0x4000, $0x38;
	[tilespmem:$0x1E800] =	vst v63  }
0x123: {  	_ =	swait.ge [sflag:s8], $0x4000  }
0x124: {  	[sflag:s8] =	ssyncset.done $0x0  }
0x125: {  	[sflag:s8] =	ssyncadd.s32 $0xFFFFC000  }
0x126: {  	_ =	swait.ge [sflag:s7], $0x4000  }
0x127: {  	[sflag:s7] =	ssyncset.done $0x0  }
0x128: {  	s22 =	rddreg [dreg:$0xc];
	[sflag:s7] =	ssyncadd.s32 $0xFFFFC000  }
0x129: {  	[hbm4b:s22+s3] =	stream.linear.scatter [tilespmem:s5], [sflag:$0x5], $0x4000, $0x38;
	[tilespmem:$0x1E800] =	vst v63  }
0x12a: {  	_ =	swait.ge [sflag:s8], $0x4000  }
0x12b: {  	s14 =	sadd.s32 $0x1, s14;
	s31 =	rddreg [dreg:$0x13]  }
0x12c: {  	p1 =	sne.s32 s14, s31  }
.Ltmp2:
0x12d: {  	_ = 	snop;
	(pc) =	sbr.rel @p1 .LBB2_1-.Ltmp2, $3  }
0x12e: {  	_ =	sdelay $0x1  }
0x12f: {  	[sflag:s8] =	ssyncset.done $0x0  }
0x130: {  	[sflag:s8] =	ssyncadd.s32 $0xFFFFC000  }
0x131: {  	_ =	sfence.sel $0x180000  }
0x132: {  	[bflag:$0x0] =	sbarrier.arrive $0xFFFF  }
0x133: {  	_ =	strace $0x9000004A  }
0x134: {  	s0 =	stileid.u32;
	[bflag:$0x2] =	sbarrier.arrive $0xFFFF  }
0x135: {  	p0 =	sne.s32 s0, $0x0;
	s0 =	rddreg [dreg:$0x3]  }
0x136: {  	s0 =	sadd.s32 @!p0 $0x100000, s0  }
0x137: {  	[sflag:s0] =	ssyncadd.tile.s32 @!p0 $0x1;
	_ =	shalt  }
.Lfunc_end2:
_tile_overlayer_lowered:
.L_overlay_start_2:
0x138: {  	(tag) =	ssettag $0x2  }
0x139: {  	s0 =	rddreg [dreg:$0x0];
	s2 =	stileid.u32  }
0x13a: {  	s1 =	rddreg [dreg:$0x1];
	p0 =	sne.s32 s2, $0x0  }
0x13b: {  	s3 =	rddreg [dreg:$0x2];
	[bflag:$0x3] =	sbarrier.arrive $0xFFFF;
	s2 =	simm.s32 @!p0 $0x1C05  }
0x13c: {  	[timem:s3], [sflag:s2] =	dma.local @!p0 [hbm:s0], s1  }
0x13d: {  	s0 =	simm.s32 @!p0 $0x5  }
0x13e: {  	_ =	swait.ge @!p0 [sflag:s0], s1  }
0x13f: {  	s1 =	ssub.s32 @!p0 $0x0, s1;
	[sflag:s0] =	ssyncset.done @!p0 $0x0  }
0x140: {  	[sflag:s0] =	ssyncadd.s32 @!p0 s1  }
0x141: {  	[bflag:$0x3] =	sbarrier.arrive $0xFFFF  }
0x142: {  	_ =	shalt  }

// kernel: kernel.15.cloned.1.call-start
scs
__scs_entry_jumppad:
0x0: {  	(pc) =	sbr.rel $0x88, $3  }
0x1: {  	(tag) =	ssettag $0x0;
	lr =	simm.s32 $0x1  }
0x2: {  	[smem:$0x3F99] =	sst lr;
	_ =	strace $0xD0000000  }
0x3: {  	_ = 	snop  }
0x4: {  	_ = 	snop  }
0x5: {  	_ = 	snop  }
0x6: {  	_ = 	snop  }
0x7: {  	_ = 	snop  }
__scs_overlays_trampoline_lowered:
0x8: {  	[smem:$0x3FA8] =	sst s0  }
0x9: {  	[smem:$0x3FA9] =	sst s1  }
0xa: {  	[smem:$0x3FAA] =	sst s2  }
0xb: {  	[smem:$0x3FAB] =	sst s3  }
0xc: {  	[smem:$0x3FAC] =	sst s4  }
0xd: {  	[smem:$0x3FAD] =	sst s5  }
0xe: {  	[smem:$0x3FAE] =	sst s6  }
0xf: {  	[smem:$0x3FAF] =	sst s7  }
0x10: {  	[smem:$0x3FB0] =	sst s8  }
0x11: {  	[smem:$0x3FB1] =	sst s9;
	s0 =	simm.s32 @!p0 $0x0  }
0x12: {  	s1 =	sld [smem:$0x3F97];
	s0 =	simm.s32 @p0 $0x1  }
0x13: {  	[smem:$0x3FB2] =	sst s0;
	s0 =	simm.s32 @!p1 $0x0  }
0x14: {  	s2 =	sld [smem:$0x3F96];
	s0 =	simm.s32 @p1 $0x1  }
0x15: {  	[smem:$0x3FB3] =	sst s0;
	s0 =	simm.s32 @!p2 $0x0  }
0x16: {  	s3 =	sld [smem:$0x3FDB];
	s0 =	simm.s32 @p2 $0x1  }
0x17: {  	s4 =	simm.s32 $0x1BF5;
	[smem:$0x3FB5] =	sst s0  }
0x18: {  	s0 =	sld [smem:$0x3F98];
	_ =	swait.ge [sflag:s4], $0x0  }
0x19: {  	s7 =	sld [smem:$0x3F99]  }
0x1a: {  	s8 =	sadd.s32 $0xFFFFE003, lr  }
0x1b: {  	s9 =	sadd.s32 $0xFFFFFEF7, lr;
	s5 =	simm.s32 $0xFFFFFFFF;
	p2 =	slt.u32 s8, $0xFFFFF086  }
0x1c: {  	p1 =	slt.u32 s9, $0xF7A;
	s5 =	simm.s32 @!p2 $0x0  }
0x1d: {  	s5 =	simm.s32 @p1 $0x1;
	p0 =	seq.s32 s7, s2  }
0x1e: {  	s7 =	smul.u32 @!p0 $0xF7A, s2;
	p2 =	seq.s32 @!p0 s5, $0x0  }
0x1f: {  	s9 =	smul.u32 $0xF7A, s1;
	s8 =	simm.s32 @!p0 $0x1BF5;
	p2 =	por !p2, p0  }
0x20: {  	[sflag:s8] =	ssyncset.s32 @!p0 $0xFFFFF086;
	s6 =	sadd.s32 @!p0 s3, s7;
	s7 =	simm.s32 @!p0 $0x108  }
0x21: {  	s3 =	sadd.s32 s3, s9;
	s6 =	sadd.s32 @!p0 $0x88, s6;
	s7 =	simm.s32 @p2 $0x1082  }
0x22: {  	[simem:s7], [sflag:s8] =	dma.local @!p0 [hbm:s6], $0xF7A  }
0x23: {  	s9 =	sor.u32 $0xD0000000, s2;
	s6 =	simm.s32 $0x108;
	_ =	swait.ge @!p0 [sflag:s8], $0x0  }
0x24: {  	s3 =	sadd.s32 $0x88, s3;
	s6 =	simm.s32 @!p1 $0x1082;
	[sflag:s4] =	ssyncset.s32 $0xFFFFF086  }
0x25: {  	[simem:s6], [sflag:s4] =	dma.local [hbm:s3], $0xF7A  }
0x26: {  	[smem:$0x3F99] =	sst s1;
	(tag) =	ssettag s2;
	_ =	strace s9  }
0x27: {  	s1 =	sld [smem:$0x3FA9]  }
0x28: {  	s2 =	sld [smem:$0x3FAA]  }
0x29: {  	s4 =	sld [smem:$0x3FAC]  }
0x2a: {  	p0 =	seq.s32 s5, $0x0;
	s5 =	sld [smem:$0x3FAD]  }
0x2b: {  	s6 =	sld [smem:$0x3FAE]  }
0x2c: {  	s7 =	sld [smem:$0x3FAF]  }
0x2d: {  	s3 =	simm.s32 $0x108;
	s8 =	sld [smem:$0x3FB0]  }
0x2e: {  	s3 =	simm.s32 @!p0 $0x1082;
	s9 =	sld [smem:$0x3FB1]  }
0x2f: {  	lr =	sadd.s32 s0, s3;
	s0 =	sld [smem:$0x3FA8]  }
0x30: {  	s3 =	sld [smem:$0x3FAB]  }
0x31: {  	[smem:$0x3FB4] =	sst s10  }
0x32: {  	s10 =	sld [smem:$0x3FB2];
	_ =	sdelay $0x3  }
0x33: {  	p0 =	seq.s32 s10, $0x1;
	s10 =	sld [smem:$0x3FB4];
	_ =	sdelay $0x3  }
0x34: {  	[smem:$0x3FB4] =	sst s10  }
0x35: {  	s10 =	sld [smem:$0x3FB3];
	_ =	sdelay $0x3  }
0x36: {  	p1 =	seq.s32 s10, $0x1;
	s10 =	sld [smem:$0x3FB4];
	_ =	sdelay $0x3  }
0x37: {  	[smem:$0x3FB4] =	sst s10  }
0x38: {  	s10 =	sld [smem:$0x3FB5]  }
0x39: {  	_ = 	snop;
	(pc) =	sbr.ind lr, $3  }
0x3a: {  	_ = 	snop  }
0x3b: {  	_ = 	snop  }
0x3c: {  	p2 =	seq.s32 s10, $0x1;
	s10 =	sld [smem:$0x3FB4]  }
0x3d: {  	_ =	shalt  }
0x3e: {  	_ =	shalt  }
0x3f: {  	_ =	shalt  }
0x40: {  	_ =	shalt  }
0x41: {  	_ =	shalt  }
0x42: {  	_ =	shalt  }
0x43: {  	_ =	shalt  }
0x44: {  	_ =	shalt  }
0x45: {  	_ =	shalt  }
0x46: {  	_ =	shalt  }
0x47: {  	_ =	shalt  }
0x48: {  	_ =	shalt  }
0x49: {  	_ =	shalt  }
0x4a: {  	_ =	shalt  }
0x4b: {  	_ =	shalt  }
0x4c: {  	_ =	shalt  }
0x4d: {  	_ =	shalt  }
0x4e: {  	_ =	shalt  }
0x4f: {  	_ =	shalt  }
0x50: {  	_ =	shalt  }
0x51: {  	_ =	shalt  }
0x52: {  	_ =	shalt  }
0x53: {  	_ =	shalt  }
0x54: {  	_ =	shalt  }
0x55: {  	_ =	shalt  }
0x56: {  	_ =	shalt  }
0x57: {  	_ =	shalt  }
0x58: {  	_ =	shalt  }
0x59: {  	_ =	shalt  }
0x5a: {  	_ =	shalt  }
0x5b: {  	_ =	shalt  }
0x5c: {  	_ =	shalt  }
0x5d: {  	_ =	shalt  }
0x5e: {  	_ =	shalt  }
0x5f: {  	_ =	shalt  }
0x60: {  	_ =	shalt  }
0x61: {  	_ =	shalt  }
0x62: {  	_ =	shalt  }
0x63: {  	_ =	shalt  }
0x64: {  	_ =	shalt  }
0x65: {  	_ =	shalt  }
0x66: {  	_ =	shalt  }
0x67: {  	_ =	shalt  }
0x68: {  	_ =	shalt  }
0x69: {  	_ =	shalt  }
0x6a: {  	_ =	shalt  }
0x6b: {  	_ =	shalt  }
0x6c: {  	_ =	shalt  }
0x6d: {  	_ =	shalt  }
0x6e: {  	_ =	shalt  }
0x6f: {  	_ =	shalt  }
0x70: {  	_ =	shalt  }
0x71: {  	_ =	shalt  }
0x72: {  	_ =	shalt  }
0x73: {  	_ =	shalt  }
0x74: {  	_ =	shalt  }
0x75: {  	_ =	shalt  }
0x76: {  	_ =	shalt  }
0x77: {  	_ =	shalt  }
0x78: {  	_ =	shalt  }
0x79: {  	_ =	shalt  }
0x7a: {  	_ =	shalt  }
0x7b: {  	_ =	shalt  }
0x7c: {  	_ =	shalt  }
0x7d: {  	_ =	shalt  }
0x7e: {  	_ =	shalt  }
0x7f: {  	_ =	shalt  }
0x80: {  	_ =	shalt  }
0x81: {  	_ =	shalt  }
0x82: {  	_ =	shalt  }
0x83: {  	_ =	shalt  }
0x84: {  	_ =	shalt  }
0x85: {  	_ =	shalt  }
0x86: {  	_ =	shalt  }
0x87: {  	_ =	shalt  }
.Lfunc_end0:
.L_simem_size_0:
called_computation.2_lowered:
.L_overlay_start_0:
0x88: {  	s2 =	sld [smem:$0x3FD9]  }
0x89: {  	s3 =	sld [smem:$0x3FFE];
	_ =	sdelay $0x1  }
0x8a: {  	s1 =	srdreg.scid  }
0x8b: {  	s0 =	sand.u32 $0x1, s1  }
0x8c: {  	s17 =	sshll.u32 s0, $0xA;
	s2 =	sadd.s32 s3, s2  }
0x8d: {  	s2 =	sadd.s32 s2, s17  }
0x8e: {  	[smem:$0x3FC0] =	sst s2  }
0x8f: {  	_ = 	snop  }
0x90: {  	s2 =	sld [smem:$0x3FD0];
	(tm) =	ssettm $0x1  }
0x91: {  	s18 =	sld [smem:$0x3FFB];
	_ =	sdelay $0x3  }
0x92: {  	_ =	strace s18  }
0x93: {  	s3 =	sld [smem:$0x3FFC];
	_ =	sdelay $0x3  }
0x94: {  	_ =	strace s3  }
0x95: {  	s3 =	sld [smem:$0x3FFD];
	_ =	sdelay $0x3  }
0x96: {  	_ =	strace s3  }
0x97: {  	_ =	strace $0x8FFFFFFF  }
0x98: {  	s19 =	sld [smem:$0x3FDB];
	_ =	sdelay $0x1  }
0x99: {  	s4 =	simm.s32 $_scs_section_size  }
0x9a: {  	s5 =	simm.s32 $_size__tile_overlayer_lowered;
	s6 =	simm.s32 $_tile_overlayer_lowered  }
0x9b: {  	s22 =	simm.s32 $0x1BFF;
	s21 =	sshll.u32 s6, $0x1;
	s3 =	sadd.s32 s4, s19  }
0x9c: {  	s7 =	simm.s32 $0x0;
	s20 =	sshll.u32 s5, $0x1;
	s5 =	sadd.s32 s21, s3  }
0x9d: {  	[timem:s7], [sflag:s22] =	dma.local [hbm:s5], s20  }
0x9e: {  	_ =	swait.ge [sflag:s22], s20  }
0x9f: {  	s4 =	ssub.s32 $0x0, s20;
	[sflag:s22] =	ssyncset.done $0x0  }
0xa0: {  	[sflag:s22] =	ssyncadd.s32 s4;
	_ =	sdelay $0x1  }
0xa1: {  	s23 =	simm.s32 $0x1B8B  }
0xa2: {  	_ =	swait.ge [sflag:s23], $0x1  }
0xa3: {  	[sflag:s23] =	ssyncset.done $0x0  }
0xa4: {  	s25 =	simm.s32 $0x1B8E;
	s24 =	sld [smem:$0x3FFE];
	[sflag:s23] =	ssyncadd.s32 $0xFFFFFFFF  }
0xa5: {  	s26 =	simm.s32 $execute0_lowered;
	[smem:$0x3FD2] =	sst s25  }
0xa6: {  	s5 =	sshll.u32 s26, $0x1;
	_ =	strace $0x8000004C;
	[dreg:$0x1] =	wrdreg $0xFFFFFFFF  }
0xa7: {  	s28 =	simm.s32 $_size_execute0_lowered;
	s3 =	sadd.s32 s3, s5;
	[dreg:$0x0] =	wrdreg $0x0  }
0xa8: {  	s5 =	sshll.u32 s28, $0x1;
	[dreg:$0x2] =	wrdreg s3  }
0xa9: {  	[dreg:$0x3] =	wrdreg s5  }
0xaa: {  	[dreg:$0x4] =	wrdreg $0xC0  }
0xab: {  	_ =	task [dreg:s7], $0x5FFFF  }
0xac: {  	[dreg:$0x1] =	wrdreg $0xFFFFFFFF  }
0xad: {  	[dreg:$0x0] =	wrdreg $0x60  }
0xae: {  	[dreg:$0x2] =	wrdreg s24  }
0xaf: {  	[dreg:$0x3] =	wrdreg s2  }
0xb0: {  	[dreg:$0x4] =	wrdreg $0xA8000  }
0xb1: {  	[dreg:$0x5] =	wrdreg $0x9  }
0xb2: {  	_ =	task.clear_ibuf [dreg:s7], $0x6FFFF;
	_ =	strace $0x9000004C  }
0xb3: {  	s29 =	simm.s32 $0x9;
	_ =	strace $0x8000004E  }
0xb4: {  	_ =	swait.ge [sflag:s29], $0x1  }
0xb5: {  	[sflag:s29] =	ssyncadd.s32 $0xFFFFFFFF  }
0xb6: {  	_ =	strace $0x9000004E  }
0xb7: {  	_ =	sfence  }
0xb8: {  	s30 =	sld [smem:$0x0];
	_ =	sdelay $0x2  }
0xb9: {  	s31 =	sshll.u32 s1, $0xD;
	s1 =	sshrl.u32 s1, $0x2  }
0xba: {  	s3 =	sand.u32 $0x4000, s31;
	s1 =	sadd.s32 s1, s30  }
0xbb: {  	s0 =	sor.u32 s3, s0;
	s1 =	sshll.u32 s1, $0x11  }
0xbc: {  	s0 =	sor.u32 s1, s0  }
0xbd: {  	s0 =	sadd.s32 $0x8F2B, s0  }
0xbe: {  	[sflag:s0] =	ssyncadd.remote.s32 $0x1  }
0xbf: {  	_ =	sfence.sel $0xFFFF  }
0xc0: {  	[dreg:$0x0] =	wrdreg $0xFFFFFFFF;
	(pc) =	sbr.abs _section_cstart, $3  }
0xc1: {  	[dreg:$0x1] =	wrdreg $0xFFFFFFFF  }
0xc2: {  	_ =	task.clear_ibuf [dreg:s7], $0x2FFFF;
	_ =	strace $0x9FFFFFFF  }
0xc3: {  	(tm) =	ssettm $0x7FFFFFFF  }
tec
execute0_lowered:
.L_overlay_start_1:
0x0: {  	(tag) =	ssettag $0x1  }
0x1: {  	s0 =	rddreg [dreg:$0x0]  }
0x2: {  	s2 =	rddreg [dreg:$0x1]  }
0x3: {  	s1 =	rddreg [dreg:$0x2];
	s3 =	srdreg.scid  }
0x4: {  	s18 =	stileid.u32;
	s4 =	sand.u32 $0x1, s3;
	s3 =	simm.s32 $0x0  }
0x5: {  	s6 =	sadd.s32 $0x53400, s0;
	s7 =	sadd.s32 $0x85400, s0;
	s10 =	smul.u32 $0x280, s18  }
0x6: {  	s15 =	smul.u32 $0x14000, s18;
	s5 =	sshll.u32 s4, $0x4;
	[smem:$0x7FF] =	sst s3  }
0x7: {  	s8 =	ssub.s32 $0x2, s4;
	p0 =	sne.s32 s4, $0x0;
	s5 =	sor.u32 s18, s5  }
0x8: {  	_ =	strace $0x8000004D;
	s9 =	sshrl.u32 s8, $0x1;
	s5 =	smul.u32 $0x2800, s5  }
0x9: {  	s11 =	sadd.s32 $0x80, s10;
	s12 =	sadd.s32 $0x100, s10;
	s16 =	sadd.s32 $0x180, s10  }
0xa: {  	s10 =	sadd.s32 $0x200, s10;
	s8 =	ssub.s32 s8, s9;
	s5 =	sshrl.u32 s5, $0x3  }
0xb: {  	s9 =	smul.u32 $0x50000, s18;
	s17 =	sshll.u32 s12, $0x7;
	s13 =	sadd.s32 s6, s5  }
0xc: {  	s23 =	sshll.u32 s16, $0x7;
	s14 =	sadd.s32 s2, s5;
	[dreg:$0x4] =	wrdreg s13  }
0xd: {  	s24 =	sshll.u32 s10, $0x7;
	s5 =	sadd.s32 $0x280, s5;
	[dreg:$0x5] =	wrdreg s14  }
0xe: {  	s14 =	sshll.u32 s11, $0x7;
	s13 =	smul.u32 $0x140000, s4;
	s6 =	sadd.s32 s6, s5  }
0xf: {  	s2 =	sadd.s32 s2, s5;
	s4 =	simm.s32 $0x80;
	[dreg:$0x6] =	wrdreg s6  }
0x10: {  	[dreg:$0x7] =	wrdreg s2;
	s15 =	sadd.s32 s15, s13;
	s19 =	sadd.s32 s13, s14  }
0x11: {  	s25 =	sadd.s32 s13, s17;
	s26 =	sadd.s32 s13, s23;
	s31 =	sadd.s32 s13, s24  }
0x12: {  	s23 =	sadd.s32 s23, s1;
	s24 =	sadd.s32 s24, s1;
	s20 =	sshrl.u32 s15, $0x3  }
0x13: {  	s21 =	sshrl.u32 s19, $0x3;
	s5 =	sshrl.u32 s26, $0x3;
	s6 =	sshrl.u32 s31, $0x3  }
0x14: {  	s15 =	sshrl.u32 s9, $0x2;
	s19 =	smul.u32 $0x2800, s18;
	s26 =	sshll.u32 s10, $0x4  }
0x15: {  	s31 =	smax.u32 s8, $0x1;
	s8 =	simm.s32 $0x5;
	s9 =	simm.s32 $0x2  }
0x16: {  	s10 =	simm.s32 $0x1380;
	s2 =	sadd.s32 s7, s20;
	s22 =	sadd.s32 s7, s21  }
0x17: {  	s13 =	sadd.s32 s7, s6;
	s15 =	sadd.s32 s15, s1;
	[dreg:$0x13] =	wrdreg s31  }
0x18: {  	s20 =	sshll.u32 s11, $0x4;
	s6 =	simm.s32 $0x6800;
	[dreg:$0x8] =	wrdreg s2  }
0x19: {  	s11 =	simm.s32 $0x2700;
	[dreg:$0x9] =	wrdreg s22;
	s2 =	sshrl.u32 s25, $0x3  }
0x1a: {  	[dreg:$0xc] =	wrdreg s13;
	s13 =	sadd.s32 $0x5D400, s0;
	s0 =	sadd.s32 $0x2400, s0  }
0x1b: {  	s22 =	sshll.u32 s12, $0x4;
	s25 =	sshll.u32 s16, $0x4;
	s28 =	sadd.s32 $0x8000, s15  }
0x1c: {  	s29 =	sadd.s32 $0xC000, s15;
	s30 =	sadd.s32 $0x10000, s15;
	s12 =	simm.s32 $0x2780  }
0x1d: {  	s2 =	sadd.s32 s7, s2;
	[dreg:$0xd] =	wrdreg s0;
	s21 =	sadd.s32 s13, s19  }
0x1e: {  	s0 =	sadd.s32 s13, s20;
	s19 =	sadd.s32 s14, s1;
	[dreg:$0xa] =	wrdreg s2  }
0x1f: {  	s14 =	simm.s32 $0x0;
	s2 =	sadd.s32 s7, s5;
	[dreg:$0xe] =	wrdreg s21  }
0x20: {  	[dreg:$0xf] =	wrdreg s0;
	s0 =	sadd.s32 s13, s22;
	s21 =	sadd.s32 s17, s1  }
0x21: {  	s5 =	simm.s32 $0x2800;
	s7 =	simm.s32 $0x1;
	[dreg:$0xb] =	wrdreg s2  }
0x22: {  	[dreg:$0x10] =	wrdreg s0;
	s0 =	sadd.s32 s13, s25;
	s25 =	simm.s32 $0x1400  }
0x23: {  	s2 =	simm.s32 $0x4;
	[dreg:$0x11] =	wrdreg s0;
	s0 =	sadd.s32 s13, s26  }
0x24: {  	s26 =	sadd.s32 $0x4000, s15;
	[dreg:$0x12] =	wrdreg s0;
	s0 =	simm.s32 $0x3  }
.LBB2_1:
0x25: {  	s16 =	rddreg [dreg:$0x4]  }
0x26: {  	[tilespmem:s3], [sflag:$0x3] =	stream.linear.gather [hbm4b:s16+s3], $0x1400, $0x38;
	[tilespmem:$0x1E800] =	vst v63  }
0x27: {  	s18 =	rddreg [dreg:$0x5]  }
0x28: {  	[tilespmem:s25], [sflag:$0x4] =	stream.linear.gather [hbm4b:s18+s3], $0x1400, $0x38;
	[tilespmem:$0x1E800] =	vst v63  }
0x29: {  	s17 =	simm.s32 @p0 $0x2800;
	s16 =	simm.s32 @p0 $0x0;
	s18 =	rddreg [dreg:$0xd]  }
0x2a: {  	[tilespmem:s17], [sflag:$0x5] =	stream.linear.gather @p0 [hbm4b:s18+s16], $0x4000, $0x38;
	[tilespmem:$0x1E800] =	vst v63  }
0x2b: {  	s16 =	simm.s32 @p0 $0x5  }
0x2c: {  	_ =	swait.ge @p0 [sflag:s16], $0x4000  }
0x2d: {  	[sflag:s16] =	ssyncset.done @p0 $0x0  }
0x2e: {  	[sflag:s16] =	ssyncadd.s32 @p0 $0xFFFFC000  }
0x2f: {  	[spmem:s15] =	stream.linear.scatter @p0 [tilespmem:s17], [sflag:$0x1], $0x4000, $0x38;
	[tilespmem:$0x1E800] =	vst v63  }
0x30: {  	_ = 	snop  }
0x31: {  	[spmem:s26] =	stream.linear.scatter @p0 [tilespmem:s17], [sflag:$0x1], $0x4000, $0x38;
	[tilespmem:$0x1E800] =	vst v63  }
0x32: {  	_ = 	snop  }
0x33: {  	[spmem:s28] =	stream.linear.scatter @p0 [tilespmem:s17], [sflag:$0x1], $0x4000, $0x38;
	[tilespmem:$0x1E800] =	vst v63  }
0x34: {  	_ = 	snop  }
0x35: {  	[spmem:s29] =	stream.linear.scatter @p0 [tilespmem:s17], [sflag:$0x1], $0x4000, $0x38;
	[tilespmem:$0x1E800] =	vst v63  }
0x36: {  	s16 =	simm.s32 @p0 $0x1  }
0x37: {  	[spmem:s30] =	stream.linear.scatter @p0 [tilespmem:s17], [sflag:$0x1], $0x4000, $0x38;
	[tilespmem:$0x1E800] =	vst v63  }
0x38: {  	_ =	swait.ge @p0 [sflag:s16], $0x4000  }
0x39: {  	[sflag:s16] =	ssyncset.done @p0 $0x0  }
0x3a: {  	[sflag:s16] =	ssyncadd.s32 @p0 $0xFFFFC000  }
0x3b: {  	_ =	swait.ge @p0 [sflag:s16], $0x4000  }
0x3c: {  	[sflag:s16] =	ssyncset.done @p0 $0x0  }
0x3d: {  	[sflag:s16] =	ssyncadd.s32 @p0 $0xFFFFC000  }
0x3e: {  	_ =	swait.ge @p0 [sflag:s16], $0x4000  }
0x3f: {  	[sflag:s16] =	ssyncset.done @p0 $0x0  }
0x40: {  	[sflag:s16] =	ssyncadd.s32 @p0 $0xFFFFC000  }
0x41: {  	_ =	swait.ge @p0 [sflag:s16], $0x4000  }
0x42: {  	s17 =	simm.s32 @!p0 $0x2800;
	[sflag:s16] =	ssyncset.done @p0 $0x0  }
0x43: {  	s18 =	rddreg [dreg:$0xe];
	[sflag:s16] =	ssyncadd.s32 @p0 $0xFFFFC000;
	s16 =	simm.s32 @!p0 $0x0  }
0x44: {  	[tilespmem:s17], [sflag:$0x1] =	stream.linear.gather @!p0 [hbm4b:s18+s16], $0x4000, $0x38;
	[tilespmem:$0x1E800] =	vst v63  }
0x45: {  	s20 =	rddreg [dreg:$0xf];
	s18 =	simm.s32 @!p0 $0x6800  }
0x46: {  	[tilespmem:s18], [sflag:$0x2] =	stream.linear.gather @!p0 [hbm4b:s20+s16], $0x4000, $0x38;
	[tilespmem:$0x1E800] =	vst v63  }
0x47: {  	s20 =	simm.s32 @!p0 $0x1  }
0x48: {  	_ =	swait.ge @!p0 [sflag:s20], $0x4000  }
0x49: {  	[sflag:s20] =	ssyncset.done @!p0 $0x0  }
0x4a: {  	s22 =	simm.s32 @!p0 $0x5;
	[sflag:s20] =	ssyncadd.s32 @!p0 $0xFFFFC000  }
0x4b: {  	[spmem:s15] =	stream.linear.scatter @!p0 [tilespmem:s17], [sflag:$0x5], $0x4000, $0x38;
	[tilespmem:$0x1E800] =	vst v63  }
0x4c: {  	_ =	swait.ge @!p0 [sflag:s22], $0x4000  }
0x4d: {  	[sflag:s22] =	ssyncset.done @!p0 $0x0  }
0x4e: {  	s31 =	rddreg [dreg:$0x10];
	[sflag:s22] =	ssyncadd.s32 @!p0 $0xFFFFC000  }
0x4f: {  	[tilespmem:s17], [sflag:$0x1] =	stream.linear.gather @!p0 [hbm4b:s31+s16], $0x4000, $0x38;
	[tilespmem:$0x1E800] =	vst v63  }
0x50: {  	s31 =	simm.s32 @!p0 $0x2  }
0x51: {  	_ =	swait.ge @!p0 [sflag:s31], $0x4000  }
0x52: {  	[sflag:s31] =	ssyncset.done @!p0 $0x0  }
0x53: {  	[sflag:s31] =	ssyncadd.s32 @!p0 $0xFFFFC000  }
0x54: {  	[spmem:s19] =	stream.linear.scatter @!p0 [tilespmem:s18], [sflag:$0x5], $0x4000, $0x38;
	[tilespmem:$0x1E800] =	vst v63  }
0x55: {  	_ =	swait.ge @!p0 [sflag:s22], $0x4000  }
0x56: {  	[sflag:s22] =	ssyncset.done @!p0 $0x0  }
0x57: {  	s25 =	rddreg [dreg:$0x11];
	[sflag:s22] =	ssyncadd.s32 @!p0 $0xFFFFC000  }
0x58: {  	[tilespmem:s18], [sflag:$0x2] =	stream.linear.gather @!p0 [hbm4b:s25+s16], $0x4000, $0x38;
	[tilespmem:$0x1E800] =	vst v63  }
0x59: {  	_ =	swait.ge @!p0 [sflag:s20], $0x4000  }
0x5a: {  	[sflag:s20] =	ssyncset.done @!p0 $0x0  }
0x5b: {  	[sflag:s20] =	ssyncadd.s32 @!p0 $0xFFFFC000  }
0x5c: {  	[spmem:s21] =	stream.linear.scatter @!p0 [tilespmem:s17], [sflag:$0x5], $0x4000, $0x38;
	[tilespmem:$0x1E800] =	vst v63  }
0x5d: {  	_ =	swait.ge @!p0 [sflag:s22], $0x4000  }
0x5e: {  	[sflag:s22] =	ssyncset.done @!p0 $0x0  }
0x5f: {  	s25 =	rddreg [dreg:$0x12];
	[sflag:s22] =	ssyncadd.s32 @!p0 $0xFFFFC000  }
0x60: {  	[tilespmem:s17], [sflag:$0x1] =	stream.linear.gather @!p0 [hbm4b:s25+s16], $0x4000, $0x38;
	[tilespmem:$0x1E800] =	vst v63  }
0x61: {  	_ =	swait.ge @!p0 [sflag:s31], $0x4000  }
0x62: {  	[sflag:s31] =	ssyncset.done @!p0 $0x0  }
0x63: {  	[sflag:s31] =	ssyncadd.s32 @!p0 $0xFFFFC000  }
0x64: {  	[spmem:s23] =	stream.linear.scatter @!p0 [tilespmem:s18], [sflag:$0x5], $0x4000, $0x38;
	[tilespmem:$0x1E800] =	vst v63  }
0x65: {  	_ =	swait.ge @!p0 [sflag:s22], $0x4000  }
0x66: {  	[sflag:s22] =	ssyncset.done @!p0 $0x0  }
0x67: {  	[sflag:s22] =	ssyncadd.s32 @!p0 $0xFFFFC000  }
0x68: {  	_ =	swait.ge @!p0 [sflag:s20], $0x4000  }
0x69: {  	[sflag:s20] =	ssyncset.done @!p0 $0x0  }
0x6a: {  	s22 =	simm.s32 @p0 $0x1;
	[sflag:s20] =	ssyncadd.s32 @!p0 $0xFFFFC000  }
0x6b: {  	[spmem:s24] =	stream.linear.scatter @!p0 [tilespmem:s17], [sflag:$0x5], $0x4000, $0x38;
	[tilespmem:$0x1E800] =	vst v63  }
0x6c: {  	_ =	swait.ge [sflag:s22], $0x4000  }
0x6d: {  	[sflag:s22] =	ssyncset.done $0x0  }
0x6e: {  	[sflag:s22] =	ssyncadd.s32 $0xFFFFC000  }
0x6f: {  	[bflag:$0x0] =	sbarrier.arrive $0xFFFF  }
0x70: {  	_ =	swait.ge [sflag:s0], $0x1400  }
0x71: {  	[sflag:s0] =	ssyncset.done $0x0  }
0x72: {  	[sflag:s0] =	ssyncadd.s32 $0xFFFFEC00  }
0x73: {  	_ =	swait.ge [sflag:s2], $0x1400  }
0x74: {  	[sflag:s2] =	ssyncset.done $0x0  }
0x75: {  	[sflag:s2] =	ssyncadd.s32 $0xFFFFEC00  }
0x76: {  	[tilespmem:s5], [sflag:$0x1] =	stream.indirect.gather [hbm4b:s13+s4], $0x80, s3, s4, $0xb8;
	[tilespmem:$0x1E800] =	vst v63  }
0x77: {  	s20 =	simm.s32 $0x80  }
0x78: {  	[tilespmem:s6], [sflag:$0x2] =	stream.indirect.gather [hbm4b:s13+s4], $0x80, s20, s4, $0xb8;
	[tilespmem:$0x1E800] =	vst v63  }
0x79: {  	_ =	swait.ge [sflag:s7], $0x4000  }
0x7a: {  	[sflag:s7] =	ssyncset.done $0x0  }
0x7b: {  	s22 =	simm.s32 $0x1400;
	[sflag:s7] =	ssyncadd.s32 $0xFFFFC000  }
0x7c: {  	[spmem:s1] =	stream.indirect.scatter.add.f32 [tilespmem:s5], [sflag:$0x5], $0x80, s22, s4, $0xb8;
	[tilespmem:$0x1E800] =	vst v63  }
0x7d: {  	_ =	swait.ge [sflag:s8], $0x4000  }
0x7e: {  	[sflag:s8] =	ssyncset.done $0x0  }
0x7f: {  	s25 =	simm.s32 $0x100;
	[sflag:s8] =	ssyncadd.s32 $0xFFFFC000  }
0x80: {  	[tilespmem:s5], [sflag:$0x1] =	stream.indirect.gather [hbm4b:s13+s4], $0x80, s25, s4, $0xb8;
	[tilespmem:$0x1E800] =	vst v63  }
0x81: {  	_ =	swait.ge [sflag:s9], $0x4000  }
0x82: {  	[sflag:s9] =	ssyncset.done $0x0  }
0x83: {  	s31 =	simm.s32 $0x1480;
	[sflag:s9] =	ssyncadd.s32 $0xFFFFC000  }
0x84: {  	[spmem:s1] =	stream.indirect.scatter.add.f32 [tilespmem:s6], [sflag:$0x5], $0x80, s31, s4, $0xb8;
	[tilespmem:$0x1E800] =	vst v63  }
0x85: {  	_ =	swait.ge [sflag:s8], $0x4000  }
0x86: {  	s16 =	simm.s32 $0x100;
	s17 =	simm.s32 $0x800;
	[sflag:s8] =	ssyncset.done $0x0  }
.LBB2_2:
0x87: {  	s18 =	sadd.s32 $0x80, s16  }
0x88: {  	[sflag:s8] =	ssyncadd.s32 $0xFFFFC000;
	s20 =	smov.u32 s17;
	s22 =	sadd.s32 $0x400, s17  }
0x89: {  	[tilespmem:s6], [sflag:$0x2] =	stream.indirect.gather [hbm4b:s13+s4], $0x80, s18, s4, $0xb8;
	[tilespmem:$0x1E800] =	vst v63  }
0x8a: {  	p1 =	sne.s32 s17, $0x4800;
	_ =	swait.ge [sflag:s7], $0x4000  }
0x8b: {  	[sflag:s7] =	ssyncset.done $0x0  }
0x8c: {  	s17 =	sadd.s32 $0x1400, s16;
	[sflag:s7] =	ssyncadd.s32 $0xFFFFC000  }
0x8d: {  	[spmem:s1] =	stream.indirect.scatter.add.f32 [tilespmem:s5], [sflag:$0x5], $0x80, s17, s4, $0xb8;
	[tilespmem:$0x1E800] =	vst v63  }
0x8e: {  	_ =	swait.ge [sflag:s8], $0x4000  }
0x8f: {  	[sflag:s8] =	ssyncset.done $0x0  }
0x90: {  	s17 =	sadd.s32 $0x100, s16;
	[sflag:s8] =	ssyncadd.s32 $0xFFFFC000  }
0x91: {  	[tilespmem:s5], [sflag:$0x1] =	stream.indirect.gather [hbm4b:s13+s4], $0x80, s17, s4, $0xb8;
	[tilespmem:$0x1E800] =	vst v63  }
0x92: {  	_ =	swait.ge [sflag:s9], $0x4000  }
.Ltmp0:
0x93: {  	[sflag:s9] =	ssyncset.done $0x0;
	(pc) =	sbr.rel @p1 .LBB2_2-.Ltmp0, $4  }
0x94: {  	s16 =	sadd.s32 $0x1480, s16;
	[sflag:s9] =	ssyncadd.s32 $0xFFFFC000  }
0x95: {  	[spmem:s1] =	stream.indirect.scatter.add.f32 [tilespmem:s6], [sflag:$0x5], $0x80, s16, s4, $0xb8;
	[tilespmem:$0x1E800] =	vst v63  }
0x96: {  	_ =	swait.ge [sflag:s8], $0x4000  }
0x97: {  	s17 =	smov.u32 s22;
	s16 =	sshra.s32 s20, $0x2;
	[sflag:s8] =	ssyncset.done $0x0  }
0x98: {  	s17 =	sadd.s32 $0x80, s16;
	[sflag:s8] =	ssyncadd.s32 $0xFFFFC000  }
0x99: {  	[tilespmem:s6], [sflag:$0x2] =	stream.indirect.gather [hbm4b:s13+s4], $0x80, s17, s4, $0xb8;
	[tilespmem:$0x1E800] =	vst v63  }
0x9a: {  	_ =	swait.ge [sflag:s7], $0x4000  }
0x9b: {  	[sflag:s7] =	ssyncset.done $0x0  }
0x9c: {  	s31 =	sadd.s32 $0x1400, s16;
	[sflag:s7] =	ssyncadd.s32 $0xFFFFC000  }
0x9d: {  	[spmem:s1] =	stream.indirect.scatter.add.f32 [tilespmem:s5], [sflag:$0x5], $0x80, s31, s4, $0xb8;
	[tilespmem:$0x1E800] =	vst v63  }
0x9e: {  	_ =	swait.ge [sflag:s8], $0x4000  }
0x9f: {  	[sflag:s8] =	ssyncset.done $0x0  }
0xa0: {  	s18 =	sadd.s32 $0x100, s16;
	[sflag:s8] =	ssyncadd.s32 $0xFFFFC000  }
0xa1: {  	[tilespmem:s5], [sflag:$0x1] =	stream.indirect.gather [hbm4b:s13+s4], $0x80, s18, s4, $0xb8;
	[tilespmem:$0x1E800] =	vst v63  }
0xa2: {  	_ =	swait.ge [sflag:s9], $0x4000  }
0xa3: {  	[sflag:s9] =	ssyncset.done $0x0  }
0xa4: {  	s20 =	sadd.s32 $0x1480, s16;
	[sflag:s9] =	ssyncadd.s32 $0xFFFFC000  }
0xa5: {  	[spmem:s1] =	stream.indirect.scatter.add.f32 [tilespmem:s6], [sflag:$0x5], $0x80, s20, s4, $0xb8;
	[tilespmem:$0x1E800] =	vst v63  }
0xa6: {  	_ =	swait.ge [sflag:s8], $0x4000  }
0xa7: {  	[sflag:s8] =	ssyncset.done $0x0  }
0xa8: {  	[sflag:s8] =	ssyncadd.s32 $0xFFFFC000  }
0xa9: {  	[tilespmem:s6], [sflag:$0x2] =	stream.indirect.gather [hbm4b:s13+s4], $0x80, s10, s4, $0xb8;
	[tilespmem:$0x1E800] =	vst v63  }
0xaa: {  	_ =	swait.ge [sflag:s7], $0x4000  }
0xab: {  	[sflag:s7] =	ssyncset.done $0x0  }
0xac: {  	[sflag:s7] =	ssyncadd.s32 $0xFFFFC000  }
0xad: {  	[spmem:s1] =	stream.indirect.scatter.add.f32 [tilespmem:s5], [sflag:$0x5], $0x80, s11, s4, $0xb8;
	[tilespmem:$0x1E800] =	vst v63  }
0xae: {  	_ =	swait.ge [sflag:s8], $0x4000  }
0xaf: {  	[sflag:s8] =	ssyncset.done $0x0  }
0xb0: {  	[sflag:s8] =	ssyncadd.s32 $0xFFFFC000  }
0xb1: {  	_ =	swait.ge [sflag:s9], $0x4000  }
0xb2: {  	[sflag:s9] =	ssyncset.done $0x0  }
0xb3: {  	[sflag:s9] =	ssyncadd.s32 $0xFFFFC000  }
0xb4: {  	[spmem:s1] =	stream.indirect.scatter.add.f32 [tilespmem:s6], [sflag:$0x5], $0x80, s12, s4, $0xb8;
	[tilespmem:$0x1E800] =	vst v63  }
0xb5: {  	_ =	swait.ge [sflag:s8], $0x4000  }
0xb6: {  	[sflag:s8] =	ssyncset.done $0x0  }
0xb7: {  	s22 =	simm.s32 $0x0;
	s25 =	rddreg [dreg:$0x6];
	[sflag:s8] =	ssyncadd.s32 $0xFFFFC000  }
0xb8: {  	[tilespmem:s22], [sflag:$0x3] =	stream.linear.gather [hbm4b:s25+s22], $0x1400, $0x38;
	[tilespmem:$0x1E800] =	vst v63  }
0xb9: {  	s31 =	rddreg [dreg:$0x7];
	s25 =	simm.s32 $0x1400  }
0xba: {  	[tilespmem:s25], [sflag:$0x4] =	stream.linear.gather [hbm4b:s31+s22], $0x1400, $0x38;
	[tilespmem:$0x1E800] =	vst v63  }
0xbb: {  	_ =	swait.ge [sflag:s0], $0x1400  }
0xbc: {  	[sflag:s0] =	ssyncset.done $0x0  }
0xbd: {  	[sflag:s0] =	ssyncadd.s32 $0xFFFFEC00  }
0xbe: {  	_ =	swait.ge [sflag:s2], $0x1400  }
0xbf: {  	[sflag:s2] =	ssyncset.done $0x0  }
0xc0: {  	[sflag:s2] =	ssyncadd.s32 $0xFFFFEC00  }
0xc1: {  	[tilespmem:s5], [sflag:$0x1] =	stream.indirect.gather [hbm4b:s13+s4], $0x80, s22, s4, $0xb8;
	[tilespmem:$0x1E800] =	vst v63  }
0xc2: {  	s18 =	simm.s32 $0x80  }
0xc3: {  	[tilespmem:s6], [sflag:$0x2] =	stream.indirect.gather [hbm4b:s13+s4], $0x80, s18, s4, $0xb8;
	[tilespmem:$0x1E800] =	vst v63  }
0xc4: {  	_ =	swait.ge [sflag:s7], $0x4000  }
0xc5: {  	[sflag:s7] =	ssyncset.done $0x0  }
0xc6: {  	s20 =	simm.s32 $0x1400;
	[sflag:s7] =	ssyncadd.s32 $0xFFFFC000  }
0xc7: {  	[spmem:s1] =	stream.indirect.scatter.add.f32 [tilespmem:s5], [sflag:$0x5], $0x80, s20, s4, $0xb8;
	[tilespmem:$0x1E800] =	vst v63  }
0xc8: {  	_ =	swait.ge [sflag:s8], $0x4000  }
0xc9: {  	[sflag:s8] =	ssyncset.done $0x0  }
0xca: {  	s22 =	simm.s32 $0x100;
	[sflag:s8] =	ssyncadd.s32 $0xFFFFC000  }
0xcb: {  	[tilespmem:s5], [sflag:$0x1] =	stream.indirect.gather [hbm4b:s13+s4], $0x80, s22, s4, $0xb8;
	[tilespmem:$0x1E800] =	vst v63  }
0xcc: {  	_ =	swait.ge [sflag:s9], $0x4000  }
0xcd: {  	[sflag:s9] =	ssyncset.done $0x0  }
0xce: {  	s31 =	simm.s32 $0x1480;
	[sflag:s9] =	ssyncadd.s32 $0xFFFFC000  }
0xcf: {  	[spmem:s1] =	stream.indirect.scatter.add.f32 [tilespmem:s6], [sflag:$0x5], $0x80, s31, s4, $0xb8;
	[tilespmem:$0x1E800] =	vst v63  }
0xd0: {  	_ =	swait.ge [sflag:s8], $0x4000  }
0xd1: {  	s16 =	simm.s32 $0x100;
	s17 =	simm.s32 $0x800;
	[sflag:s8] =	ssyncset.done $0x0  }
.LBB2_4:
0xd2: {  	s18 =	sadd.s32 $0x80, s16  }
0xd3: {  	[sflag:s8] =	ssyncadd.s32 $0xFFFFC000;
	s20 =	smov.u32 s17;
	s22 =	sadd.s32 $0x400, s17  }
0xd4: {  	[tilespmem:s6], [sflag:$0x2] =	stream.indirect.gather [hbm4b:s13+s4], $0x80, s18, s4, $0xb8;
	[tilespmem:$0x1E800] =	vst v63  }
0xd5: {  	p1 =	sne.s32 s17, $0x4800;
	_ =	swait.ge [sflag:s7], $0x4000  }
0xd6: {  	[sflag:s7] =	ssyncset.done $0x0  }
0xd7: {  	s17 =	sadd.s32 $0x1400, s16;
	[sflag:s7] =	ssyncadd.s32 $0xFFFFC000  }
0xd8: {  	[spmem:s1] =	stream.indirect.scatter.add.f32 [tilespmem:s5], [sflag:$0x5], $0x80, s17, s4, $0xb8;
	[tilespmem:$0x1E800] =	vst v63  }
0xd9: {  	_ =	swait.ge [sflag:s8], $0x4000  }
0xda: {  	[sflag:s8] =	ssyncset.done $0x0  }
0xdb: {  	s17 =	sadd.s32 $0x100, s16;
	[sflag:s8] =	ssyncadd.s32 $0xFFFFC000  }
0xdc: {  	[tilespmem:s5], [sflag:$0x1] =	stream.indirect.gather [hbm4b:s13+s4], $0x80, s17, s4, $0xb8;
	[tilespmem:$0x1E800] =	vst v63  }
0xdd: {  	_ =	swait.ge [sflag:s9], $0x4000  }
.Ltmp1:
0xde: {  	[sflag:s9] =	ssyncset.done $0x0;
	(pc) =	sbr.rel @p1 .LBB2_4-.Ltmp1, $4  }
0xdf: {  	s16 =	sadd.s32 $0x1480, s16;
	[sflag:s9] =	ssyncadd.s32 $0xFFFFC000  }
0xe0: {  	[spmem:s1] =	stream.indirect.scatter.add.f32 [tilespmem:s6], [sflag:$0x5], $0x80, s16, s4, $0xb8;
	[tilespmem:$0x1E800] =	vst v63  }
0xe1: {  	_ =	swait.ge [sflag:s8], $0x4000  }
0xe2: {  	s17 =	smov.u32 s22;
	s16 =	sshra.s32 s20, $0x2;
	[sflag:s8] =	ssyncset.done $0x0  }
0xe3: {  	s17 =	sadd.s32 $0x80, s16;
	[sflag:s8] =	ssyncadd.s32 $0xFFFFC000  }
0xe4: {  	[tilespmem:s6], [sflag:$0x2] =	stream.indirect.gather [hbm4b:s13+s4], $0x80, s17, s4, $0xb8;
	[tilespmem:$0x1E800] =	vst v63  }
0xe5: {  	_ =	swait.ge [sflag:s7], $0x4000  }
0xe6: {  	[sflag:s7] =	ssyncset.done $0x0  }
0xe7: {  	s18 =	sadd.s32 $0x1400, s16;
	[sflag:s7] =	ssyncadd.s32 $0xFFFFC000  }
0xe8: {  	[spmem:s1] =	stream.indirect.scatter.add.f32 [tilespmem:s5], [sflag:$0x5], $0x80, s18, s4, $0xb8;
	[tilespmem:$0x1E800] =	vst v63  }
0xe9: {  	_ =	swait.ge [sflag:s8], $0x4000  }
0xea: {  	[sflag:s8] =	ssyncset.done $0x0  }
0xeb: {  	s20 =	sadd.s32 $0x100, s16;
	[sflag:s8] =	ssyncadd.s32 $0xFFFFC000  }
0xec: {  	[tilespmem:s5], [sflag:$0x1] =	stream.indirect.gather [hbm4b:s13+s4], $0x80, s20, s4, $0xb8;
	[tilespmem:$0x1E800] =	vst v63  }
0xed: {  	_ =	swait.ge [sflag:s9], $0x4000  }
0xee: {  	[sflag:s9] =	ssyncset.done $0x0  }
0xef: {  	s22 =	sadd.s32 $0x1480, s16;
	[sflag:s9] =	ssyncadd.s32 $0xFFFFC000  }
0xf0: {  	[spmem:s1] =	stream.indirect.scatter.add.f32 [tilespmem:s6], [sflag:$0x5], $0x80, s22, s4, $0xb8;
	[tilespmem:$0x1E800] =	vst v63  }
0xf1: {  	_ =	swait.ge [sflag:s8], $0x4000  }
0xf2: {  	[sflag:s8] =	ssyncset.done $0x0  }
0xf3: {  	[sflag:s8] =	ssyncadd.s32 $0xFFFFC000  }
0xf4: {  	[tilespmem:s6], [sflag:$0x2] =	stream.indirect.gather [hbm4b:s13+s4], $0x80, s10, s4, $0xb8;
	[tilespmem:$0x1E800] =	vst v63  }
0xf5: {  	_ =	swait.ge [sflag:s7], $0x4000  }
0xf6: {  	[sflag:s7] =	ssyncset.done $0x0  }
0xf7: {  	[sflag:s7] =	ssyncadd.s32 $0xFFFFC000  }
0xf8: {  	[spmem:s1] =	stream.indirect.scatter.add.f32 [tilespmem:s5], [sflag:$0x5], $0x80, s11, s4, $0xb8;
	[tilespmem:$0x1E800] =	vst v63  }
0xf9: {  	_ =	swait.ge [sflag:s8], $0x4000  }
0xfa: {  	[sflag:s8] =	ssyncset.done $0x0  }
0xfb: {  	[sflag:s8] =	ssyncadd.s32 $0xFFFFC000  }
0xfc: {  	_ =	swait.ge [sflag:s9], $0x4000  }
0xfd: {  	[sflag:s9] =	ssyncset.done $0x0  }
0xfe: {  	[sflag:s9] =	ssyncadd.s32 $0xFFFFC000  }
0xff: {  	[spmem:s1] =	stream.indirect.scatter.add.f32 [tilespmem:s6], [sflag:$0x5], $0x80, s12, s4, $0xb8;
	[tilespmem:$0x1E800] =	vst v63  }
0x100: {  	_ =	swait.ge [sflag:s8], $0x4000  }
0x101: {  	[sflag:s8] =	ssyncset.done $0x0  }
0x102: {  	[sflag:s8] =	ssyncadd.s32 $0xFFFFC000  }
0x103: {  	[bflag:$0x0] =	sbarrier.arrive $0xFFFF  }
0x104: {  	[tilespmem:s5], [sflag:$0x1] =	stream.linear.gather [spmem:s15], $0x4000, $0x38;
	[tilespmem:$0x1E800] =	vst v63  }
0x105: {  	_ = 	snop  }
0x106: {  	[tilespmem:s6], [sflag:$0x2] =	stream.linear.gather [spmem:s19], $0x4000, $0x38;
	[tilespmem:$0x1E800] =	vst v63  }
0x107: {  	_ =	swait.ge [sflag:s7], $0x4000  }
0x108: {  	[sflag:s7] =	ssyncset.done $0x0  }
0x109: {  	s31 =	rddreg [dreg:$0x8];
	[sflag:s7] =	ssyncadd.s32 $0xFFFFC000  }
0x10a: {  	[hbm4b:s31+s3] =	stream.linear.scatter [tilespmem:s5], [sflag:$0x5], $0x4000, $0x38;
	[tilespmem:$0x1E800] =	vst v63  }
0x10b: {  	_ =	swait.ge [sflag:s8], $0x4000  }
0x10c: {  	[sflag:s8] =	ssyncset.done $0x0  }
0x10d: {  	[sflag:s8] =	ssyncadd.s32 $0xFFFFC000  }
0x10e: {  	[tilespmem:s5], [sflag:$0x1] =	stream.linear.gather [spmem:s21], $0x4000, $0x38;
	[tilespmem:$0x1E800] =	vst v63  }
0x10f: {  	_ =	swait.ge [sflag:s9], $0x4000  }
0x110: {  	[sflag:s9] =	ssyncset.done $0x0  }
0x111: {  	s17 =	rddreg [dreg:$0x9];
	[sflag:s9] =	ssyncadd.s32 $0xFFFFC000  }
0x112: {  	[hbm4b:s17+s3] =	stream.linear.scatter [tilespmem:s6], [sflag:$0x5], $0x4000, $0x38;
	[tilespmem:$0x1E800] =	vst v63  }
0x113: {  	_ =	swait.ge [sflag:s8], $0x4000  }
0x114: {  	[sflag:s8] =	ssyncset.done $0x0  }
0x115: {  	[sflag:s8] =	ssyncadd.s32 $0xFFFFC000  }
0x116: {  	[tilespmem:s6], [sflag:$0x2] =	stream.linear.gather [spmem:s23], $0x4000, $0x38;
	[tilespmem:$0x1E800] =	vst v63  }
0x117: {  	_ =	swait.ge [sflag:s7], $0x4000  }
0x118: {  	[sflag:s7] =	ssyncset.done $0x0  }
0x119: {  	s18 =	rddreg [dreg:$0xa];
	[sflag:s7] =	ssyncadd.s32 $0xFFFFC000  }
0x11a: {  	[hbm4b:s18+s3] =	stream.linear.scatter [tilespmem:s5], [sflag:$0x5], $0x4000, $0x38;
	[tilespmem:$0x1E800] =	vst v63  }
0x11b: {  	_ =	swait.ge [sflag:s8], $0x4000  }
0x11c: {  	[sflag:s8] =	ssyncset.done $0x0  }
0x11d: {  	[sflag:s8] =	ssyncadd.s32 $0xFFFFC000  }
0x11e: {  	[tilespmem:s5], [sflag:$0x1] =	stream.linear.gather [spmem:s24], $0x4000, $0x38;
	[tilespmem:$0x1E800] =	vst v63  }
0x11f: {  	_ =	swait.ge [sflag:s9], $0x4000  }
0x120: {  	[sflag:s9] =	ssyncset.done $0x0  }
0x121: {  	s20 =	rddreg [dreg:$0xb];
	[sflag:s9] =	ssyncadd.s32 $0xFFFFC000  }
0x122: {  	[hbm4b:s20+s3] =	stream.linear.scatter [tilespmem:s6], [sflag:$0x5], $0x4000, $0x38;
	[tilespmem:$0x1E800] =	vst v63  }
0x123: {  	_ =	swait.ge [sflag:s8], $0x4000  }
0x124: {  	[sflag:s8] =	ssyncset.done $0x0  }
0x125: {  	[sflag:s8] =	ssyncadd.s32 $0xFFFFC000  }
0x126: {  	_ =	swait.ge [sflag:s7], $0x4000  }
0x127: {  	[sflag:s7] =	ssyncset.done $0x0  }
0x128: {  	s22 =	rddreg [dreg:$0xc];
	[sflag:s7] =	ssyncadd.s32 $0xFFFFC000  }
0x129: {  	[hbm4b:s22+s3] =	stream.linear.scatter [tilespmem:s5], [sflag:$0x5], $0x4000, $0x38;
	[tilespmem:$0x1E800] =	vst v63  }
0x12a: {  	_ =	swait.ge [sflag:s8], $0x4000  }
0x12b: {  	s14 =	sadd.s32 $0x1, s14;
	s31 =	rddreg [dreg:$0x13]  }
0x12c: {  	p1 =	sne.s32 s14, s31  }
.Ltmp2:
0x12d: {  	_ = 	snop;
	(pc) =	sbr.rel @p1 .LBB2_1-.Ltmp2, $3  }
0x12e: {  	_ =	sdelay $0x1  }
0x12f: {  	[sflag:s8] =	ssyncset.done $0x0  }
0x130: {  	[sflag:s8] =	ssyncadd.s32 $0xFFFFC000  }
0x131: {  	_ =	sfence.sel $0x180000  }
0x132: {  	[bflag:$0x0] =	sbarrier.arrive $0xFFFF  }
0x133: {  	_ =	strace $0x9000004D  }
0x134: {  	s0 =	stileid.u32;
	[bflag:$0x2] =	sbarrier.arrive $0xFFFF  }
0x135: {  	p0 =	sne.s32 s0, $0x0;
	s0 =	rddreg [dreg:$0x3]  }
0x136: {  	s0 =	sadd.s32 @!p0 $0x100000, s0  }
0x137: {  	[sflag:s0] =	ssyncadd.tile.s32 @!p0 $0x1;
	_ =	shalt  }
.Lfunc_end2:
_tile_overlayer_lowered:
.L_overlay_start_2:
0x138: {  	(tag) =	ssettag $0x2  }
0x139: {  	s0 =	rddreg [dreg:$0x0];
	s2 =	stileid.u32  }
0x13a: {  	s1 =	rddreg [dreg:$0x1];
	p0 =	sne.s32 s2, $0x0  }
0x13b: {  	s3 =	rddreg [dreg:$0x2];
	[bflag:$0x3] =	sbarrier.arrive $0xFFFF;
	s2 =	simm.s32 @!p0 $0x1C05  }
0x13c: {  	[timem:s3], [sflag:s2] =	dma.local @!p0 [hbm:s0], s1  }
0x13d: {  	s0 =	simm.s32 @!p0 $0x5  }
0x13e: {  	_ =	swait.ge @!p0 [sflag:s0], s1  }
0x13f: {  	s1 =	ssub.s32 @!p0 $0x0, s1;
	[sflag:s0] =	ssyncset.done @!p0 $0x0  }
0x140: {  	[sflag:s0] =	ssyncadd.s32 @!p0 s1  }
0x141: {  	[bflag:$0x3] =	sbarrier.arrive $0xFFFF  }
0x142: {  	_ =	shalt  }

// kernel: kernel.9.cloned.1.call-start
scs
__scs_entry_jumppad:
0x0: {  	(pc) =	sbr.rel $0x88, $3  }
0x1: {  	(tag) =	ssettag $0x0;
	lr =	simm.s32 $0x1  }
0x2: {  	[smem:$0x3F99] =	sst lr;
	_ =	strace $0xD0000000  }
0x3: {  	_ = 	snop  }
0x4: {  	_ = 	snop  }
0x5: {  	_ = 	snop  }
0x6: {  	_ = 	snop  }
0x7: {  	_ = 	snop  }
__scs_overlays_trampoline_lowered:
0x8: {  	[smem:$0x3FA8] =	sst s0  }
0x9: {  	[smem:$0x3FA9] =	sst s1  }
0xa: {  	[smem:$0x3FAA] =	sst s2  }
0xb: {  	[smem:$0x3FAB] =	sst s3  }
0xc: {  	[smem:$0x3FAC] =	sst s4  }
0xd: {  	[smem:$0x3FAD] =	sst s5  }
0xe: {  	[smem:$0x3FAE] =	sst s6  }
0xf: {  	[smem:$0x3FAF] =	sst s7  }
0x10: {  	[smem:$0x3FB0] =	sst s8  }
0x11: {  	[smem:$0x3FB1] =	sst s9;
	s0 =	simm.s32 @!p0 $0x0  }
0x12: {  	s1 =	sld [smem:$0x3F97];
	s0 =	simm.s32 @p0 $0x1  }
0x13: {  	[smem:$0x3FB2] =	sst s0;
	s0 =	simm.s32 @!p1 $0x0  }
0x14: {  	s2 =	sld [smem:$0x3F96];
	s0 =	simm.s32 @p1 $0x1  }
0x15: {  	[smem:$0x3FB3] =	sst s0;
	s0 =	simm.s32 @!p2 $0x0  }
0x16: {  	s3 =	sld [smem:$0x3FDB];
	s0 =	simm.s32 @p2 $0x1  }
0x17: {  	s4 =	simm.s32 $0x1BF5;
	[smem:$0x3FB5] =	sst s0  }
0x18: {  	s0 =	sld [smem:$0x3F98];
	_ =	swait.ge [sflag:s4], $0x0  }
0x19: {  	s7 =	sld [smem:$0x3F99]  }
0x1a: {  	s8 =	sadd.s32 $0xFFFFE003, lr  }
0x1b: {  	s9 =	sadd.s32 $0xFFFFFEF7, lr;
	s5 =	simm.s32 $0xFFFFFFFF;
	p2 =	slt.u32 s8, $0xFFFFF086  }
0x1c: {  	p1 =	slt.u32 s9, $0xF7A;
	s5 =	simm.s32 @!p2 $0x0  }
0x1d: {  	s5 =	simm.s32 @p1 $0x1;
	p0 =	seq.s32 s7, s2  }
0x1e: {  	s7 =	smul.u32 @!p0 $0xF7A, s2;
	p2 =	seq.s32 @!p0 s5, $0x0  }
0x1f: {  	s9 =	smul.u32 $0xF7A, s1;
	s8 =	simm.s32 @!p0 $0x1BF5;
	p2 =	por !p2, p0  }
0x20: {  	[sflag:s8] =	ssyncset.s32 @!p0 $0xFFFFF086;
	s6 =	sadd.s32 @!p0 s3, s7;
	s7 =	simm.s32 @!p0 $0x108  }
0x21: {  	s3 =	sadd.s32 s3, s9;
	s6 =	sadd.s32 @!p0 $0x88, s6;
	s7 =	simm.s32 @p2 $0x1082  }
0x22: {  	[simem:s7], [sflag:s8] =	dma.local @!p0 [hbm:s6], $0xF7A  }
0x23: {  	s9 =	sor.u32 $0xD0000000, s2;
	s6 =	simm.s32 $0x108;
	_ =	swait.ge @!p0 [sflag:s8], $0x0  }
0x24: {  	s3 =	sadd.s32 $0x88, s3;
	s6 =	simm.s32 @!p1 $0x1082;
	[sflag:s4] =	ssyncset.s32 $0xFFFFF086  }
0x25: {  	[simem:s6], [sflag:s4] =	dma.local [hbm:s3], $0xF7A  }
0x26: {  	[smem:$0x3F99] =	sst s1;
	(tag) =	ssettag s2;
	_ =	strace s9  }
0x27: {  	s1 =	sld [smem:$0x3FA9]  }
0x28: {  	s2 =	sld [smem:$0x3FAA]  }
0x29: {  	s4 =	sld [smem:$0x3FAC]  }
0x2a: {  	p0 =	seq.s32 s5, $0x0;
	s5 =	sld [smem:$0x3FAD]  }
0x2b: {  	s6 =	sld [smem:$0x3FAE]  }
0x2c: {  	s7 =	sld [smem:$0x3FAF]  }
0x2d: {  	s3 =	simm.s32 $0x108;
	s8 =	sld [smem:$0x3FB0]  }
0x2e: {  	s3 =	simm.s32 @!p0 $0x1082;
	s9 =	sld [smem:$0x3FB1]  }
0x2f: {  	lr =	sadd.s32 s0, s3;
	s0 =	sld [smem:$0x3FA8]  }
0x30: {  	s3 =	sld [smem:$0x3FAB]  }
0x31: {  	[smem:$0x3FB4] =	sst s10  }
0x32: {  	s10 =	sld [smem:$0x3FB2];
	_ =	sdelay $0x3  }
0x33: {  	p0 =	seq.s32 s10, $0x1;
	s10 =	sld [smem:$0x3FB4];
	_ =	sdelay $0x3  }
0x34: {  	[smem:$0x3FB4] =	sst s10  }
0x35: {  	s10 =	sld [smem:$0x3FB3];
	_ =	sdelay $0x3  }
0x36: {  	p1 =	seq.s32 s10, $0x1;
	s10 =	sld [smem:$0x3FB4];
	_ =	sdelay $0x3  }
0x37: {  	[smem:$0x3FB4] =	sst s10  }
0x38: {  	s10 =	sld [smem:$0x3FB5]  }
0x39: {  	_ = 	snop;
	(pc) =	sbr.ind lr, $3  }
0x3a: {  	_ = 	snop  }
0x3b: {  	_ = 	snop  }
0x3c: {  	p2 =	seq.s32 s10, $0x1;
	s10 =	sld [smem:$0x3FB4]  }
0x3d: {  	_ =	shalt  }
0x3e: {  	_ =	shalt  }
0x3f: {  	_ =	shalt  }
0x40: {  	_ =	shalt  }
0x41: {  	_ =	shalt  }
0x42: {  	_ =	shalt  }
0x43: {  	_ =	shalt  }
0x44: {  	_ =	shalt  }
0x45: {  	_ =	shalt  }
0x46: {  	_ =	shalt  }
0x47: {  	_ =	shalt  }
0x48: {  	_ =	shalt  }
0x49: {  	_ =	shalt  }
0x4a: {  	_ =	shalt  }
0x4b: {  	_ =	shalt  }
0x4c: {  	_ =	shalt  }
0x4d: {  	_ =	shalt  }
0x4e: {  	_ =	shalt  }
0x4f: {  	_ =	shalt  }
0x50: {  	_ =	shalt  }
0x51: {  	_ =	shalt  }
0x52: {  	_ =	shalt  }
0x53: {  	_ =	shalt  }
0x54: {  	_ =	shalt  }
0x55: {  	_ =	shalt  }
0x56: {  	_ =	shalt  }
0x57: {  	_ =	shalt  }
0x58: {  	_ =	shalt  }
0x59: {  	_ =	shalt  }
0x5a: {  	_ =	shalt  }
0x5b: {  	_ =	shalt  }
0x5c: {  	_ =	shalt  }
0x5d: {  	_ =	shalt  }
0x5e: {  	_ =	shalt  }
0x5f: {  	_ =	shalt  }
0x60: {  	_ =	shalt  }
0x61: {  	_ =	shalt  }
0x62: {  	_ =	shalt  }
0x63: {  	_ =	shalt  }
0x64: {  	_ =	shalt  }
0x65: {  	_ =	shalt  }
0x66: {  	_ =	shalt  }
0x67: {  	_ =	shalt  }
0x68: {  	_ =	shalt  }
0x69: {  	_ =	shalt  }
0x6a: {  	_ =	shalt  }
0x6b: {  	_ =	shalt  }
0x6c: {  	_ =	shalt  }
0x6d: {  	_ =	shalt  }
0x6e: {  	_ =	shalt  }
0x6f: {  	_ =	shalt  }
0x70: {  	_ =	shalt  }
0x71: {  	_ =	shalt  }
0x72: {  	_ =	shalt  }
0x73: {  	_ =	shalt  }
0x74: {  	_ =	shalt  }
0x75: {  	_ =	shalt  }
0x76: {  	_ =	shalt  }
0x77: {  	_ =	shalt  }
0x78: {  	_ =	shalt  }
0x79: {  	_ =	shalt  }
0x7a: {  	_ =	shalt  }
0x7b: {  	_ =	shalt  }
0x7c: {  	_ =	shalt  }
0x7d: {  	_ =	shalt  }
0x7e: {  	_ =	shalt  }
0x7f: {  	_ =	shalt  }
0x80: {  	_ =	shalt  }
0x81: {  	_ =	shalt  }
0x82: {  	_ =	shalt  }
0x83: {  	_ =	shalt  }
0x84: {  	_ =	shalt  }
0x85: {  	_ =	shalt  }
0x86: {  	_ =	shalt  }
0x87: {  	_ =	shalt  }
.Lfunc_end0:
.L_simem_size_0:
called_computation_lowered:
.L_overlay_start_0:
0x88: {  	s2 =	sld [smem:$0x3FD9]  }
0x89: {  	s3 =	sld [smem:$0x3FFE];
	_ =	sdelay $0x1  }
0x8a: {  	s1 =	srdreg.scid  }
0x8b: {  	s0 =	sand.u32 $0x1, s1  }
0x8c: {  	s17 =	sshll.u32 s0, $0xA;
	s2 =	sadd.s32 s3, s2  }
0x8d: {  	s2 =	sadd.s32 s2, s17  }
0x8e: {  	[smem:$0x3FC0] =	sst s2  }
0x8f: {  	_ = 	snop  }
0x90: {  	s2 =	sld [smem:$0x3FD0];
	(tm) =	ssettm $0x1  }
0x91: {  	s18 =	sld [smem:$0x3FFB];
	_ =	sdelay $0x3  }
0x92: {  	_ =	strace s18  }
0x93: {  	s3 =	sld [smem:$0x3FFC];
	_ =	sdelay $0x3  }
0x94: {  	_ =	strace s3  }
0x95: {  	s3 =	sld [smem:$0x3FFD];
	_ =	sdelay $0x3  }
0x96: {  	_ =	strace s3  }
0x97: {  	_ =	strace $0x8FFFFFFF  }
0x98: {  	s19 =	sld [smem:$0x3FDB];
	_ =	sdelay $0x1  }
0x99: {  	s4 =	simm.s32 $_scs_section_size  }
0x9a: {  	s5 =	simm.s32 $_size__tile_overlayer_lowered;
	s6 =	simm.s32 $_tile_overlayer_lowered  }
0x9b: {  	s22 =	simm.s32 $0x1BFF;
	s21 =	sshll.u32 s6, $0x1;
	s3 =	sadd.s32 s4, s19  }
0x9c: {  	s7 =	simm.s32 $0x0;
	s20 =	sshll.u32 s5, $0x1;
	s5 =	sadd.s32 s21, s3  }
0x9d: {  	[timem:s7], [sflag:s22] =	dma.local [hbm:s5], s20  }
0x9e: {  	_ =	swait.ge [sflag:s22], s20  }
0x9f: {  	s4 =	ssub.s32 $0x0, s20;
	[sflag:s22] =	ssyncset.done $0x0  }
0xa0: {  	[sflag:s22] =	ssyncadd.s32 s4;
	_ =	sdelay $0x1  }
0xa1: {  	s23 =	simm.s32 $0x1B8B  }
0xa2: {  	_ =	swait.ge [sflag:s23], $0x1  }
0xa3: {  	[sflag:s23] =	ssyncset.done $0x0  }
0xa4: {  	s25 =	simm.s32 $0x1B8E;
	s24 =	sld [smem:$0x3FFE];
	[sflag:s23] =	ssyncadd.s32 $0xFFFFFFFF  }
0xa5: {  	s26 =	simm.s32 $execute0_lowered;
	[smem:$0x3FD2] =	sst s25  }
0xa6: {  	s5 =	sshll.u32 s26, $0x1;
	_ =	strace $0x80000046;
	[dreg:$0x1] =	wrdreg $0xFFFFFFFF  }
0xa7: {  	s28 =	simm.s32 $_size_execute0_lowered;
	s3 =	sadd.s32 s3, s5;
	[dreg:$0x0] =	wrdreg $0x0  }
0xa8: {  	s5 =	sshll.u32 s28, $0x1;
	[dreg:$0x2] =	wrdreg s3  }
0xa9: {  	[dreg:$0x3] =	wrdreg s5  }
0xaa: {  	[dreg:$0x4] =	wrdreg $0xC0  }
0xab: {  	_ =	task [dreg:s7], $0x5FFFF  }
0xac: {  	[dreg:$0x1] =	wrdreg $0xFFFFFFFF  }
0xad: {  	[dreg:$0x0] =	wrdreg $0x60  }
0xae: {  	[dreg:$0x2] =	wrdreg s2  }
0xaf: {  	[dreg:$0x3] =	wrdreg s24  }
0xb0: {  	[dreg:$0x4] =	wrdreg $0xA8000  }
0xb1: {  	[dreg:$0x5] =	wrdreg $0x9  }
0xb2: {  	_ =	task.clear_ibuf [dreg:s7], $0x6FFFF;
	_ =	strace $0x90000046  }
0xb3: {  	s29 =	simm.s32 $0x9;
	_ =	strace $0x80000048  }
0xb4: {  	_ =	swait.ge [sflag:s29], $0x1  }
0xb5: {  	[sflag:s29] =	ssyncadd.s32 $0xFFFFFFFF  }
0xb6: {  	_ =	strace $0x90000048  }
0xb7: {  	_ =	sfence  }
0xb8: {  	s30 =	sld [smem:$0x0];
	_ =	sdelay $0x2  }
0xb9: {  	s31 =	sshll.u32 s1, $0xD;
	s1 =	sshrl.u32 s1, $0x2  }
0xba: {  	s3 =	sand.u32 $0x4000, s31;
	s1 =	sadd.s32 s1, s30  }
0xbb: {  	s0 =	sor.u32 s3, s0;
	s1 =	sshll.u32 s1, $0x11  }
0xbc: {  	s0 =	sor.u32 s1, s0  }
0xbd: {  	s0 =	sadd.s32 $0x8F2B, s0  }
0xbe: {  	[sflag:s0] =	ssyncadd.remote.s32 $0x1  }
0xbf: {  	_ =	sfence.sel $0xFFFF  }
0xc0: {  	[dreg:$0x0] =	wrdreg $0xFFFFFFFF;
	(pc) =	sbr.abs _section_cstart, $3  }
0xc1: {  	[dreg:$0x1] =	wrdreg $0xFFFFFFFF  }
0xc2: {  	_ =	task.clear_ibuf [dreg:s7], $0x2FFFF;
	_ =	strace $0x9FFFFFFF  }
0xc3: {  	(tm) =	ssettm $0x7FFFFFFF  }
tec
execute0_lowered:
.L_overlay_start_1:
0x0: {  	(tag) =	ssettag $0x1  }
0x1: {  	s6 =	rddreg [dreg:$0x0]  }
0x2: {  	s7 =	rddreg [dreg:$0x1]  }
0x3: {  	s1 =	rddreg [dreg:$0x2]  }
0x4: {  	s0 =	rddreg [dreg:$0x3]  }
0x5: {  	s2 =	simm.s32 $0x0;
	s3 =	srdreg.scid;
	s28 =	simm.s32 $0x6800  }
0x6: {  	s29 =	simm.s32 $0x0;
	[smem:$0x7FF] =	sst s2;
	s4 =	sadd.s32 $0x2C00, s7  }
0x7: {  	s22 =	sand.u32 $0x1, s3;
	s5 =	sadd.s32 $0x2400, s7;
	s3 =	stileid.u32  }
0x8: {  	s20 =	sadd.s32 $0x3400, s7;
	_ =	strace $0x80000047;
	s10 =	smul.u32 $0x50000, s3  }
0x9: {  	s8 =	sshll.u32 s22, $0x4;
	s9 =	ssub.s32 $0x2, s22;
	s17 =	smul.u32 $0x14000, s3  }
0xa: {  	s18 =	smul.u32 $0x140000, s22;
	p0 =	seq.s32 s22, $0x0;
	s8 =	sor.u32 s3, s8  }
0xb: {  	s22 =	simm.s32 $0x2800;
	s24 =	sshrl.u32 s9, $0x1;
	s8 =	smul.u32 $0x500, s8  }
0xc: {  	s21 =	ssub.s32 s9, s24;
	s25 =	sshrl.u32 s10, $0x2;
	s13 =	sadd.s32 $0x4000, s17  }
0xd: {  	s14 =	sadd.s32 s17, s18;
	s19 =	sadd.s32 $0x8000, s17;
	s23 =	sadd.s32 $0xC000, s17  }
0xe: {  	s24 =	sadd.s32 $0x10000, s17;
	s7 =	sadd.s32 s25, s1;
	s12 =	sadd.s32 s13, s1  }
0xf: {  	s14 =	sshrl.u32 s14, $0x3;
	s15 =	sadd.s32 s18, s13;
	s16 =	sadd.s32 s23, s1  }
0x10: {  	s30 =	sadd.s32 s18, s23;
	s21 =	smax.u32 s21, $0x1;
	s23 =	simm.s32 $0x3  }
0x11: {  	s25 =	simm.s32 $0x2;
	s6 =	sadd.s32 s6, s8;
	s8 =	sadd.s32 $0x4000, s7  }
0x12: {  	s9 =	sadd.s32 $0x8000, s7;
	s10 =	sadd.s32 $0xC000, s7;
	s11 =	sadd.s32 $0x10000, s7  }
0x13: {  	s13 =	sadd.s32 s20, s14;
	s15 =	sshrl.u32 s15, $0x3;
	s14 =	sadd.s32 s19, s1  }
0x14: {  	s19 =	sadd.s32 s18, s19;
	s18 =	sadd.s32 s18, s24;
	s15 =	sadd.s32 s20, s15  }
0x15: {  	s26 =	sshrl.u32 s19, $0x3;
	s19 =	sshrl.u32 s30, $0x3;
	s31 =	sshrl.u32 s18, $0x3  }
0x16: {  	s18 =	sadd.s32 s24, s1;
	s24 =	simm.s32 $0x1;
	s17 =	sadd.s32 s20, s26  }
0x17: {  	s19 =	sadd.s32 s20, s19;
	s20 =	sadd.s32 s20, s31;
	s26 =	simm.s32 $0x80  }
.LBB2_1:
0x18: {  	[tilespmem:s2], [sflag:$0x2] =	stream.linear.gather [hbm4b:s6+s2], $0x2800, $0x38;
	[tilespmem:$0x1E800] =	vst v63  }
0x19: {  	_ = 	snop  }
0x1a: {  	[tilespmem:s22], [sflag:$0x3] =	stream.linear.gather [hbm4b:s4+s2], $0x4000, $0x38;
	[tilespmem:$0x1E800] =	vst v63  }
0x1b: {  	_ =	swait.ge [sflag:s23], $0x4000  }
0x1c: {  	[sflag:s23] =	ssyncset.done $0x0  }
0x1d: {  	s30 =	simm.s32 @!p0 $0x0;
	s31 =	simm.s32 @!p0 $0x6800;
	[sflag:s23] =	ssyncadd.s32 $0xFFFFC000  }
0x1e: {  	[tilespmem:s31], [sflag:$0x3] =	stream.linear.gather @!p0 [hbm4b:s5+s30], $0x4000, $0x38;
	[tilespmem:$0x1E800] =	vst v63  }
0x1f: {  	s30 =	simm.s32 @!p0 $0x3  }
0x20: {  	_ =	swait.ge @!p0 [sflag:s30], $0x4000  }
0x21: {  	[sflag:s30] =	ssyncset.done @!p0 $0x0  }
0x22: {  	s31 =	simm.s32 @p0 $0x2800;
	[sflag:s30] =	ssyncadd.s32 @!p0 $0xFFFFC000  }
0x23: {  	[spmem:s7] =	stream.linear.scatter [tilespmem:s31], [sflag:$0x1], $0x4000, $0x38;
	[tilespmem:$0x1E800] =	vst v63  }
0x24: {  	_ = 	snop  }
0x25: {  	[spmem:s8] =	stream.linear.scatter [tilespmem:s31], [sflag:$0x1], $0x4000, $0x38;
	[tilespmem:$0x1E800] =	vst v63  }
0x26: {  	_ = 	snop  }
0x27: {  	[spmem:s9] =	stream.linear.scatter [tilespmem:s31], [sflag:$0x1], $0x4000, $0x38;
	[tilespmem:$0x1E800] =	vst v63  }
0x28: {  	_ = 	snop  }
0x29: {  	[spmem:s10] =	stream.linear.scatter [tilespmem:s31], [sflag:$0x1], $0x4000, $0x38;
	[tilespmem:$0x1E800] =	vst v63  }
0x2a: {  	_ = 	snop  }
0x2b: {  	[spmem:s11] =	stream.linear.scatter [tilespmem:s31], [sflag:$0x1], $0x4000, $0x38;
	[tilespmem:$0x1E800] =	vst v63  }
0x2c: {  	_ =	swait.ge [sflag:s24], $0x4000  }
0x2d: {  	[sflag:s24] =	ssyncset.done $0x0  }
0x2e: {  	[sflag:s24] =	ssyncadd.s32 $0xFFFFC000  }
0x2f: {  	_ =	swait.ge [sflag:s24], $0x4000  }
0x30: {  	[sflag:s24] =	ssyncset.done $0x0  }
0x31: {  	[sflag:s24] =	ssyncadd.s32 $0xFFFFC000  }
0x32: {  	_ =	swait.ge [sflag:s24], $0x4000  }
0x33: {  	[sflag:s24] =	ssyncset.done $0x0  }
0x34: {  	[sflag:s24] =	ssyncadd.s32 $0xFFFFC000  }
0x35: {  	_ =	swait.ge [sflag:s24], $0x4000  }
0x36: {  	[sflag:s24] =	ssyncset.done $0x0  }
0x37: {  	[sflag:s24] =	ssyncadd.s32 $0xFFFFC000  }
0x38: {  	_ =	swait.ge [sflag:s24], $0x4000  }
0x39: {  	[sflag:s24] =	ssyncset.done $0x0  }
0x3a: {  	[sflag:s24] =	ssyncadd.s32 $0xFFFFC000  }
0x3b: {  	_ =	swait.ge [sflag:s25], $0x2800  }
0x3c: {  	[sflag:s25] =	ssyncset.done $0x0  }
0x3d: {  	[sflag:s25] =	ssyncadd.s32 $0xFFFFD800  }
0x3e: {  	s30 =	simm.s32 $0x0;
	[bflag:$0x0] =	sbarrier.arrive $0xFFFF  }
0x3f: {  	[spmem:s1] =	stream.indirect.scatter.add.f32 [tilespmem:s22], [sflag:$0x3], $0x80, s30, s26, $0xb8;
	[tilespmem:$0x1E800] =	vst v63  }
0x40: {  	_ =	swait.ge [sflag:s23], $0x4000  }
0x41: {  	s30 =	simm.s32 $0x200;
	[sflag:s23] =	ssyncset.done $0x0  }
.LBB2_2:
0x42: {  	s31 =	sshra.s32 s30, $0x2;
	[sflag:s23] =	ssyncadd.s32 $0xFFFFC000;
	p1 =	sne.s32 s30, $0x9E00  }
0x43: {  	[spmem:s1] =	stream.indirect.scatter.add.f32 [tilespmem:s22], [sflag:$0x3], $0x80, s31, s26, $0xb8;
	[tilespmem:$0x1E800] =	vst v63  }
.Ltmp0:
0x44: {  	_ = 	snop;
	(pc) =	sbr.rel @p1 .LBB2_2-.Ltmp0, $4  }
0x45: {  	_ = 	snop  }
0x46: {  	s30 =	sadd.s32 $0x200, s30  }
0x47: {  	_ =	swait.ge [sflag:s23], $0x4000  }
0x48: {  	[sflag:s23] =	ssyncset.done $0x0  }
0x49: {  	[sflag:s23] =	ssyncadd.s32 $0xFFFFC000  }
0x4a: {  	[bflag:$0x0] =	sbarrier.arrive $0xFFFF  }
0x4b: {  	[tilespmem:s28], [sflag:$0x1] =	stream.linear.gather [spmem:s7], $0x4000, $0x38;
	[tilespmem:$0x1E800] =	vst v63  }
0x4c: {  	_ = 	snop  }
0x4d: {  	[tilespmem:s22], [sflag:$0x2] =	stream.linear.gather [spmem:s12], $0x4000, $0x38;
	[tilespmem:$0x1E800] =	vst v63  }
0x4e: {  	_ =	swait.ge [sflag:s24], $0x4000  }
0x4f: {  	[sflag:s24] =	ssyncset.done $0x0  }
0x50: {  	[sflag:s24] =	ssyncadd.s32 $0xFFFFC000  }
0x51: {  	[hbm4b:s13+s2] =	stream.linear.scatter [tilespmem:s28], [sflag:$0x3], $0x4000, $0x38;
	[tilespmem:$0x1E800] =	vst v63  }
0x52: {  	_ =	swait.ge [sflag:s23], $0x4000  }
0x53: {  	[sflag:s23] =	ssyncset.done $0x0  }
0x54: {  	[sflag:s23] =	ssyncadd.s32 $0xFFFFC000  }
0x55: {  	[tilespmem:s28], [sflag:$0x1] =	stream.linear.gather [spmem:s14], $0x4000, $0x38;
	[tilespmem:$0x1E800] =	vst v63  }
0x56: {  	_ =	swait.ge [sflag:s25], $0x4000  }
0x57: {  	[sflag:s25] =	ssyncset.done $0x0  }
0x58: {  	[sflag:s25] =	ssyncadd.s32 $0xFFFFC000  }
0x59: {  	[hbm4b:s15+s2] =	stream.linear.scatter [tilespmem:s22], [sflag:$0x3], $0x4000, $0x38;
	[tilespmem:$0x1E800] =	vst v63  }
0x5a: {  	_ =	swait.ge [sflag:s23], $0x4000  }
0x5b: {  	[sflag:s23] =	ssyncset.done $0x0  }
0x5c: {  	[sflag:s23] =	ssyncadd.s32 $0xFFFFC000  }
0x5d: {  	[tilespmem:s22], [sflag:$0x2] =	stream.linear.gather [spmem:s16], $0x4000, $0x38;
	[tilespmem:$0x1E800] =	vst v63  }
0x5e: {  	_ =	swait.ge [sflag:s24], $0x4000  }
0x5f: {  	[sflag:s24] =	ssyncset.done $0x0  }
0x60: {  	[sflag:s24] =	ssyncadd.s32 $0xFFFFC000  }
0x61: {  	[hbm4b:s17+s2] =	stream.linear.scatter [tilespmem:s28], [sflag:$0x3], $0x4000, $0x38;
	[tilespmem:$0x1E800] =	vst v63  }
0x62: {  	_ =	swait.ge [sflag:s23], $0x4000  }
0x63: {  	[sflag:s23] =	ssyncset.done $0x0  }
0x64: {  	[sflag:s23] =	ssyncadd.s32 $0xFFFFC000  }
0x65: {  	[tilespmem:s28], [sflag:$0x1] =	stream.linear.gather [spmem:s18], $0x4000, $0x38;
	[tilespmem:$0x1E800] =	vst v63  }
0x66: {  	_ =	swait.ge [sflag:s25], $0x4000  }
0x67: {  	[sflag:s25] =	ssyncset.done $0x0  }
0x68: {  	[sflag:s25] =	ssyncadd.s32 $0xFFFFC000  }
0x69: {  	[hbm4b:s19+s2] =	stream.linear.scatter [tilespmem:s22], [sflag:$0x3], $0x4000, $0x38;
	[tilespmem:$0x1E800] =	vst v63  }
0x6a: {  	_ =	swait.ge [sflag:s23], $0x4000  }
0x6b: {  	[sflag:s23] =	ssyncset.done $0x0  }
0x6c: {  	[sflag:s23] =	ssyncadd.s32 $0xFFFFC000  }
0x6d: {  	s29 =	sadd.s32 $0x1, s29;
	_ =	swait.ge [sflag:s24], $0x4000  }
0x6e: {  	p1 =	sne.s32 s29, s21;
	[sflag:s24] =	ssyncset.done $0x0  }
.Ltmp1:
0x6f: {  	[sflag:s24] =	ssyncadd.s32 $0xFFFFC000;
	(pc) =	sbr.rel @p1 .LBB2_1-.Ltmp1, $4  }
0x70: {  	[hbm4b:s20+s2] =	stream.linear.scatter [tilespmem:s28], [sflag:$0x3], $0x4000, $0x38;
	[tilespmem:$0x1E800] =	vst v63  }
0x71: {  	_ =	swait.ge [sflag:s23], $0x4000  }
0x72: {  	[sflag:s23] =	ssyncset.done $0x0  }
0x73: {  	[sflag:s23] =	ssyncadd.s32 $0xFFFFC000  }
0x74: {  	_ =	sfence.sel $0x180000  }
0x75: {  	[bflag:$0x0] =	sbarrier.arrive $0xFFFF  }
0x76: {  	p0 =	sne.s32 s3, $0x0;
	_ =	strace $0x90000047  }
0x77: {  	s0 =	sadd.s32 @!p0 $0x100000, s0;
	[bflag:$0x2] =	sbarrier.arrive $0xFFFF  }
0x78: {  	[sflag:s0] =	ssyncadd.tile.s32 @!p0 $0x1;
	_ =	shalt  }
.Lfunc_end2:
_tile_overlayer_lowered:
.L_overlay_start_2:
0x79: {  	(tag) =	ssettag $0x2  }
0x7a: {  	s0 =	rddreg [dreg:$0x0];
	s2 =	stileid.u32  }
0x7b: {  	s1 =	rddreg [dreg:$0x1];
	p0 =	sne.s32 s2, $0x0  }
0x7c: {  	s3 =	rddreg [dreg:$0x2];
	[bflag:$0x3] =	sbarrier.arrive $0xFFFF;
	s2 =	simm.s32 @!p0 $0x1C03  }
0x7d: {  	[timem:s3], [sflag:s2] =	dma.local @!p0 [hbm:s0], s1  }
0x7e: {  	s0 =	simm.s32 @!p0 $0x3  }
0x7f: {  	_ =	swait.ge @!p0 [sflag:s0], s1  }
0x80: {  	s1 =	ssub.s32 @!p0 $0x0, s1;
	[sflag:s0] =	ssyncset.done @!p0 $0x0  }
0x81: {  	[sflag:s0] =	ssyncadd.s32 @!p0 s1  }
0x82: {  	[bflag:$0x3] =	sbarrier.arrive $0xFFFF  }
0x83: {  	_ =	shalt  }

</sc_bundles>
